<compile_context>
chip_gen: v7x
topology: tpu7x:2x2x1
jax: 0.10.2.dev20260603
libtpu: 0.0.44.dev20260713+nightly
codegen_flags: <defaults>
</compile_context>

<pallas_src>
import functools

import jax
import jax.numpy as jnp
from jax import lax
from jax.experimental import pallas as pl
from jax.experimental.pallas import tpu as pltpu
from jax.experimental.pallas import tpu_sc as plsc

ABLATION = 10000000.0

B = 64
C = 512
HW = 784
G = 56

NW = 32
NC = 2
TC_PLANES = 560
SC_PLANES = HW - TC_PLANES
SC_UNITS = SC_PLANES * 2 // NW


def _reduce_buf(buf, acc):
    def row(b, a):
        for j in range(C // 16):
            a = jnp.minimum(a, buf[b, pl.ds(j * 16, 16)])
        return a

    return lax.fori_loop(0, 32, row, acc)


def _sc_min_body(xt_hbm, out_hbm, buf0, buf1, accbuf, sem0, sem1):
    c = lax.axis_index("c")
    s = lax.axis_index("s")
    w = s * NC + c
    base = w * SC_UNITS + TC_PLANES * 2

    def start(u, buf, sem):
        uu = base + u
        p = uu // 2
        h = uu % 2
        pltpu.make_async_copy(
            xt_hbm.at[p, pl.ds(h * 32, 32), :], buf, sem
        ).start()

    def wait(buf, sem):
        pltpu.make_async_copy(
            xt_hbm.at[0, pl.ds(0, 32), :], buf, sem
        ).wait()

    acc = jnp.full((16,), jnp.inf, jnp.float32)
    start(0, buf0, sem0)
    for t in range(SC_UNITS // 2):
        wait(buf0, sem0)
        start(2 * t + 1, buf1, sem1)
        acc = _reduce_buf(buf0, acc)
        wait(buf1, sem1)
        if 2 * t + 2 < SC_UNITS:
            start(2 * t + 2, buf0, sem0)
        acc = _reduce_buf(buf1, acc)
    accbuf[...] = acc
    pltpu.sync_copy(accbuf, out_hbm.at[w])


@functools.partial(
    pl.kernel,
    out_type=jax.ShapeDtypeStruct((NW, 16), jnp.float32),
    mesh=plsc.VectorSubcoreMesh(core_axis_name="c", subcore_axis_name="s"),
    scratch_types=[
        pltpu.VMEM((32, C), jnp.float32),
        pltpu.VMEM((32, C), jnp.float32),
        pltpu.VMEM((16,), jnp.float32),
        pltpu.SemaphoreType.DMA,
        pltpu.SemaphoreType.DMA,
    ],
)
def _sc_min(xt_hbm, out_hbm, buf0, buf1, accbuf, sem0, sem1):
    _sc_min_body(xt_hbm, out_hbm, buf0, buf1, accbuf, sem0, sem1)


def _tc_min_body(x_ref, out_ref, macc):
    i = pl.program_id(0)
    bmin = jnp.min(x_ref[...])

    @pl.when(i == 0)
    def _():
        macc[0] = bmin

    @pl.when(i > 0)
    def _():
        macc[0] = jnp.minimum(macc[0], bmin)

    @pl.when(i == pl.num_programs(0) - 1)
    def _():
        out_ref[0, 0] = macc[0]


def _tc_min(xt):
    return pl.pallas_call(
        _tc_min_body,
        grid=(TC_PLANES // G,),
        in_specs=[pl.BlockSpec((G, B, C), lambda i: (i, 0, 0))],
        out_specs=pl.BlockSpec(memory_space=pltpu.SMEM),
        out_shape=jax.ShapeDtypeStruct((1, 1), jnp.float32),
        scratch_shapes=[pltpu.SMEM((1,), jnp.float32)],
    )(xt)


def _apply_body(x_ref, mins_ref, mtc_ref, idx_ref, y_ref, vals):
    i = pl.program_id(0)

    @pl.when(i == 0)
    def _():
        m0 = jnp.minimum(jnp.min(mins_ref[...]), mtc_ref[0, 0])
        it = lax.broadcasted_iota(jnp.int32, (B, 1), 0)

        def step(t, s):
            fs = jnp.where(s == 0.0, 0.0, s - ABLATION)
            return jnp.where(it >= t, fs, s)

        vals[...] = lax.fori_loop(0, B, step, jnp.full((B, 1), m0, jnp.float32))

    lane = lax.broadcasted_iota(jnp.int32, (1, B, C), 2)
    eq = lane == idx_ref[...].reshape(1, B, 1)
    vb = jnp.broadcast_to(vals[...].reshape(1, B, 1), (1, B, C))
    y_ref[...] = jnp.where(eq, vb, x_ref[...])


def _apply_pass(xt, mins, mtc, idx):
    return pl.pallas_call(
        _apply_body,
        grid=(HW // G,),
        in_specs=[
            pl.BlockSpec((G, B, C), lambda i: (i, 0, 0)),
            pl.BlockSpec((NW, 16), lambda i: (0, 0)),
            pl.BlockSpec(memory_space=pltpu.SMEM),
            pl.BlockSpec((B, 1), lambda i: (0, 0)),
        ],
        out_specs=pl.BlockSpec((G, B, C), lambda i: (i, 0, 0)),
        out_shape=jax.ShapeDtypeStruct((HW, B, C), jnp.float32),
        scratch_shapes=[pltpu.VMEM((B, 1), jnp.float32)],
    )(xt, mins, mtc, idx)


@jax.jit
def kernel(x, indices):
    xt = x.transpose(2, 3, 0, 1).reshape(HW, B, C)
    mins_sc = _sc_min(xt)
    mtc = _tc_min(xt)
    yt = _apply_pass(xt, mins_sc, mtc, indices.reshape(B, 1))
    return yt.reshape(28, 28, B, C).transpose(2, 3, 0, 1)

# --- scband reference (transcript-rebuilt; emitter-appended) ---
"""Pipeline reference for scband-ablation-layer-54090818126251 (READ-ONLY COPY).

The authoritative reference and input builder live on the scoring server;
editing this copy changes nothing except your own understanding.
"""

import jax, jax.numpy as jnp
import numpy as np

ABLATION_VALUE = 10000000.0


def setup_inputs(seed: int = 0) -> dict:
    key = jax.random.key(seed)
    k1, k2 = jax.random.split(key)
    # activations to be ablated (self.activations in the torch module, set via
    # set_next_batch: one sample's activations repeated num_channels_to_ablate times;
    # here modeled directly as the [B, C, H, W] tensor the __call__ operates on)
    x = jax.random.normal(k1, (64, 512, 28, 28), dtype=jnp.float32)
    # self.indices: one channel index to ablate per batch row (activations_to_be_ablated)
    indices = jax.random.randint(k2, (64,), 0, 512, dtype=jnp.int32)
    return {"x": x, "indices": indices}


def reference(x, indices):
    # Faithful translation of AblationLayer.__call__ with self.activations = x:
    #   for i in range(output.size(0)):
    #       if torch.min(output) == 0: output[i, indices[i], :] = 0
    #       else:                      output[i, indices[i], :] = torch.min(output) - ABLATION_VALUE
    # NOTE: torch.min is recomputed over the *mutated* tensor each iteration, so the
    # ablation value drifts by -ABLATION_VALUE per step; we replicate that with a scan.
    def step(out, i):
        m = jnp.min(out)
        val = jnp.where(m == 0.0, jnp.float32(0.0), m - ABLATION_VALUE)
        out = out.at[i, indices[i]].set(val)
        return out, None

    out, _ = jax.lax.scan(step, x, jnp.arange(x.shape[0]))
    return out

if __name__ == "__main__":
    import jax
    _d = setup_inputs()
    print(jax.jit(kernel)(*tuple(_d.values())))

</pallas_src>

<mosaic_0001>
#map = affine_map<(d0, d1) -> (0, 0, 0)>
#map1 = affine_map<(d0, d1) -> (0, 0)>
module attributes {stable_mosaic.version = 14 : i64} {
  func.func @_sc_min(%arg0: i32, %arg1: i32, %arg2: memref<784x64x512xf32, #tpu.memory_space<hbm>>, %arg3: memref<32x16xf32, #tpu.memory_space<hbm>>, %arg4: memref<32x512xf32, #tpu.memory_space<vmem>>, %arg5: memref<32x512xf32, #tpu.memory_space<vmem>>, %arg6: memref<16xf32, #tpu.memory_space<vmem>>, %arg7: memref<!tpu.dma_semaphore, #tpu.memory_space<semaphore_mem>>, %arg8: memref<!tpu.dma_semaphore, #tpu.memory_space<semaphore_mem>>) attributes {dimension_semantics = [#tpu.dimension_semantics<core_parallel>, #tpu.dimension_semantics<subcore_parallel>], iteration_bounds = array<i64: 2, 16>, scalar_prefetch = 0 : i64, scratch_operands = 5 : i64, tpu.core_type = #tpu.core_type<sc_vector_subcore>, window_params = [{transform_indices = #map}, {transform_indices = #map1}]} {
    %mul3A = arith.constant 2 : i32
    %mul3A_0 = arith.muli %arg1, %mul3A : i32
    %add3A = arith.addi %mul3A_0, %arg0 : i32
    %mul3A_1 = arith.constant 14 : i32
    %mul3A_2 = arith.muli %add3A, %mul3A_1 : i32
    %add3A_3 = arith.constant 1120 : i32
    %add3A_4 = arith.addi %mul3A_2, %add3A_3 : i32
    %broadcast_in_dim3A = arith.constant 0x7F800000 : f32
    %broadcast_in_dim3A_5 = vector.broadcast %broadcast_in_dim3A : f32 to vector<16xf32>
    %add3A_6 = arith.constant 0 : i32
    %add3A_7 = arith.addi %add3A_4, %add3A_6 : i32
    %jit3A = arith.constant 2 : i32
    %div3A = arith.divsi %add3A_7, %jit3A : i32
    %sign3A = arith.constant 0 : i32
    %sign3A_8 = arith.cmpi sgt, %add3A_7, %sign3A : i32
    %sign3A_9 = arith.extui %sign3A_8 : i1 to i32
    %sign3A_10 = arith.constant 0 : i32
    %sign3A_11 = arith.cmpi slt, %add3A_7, %sign3A_10 : i32
    %sign3A_12 = arith.extui %sign3A_11 : i1 to i32
    %sign3A_13 = arith.subi %sign3A_9, %sign3A_12 : i32
    %sign3A_14 = arith.constant 0 : i32
    %sign3A_15 = arith.cmpi sgt, %jit3A, %sign3A_14 : i32
    %sign3A_16 = arith.extui %sign3A_15 : i1 to i32
    %sign3A_17 = arith.constant 0 : i32
    %sign3A_18 = arith.cmpi slt, %jit3A, %sign3A_17 : i32
    %sign3A_19 = arith.extui %sign3A_18 : i1 to i32
    %sign3A_20 = arith.subi %sign3A_16, %sign3A_19 : i32
    %ne3A = arith.cmpi ne, %sign3A_13, %sign3A_20 : i32
    %rem3A = arith.remsi %add3A_7, %jit3A : i32
    %ne3A_21 = arith.constant 0 : i32
    %ne3A_22 = arith.cmpi ne, %rem3A, %ne3A_21 : i32
    %and3A = arith.andi %ne3A, %ne3A_22 : i1
    %sub3A = arith.constant 1 : i32
    %sub3A_23 = arith.subi %div3A, %sub3A : i32
    %select_n3A = arith.select %and3A, %sub3A_23, %div3A : i32
    %jit3A_24 = arith.constant 2 : i32
    %eq3A = arith.constant 0 : i32
    %eq3A_25 = arith.cmpi eq, %jit3A_24, %eq3A : i32
    %jit3A_26 = arith.constant 1 : i32
    %select_n3A_27 = arith.select %eq3A_25, %jit3A_26, %jit3A_24 : i32
    %rem3A_28 = arith.remsi %add3A_7, %select_n3A_27 : i32
    %ne3A_29 = arith.constant 0 : i32
    %ne3A_30 = arith.cmpi ne, %rem3A_28, %ne3A_29 : i32
    %lt3A = arith.constant 0 : i32
    %lt3A_31 = arith.cmpi slt, %rem3A_28, %lt3A : i32
    %lt3A_32 = arith.constant 0 : i32
    %lt3A_33 = arith.cmpi slt, %select_n3A_27, %lt3A_32 : i32
    %ne3A_34 = arith.xori %lt3A_31, %lt3A_33 : i1
    %and3A_35 = arith.andi %ne3A_34, %ne3A_30 : i1
    %add3A_36 = arith.addi %rem3A_28, %select_n3A_27 : i32
    %select_n3A_37 = arith.select %and3A_35, %add3A_36, %rem3A_28 : i32
    %mul3A_38 = arith.constant 32 : i32
    %mul3A_39 = arith.muli %select_n3A_37, %mul3A_38 : i32
    %dma_start3A = arith.constant 0 : i32
    %dma_start3A_40 = tpu.memref_slice %arg2[%select_n3A, %mul3A_39, %dma_start3A] : memref<784x64x512xf32, #tpu.memory_space<hbm>> -> memref<1x32x512xf32, #tpu.memory_space<hbm>>
    %dma_start3A_41 = tpu.memref_squeeze %dma_start3A_40 : memref<1x32x512xf32, #tpu.memory_space<hbm>> -> memref<32x512xf32, #tpu.memory_space<hbm>>
    %dma_start3A_42 = arith.constant 0 : i32
    %dma_start3A_43 = tpu.memref_slice %arg2[%select_n3A, %mul3A_39, %dma_start3A_42] : memref<784x64x512xf32, #tpu.memory_space<hbm>> -> memref<1x32x512xf32, #tpu.memory_space<hbm>>
    %dma_start3A_44 = tpu.memref_squeeze %dma_start3A_43 : memref<1x32x512xf32, #tpu.memory_space<hbm>> -> memref<32x512xf32, #tpu.memory_space<hbm>>
    tpu.enqueue_dma source(%dma_start3A_44 : memref<32x512xf32, #tpu.memory_space<hbm>>) target(%arg4 : memref<32x512xf32, #tpu.memory_space<vmem>>) target_semaphore(%arg7 : memref<!tpu.dma_semaphore, #tpu.memory_space<semaphore_mem>>)
    %dma_wait3A = arith.constant 0 : i32
    %dma_wait3A_45 = arith.constant 0 : i32
    %dma_wait3A_46 = arith.constant 0 : i32
    %dma_wait3A_47 = tpu.memref_slice %arg2[%dma_wait3A, %dma_wait3A_45, %dma_wait3A_46] : memref<784x64x512xf32, #tpu.memory_space<hbm>> -> memref<1x32x512xf32, #tpu.memory_space<hbm>>
    %dma_wait3A_48 = tpu.memref_squeeze %dma_wait3A_47 : memref<1x32x512xf32, #tpu.memory_space<hbm>> -> memref<32x512xf32, #tpu.memory_space<hbm>>
    %dma_wait3A_49 = arith.constant 0 : i32
    %dma_wait3A_50 = arith.constant 0 : i32
    %dma_wait3A_51 = tpu.memref_slice %arg2[%dma_wait3A, %dma_wait3A_49, %dma_wait3A_50] : memref<784x64x512xf32, #tpu.memory_space<hbm>> -> memref<1x32x512xf32, #tpu.memory_space<hbm>>
    %dma_wait3A_52 = tpu.memref_squeeze %dma_wait3A_51 : memref<1x32x512xf32, #tpu.memory_space<hbm>> -> memref<32x512xf32, #tpu.memory_space<hbm>>
    tpu.wait_dma2 semaphore(%arg7 : memref<!tpu.dma_semaphore, #tpu.memory_space<semaphore_mem>>) src(%dma_wait3A_52 : memref<32x512xf32, #tpu.memory_space<hbm>>) dst(%arg4 : memref<32x512xf32, #tpu.memory_space<vmem>>)
    %add3A_53 = arith.constant 1 : i32
    %add3A_54 = arith.addi %add3A_4, %add3A_53 : i32
    %jit3A_55 = arith.constant 2 : i32
    %div3A_56 = arith.divsi %add3A_54, %jit3A_55 : i32
    %sign3A_57 = arith.constant 0 : i32
    %sign3A_58 = arith.cmpi sgt, %add3A_54, %sign3A_57 : i32
    %sign3A_59 = arith.extui %sign3A_58 : i1 to i32
    %sign3A_60 = arith.constant 0 : i32
    %sign3A_61 = arith.cmpi slt, %add3A_54, %sign3A_60 : i32
    %sign3A_62 = arith.extui %sign3A_61 : i1 to i32
    %sign3A_63 = arith.subi %sign3A_59, %sign3A_62 : i32
    %sign3A_64 = arith.constant 0 : i32
    %sign3A_65 = arith.cmpi sgt, %jit3A_55, %sign3A_64 : i32
    %sign3A_66 = arith.extui %sign3A_65 : i1 to i32
    %sign3A_67 = arith.constant 0 : i32
    %sign3A_68 = arith.cmpi slt, %jit3A_55, %sign3A_67 : i32
    %sign3A_69 = arith.extui %sign3A_68 : i1 to i32
    %sign3A_70 = arith.subi %sign3A_66, %sign3A_69 : i32
    %ne3A_71 = arith.cmpi ne, %sign3A_63, %sign3A_70 : i32
    %rem3A_72 = arith.remsi %add3A_54, %jit3A_55 : i32
    %ne3A_73 = arith.constant 0 : i32
    %ne3A_74 = arith.cmpi ne, %rem3A_72, %ne3A_73 : i32
    %and3A_75 = arith.andi %ne3A_71, %ne3A_74 : i1
    %sub3A_76 = arith.constant 1 : i32
    %sub3A_77 = arith.subi %div3A_56, %sub3A_76 : i32
    %select_n3A_78 = arith.select %and3A_75, %sub3A_77, %div3A_56 : i32
    %jit3A_79 = arith.constant 2 : i32
    %eq3A_80 = arith.constant 0 : i32
    %eq3A_81 = arith.cmpi eq, %jit3A_79, %eq3A_80 : i32
    %jit3A_82 = arith.constant 1 : i32
    %select_n3A_83 = arith.select %eq3A_81, %jit3A_82, %jit3A_79 : i32
    %rem3A_84 = arith.remsi %add3A_54, %select_n3A_83 : i32
    %ne3A_85 = arith.constant 0 : i32
    %ne3A_86 = arith.cmpi ne, %rem3A_84, %ne3A_85 : i32
    %lt3A_87 = arith.constant 0 : i32
    %lt3A_88 = arith.cmpi slt, %rem3A_84, %lt3A_87 : i32
    %lt3A_89 = arith.constant 0 : i32
    %lt3A_90 = arith.cmpi slt, %select_n3A_83, %lt3A_89 : i32
    %ne3A_91 = arith.xori %lt3A_88, %lt3A_90 : i1
    %and3A_92 = arith.andi %ne3A_91, %ne3A_86 : i1
    %add3A_93 = arith.addi %rem3A_84, %select_n3A_83 : i32
    %select_n3A_94 = arith.select %and3A_92, %add3A_93, %rem3A_84 : i32
    %mul3A_95 = arith.constant 32 : i32
    %mul3A_96 = arith.muli %select_n3A_94, %mul3A_95 : i32
    %dma_start3A_97 = arith.constant 0 : i32
    %dma_start3A_98 = tpu.memref_slice %arg2[%select_n3A_78, %mul3A_96, %dma_start3A_97] : memref<784x64x512xf32, #tpu.memory_space<hbm>> -> memref<1x32x512xf32, #tpu.memory_space<hbm>>
    %dma_start3A_99 = tpu.memref_squeeze %dma_start3A_98 : memref<1x32x512xf32, #tpu.memory_space<hbm>> -> memref<32x512xf32, #tpu.memory_space<hbm>>
    %dma_start3A_100 = arith.constant 0 : i32
    %dma_start3A_101 = tpu.memref_slice %arg2[%select_n3A_78, %mul3A_96, %dma_start3A_100] : memref<784x64x512xf32, #tpu.memory_space<hbm>> -> memref<1x32x512xf32, #tpu.memory_space<hbm>>
    %dma_start3A_102 = tpu.memref_squeeze %dma_start3A_101 : memref<1x32x512xf32, #tpu.memory_space<hbm>> -> memref<32x512xf32, #tpu.memory_space<hbm>>
    tpu.enqueue_dma source(%dma_start3A_102 : memref<32x512xf32, #tpu.memory_space<hbm>>) target(%arg5 : memref<32x512xf32, #tpu.memory_space<vmem>>) target_semaphore(%arg8 : memref<!tpu.dma_semaphore, #tpu.memory_space<semaphore_mem>>)
    %scan3A = arith.constant 0 : i32
    %scan3A_103 = arith.constant 32 : i32
    %scan3A_104 = arith.addi %scan3A, %scan3A_103 : i32
    %scan3A_105 = arith.constant 1 : i32
    %scan3A_106 = scf.for %scan3A_906 = %scan3A to %scan3A_104 step %scan3A_105 iter_args(%scan3A_907 = %broadcast_in_dim3A_5) -> (vector<16xf32>)  : i32 {
      %get3A = arith.index_cast %scan3A_906 : i32 to index
      %get3A_908 = arith.constant 0 : index
      %get3A_909 = tpu.vector_load %arg4[%get3A, %get3A_908] {strides = array<i32>} : memref<32x512xf32, #tpu.memory_space<vmem>>, vector<1x16xf32>,
      %get3A_910 = vector.shape_cast %get3A_909 : vector<1x16xf32> to vector<16xf32>
      %min3A = arith.minimumf %scan3A_907, %get3A_910 : vector<16xf32>
      %get3A_911 = arith.index_cast %scan3A_906 : i32 to index
      %get3A_912 = arith.constant 16 : index
      %get3A_913 = tpu.vector_load %arg4[%get3A_911, %get3A_912] {strides = array<i32>} : memref<32x512xf32, #tpu.memory_space<vmem>>, vector<1x16xf32>,
      %get3A_914 = vector.shape_cast %get3A_913 : vector<1x16xf32> to vector<16xf32>
      %min3A_915 = arith.minimumf %min3A, %get3A_914 : vector<16xf32>
      %get3A_916 = arith.index_cast %scan3A_906 : i32 to index
      %get3A_917 = arith.constant 32 : index
      %get3A_918 = tpu.vector_load %arg4[%get3A_916, %get3A_917] {strides = array<i32>} : memref<32x512xf32, #tpu.memory_space<vmem>>, vector<1x16xf32>,
      %get3A_919 = vector.shape_cast %get3A_918 : vector<1x16xf32> to vector<16xf32>
      %min3A_920 = arith.minimumf %min3A_915, %get3A_919 : vector<16xf32>
      %get3A_921 = arith.index_cast %scan3A_906 : i32 to index
      %get3A_922 = arith.constant 48 : index
      %get3A_923 = tpu.vector_load %arg4[%get3A_921, %get3A_922] {strides = array<i32>} : memref<32x512xf32, #tpu.memory_space<vmem>>, vector<1x16xf32>,
      %get3A_924 = vector.shape_cast %get3A_923 : vector<1x16xf32> to vector<16xf32>
      %min3A_925 = arith.minimumf %min3A_920, %get3A_924 : vector<16xf32>
      %get3A_926 = arith.index_cast %scan3A_906 : i32 to index
      %get3A_927 = arith.constant 64 : index
      %get3A_928 = tpu.vector_load %arg4[%get3A_926, %get3A_927] {strides = array<i32>} : memref<32x512xf32, #tpu.memory_space<vmem>>, vector<1x16xf32>,
      %get3A_929 = vector.shape_cast %get3A_928 : vector<1x16xf32> to vector<16xf32>
      %min3A_930 = arith.minimumf %min3A_925, %get3A_929 : vector<16xf32>
      %get3A_931 = arith.index_cast %scan3A_906 : i32 to index
      %get3A_932 = arith.constant 80 : index
      %get3A_933 = tpu.vector_load %arg4[%get3A_931, %get3A_932] {strides = array<i32>} : memref<32x512xf32, #tpu.memory_space<vmem>>, vector<1x16xf32>,
      %get3A_934 = vector.shape_cast %get3A_933 : vector<1x16xf32> to vector<16xf32>
      %min3A_935 = arith.minimumf %min3A_930, %get3A_934 : vector<16xf32>
      %get3A_936 = arith.index_cast %scan3A_906 : i32 to index
      %get3A_937 = arith.constant 96 : index
      %get3A_938 = tpu.vector_load %arg4[%get3A_936, %get3A_937] {strides = array<i32>} : memref<32x512xf32, #tpu.memory_space<vmem>>, vector<1x16xf32>,
      %get3A_939 = vector.shape_cast %get3A_938 : vector<1x16xf32> to vector<16xf32>
      %min3A_940 = arith.minimumf %min3A_935, %get3A_939 : vector<16xf32>
      %get3A_941 = arith.index_cast %scan3A_906 : i32 to index
      %get3A_942 = arith.constant 112 : index
      %get3A_943 = tpu.vector_load %arg4[%get3A_941, %get3A_942] {strides = array<i32>} : memref<32x512xf32, #tpu.memory_space<vmem>>, vector<1x16xf32>,
      %get3A_944 = vector.shape_cast %get3A_943 : vector<1x16xf32> to vector<16xf32>
      %min3A_945 = arith.minimumf %min3A_940, %get3A_944 : vector<16xf32>
      %get3A_946 = arith.index_cast %scan3A_906 : i32 to index
      %get3A_947 = arith.constant 128 : index
      %get3A_948 = tpu.vector_load %arg4[%get3A_946, %get3A_947] {strides = array<i32>} : memref<32x512xf32, #tpu.memory_space<vmem>>, vector<1x16xf32>,
      %get3A_949 = vector.shape_cast %get3A_948 : vector<1x16xf32> to vector<16xf32>
      %min3A_950 = arith.minimumf %min3A_945, %get3A_949 : vector<16xf32>
      %get3A_951 = arith.index_cast %scan3A_906 : i32 to index
      %get3A_952 = arith.constant 144 : index
      %get3A_953 = tpu.vector_load %arg4[%get3A_951, %get3A_952] {strides = array<i32>} : memref<32x512xf32, #tpu.memory_space<vmem>>, vector<1x16xf32>,
      %get3A_954 = vector.shape_cast %get3A_953 : vector<1x16xf32> to vector<16xf32>
      %min3A_955 = arith.minimumf %min3A_950, %get3A_954 : vector<16xf32>
      %get3A_956 = arith.index_cast %scan3A_906 : i32 to index
      %get3A_957 = arith.constant 160 : index
      %get3A_958 = tpu.vector_load %arg4[%get3A_956, %get3A_957] {strides = array<i32>} : memref<32x512xf32, #tpu.memory_space<vmem>>, vector<1x16xf32>,
      %get3A_959 = vector.shape_cast %get3A_958 : vector<1x16xf32> to vector<16xf32>
      %min3A_960 = arith.minimumf %min3A_955, %get3A_959 : vector<16xf32>
      %get3A_961 = arith.index_cast %scan3A_906 : i32 to index
      %get3A_962 = arith.constant 176 : index
      %get3A_963 = tpu.vector_load %arg4[%get3A_961, %get3A_962] {strides = array<i32>} : memref<32x512xf32, #tpu.memory_space<vmem>>, vector<1x16xf32>,
      %get3A_964 = vector.shape_cast %get3A_963 : vector<1x16xf32> to vector<16xf32>
      %min3A_965 = arith.minimumf %min3A_960, %get3A_964 : vector<16xf32>
      %get3A_966 = arith.index_cast %scan3A_906 : i32 to index
      %get3A_967 = arith.constant 192 : index
      %get3A_968 = tpu.vector_load %arg4[%get3A_966, %get3A_967] {strides = array<i32>} : memref<32x512xf32, #tpu.memory_space<vmem>>, vector<1x16xf32>,
      %get3A_969 = vector.shape_cast %get3A_968 : vector<1x16xf32> to vector<16xf32>
      %min3A_970 = arith.minimumf %min3A_965, %get3A_969 : vector<16xf32>
      %get3A_971 = arith.index_cast %scan3A_906 : i32 to index
      %get3A_972 = arith.constant 208 : index
      %get3A_973 = tpu.vector_load %arg4[%get3A_971, %get3A_972] {strides = array<i32>} : memref<32x512xf32, #tpu.memory_space<vmem>>, vector<1x16xf32>,
      %get3A_974 = vector.shape_cast %get3A_973 : vector<1x16xf32> to vector<16xf32>
      %min3A_975 = arith.minimumf %min3A_970, %get3A_974 : vector<16xf32>
      %get3A_976 = arith.index_cast %scan3A_906 : i32 to index
      %get3A_977 = arith.constant 224 : index
      %get3A_978 = tpu.vector_load %arg4[%get3A_976, %get3A_977] {strides = array<i32>} : memref<32x512xf32, #tpu.memory_space<vmem>>, vector<1x16xf32>,
      %get3A_979 = vector.shape_cast %get3A_978 : vector<1x16xf32> to vector<16xf32>
      %min3A_980 = arith.minimumf %min3A_975, %get3A_979 : vector<16xf32>
      %get3A_981 = arith.index_cast %scan3A_906 : i32 to index
      %get3A_982 = arith.constant 240 : index
      %get3A_983 = tpu.vector_load %arg4[%get3A_981, %get3A_982] {strides = array<i32>} : memref<32x512xf32, #tpu.memory_space<vmem>>, vector<1x16xf32>,
      %get3A_984 = vector.shape_cast %get3A_983 : vector<1x16xf32> to vector<16xf32>
      %min3A_985 = arith.minimumf %min3A_980, %get3A_984 : vector<16xf32>
      %get3A_986 = arith.index_cast %scan3A_906 : i32 to index
      %get3A_987 = arith.constant 256 : index
      %get3A_988 = tpu.vector_load %arg4[%get3A_986, %get3A_987] {strides = array<i32>} : memref<32x512xf32, #tpu.memory_space<vmem>>, vector<1x16xf32>,
      %get3A_989 = vector.shape_cast %get3A_988 : vector<1x16xf32> to vector<16xf32>
      %min3A_990 = arith.minimumf %min3A_985, %get3A_989 : vector<16xf32>
      %get3A_991 = arith.index_cast %scan3A_906 : i32 to index
      %get3A_992 = arith.constant 272 : index
      %get3A_993 = tpu.vector_load %arg4[%get3A_991, %get3A_992] {strides = array<i32>} : memref<32x512xf32, #tpu.memory_space<vmem>>, vector<1x16xf32>,
      %get3A_994 = vector.shape_cast %get3A_993 : vector<1x16xf32> to vector<16xf32>
      %min3A_995 = arith.minimumf %min3A_990, %get3A_994 : vector<16xf32>
      %get3A_996 = arith.index_cast %scan3A_906 : i32 to index
      %get3A_997 = arith.constant 288 : index
      %get3A_998 = tpu.vector_load %arg4[%get3A_996, %get3A_997] {strides = array<i32>} : memref<32x512xf32, #tpu.memory_space<vmem>>, vector<1x16xf32>,
      %get3A_999 = vector.shape_cast %get3A_998 : vector<1x16xf32> to vector<16xf32>
      %min3A_1000 = arith.minimumf %min3A_995, %get3A_999 : vector<16xf32>
      %get3A_1001 = arith.index_cast %scan3A_906 : i32 to index
      %get3A_1002 = arith.constant 304 : index
      %get3A_1003 = tpu.vector_load %arg4[%get3A_1001, %get3A_1002] {strides = array<i32>} : memref<32x512xf32, #tpu.memory_space<vmem>>, vector<1x16xf32>,
      %get3A_1004 = vector.shape_cast %get3A_1003 : vector<1x16xf32> to vector<16xf32>
      %min3A_1005 = arith.minimumf %min3A_1000, %get3A_1004 : vector<16xf32>
      %get3A_1006 = arith.index_cast %scan3A_906 : i32 to index
      %get3A_1007 = arith.constant 320 : index
      %get3A_1008 = tpu.vector_load %arg4[%get3A_1006, %get3A_1007] {strides = array<i32>} : memref<32x512xf32, #tpu.memory_space<vmem>>, vector<1x16xf32>,
      %get3A_1009 = vector.shape_cast %get3A_1008 : vector<1x16xf32> to vector<16xf32>
      %min3A_1010 = arith.minimumf %min3A_1005, %get3A_1009 : vector<16xf32>
      %get3A_1011 = arith.index_cast %scan3A_906 : i32 to index
      %get3A_1012 = arith.constant 336 : index
      %get3A_1013 = tpu.vector_load %arg4[%get3A_1011, %get3A_1012] {strides = array<i32>} : memref<32x512xf32, #tpu.memory_space<vmem>>, vector<1x16xf32>,
      %get3A_1014 = vector.shape_cast %get3A_1013 : vector<1x16xf32> to vector<16xf32>
      %min3A_1015 = arith.minimumf %min3A_1010, %get3A_1014 : vector<16xf32>
      %get3A_1016 = arith.index_cast %scan3A_906 : i32 to index
      %get3A_1017 = arith.constant 352 : index
      %get3A_1018 = tpu.vector_load %arg4[%get3A_1016, %get3A_1017] {strides = array<i32>} : memref<32x512xf32, #tpu.memory_space<vmem>>, vector<1x16xf32>,
      %get3A_1019 = vector.shape_cast %get3A_1018 : vector<1x16xf32> to vector<16xf32>
      %min3A_1020 = arith.minimumf %min3A_1015, %get3A_1019 : vector<16xf32>
      %get3A_1021 = arith.index_cast %scan3A_906 : i32 to index
      %get3A_1022 = arith.constant 368 : index
      %get3A_1023 = tpu.vector_load %arg4[%get3A_1021, %get3A_1022] {strides = array<i32>} : memref<32x512xf32, #tpu.memory_space<vmem>>, vector<1x16xf32>,
      %get3A_1024 = vector.shape_cast %get3A_1023 : vector<1x16xf32> to vector<16xf32>
      %min3A_1025 = arith.minimumf %min3A_1020, %get3A_1024 : vector<16xf32>
      %get3A_1026 = arith.index_cast %scan3A_906 : i32 to index
      %get3A_1027 = arith.constant 384 : index
      %get3A_1028 = tpu.vector_load %arg4[%get3A_1026, %get3A_1027] {strides = array<i32>} : memref<32x512xf32, #tpu.memory_space<vmem>>, vector<1x16xf32>,
      %get3A_1029 = vector.shape_cast %get3A_1028 : vector<1x16xf32> to vector<16xf32>
      %min3A_1030 = arith.minimumf %min3A_1025, %get3A_1029 : vector<16xf32>
      %get3A_1031 = arith.index_cast %scan3A_906 : i32 to index
      %get3A_1032 = arith.constant 400 : index
      %get3A_1033 = tpu.vector_load %arg4[%get3A_1031, %get3A_1032] {strides = array<i32>} : memref<32x512xf32, #tpu.memory_space<vmem>>, vector<1x16xf32>,
      %get3A_1034 = vector.shape_cast %get3A_1033 : vector<1x16xf32> to vector<16xf32>
      %min3A_1035 = arith.minimumf %min3A_1030, %get3A_1034 : vector<16xf32>
      %get3A_1036 = arith.index_cast %scan3A_906 : i32 to index
      %get3A_1037 = arith.constant 416 : index
      %get3A_1038 = tpu.vector_load %arg4[%get3A_1036, %get3A_1037] {strides = array<i32>} : memref<32x512xf32, #tpu.memory_space<vmem>>, vector<1x16xf32>,
      %get3A_1039 = vector.shape_cast %get3A_1038 : vector<1x16xf32> to vector<16xf32>
      %min3A_1040 = arith.minimumf %min3A_1035, %get3A_1039 : vector<16xf32>
      %get3A_1041 = arith.index_cast %scan3A_906 : i32 to index
      %get3A_1042 = arith.constant 432 : index
      %get3A_1043 = tpu.vector_load %arg4[%get3A_1041, %get3A_1042] {strides = array<i32>} : memref<32x512xf32, #tpu.memory_space<vmem>>, vector<1x16xf32>,
      %get3A_1044 = vector.shape_cast %get3A_1043 : vector<1x16xf32> to vector<16xf32>
      %min3A_1045 = arith.minimumf %min3A_1040, %get3A_1044 : vector<16xf32>
      %get3A_1046 = arith.index_cast %scan3A_906 : i32 to index
      %get3A_1047 = arith.constant 448 : index
      %get3A_1048 = tpu.vector_load %arg4[%get3A_1046, %get3A_1047] {strides = array<i32>} : memref<32x512xf32, #tpu.memory_space<vmem>>, vector<1x16xf32>,
      %get3A_1049 = vector.shape_cast %get3A_1048 : vector<1x16xf32> to vector<16xf32>
      %min3A_1050 = arith.minimumf %min3A_1045, %get3A_1049 : vector<16xf32>
      %get3A_1051 = arith.index_cast %scan3A_906 : i32 to index
      %get3A_1052 = arith.constant 464 : index
      %get3A_1053 = tpu.vector_load %arg4[%get3A_1051, %get3A_1052] {strides = array<i32>} : memref<32x512xf32, #tpu.memory_space<vmem>>, vector<1x16xf32>,
      %get3A_1054 = vector.shape_cast %get3A_1053 : vector<1x16xf32> to vector<16xf32>
      %min3A_1055 = arith.minimumf %min3A_1050, %get3A_1054 : vector<16xf32>
      %get3A_1056 = arith.index_cast %scan3A_906 : i32 to index
      %get3A_1057 = arith.constant 480 : index
      %get3A_1058 = tpu.vector_load %arg4[%get3A_1056, %get3A_1057] {strides = array<i32>} : memref<32x512xf32, #tpu.memory_space<vmem>>, vector<1x16xf32>,
      %get3A_1059 = vector.shape_cast %get3A_1058 : vector<1x16xf32> to vector<16xf32>
      %min3A_1060 = arith.minimumf %min3A_1055, %get3A_1059 : vector<16xf32>
      %get3A_1061 = arith.index_cast %scan3A_906 : i32 to index
      %get3A_1062 = arith.constant 496 : index
      %get3A_1063 = tpu.vector_load %arg4[%get3A_1061, %get3A_1062] {strides = array<i32>} : memref<32x512xf32, #tpu.memory_space<vmem>>, vector<1x16xf32>,
      %get3A_1064 = vector.shape_cast %get3A_1063 : vector<1x16xf32> to vector<16xf32>
      %min3A_1065 = arith.minimumf %min3A_1060, %get3A_1064 : vector<16xf32>
      scf.yield %min3A_1065 : vector<16xf32>
    }
    %scan3A_107 = arith.constant 32 : i32
    %dma_wait3A_108 = arith.constant 0 : i32
    %dma_wait3A_109 = arith.constant 0 : i32
    %dma_wait3A_110 = arith.constant 0 : i32
    %dma_wait3A_111 = tpu.memref_slice %arg2[%dma_wait3A_108, %dma_wait3A_109, %dma_wait3A_110] : memref<784x64x512xf32, #tpu.memory_space<hbm>> -> memref<1x32x512xf32, #tpu.memory_space<hbm>>
    %dma_wait3A_112 = tpu.memref_squeeze %dma_wait3A_111 : memref<1x32x512xf32, #tpu.memory_space<hbm>> -> memref<32x512xf32, #tpu.memory_space<hbm>>
    %dma_wait3A_113 = arith.constant 0 : i32
    %dma_wait3A_114 = arith.constant 0 : i32
    %dma_wait3A_115 = tpu.memref_slice %arg2[%dma_wait3A_108, %dma_wait3A_113, %dma_wait3A_114] : memref<784x64x512xf32, #tpu.memory_space<hbm>> -> memref<1x32x512xf32, #tpu.memory_space<hbm>>
    %dma_wait3A_116 = tpu.memref_squeeze %dma_wait3A_115 : memref<1x32x512xf32, #tpu.memory_space<hbm>> -> memref<32x512xf32, #tpu.memory_space<hbm>>
    tpu.wait_dma2 semaphore(%arg8 : memref<!tpu.dma_semaphore, #tpu.memory_space<semaphore_mem>>) src(%dma_wait3A_116 : memref<32x512xf32, #tpu.memory_space<hbm>>) dst(%arg5 : memref<32x512xf32, #tpu.memory_space<vmem>>)
    %add3A_117 = arith.constant 2 : i32
    %add3A_118 = arith.addi %add3A_4, %add3A_117 : i32
    %jit3A_119 = arith.constant 2 : i32
    %div3A_120 = arith.divsi %add3A_118, %jit3A_119 : i32
    %sign3A_121 = arith.constant 0 : i32
    %sign3A_122 = arith.cmpi sgt, %add3A_118, %sign3A_121 : i32
    %sign3A_123 = arith.extui %sign3A_122 : i1 to i32
    %sign3A_124 = arith.constant 0 : i32
    %sign3A_125 = arith.cmpi slt, %add3A_118, %sign3A_124 : i32
    %sign3A_126 = arith.extui %sign3A_125 : i1 to i32
    %sign3A_127 = arith.subi %sign3A_123, %sign3A_126 : i32
    %sign3A_128 = arith.constant 0 : i32
    %sign3A_129 = arith.cmpi sgt, %jit3A_119, %sign3A_128 : i32
    %sign3A_130 = arith.extui %sign3A_129 : i1 to i32
    %sign3A_131 = arith.constant 0 : i32
    %sign3A_132 = arith.cmpi slt, %jit3A_119, %sign3A_131 : i32
    %sign3A_133 = arith.extui %sign3A_132 : i1 to i32
    %sign3A_134 = arith.subi %sign3A_130, %sign3A_133 : i32
    %ne3A_135 = arith.cmpi ne, %sign3A_127, %sign3A_134 : i32
    %rem3A_136 = arith.remsi %add3A_118, %jit3A_119 : i32
    %ne3A_137 = arith.constant 0 : i32
    %ne3A_138 = arith.cmpi ne, %rem3A_136, %ne3A_137 : i32
    %and3A_139 = arith.andi %ne3A_135, %ne3A_138 : i1
    %sub3A_140 = arith.constant 1 : i32
    %sub3A_141 = arith.subi %div3A_120, %sub3A_140 : i32
    %select_n3A_142 = arith.select %and3A_139, %sub3A_141, %div3A_120 : i32
    %jit3A_143 = arith.constant 2 : i32
    %eq3A_144 = arith.constant 0 : i32
    %eq3A_145 = arith.cmpi eq, %jit3A_143, %eq3A_144 : i32
    %jit3A_146 = arith.constant 1 : i32
    %select_n3A_147 = arith.select %eq3A_145, %jit3A_146, %jit3A_143 : i32
    %rem3A_148 = arith.remsi %add3A_118, %select_n3A_147 : i32
    %ne3A_149 = arith.constant 0 : i32
    %ne3A_150 = arith.cmpi ne, %rem3A_148, %ne3A_149 : i32
    %lt3A_151 = arith.constant 0 : i32
    %lt3A_152 = arith.cmpi slt, %rem3A_148, %lt3A_151 : i32
    %lt3A_153 = arith.constant 0 : i32
    %lt3A_154 = arith.cmpi slt, %select_n3A_147, %lt3A_153 : i32
    %ne3A_155 = arith.xori %lt3A_152, %lt3A_154 : i1
    %and3A_156 = arith.andi %ne3A_155, %ne3A_150 : i1
    %add3A_157 = arith.addi %rem3A_148, %select_n3A_147 : i32
    %select_n3A_158 = arith.select %and3A_156, %add3A_157, %rem3A_148 : i32
    %mul3A_159 = arith.constant 32 : i32
    %mul3A_160 = arith.muli %select_n3A_158, %mul3A_159 : i32
    %dma_start3A_161 = arith.constant 0 : i32
    %dma_start3A_162 = tpu.memref_slice %arg2[%select_n3A_142, %mul3A_160, %dma_start3A_161] : memref<784x64x512xf32, #tpu.memory_space<hbm>> -> memref<1x32x512xf32, #tpu.memory_space<hbm>>
    %dma_start3A_163 = tpu.memref_squeeze %dma_start3A_162 : memref<1x32x512xf32, #tpu.memory_space<hbm>> -> memref<32x512xf32, #tpu.memory_space<hbm>>
    %dma_start3A_164 = arith.constant 0 : i32
    %dma_start3A_165 = tpu.memref_slice %arg2[%select_n3A_142, %mul3A_160, %dma_start3A_164] : memref<784x64x512xf32, #tpu.memory_space<hbm>> -> memref<1x32x512xf32, #tpu.memory_space<hbm>>
    %dma_start3A_166 = tpu.memref_squeeze %dma_start3A_165 : memref<1x32x512xf32, #tpu.memory_space<hbm>> -> memref<32x512xf32, #tpu.memory_space<hbm>>
    tpu.enqueue_dma source(%dma_start3A_166 : memref<32x512xf32, #tpu.memory_space<hbm>>) target(%arg4 : memref<32x512xf32, #tpu.memory_space<vmem>>) target_semaphore(%arg7 : memref<!tpu.dma_semaphore, #tpu.memory_space<semaphore_mem>>)
    %scan3A_167 = arith.constant 0 : i32
    %scan3A_168 = arith.constant 32 : i32
    %scan3A_169 = arith.addi %scan3A_167, %scan3A_168 : i32
    %scan3A_170 = arith.constant 1 : i32
    %scan3A_171 = scf.for %scan3A_906 = %scan3A_167 to %scan3A_169 step %scan3A_170 iter_args(%scan3A_907 = %scan3A_106) -> (vector<16xf32>)  : i32 {
      %get3A = arith.index_cast %scan3A_906 : i32 to index
      %get3A_908 = arith.constant 0 : index
      %get3A_909 = tpu.vector_load %arg5[%get3A, %get3A_908] {strides = array<i32>} : memref<32x512xf32, #tpu.memory_space<vmem>>, vector<1x16xf32>,
      %get3A_910 = vector.shape_cast %get3A_909 : vector<1x16xf32> to vector<16xf32>
      %min3A = arith.minimumf %scan3A_907, %get3A_910 : vector<16xf32>
      %get3A_911 = arith.index_cast %scan3A_906 : i32 to index
      %get3A_912 = arith.constant 16 : index
      %get3A_913 = tpu.vector_load %arg5[%get3A_911, %get3A_912] {strides = array<i32>} : memref<32x512xf32, #tpu.memory_space<vmem>>, vector<1x16xf32>,
      %get3A_914 = vector.shape_cast %get3A_913 : vector<1x16xf32> to vector<16xf32>
      %min3A_915 = arith.minimumf %min3A, %get3A_914 : vector<16xf32>
      %get3A_916 = arith.index_cast %scan3A_906 : i32 to index
      %get3A_917 = arith.constant 32 : index
      %get3A_918 = tpu.vector_load %arg5[%get3A_916, %get3A_917] {strides = array<i32>} : memref<32x512xf32, #tpu.memory_space<vmem>>, vector<1x16xf32>,
      %get3A_919 = vector.shape_cast %get3A_918 : vector<1x16xf32> to vector<16xf32>
      %min3A_920 = arith.minimumf %min3A_915, %get3A_919 : vector<16xf32>
      %get3A_921 = arith.index_cast %scan3A_906 : i32 to index
      %get3A_922 = arith.constant 48 : index
      %get3A_923 = tpu.vector_load %arg5[%get3A_921, %get3A_922] {strides = array<i32>} : memref<32x512xf32, #tpu.memory_space<vmem>>, vector<1x16xf32>,
      %get3A_924 = vector.shape_cast %get3A_923 : vector<1x16xf32> to vector<16xf32>
      %min3A_925 = arith.minimumf %min3A_920, %get3A_924 : vector<16xf32>
      %get3A_926 = arith.index_cast %scan3A_906 : i32 to index
      %get3A_927 = arith.constant 64 : index
      %get3A_928 = tpu.vector_load %arg5[%get3A_926, %get3A_927] {strides = array<i32>} : memref<32x512xf32, #tpu.memory_space<vmem>>, vector<1x16xf32>,
      %get3A_929 = vector.shape_cast %get3A_928 : vector<1x16xf32> to vector<16xf32>
      %min3A_930 = arith.minimumf %min3A_925, %get3A_929 : vector<16xf32>
      %get3A_931 = arith.index_cast %scan3A_906 : i32 to index
      %get3A_932 = arith.constant 80 : index
      %get3A_933 = tpu.vector_load %arg5[%get3A_931, %get3A_932] {strides = array<i32>} : memref<32x512xf32, #tpu.memory_space<vmem>>, vector<1x16xf32>,
      %get3A_934 = vector.shape_cast %get3A_933 : vector<1x16xf32> to vector<16xf32>
      %min3A_935 = arith.minimumf %min3A_930, %get3A_934 : vector<16xf32>
      %get3A_936 = arith.index_cast %scan3A_906 : i32 to index
      %get3A_937 = arith.constant 96 : index
      %get3A_938 = tpu.vector_load %arg5[%get3A_936, %get3A_937] {strides = array<i32>} : memref<32x512xf32, #tpu.memory_space<vmem>>, vector<1x16xf32>,
      %get3A_939 = vector.shape_cast %get3A_938 : vector<1x16xf32> to vector<16xf32>
      %min3A_940 = arith.minimumf %min3A_935, %get3A_939 : vector<16xf32>
      %get3A_941 = arith.index_cast %scan3A_906 : i32 to index
      %get3A_942 = arith.constant 112 : index
      %get3A_943 = tpu.vector_load %arg5[%get3A_941, %get3A_942] {strides = array<i32>} : memref<32x512xf32, #tpu.memory_space<vmem>>, vector<1x16xf32>,
      %get3A_944 = vector.shape_cast %get3A_943 : vector<1x16xf32> to vector<16xf32>
      %min3A_945 = arith.minimumf %min3A_940, %get3A_944 : vector<16xf32>
      %get3A_946 = arith.index_cast %scan3A_906 : i32 to index
      %get3A_947 = arith.constant 128 : index
      %get3A_948 = tpu.vector_load %arg5[%get3A_946, %get3A_947] {strides = array<i32>} : memref<32x512xf32, #tpu.memory_space<vmem>>, vector<1x16xf32>,
      %get3A_949 = vector.shape_cast %get3A_948 : vector<1x16xf32> to vector<16xf32>
      %min3A_950 = arith.minimumf %min3A_945, %get3A_949 : vector<16xf32>
      %get3A_951 = arith.index_cast %scan3A_906 : i32 to index
      %get3A_952 = arith.constant 144 : index
      %get3A_953 = tpu.vector_load %arg5[%get3A_951, %get3A_952] {strides = array<i32>} : memref<32x512xf32, #tpu.memory_space<vmem>>, vector<1x16xf32>,
      %get3A_954 = vector.shape_cast %get3A_953 : vector<1x16xf32> to vector<16xf32>
      %min3A_955 = arith.minimumf %min3A_950, %get3A_954 : vector<16xf32>
      %get3A_956 = arith.index_cast %scan3A_906 : i32 to index
      %get3A_957 = arith.constant 160 : index
      %get3A_958 = tpu.vector_load %arg5[%get3A_956, %get3A_957] {strides = array<i32>} : memref<32x512xf32, #tpu.memory_space<vmem>>, vector<1x16xf32>,
      %get3A_959 = vector.shape_cast %get3A_958 : vector<1x16xf32> to vector<16xf32>
      %min3A_960 = arith.minimumf %min3A_955, %get3A_959 : vector<16xf32>
      %get3A_961 = arith.index_cast %scan3A_906 : i32 to index
      %get3A_962 = arith.constant 176 : index
      %get3A_963 = tpu.vector_load %arg5[%get3A_961, %get3A_962] {strides = array<i32>} : memref<32x512xf32, #tpu.memory_space<vmem>>, vector<1x16xf32>,
      %get3A_964 = vector.shape_cast %get3A_963 : vector<1x16xf32> to vector<16xf32>
      %min3A_965 = arith.minimumf %min3A_960, %get3A_964 : vector<16xf32>
      %get3A_966 = arith.index_cast %scan3A_906 : i32 to index
      %get3A_967 = arith.constant 192 : index
      %get3A_968 = tpu.vector_load %arg5[%get3A_966, %get3A_967] {strides = array<i32>} : memref<32x512xf32, #tpu.memory_space<vmem>>, vector<1x16xf32>,
      %get3A_969 = vector.shape_cast %get3A_968 : vector<1x16xf32> to vector<16xf32>
      %min3A_970 = arith.minimumf %min3A_965, %get3A_969 : vector<16xf32>
      %get3A_971 = arith.index_cast %scan3A_906 : i32 to index
      %get3A_972 = arith.constant 208 : index
      %get3A_973 = tpu.vector_load %arg5[%get3A_971, %get3A_972] {strides = array<i32>} : memref<32x512xf32, #tpu.memory_space<vmem>>, vector<1x16xf32>,
      %get3A_974 = vector.shape_cast %get3A_973 : vector<1x16xf32> to vector<16xf32>
      %min3A_975 = arith.minimumf %min3A_970, %get3A_974 : vector<16xf32>
      %get3A_976 = arith.index_cast %scan3A_906 : i32 to index
      %get3A_977 = arith.constant 224 : index
      %get3A_978 = tpu.vector_load %arg5[%get3A_976, %get3A_977] {strides = array<i32>} : memref<32x512xf32, #tpu.memory_space<vmem>>, vector<1x16xf32>,
      %get3A_979 = vector.shape_cast %get3A_978 : vector<1x16xf32> to vector<16xf32>
      %min3A_980 = arith.minimumf %min3A_975, %get3A_979 : vector<16xf32>
      %get3A_981 = arith.index_cast %scan3A_906 : i32 to index
      %get3A_982 = arith.constant 240 : index
      %get3A_983 = tpu.vector_load %arg5[%get3A_981, %get3A_982] {strides = array<i32>} : memref<32x512xf32, #tpu.memory_space<vmem>>, vector<1x16xf32>,
      %get3A_984 = vector.shape_cast %get3A_983 : vector<1x16xf32> to vector<16xf32>
      %min3A_985 = arith.minimumf %min3A_980, %get3A_984 : vector<16xf32>
      %get3A_986 = arith.index_cast %scan3A_906 : i32 to index
      %get3A_987 = arith.constant 256 : index
      %get3A_988 = tpu.vector_load %arg5[%get3A_986, %get3A_987] {strides = array<i32>} : memref<32x512xf32, #tpu.memory_space<vmem>>, vector<1x16xf32>,
      %get3A_989 = vector.shape_cast %get3A_988 : vector<1x16xf32> to vector<16xf32>
      %min3A_990 = arith.minimumf %min3A_985, %get3A_989 : vector<16xf32>
      %get3A_991 = arith.index_cast %scan3A_906 : i32 to index
      %get3A_992 = arith.constant 272 : index
      %get3A_993 = tpu.vector_load %arg5[%get3A_991, %get3A_992] {strides = array<i32>} : memref<32x512xf32, #tpu.memory_space<vmem>>, vector<1x16xf32>,
      %get3A_994 = vector.shape_cast %get3A_993 : vector<1x16xf32> to vector<16xf32>
      %min3A_995 = arith.minimumf %min3A_990, %get3A_994 : vector<16xf32>
      %get3A_996 = arith.index_cast %scan3A_906 : i32 to index
      %get3A_997 = arith.constant 288 : index
      %get3A_998 = tpu.vector_load %arg5[%get3A_996, %get3A_997] {strides = array<i32>} : memref<32x512xf32, #tpu.memory_space<vmem>>, vector<1x16xf32>,
      %get3A_999 = vector.shape_cast %get3A_998 : vector<1x16xf32> to vector<16xf32>
      %min3A_1000 = arith.minimumf %min3A_995, %get3A_999 : vector<16xf32>
      %get3A_1001 = arith.index_cast %scan3A_906 : i32 to index
      %get3A_1002 = arith.constant 304 : index
      %get3A_1003 = tpu.vector_load %arg5[%get3A_1001, %get3A_1002] {strides = array<i32>} : memref<32x512xf32, #tpu.memory_space<vmem>>, vector<1x16xf32>,
      %get3A_1004 = vector.shape_cast %get3A_1003 : vector<1x16xf32> to vector<16xf32>
      %min3A_1005 = arith.minimumf %min3A_1000, %get3A_1004 : vector<16xf32>
      %get3A_1006 = arith.index_cast %scan3A_906 : i32 to index
      %get3A_1007 = arith.constant 320 : index
      %get3A_1008 = tpu.vector_load %arg5[%get3A_1006, %get3A_1007] {strides = array<i32>} : memref<32x512xf32, #tpu.memory_space<vmem>>, vector<1x16xf32>,
      %get3A_1009 = vector.shape_cast %get3A_1008 : vector<1x16xf32> to vector<16xf32>
      %min3A_1010 = arith.minimumf %min3A_1005, %get3A_1009 : vector<16xf32>
      %get3A_1011 = arith.index_cast %scan3A_906 : i32 to index
      %get3A_1012 = arith.constant 336 : index
      %get3A_1013 = tpu.vector_load %arg5[%get3A_1011, %get3A_1012] {strides = array<i32>} : memref<32x512xf32, #tpu.memory_space<vmem>>, vector<1x16xf32>,
      %get3A_1014 = vector.shape_cast %get3A_1013 : vector<1x16xf32> to vector<16xf32>
      %min3A_1015 = arith.minimumf %min3A_1010, %get3A_1014 : vector<16xf32>
      %get3A_1016 = arith.index_cast %scan3A_906 : i32 to index
      %get3A_1017 = arith.constant 352 : index
      %get3A_1018 = tpu.vector_load %arg5[%get3A_1016, %get3A_1017] {strides = array<i32>} : memref<32x512xf32, #tpu.memory_space<vmem>>, vector<1x16xf32>,
      %get3A_1019 = vector.shape_cast %get3A_1018 : vector<1x16xf32> to vector<16xf32>
      %min3A_1020 = arith.minimumf %min3A_1015, %get3A_1019 : vector<16xf32>
      %get3A_1021 = arith.index_cast %scan3A_906 : i32 to index
      %get3A_1022 = arith.constant 368 : index
      %get3A_1023 = tpu.vector_load %arg5[%get3A_1021, %get3A_1022] {strides = array<i32>} : memref<32x512xf32, #tpu.memory_space<vmem>>, vector<1x16xf32>,
      %get3A_1024 = vector.shape_cast %get3A_1023 : vector<1x16xf32> to vector<16xf32>
      %min3A_1025 = arith.minimumf %min3A_1020, %get3A_1024 : vector<16xf32>
      %get3A_1026 = arith.index_cast %scan3A_906 : i32 to index
      %get3A_1027 = arith.constant 384 : index
      %get3A_1028 = tpu.vector_load %arg5[%get3A_1026, %get3A_1027] {strides = array<i32>} : memref<32x512xf32, #tpu.memory_space<vmem>>, vector<1x16xf32>,
      %get3A_1029 = vector.shape_cast %get3A_1028 : vector<1x16xf32> to vector<16xf32>
      %min3A_1030 = arith.minimumf %min3A_1025, %get3A_1029 : vector<16xf32>
      %get3A_1031 = arith.index_cast %scan3A_906 : i32 to index
      %get3A_1032 = arith.constant 400 : index
      %get3A_1033 = tpu.vector_load %arg5[%get3A_1031, %get3A_1032] {strides = array<i32>} : memref<32x512xf32, #tpu.memory_space<vmem>>, vector<1x16xf32>,
      %get3A_1034 = vector.shape_cast %get3A_1033 : vector<1x16xf32> to vector<16xf32>
      %min3A_1035 = arith.minimumf %min3A_1030, %get3A_1034 : vector<16xf32>
      %get3A_1036 = arith.index_cast %scan3A_906 : i32 to index
      %get3A_1037 = arith.constant 416 : index
      %get3A_1038 = tpu.vector_load %arg5[%get3A_1036, %get3A_1037] {strides = array<i32>} : memref<32x512xf32, #tpu.memory_space<vmem>>, vector<1x16xf32>,
      %get3A_1039 = vector.shape_cast %get3A_1038 : vector<1x16xf32> to vector<16xf32>
      %min3A_1040 = arith.minimumf %min3A_1035, %get3A_1039 : vector<16xf32>
      %get3A_1041 = arith.index_cast %scan3A_906 : i32 to index
      %get3A_1042 = arith.constant 432 : index
      %get3A_1043 = tpu.vector_load %arg5[%get3A_1041, %get3A_1042] {strides = array<i32>} : memref<32x512xf32, #tpu.memory_space<vmem>>, vector<1x16xf32>,
      %get3A_1044 = vector.shape_cast %get3A_1043 : vector<1x16xf32> to vector<16xf32>
      %min3A_1045 = arith.minimumf %min3A_1040, %get3A_1044 : vector<16xf32>
      %get3A_1046 = arith.index_cast %scan3A_906 : i32 to index
      %get3A_1047 = arith.constant 448 : index
      %get3A_1048 = tpu.vector_load %arg5[%get3A_1046, %get3A_1047] {strides = array<i32>} : memref<32x512xf32, #tpu.memory_space<vmem>>, vector<1x16xf32>,
      %get3A_1049 = vector.shape_cast %get3A_1048 : vector<1x16xf32> to vector<16xf32>
      %min3A_1050 = arith.minimumf %min3A_1045, %get3A_1049 : vector<16xf32>
      %get3A_1051 = arith.index_cast %scan3A_906 : i32 to index
      %get3A_1052 = arith.constant 464 : index
      %get3A_1053 = tpu.vector_load %arg5[%get3A_1051, %get3A_1052] {strides = array<i32>} : memref<32x512xf32, #tpu.memory_space<vmem>>, vector<1x16xf32>,
      %get3A_1054 = vector.shape_cast %get3A_1053 : vector<1x16xf32> to vector<16xf32>
      %min3A_1055 = arith.minimumf %min3A_1050, %get3A_1054 : vector<16xf32>
      %get3A_1056 = arith.index_cast %scan3A_906 : i32 to index
      %get3A_1057 = arith.constant 480 : index
      %get3A_1058 = tpu.vector_load %arg5[%get3A_1056, %get3A_1057] {strides = array<i32>} : memref<32x512xf32, #tpu.memory_space<vmem>>, vector<1x16xf32>,
      %get3A_1059 = vector.shape_cast %get3A_1058 : vector<1x16xf32> to vector<16xf32>
      %min3A_1060 = arith.minimumf %min3A_1055, %get3A_1059 : vector<16xf32>
      %get3A_1061 = arith.index_cast %scan3A_906 : i32 to index
      %get3A_1062 = arith.constant 496 : index
      %get3A_1063 = tpu.vector_load %arg5[%get3A_1061, %get3A_1062] {strides = array<i32>} : memref<32x512xf32, #tpu.memory_space<vmem>>, vector<1x16xf32>,
      %get3A_1064 = vector.shape_cast %get3A_1063 : vector<1x16xf32> to vector<16xf32>
      %min3A_1065 = arith.minimumf %min3A_1060, %get3A_1064 : vector<16xf32>
      scf.yield %min3A_1065 : vector<16xf32>
    }
    %scan3A_172 = arith.constant 32 : i32
    %dma_wait3A_173 = arith.constant 0 : i32
    %dma_wait3A_174 = arith.constant 0 : i32
    %dma_wait3A_175 = arith.constant 0 : i32
    %dma_wait3A_176 = tpu.memref_slice %arg2[%dma_wait3A_173, %dma_wait3A_174, %dma_wait3A_175] : memref<784x64x512xf32, #tpu.memory_space<hbm>> -> memref<1x32x512xf32, #tpu.memory_space<hbm>>
    %dma_wait3A_177 = tpu.memref_squeeze %dma_wait3A_176 : memref<1x32x512xf32, #tpu.memory_space<hbm>> -> memref<32x512xf32, #tpu.memory_space<hbm>>
    %dma_wait3A_178 = arith.constant 0 : i32
    %dma_wait3A_179 = arith.constant 0 : i32
    %dma_wait3A_180 = tpu.memref_slice %arg2[%dma_wait3A_173, %dma_wait3A_178, %dma_wait3A_179] : memref<784x64x512xf32, #tpu.memory_space<hbm>> -> memref<1x32x512xf32, #tpu.memory_space<hbm>>
    %dma_wait3A_181 = tpu.memref_squeeze %dma_wait3A_180 : memref<1x32x512xf32, #tpu.memory_space<hbm>> -> memref<32x512xf32, #tpu.memory_space<hbm>>
    tpu.wait_dma2 semaphore(%arg7 : memref<!tpu.dma_semaphore, #tpu.memory_space<semaphore_mem>>) src(%dma_wait3A_181 : memref<32x512xf32, #tpu.memory_space<hbm>>) dst(%arg4 : memref<32x512xf32, #tpu.memory_space<vmem>>)
    %add3A_182 = arith.constant 3 : i32
    %add3A_183 = arith.addi %add3A_4, %add3A_182 : i32
    %jit3A_184 = arith.constant 2 : i32
    %div3A_185 = arith.divsi %add3A_183, %jit3A_184 : i32
    %sign3A_186 = arith.constant 0 : i32
    %sign3A_187 = arith.cmpi sgt, %add3A_183, %sign3A_186 : i32
    %sign3A_188 = arith.extui %sign3A_187 : i1 to i32
    %sign3A_189 = arith.constant 0 : i32
    %sign3A_190 = arith.cmpi slt, %add3A_183, %sign3A_189 : i32
    %sign3A_191 = arith.extui %sign3A_190 : i1 to i32
    %sign3A_192 = arith.subi %sign3A_188, %sign3A_191 : i32
    %sign3A_193 = arith.constant 0 : i32
    %sign3A_194 = arith.cmpi sgt, %jit3A_184, %sign3A_193 : i32
    %sign3A_195 = arith.extui %sign3A_194 : i1 to i32
    %sign3A_196 = arith.constant 0 : i32
    %sign3A_197 = arith.cmpi slt, %jit3A_184, %sign3A_196 : i32
    %sign3A_198 = arith.extui %sign3A_197 : i1 to i32
    %sign3A_199 = arith.subi %sign3A_195, %sign3A_198 : i32
    %ne3A_200 = arith.cmpi ne, %sign3A_192, %sign3A_199 : i32
    %rem3A_201 = arith.remsi %add3A_183, %jit3A_184 : i32
    %ne3A_202 = arith.constant 0 : i32
    %ne3A_203 = arith.cmpi ne, %rem3A_201, %ne3A_202 : i32
    %and3A_204 = arith.andi %ne3A_200, %ne3A_203 : i1
    %sub3A_205 = arith.constant 1 : i32
    %sub3A_206 = arith.subi %div3A_185, %sub3A_205 : i32
    %select_n3A_207 = arith.select %and3A_204, %sub3A_206, %div3A_185 : i32
    %jit3A_208 = arith.constant 2 : i32
    %eq3A_209 = arith.constant 0 : i32
    %eq3A_210 = arith.cmpi eq, %jit3A_208, %eq3A_209 : i32
    %jit3A_211 = arith.constant 1 : i32
    %select_n3A_212 = arith.select %eq3A_210, %jit3A_211, %jit3A_208 : i32
    %rem3A_213 = arith.remsi %add3A_183, %select_n3A_212 : i32
    %ne3A_214 = arith.constant 0 : i32
    %ne3A_215 = arith.cmpi ne, %rem3A_213, %ne3A_214 : i32
    %lt3A_216 = arith.constant 0 : i32
    %lt3A_217 = arith.cmpi slt, %rem3A_213, %lt3A_216 : i32
    %lt3A_218 = arith.constant 0 : i32
    %lt3A_219 = arith.cmpi slt, %select_n3A_212, %lt3A_218 : i32
    %ne3A_220 = arith.xori %lt3A_217, %lt3A_219 : i1
    %and3A_221 = arith.andi %ne3A_220, %ne3A_215 : i1
    %add3A_222 = arith.addi %rem3A_213, %select_n3A_212 : i32
    %select_n3A_223 = arith.select %and3A_221, %add3A_222, %rem3A_213 : i32
    %mul3A_224 = arith.constant 32 : i32
    %mul3A_225 = arith.muli %select_n3A_223, %mul3A_224 : i32
    %dma_start3A_226 = arith.constant 0 : i32
    %dma_start3A_227 = tpu.memref_slice %arg2[%select_n3A_207, %mul3A_225, %dma_start3A_226] : memref<784x64x512xf32, #tpu.memory_space<hbm>> -> memref<1x32x512xf32, #tpu.memory_space<hbm>>
    %dma_start3A_228 = tpu.memref_squeeze %dma_start3A_227 : memref<1x32x512xf32, #tpu.memory_space<hbm>> -> memref<32x512xf32, #tpu.memory_space<hbm>>
    %dma_start3A_229 = arith.constant 0 : i32
    %dma_start3A_230 = tpu.memref_slice %arg2[%select_n3A_207, %mul3A_225, %dma_start3A_229] : memref<784x64x512xf32, #tpu.memory_space<hbm>> -> memref<1x32x512xf32, #tpu.memory_space<hbm>>
    %dma_start3A_231 = tpu.memref_squeeze %dma_start3A_230 : memref<1x32x512xf32, #tpu.memory_space<hbm>> -> memref<32x512xf32, #tpu.memory_space<hbm>>
    tpu.enqueue_dma source(%dma_start3A_231 : memref<32x512xf32, #tpu.memory_space<hbm>>) target(%arg5 : memref<32x512xf32, #tpu.memory_space<vmem>>) target_semaphore(%arg8 : memref<!tpu.dma_semaphore, #tpu.memory_space<semaphore_mem>>)
    %scan3A_232 = arith.constant 0 : i32
    %scan3A_233 = arith.constant 32 : i32
    %scan3A_234 = arith.addi %scan3A_232, %scan3A_233 : i32
    %scan3A_235 = arith.constant 1 : i32
    %scan3A_236 = scf.for %scan3A_906 = %scan3A_232 to %scan3A_234 step %scan3A_235 iter_args(%scan3A_907 = %scan3A_171) -> (vector<16xf32>)  : i32 {
      %get3A = arith.index_cast %scan3A_906 : i32 to index
      %get3A_908 = arith.constant 0 : index
      %get3A_909 = tpu.vector_load %arg4[%get3A, %get3A_908] {strides = array<i32>} : memref<32x512xf32, #tpu.memory_space<vmem>>, vector<1x16xf32>,
      %get3A_910 = vector.shape_cast %get3A_909 : vector<1x16xf32> to vector<16xf32>
      %min3A = arith.minimumf %scan3A_907, %get3A_910 : vector<16xf32>
      %get3A_911 = arith.index_cast %scan3A_906 : i32 to index
      %get3A_912 = arith.constant 16 : index
      %get3A_913 = tpu.vector_load %arg4[%get3A_911, %get3A_912] {strides = array<i32>} : memref<32x512xf32, #tpu.memory_space<vmem>>, vector<1x16xf32>,
      %get3A_914 = vector.shape_cast %get3A_913 : vector<1x16xf32> to vector<16xf32>
      %min3A_915 = arith.minimumf %min3A, %get3A_914 : vector<16xf32>
      %get3A_916 = arith.index_cast %scan3A_906 : i32 to index
      %get3A_917 = arith.constant 32 : index
      %get3A_918 = tpu.vector_load %arg4[%get3A_916, %get3A_917] {strides = array<i32>} : memref<32x512xf32, #tpu.memory_space<vmem>>, vector<1x16xf32>,
      %get3A_919 = vector.shape_cast %get3A_918 : vector<1x16xf32> to vector<16xf32>
      %min3A_920 = arith.minimumf %min3A_915, %get3A_919 : vector<16xf32>
      %get3A_921 = arith.index_cast %scan3A_906 : i32 to index
      %get3A_922 = arith.constant 48 : index
      %get3A_923 = tpu.vector_load %arg4[%get3A_921, %get3A_922] {strides = array<i32>} : memref<32x512xf32, #tpu.memory_space<vmem>>, vector<1x16xf32>,
      %get3A_924 = vector.shape_cast %get3A_923 : vector<1x16xf32> to vector<16xf32>
      %min3A_925 = arith.minimumf %min3A_920, %get3A_924 : vector<16xf32>
      %get3A_926 = arith.index_cast %scan3A_906 : i32 to index
      %get3A_927 = arith.constant 64 : index
      %get3A_928 = tpu.vector_load %arg4[%get3A_926, %get3A_927] {strides = array<i32>} : memref<32x512xf32, #tpu.memory_space<vmem>>, vector<1x16xf32>,
      %get3A_929 = vector.shape_cast %get3A_928 : vector<1x16xf32> to vector<16xf32>
      %min3A_930 = arith.minimumf %min3A_925, %get3A_929 : vector<16xf32>
      %get3A_931 = arith.index_cast %scan3A_906 : i32 to index
      %get3A_932 = arith.constant 80 : index
      %get3A_933 = tpu.vector_load %arg4[%get3A_931, %get3A_932] {strides = array<i32>} : memref<32x512xf32, #tpu.memory_space<vmem>>, vector<1x16xf32>,
      %get3A_934 = vector.shape_cast %get3A_933 : vector<1x16xf32> to vector<16xf32>
      %min3A_935 = arith.minimumf %min3A_930, %get3A_934 : vector<16xf32>
      %get3A_936 = arith.index_cast %scan3A_906 : i32 to index
      %get3A_937 = arith.constant 96 : index
      %get3A_938 = tpu.vector_load %arg4[%get3A_936, %get3A_937] {strides = array<i32>} : memref<32x512xf32, #tpu.memory_space<vmem>>, vector<1x16xf32>,
      %get3A_939 = vector.shape_cast %get3A_938 : vector<1x16xf32> to vector<16xf32>
      %min3A_940 = arith.minimumf %min3A_935, %get3A_939 : vector<16xf32>
      %get3A_941 = arith.index_cast %scan3A_906 : i32 to index
      %get3A_942 = arith.constant 112 : index
      %get3A_943 = tpu.vector_load %arg4[%get3A_941, %get3A_942] {strides = array<i32>} : memref<32x512xf32, #tpu.memory_space<vmem>>, vector<1x16xf32>,
      %get3A_944 = vector.shape_cast %get3A_943 : vector<1x16xf32> to vector<16xf32>
      %min3A_945 = arith.minimumf %min3A_940, %get3A_944 : vector<16xf32>
      %get3A_946 = arith.index_cast %scan3A_906 : i32 to index
      %get3A_947 = arith.constant 128 : index
      %get3A_948 = tpu.vector_load %arg4[%get3A_946, %get3A_947] {strides = array<i32>} : memref<32x512xf32, #tpu.memory_space<vmem>>, vector<1x16xf32>,
      %get3A_949 = vector.shape_cast %get3A_948 : vector<1x16xf32> to vector<16xf32>
      %min3A_950 = arith.minimumf %min3A_945, %get3A_949 : vector<16xf32>
      %get3A_951 = arith.index_cast %scan3A_906 : i32 to index
      %get3A_952 = arith.constant 144 : index
      %get3A_953 = tpu.vector_load %arg4[%get3A_951, %get3A_952] {strides = array<i32>} : memref<32x512xf32, #tpu.memory_space<vmem>>, vector<1x16xf32>,
      %get3A_954 = vector.shape_cast %get3A_953 : vector<1x16xf32> to vector<16xf32>
      %min3A_955 = arith.minimumf %min3A_950, %get3A_954 : vector<16xf32>
      %get3A_956 = arith.index_cast %scan3A_906 : i32 to index
      %get3A_957 = arith.constant 160 : index
      %get3A_958 = tpu.vector_load %arg4[%get3A_956, %get3A_957] {strides = array<i32>} : memref<32x512xf32, #tpu.memory_space<vmem>>, vector<1x16xf32>,
      %get3A_959 = vector.shape_cast %get3A_958 : vector<1x16xf32> to vector<16xf32>
      %min3A_960 = arith.minimumf %min3A_955, %get3A_959 : vector<16xf32>
      %get3A_961 = arith.index_cast %scan3A_906 : i32 to index
      %get3A_962 = arith.constant 176 : index
      %get3A_963 = tpu.vector_load %arg4[%get3A_961, %get3A_962] {strides = array<i32>} : memref<32x512xf32, #tpu.memory_space<vmem>>, vector<1x16xf32>,
      %get3A_964 = vector.shape_cast %get3A_963 : vector<1x16xf32> to vector<16xf32>
      %min3A_965 = arith.minimumf %min3A_960, %get3A_964 : vector<16xf32>
      %get3A_966 = arith.index_cast %scan3A_906 : i32 to index
      %get3A_967 = arith.constant 192 : index
      %get3A_968 = tpu.vector_load %arg4[%get3A_966, %get3A_967] {strides = array<i32>} : memref<32x512xf32, #tpu.memory_space<vmem>>, vector<1x16xf32>,
      %get3A_969 = vector.shape_cast %get3A_968 : vector<1x16xf32> to vector<16xf32>
      %min3A_970 = arith.minimumf %min3A_965, %get3A_969 : vector<16xf32>
      %get3A_971 = arith.index_cast %scan3A_906 : i32 to index
      %get3A_972 = arith.constant 208 : index
      %get3A_973 = tpu.vector_load %arg4[%get3A_971, %get3A_972] {strides = array<i32>} : memref<32x512xf32, #tpu.memory_space<vmem>>, vector<1x16xf32>,
      %get3A_974 = vector.shape_cast %get3A_973 : vector<1x16xf32> to vector<16xf32>
      %min3A_975 = arith.minimumf %min3A_970, %get3A_974 : vector<16xf32>
      %get3A_976 = arith.index_cast %scan3A_906 : i32 to index
      %get3A_977 = arith.constant 224 : index
      %get3A_978 = tpu.vector_load %arg4[%get3A_976, %get3A_977] {strides = array<i32>} : memref<32x512xf32, #tpu.memory_space<vmem>>, vector<1x16xf32>,
      %get3A_979 = vector.shape_cast %get3A_978 : vector<1x16xf32> to vector<16xf32>
      %min3A_980 = arith.minimumf %min3A_975, %get3A_979 : vector<16xf32>
      %get3A_981 = arith.index_cast %scan3A_906 : i32 to index
      %get3A_982 = arith.constant 240 : index
      %get3A_983 = tpu.vector_load %arg4[%get3A_981, %get3A_982] {strides = array<i32>} : memref<32x512xf32, #tpu.memory_space<vmem>>, vector<1x16xf32>,
      %get3A_984 = vector.shape_cast %get3A_983 : vector<1x16xf32> to vector<16xf32>
      %min3A_985 = arith.minimumf %min3A_980, %get3A_984 : vector<16xf32>
      %get3A_986 = arith.index_cast %scan3A_906 : i32 to index
      %get3A_987 = arith.constant 256 : index
      %get3A_988 = tpu.vector_load %arg4[%get3A_986, %get3A_987] {strides = array<i32>} : memref<32x512xf32, #tpu.memory_space<vmem>>, vector<1x16xf32>,
      %get3A_989 = vector.shape_cast %get3A_988 : vector<1x16xf32> to vector<16xf32>
      %min3A_990 = arith.minimumf %min3A_985, %get3A_989 : vector<16xf32>
      %get3A_991 = arith.index_cast %scan3A_906 : i32 to index
      %get3A_992 = arith.constant 272 : index
      %get3A_993 = tpu.vector_load %arg4[%get3A_991, %get3A_992] {strides = array<i32>} : memref<32x512xf32, #tpu.memory_space<vmem>>, vector<1x16xf32>,
      %get3A_994 = vector.shape_cast %get3A_993 : vector<1x16xf32> to vector<16xf32>
      %min3A_995 = arith.minimumf %min3A_990, %get3A_994 : vector<16xf32>
      %get3A_996 = arith.index_cast %scan3A_906 : i32 to index
      %get3A_997 = arith.constant 288 : index
      %get3A_998 = tpu.vector_load %arg4[%get3A_996, %get3A_997] {strides = array<i32>} : memref<32x512xf32, #tpu.memory_space<vmem>>, vector<1x16xf32>,
      %get3A_999 = vector.shape_cast %get3A_998 : vector<1x16xf32> to vector<16xf32>
      %min3A_1000 = arith.minimumf %min3A_995, %get3A_999 : vector<16xf32>
      %get3A_1001 = arith.index_cast %scan3A_906 : i32 to index
      %get3A_1002 = arith.constant 304 : index
      %get3A_1003 = tpu.vector_load %arg4[%get3A_1001, %get3A_1002] {strides = array<i32>} : memref<32x512xf32, #tpu.memory_space<vmem>>, vector<1x16xf32>,
      %get3A_1004 = vector.shape_cast %get3A_1003 : vector<1x16xf32> to vector<16xf32>
      %min3A_1005 = arith.minimumf %min3A_1000, %get3A_1004 : vector<16xf32>
      %get3A_1006 = arith.index_cast %scan3A_906 : i32 to index
      %get3A_1007 = arith.constant 320 : index
      %get3A_1008 = tpu.vector_load %arg4[%get3A_1006, %get3A_1007] {strides = array<i32>} : memref<32x512xf32, #tpu.memory_space<vmem>>, vector<1x16xf32>,
      %get3A_1009 = vector.shape_cast %get3A_1008 : vector<1x16xf32> to vector<16xf32>
      %min3A_1010 = arith.minimumf %min3A_1005, %get3A_1009 : vector<16xf32>
      %get3A_1011 = arith.index_cast %scan3A_906 : i32 to index
      %get3A_1012 = arith.constant 336 : index
      %get3A_1013 = tpu.vector_load %arg4[%get3A_1011, %get3A_1012] {strides = array<i32>} : memref<32x512xf32, #tpu.memory_space<vmem>>, vector<1x16xf32>,
      %get3A_1014 = vector.shape_cast %get3A_1013 : vector<1x16xf32> to vector<16xf32>
      %min3A_1015 = arith.minimumf %min3A_1010, %get3A_1014 : vector<16xf32>
      %get3A_1016 = arith.index_cast %scan3A_906 : i32 to index
      %get3A_1017 = arith.constant 352 : index
      %get3A_1018 = tpu.vector_load %arg4[%get3A_1016, %get3A_1017] {strides = array<i32>} : memref<32x512xf32, #tpu.memory_space<vmem>>, vector<1x16xf32>,
      %get3A_1019 = vector.shape_cast %get3A_1018 : vector<1x16xf32> to vector<16xf32>
      %min3A_1020 = arith.minimumf %min3A_1015, %get3A_1019 : vector<16xf32>
      %get3A_1021 = arith.index_cast %scan3A_906 : i32 to index
      %get3A_1022 = arith.constant 368 : index
      %get3A_1023 = tpu.vector_load %arg4[%get3A_1021, %get3A_1022] {strides = array<i32>} : memref<32x512xf32, #tpu.memory_space<vmem>>, vector<1x16xf32>,
      %get3A_1024 = vector.shape_cast %get3A_1023 : vector<1x16xf32> to vector<16xf32>
      %min3A_1025 = arith.minimumf %min3A_1020, %get3A_1024 : vector<16xf32>
      %get3A_1026 = arith.index_cast %scan3A_906 : i32 to index
      %get3A_1027 = arith.constant 384 : index
      %get3A_1028 = tpu.vector_load %arg4[%get3A_1026, %get3A_1027] {strides = array<i32>} : memref<32x512xf32, #tpu.memory_space<vmem>>, vector<1x16xf32>,
      %get3A_1029 = vector.shape_cast %get3A_1028 : vector<1x16xf32> to vector<16xf32>
      %min3A_1030 = arith.minimumf %min3A_1025, %get3A_1029 : vector<16xf32>
      %get3A_1031 = arith.index_cast %scan3A_906 : i32 to index
      %get3A_1032 = arith.constant 400 : index
      %get3A_1033 = tpu.vector_load %arg4[%get3A_1031, %get3A_1032] {strides = array<i32>} : memref<32x512xf32, #tpu.memory_space<vmem>>, vector<1x16xf32>,
      %get3A_1034 = vector.shape_cast %get3A_1033 : vector<1x16xf32> to vector<16xf32>
      %min3A_1035 = arith.minimumf %min3A_1030, %get3A_1034 : vector<16xf32>
      %get3A_1036 = arith.index_cast %scan3A_906 : i32 to index
      %get3A_1037 = arith.constant 416 : index
      %get3A_1038 = tpu.vector_load %arg4[%get3A_1036, %get3A_1037] {strides = array<i32>} : memref<32x512xf32, #tpu.memory_space<vmem>>, vector<1x16xf32>,
      %get3A_1039 = vector.shape_cast %get3A_1038 : vector<1x16xf32> to vector<16xf32>
      %min3A_1040 = arith.minimumf %min3A_1035, %get3A_1039 : vector<16xf32>
      %get3A_1041 = arith.index_cast %scan3A_906 : i32 to index
      %get3A_1042 = arith.constant 432 : index
      %get3A_1043 = tpu.vector_load %arg4[%get3A_1041, %get3A_1042] {strides = array<i32>} : memref<32x512xf32, #tpu.memory_space<vmem>>, vector<1x16xf32>,
      %get3A_1044 = vector.shape_cast %get3A_1043 : vector<1x16xf32> to vector<16xf32>
      %min3A_1045 = arith.minimumf %min3A_1040, %get3A_1044 : vector<16xf32>
      %get3A_1046 = arith.index_cast %scan3A_906 : i32 to index
      %get3A_1047 = arith.constant 448 : index
      %get3A_1048 = tpu.vector_load %arg4[%get3A_1046, %get3A_1047] {strides = array<i32>} : memref<32x512xf32, #tpu.memory_space<vmem>>, vector<1x16xf32>,
      %get3A_1049 = vector.shape_cast %get3A_1048 : vector<1x16xf32> to vector<16xf32>
      %min3A_1050 = arith.minimumf %min3A_1045, %get3A_1049 : vector<16xf32>
      %get3A_1051 = arith.index_cast %scan3A_906 : i32 to index
      %get3A_1052 = arith.constant 464 : index
      %get3A_1053 = tpu.vector_load %arg4[%get3A_1051, %get3A_1052] {strides = array<i32>} : memref<32x512xf32, #tpu.memory_space<vmem>>, vector<1x16xf32>,
      %get3A_1054 = vector.shape_cast %get3A_1053 : vector<1x16xf32> to vector<16xf32>
      %min3A_1055 = arith.minimumf %min3A_1050, %get3A_1054 : vector<16xf32>
      %get3A_1056 = arith.index_cast %scan3A_906 : i32 to index
      %get3A_1057 = arith.constant 480 : index
      %get3A_1058 = tpu.vector_load %arg4[%get3A_1056, %get3A_1057] {strides = array<i32>} : memref<32x512xf32, #tpu.memory_space<vmem>>, vector<1x16xf32>,
      %get3A_1059 = vector.shape_cast %get3A_1058 : vector<1x16xf32> to vector<16xf32>
      %min3A_1060 = arith.minimumf %min3A_1055, %get3A_1059 : vector<16xf32>
      %get3A_1061 = arith.index_cast %scan3A_906 : i32 to index
      %get3A_1062 = arith.constant 496 : index
      %get3A_1063 = tpu.vector_load %arg4[%get3A_1061, %get3A_1062] {strides = array<i32>} : memref<32x512xf32, #tpu.memory_space<vmem>>, vector<1x16xf32>,
      %get3A_1064 = vector.shape_cast %get3A_1063 : vector<1x16xf32> to vector<16xf32>
      %min3A_1065 = arith.minimumf %min3A_1060, %get3A_1064 : vector<16xf32>
      scf.yield %min3A_1065 : vector<16xf32>
    }
    %scan3A_237 = arith.constant 32 : i32
    %dma_wait3A_238 = arith.constant 0 : i32
    %dma_wait3A_239 = arith.constant 0 : i32
    %dma_wait3A_240 = arith.constant 0 : i32
    %dma_wait3A_241 = tpu.memref_slice %arg2[%dma_wait3A_238, %dma_wait3A_239, %dma_wait3A_240] : memref<784x64x512xf32, #tpu.memory_space<hbm>> -> memref<1x32x512xf32, #tpu.memory_space<hbm>>
    %dma_wait3A_242 = tpu.memref_squeeze %dma_wait3A_241 : memref<1x32x512xf32, #tpu.memory_space<hbm>> -> memref<32x512xf32, #tpu.memory_space<hbm>>
    %dma_wait3A_243 = arith.constant 0 : i32
    %dma_wait3A_244 = arith.constant 0 : i32
    %dma_wait3A_245 = tpu.memref_slice %arg2[%dma_wait3A_238, %dma_wait3A_243, %dma_wait3A_244] : memref<784x64x512xf32, #tpu.memory_space<hbm>> -> memref<1x32x512xf32, #tpu.memory_space<hbm>>
    %dma_wait3A_246 = tpu.memref_squeeze %dma_wait3A_245 : memref<1x32x512xf32, #tpu.memory_space<hbm>> -> memref<32x512xf32, #tpu.memory_space<hbm>>
    tpu.wait_dma2 semaphore(%arg8 : memref<!tpu.dma_semaphore, #tpu.memory_space<semaphore_mem>>) src(%dma_wait3A_246 : memref<32x512xf32, #tpu.memory_space<hbm>>) dst(%arg5 : memref<32x512xf32, #tpu.memory_space<vmem>>)
    %add3A_247 = arith.constant 4 : i32
    %add3A_248 = arith.addi %add3A_4, %add3A_247 : i32
    %jit3A_249 = arith.constant 2 : i32
    %div3A_250 = arith.divsi %add3A_248, %jit3A_249 : i32
    %sign3A_251 = arith.constant 0 : i32
    %sign3A_252 = arith.cmpi sgt, %add3A_248, %sign3A_251 : i32
    %sign3A_253 = arith.extui %sign3A_252 : i1 to i32
    %sign3A_254 = arith.constant 0 : i32
    %sign3A_255 = arith.cmpi slt, %add3A_248, %sign3A_254 : i32
    %sign3A_256 = arith.extui %sign3A_255 : i1 to i32
    %sign3A_257 = arith.subi %sign3A_253, %sign3A_256 : i32
    %sign3A_258 = arith.constant 0 : i32
    %sign3A_259 = arith.cmpi sgt, %jit3A_249, %sign3A_258 : i32
    %sign3A_260 = arith.extui %sign3A_259 : i1 to i32
    %sign3A_261 = arith.constant 0 : i32
    %sign3A_262 = arith.cmpi slt, %jit3A_249, %sign3A_261 : i32
    %sign3A_263 = arith.extui %sign3A_262 : i1 to i32
    %sign3A_264 = arith.subi %sign3A_260, %sign3A_263 : i32
    %ne3A_265 = arith.cmpi ne, %sign3A_257, %sign3A_264 : i32
    %rem3A_266 = arith.remsi %add3A_248, %jit3A_249 : i32
    %ne3A_267 = arith.constant 0 : i32
    %ne3A_268 = arith.cmpi ne, %rem3A_266, %ne3A_267 : i32
    %and3A_269 = arith.andi %ne3A_265, %ne3A_268 : i1
    %sub3A_270 = arith.constant 1 : i32
    %sub3A_271 = arith.subi %div3A_250, %sub3A_270 : i32
    %select_n3A_272 = arith.select %and3A_269, %sub3A_271, %div3A_250 : i32
    %jit3A_273 = arith.constant 2 : i32
    %eq3A_274 = arith.constant 0 : i32
    %eq3A_275 = arith.cmpi eq, %jit3A_273, %eq3A_274 : i32
    %jit3A_276 = arith.constant 1 : i32
    %select_n3A_277 = arith.select %eq3A_275, %jit3A_276, %jit3A_273 : i32
    %rem3A_278 = arith.remsi %add3A_248, %select_n3A_277 : i32
    %ne3A_279 = arith.constant 0 : i32
    %ne3A_280 = arith.cmpi ne, %rem3A_278, %ne3A_279 : i32
    %lt3A_281 = arith.constant 0 : i32
    %lt3A_282 = arith.cmpi slt, %rem3A_278, %lt3A_281 : i32
    %lt3A_283 = arith.constant 0 : i32
    %lt3A_284 = arith.cmpi slt, %select_n3A_277, %lt3A_283 : i32
    %ne3A_285 = arith.xori %lt3A_282, %lt3A_284 : i1
    %and3A_286 = arith.andi %ne3A_285, %ne3A_280 : i1
    %add3A_287 = arith.addi %rem3A_278, %select_n3A_277 : i32
    %select_n3A_288 = arith.select %and3A_286, %add3A_287, %rem3A_278 : i32
    %mul3A_289 = arith.constant 32 : i32
    %mul3A_290 = arith.muli %select_n3A_288, %mul3A_289 : i32
    %dma_start3A_291 = arith.constant 0 : i32
    %dma_start3A_292 = tpu.memref_slice %arg2[%select_n3A_272, %mul3A_290, %dma_start3A_291] : memref<784x64x512xf32, #tpu.memory_space<hbm>> -> memref<1x32x512xf32, #tpu.memory_space<hbm>>
    %dma_start3A_293 = tpu.memref_squeeze %dma_start3A_292 : memref<1x32x512xf32, #tpu.memory_space<hbm>> -> memref<32x512xf32, #tpu.memory_space<hbm>>
    %dma_start3A_294 = arith.constant 0 : i32
    %dma_start3A_295 = tpu.memref_slice %arg2[%select_n3A_272, %mul3A_290, %dma_start3A_294] : memref<784x64x512xf32, #tpu.memory_space<hbm>> -> memref<1x32x512xf32, #tpu.memory_space<hbm>>
    %dma_start3A_296 = tpu.memref_squeeze %dma_start3A_295 : memref<1x32x512xf32, #tpu.memory_space<hbm>> -> memref<32x512xf32, #tpu.memory_space<hbm>>
    tpu.enqueue_dma source(%dma_start3A_296 : memref<32x512xf32, #tpu.memory_space<hbm>>) target(%arg4 : memref<32x512xf32, #tpu.memory_space<vmem>>) target_semaphore(%arg7 : memref<!tpu.dma_semaphore, #tpu.memory_space<semaphore_mem>>)
    %scan3A_297 = arith.constant 0 : i32
    %scan3A_298 = arith.constant 32 : i32
    %scan3A_299 = arith.addi %scan3A_297, %scan3A_298 : i32
    %scan3A_300 = arith.constant 1 : i32
    %scan3A_301 = scf.for %scan3A_906 = %scan3A_297 to %scan3A_299 step %scan3A_300 iter_args(%scan3A_907 = %scan3A_236) -> (vector<16xf32>)  : i32 {
      %get3A = arith.index_cast %scan3A_906 : i32 to index
      %get3A_908 = arith.constant 0 : index
      %get3A_909 = tpu.vector_load %arg5[%get3A, %get3A_908] {strides = array<i32>} : memref<32x512xf32, #tpu.memory_space<vmem>>, vector<1x16xf32>,
      %get3A_910 = vector.shape_cast %get3A_909 : vector<1x16xf32> to vector<16xf32>
      %min3A = arith.minimumf %scan3A_907, %get3A_910 : vector<16xf32>
      %get3A_911 = arith.index_cast %scan3A_906 : i32 to index
      %get3A_912 = arith.constant 16 : index
      %get3A_913 = tpu.vector_load %arg5[%get3A_911, %get3A_912] {strides = array<i32>} : memref<32x512xf32, #tpu.memory_space<vmem>>, vector<1x16xf32>,
      %get3A_914 = vector.shape_cast %get3A_913 : vector<1x16xf32> to vector<16xf32>
      %min3A_915 = arith.minimumf %min3A, %get3A_914 : vector<16xf32>
      %get3A_916 = arith.index_cast %scan3A_906 : i32 to index
      %get3A_917 = arith.constant 32 : index
      %get3A_918 = tpu.vector_load %arg5[%get3A_916, %get3A_917] {strides = array<i32>} : memref<32x512xf32, #tpu.memory_space<vmem>>, vector<1x16xf32>,
      %get3A_919 = vector.shape_cast %get3A_918 : vector<1x16xf32> to vector<16xf32>
      %min3A_920 = arith.minimumf %min3A_915, %get3A_919 : vector<16xf32>
      %get3A_921 = arith.index_cast %scan3A_906 : i32 to index
      %get3A_922 = arith.constant 48 : index
      %get3A_923 = tpu.vector_load %arg5[%get3A_921, %get3A_922] {strides = array<i32>} : memref<32x512xf32, #tpu.memory_space<vmem>>, vector<1x16xf32>,
      %get3A_924 = vector.shape_cast %get3A_923 : vector<1x16xf32> to vector<16xf32>
      %min3A_925 = arith.minimumf %min3A_920, %get3A_924 : vector<16xf32>
      %get3A_926 = arith.index_cast %scan3A_906 : i32 to index
      %get3A_927 = arith.constant 64 : index
      %get3A_928 = tpu.vector_load %arg5[%get3A_926, %get3A_927] {strides = array<i32>} : memref<32x512xf32, #tpu.memory_space<vmem>>, vector<1x16xf32>,
      %get3A_929 = vector.shape_cast %get3A_928 : vector<1x16xf32> to vector<16xf32>
      %min3A_930 = arith.minimumf %min3A_925, %get3A_929 : vector<16xf32>
      %get3A_931 = arith.index_cast %scan3A_906 : i32 to index
      %get3A_932 = arith.constant 80 : index
      %get3A_933 = tpu.vector_load %arg5[%get3A_931, %get3A_932] {strides = array<i32>} : memref<32x512xf32, #tpu.memory_space<vmem>>, vector<1x16xf32>,
      %get3A_934 = vector.shape_cast %get3A_933 : vector<1x16xf32> to vector<16xf32>
      %min3A_935 = arith.minimumf %min3A_930, %get3A_934 : vector<16xf32>
      %get3A_936 = arith.index_cast %scan3A_906 : i32 to index
      %get3A_937 = arith.constant 96 : index
      %get3A_938 = tpu.vector_load %arg5[%get3A_936, %get3A_937] {strides = array<i32>} : memref<32x512xf32, #tpu.memory_space<vmem>>, vector<1x16xf32>,
      %get3A_939 = vector.shape_cast %get3A_938 : vector<1x16xf32> to vector<16xf32>
      %min3A_940 = arith.minimumf %min3A_935, %get3A_939 : vector<16xf32>
      %get3A_941 = arith.index_cast %scan3A_906 : i32 to index
      %get3A_942 = arith.constant 112 : index
      %get3A_943 = tpu.vector_load %arg5[%get3A_941, %get3A_942] {strides = array<i32>} : memref<32x512xf32, #tpu.memory_space<vmem>>, vector<1x16xf32>,
      %get3A_944 = vector.shape_cast %get3A_943 : vector<1x16xf32> to vector<16xf32>
      %min3A_945 = arith.minimumf %min3A_940, %get3A_944 : vector<16xf32>
      %get3A_946 = arith.index_cast %scan3A_906 : i32 to index
      %get3A_947 = arith.constant 128 : index
      %get3A_948 = tpu.vector_load %arg5[%get3A_946, %get3A_947] {strides = array<i32>} : memref<32x512xf32, #tpu.memory_space<vmem>>, vector<1x16xf32>,
      %get3A_949 = vector.shape_cast %get3A_948 : vector<1x16xf32> to vector<16xf32>
      %min3A_950 = arith.minimumf %min3A_945, %get3A_949 : vector<16xf32>
      %get3A_951 = arith.index_cast %scan3A_906 : i32 to index
      %get3A_952 = arith.constant 144 : index
      %get3A_953 = tpu.vector_load %arg5[%get3A_951, %get3A_952] {strides = array<i32>} : memref<32x512xf32, #tpu.memory_space<vmem>>, vector<1x16xf32>,
      %get3A_954 = vector.shape_cast %get3A_953 : vector<1x16xf32> to vector<16xf32>
      %min3A_955 = arith.minimumf %min3A_950, %get3A_954 : vector<16xf32>
      %get3A_956 = arith.index_cast %scan3A_906 : i32 to index
      %get3A_957 = arith.constant 160 : index
      %get3A_958 = tpu.vector_load %arg5[%get3A_956, %get3A_957] {strides = array<i32>} : memref<32x512xf32, #tpu.memory_space<vmem>>, vector<1x16xf32>,
      %get3A_959 = vector.shape_cast %get3A_958 : vector<1x16xf32> to vector<16xf32>
      %min3A_960 = arith.minimumf %min3A_955, %get3A_959 : vector<16xf32>
      %get3A_961 = arith.index_cast %scan3A_906 : i32 to index
      %get3A_962 = arith.constant 176 : index
      %get3A_963 = tpu.vector_load %arg5[%get3A_961, %get3A_962] {strides = array<i32>} : memref<32x512xf32, #tpu.memory_space<vmem>>, vector<1x16xf32>,
      %get3A_964 = vector.shape_cast %get3A_963 : vector<1x16xf32> to vector<16xf32>
      %min3A_965 = arith.minimumf %min3A_960, %get3A_964 : vector<16xf32>
      %get3A_966 = arith.index_cast %scan3A_906 : i32 to index
      %get3A_967 = arith.constant 192 : index
      %get3A_968 = tpu.vector_load %arg5[%get3A_966, %get3A_967] {strides = array<i32>} : memref<32x512xf32, #tpu.memory_space<vmem>>, vector<1x16xf32>,
      %get3A_969 = vector.shape_cast %get3A_968 : vector<1x16xf32> to vector<16xf32>
      %min3A_970 = arith.minimumf %min3A_965, %get3A_969 : vector<16xf32>
      %get3A_971 = arith.index_cast %scan3A_906 : i32 to index
      %get3A_972 = arith.constant 208 : index
      %get3A_973 = tpu.vector_load %arg5[%get3A_971, %get3A_972] {strides = array<i32>} : memref<32x512xf32, #tpu.memory_space<vmem>>, vector<1x16xf32>,
      %get3A_974 = vector.shape_cast %get3A_973 : vector<1x16xf32> to vector<16xf32>
      %min3A_975 = arith.minimumf %min3A_970, %get3A_974 : vector<16xf32>
      %get3A_976 = arith.index_cast %scan3A_906 : i32 to index
      %get3A_977 = arith.constant 224 : index
      %get3A_978 = tpu.vector_load %arg5[%get3A_976, %get3A_977] {strides = array<i32>} : memref<32x512xf32, #tpu.memory_space<vmem>>, vector<1x16xf32>,
      %get3A_979 = vector.shape_cast %get3A_978 : vector<1x16xf32> to vector<16xf32>
      %min3A_980 = arith.minimumf %min3A_975, %get3A_979 : vector<16xf32>
      %get3A_981 = arith.index_cast %scan3A_906 : i32 to index
      %get3A_982 = arith.constant 240 : index
      %get3A_983 = tpu.vector_load %arg5[%get3A_981, %get3A_982] {strides = array<i32>} : memref<32x512xf32, #tpu.memory_space<vmem>>, vector<1x16xf32>,
      %get3A_984 = vector.shape_cast %get3A_983 : vector<1x16xf32> to vector<16xf32>
      %min3A_985 = arith.minimumf %min3A_980, %get3A_984 : vector<16xf32>
      %get3A_986 = arith.index_cast %scan3A_906 : i32 to index
      %get3A_987 = arith.constant 256 : index
      %get3A_988 = tpu.vector_load %arg5[%get3A_986, %get3A_987] {strides = array<i32>} : memref<32x512xf32, #tpu.memory_space<vmem>>, vector<1x16xf32>,
      %get3A_989 = vector.shape_cast %get3A_988 : vector<1x16xf32> to vector<16xf32>
      %min3A_990 = arith.minimumf %min3A_985, %get3A_989 : vector<16xf32>
      %get3A_991 = arith.index_cast %scan3A_906 : i32 to index
      %get3A_992 = arith.constant 272 : index
      %get3A_993 = tpu.vector_load %arg5[%get3A_991, %get3A_992] {strides = array<i32>} : memref<32x512xf32, #tpu.memory_space<vmem>>, vector<1x16xf32>,
      %get3A_994 = vector.shape_cast %get3A_993 : vector<1x16xf32> to vector<16xf32>
      %min3A_995 = arith.minimumf %min3A_990, %get3A_994 : vector<16xf32>
      %get3A_996 = arith.index_cast %scan3A_906 : i32 to index
      %get3A_997 = arith.constant 288 : index
      %get3A_998 = tpu.vector_load %arg5[%get3A_996, %get3A_997] {strides = array<i32>} : memref<32x512xf32, #tpu.memory_space<vmem>>, vector<1x16xf32>,
      %get3A_999 = vector.shape_cast %get3A_998 : vector<1x16xf32> to vector<16xf32>
      %min3A_1000 = arith.minimumf %min3A_995, %get3A_999 : vector<16xf32>
      %get3A_1001 = arith.index_cast %scan3A_906 : i32 to index
      %get3A_1002 = arith.constant 304 : index
      %get3A_1003 = tpu.vector_load %arg5[%get3A_1001, %get3A_1002] {strides = array<i32>} : memref<32x512xf32, #tpu.memory_space<vmem>>, vector<1x16xf32>,
      %get3A_1004 = vector.shape_cast %get3A_1003 : vector<1x16xf32> to vector<16xf32>
      %min3A_1005 = arith.minimumf %min3A_1000, %get3A_1004 : vector<16xf32>
      %get3A_1006 = arith.index_cast %scan3A_906 : i32 to index
      %get3A_1007 = arith.constant 320 : index
      %get3A_1008 = tpu.vector_load %arg5[%get3A_1006, %get3A_1007] {strides = array<i32>} : memref<32x512xf32, #tpu.memory_space<vmem>>, vector<1x16xf32>,
      %get3A_1009 = vector.shape_cast %get3A_1008 : vector<1x16xf32> to vector<16xf32>
      %min3A_1010 = arith.minimumf %min3A_1005, %get3A_1009 : vector<16xf32>
      %get3A_1011 = arith.index_cast %scan3A_906 : i32 to index
      %get3A_1012 = arith.constant 336 : index
      %get3A_1013 = tpu.vector_load %arg5[%get3A_1011, %get3A_1012] {strides = array<i32>} : memref<32x512xf32, #tpu.memory_space<vmem>>, vector<1x16xf32>,
      %get3A_1014 = vector.shape_cast %get3A_1013 : vector<1x16xf32> to vector<16xf32>
      %min3A_1015 = arith.minimumf %min3A_1010, %get3A_1014 : vector<16xf32>
      %get3A_1016 = arith.index_cast %scan3A_906 : i32 to index
      %get3A_1017 = arith.constant 352 : index
      %get3A_1018 = tpu.vector_load %arg5[%get3A_1016, %get3A_1017] {strides = array<i32>} : memref<32x512xf32, #tpu.memory_space<vmem>>, vector<1x16xf32>,
      %get3A_1019 = vector.shape_cast %get3A_1018 : vector<1x16xf32> to vector<16xf32>
      %min3A_1020 = arith.minimumf %min3A_1015, %get3A_1019 : vector<16xf32>
      %get3A_1021 = arith.index_cast %scan3A_906 : i32 to index
      %get3A_1022 = arith.constant 368 : index
      %get3A_1023 = tpu.vector_load %arg5[%get3A_1021, %get3A_1022] {strides = array<i32>} : memref<32x512xf32, #tpu.memory_space<vmem>>, vector<1x16xf32>,
      %get3A_1024 = vector.shape_cast %get3A_1023 : vector<1x16xf32> to vector<16xf32>
      %min3A_1025 = arith.minimumf %min3A_1020, %get3A_1024 : vector<16xf32>
      %get3A_1026 = arith.index_cast %scan3A_906 : i32 to index
      %get3A_1027 = arith.constant 384 : index
      %get3A_1028 = tpu.vector_load %arg5[%get3A_1026, %get3A_1027] {strides = array<i32>} : memref<32x512xf32, #tpu.memory_space<vmem>>, vector<1x16xf32>,
      %get3A_1029 = vector.shape_cast %get3A_1028 : vector<1x16xf32> to vector<16xf32>
      %min3A_1030 = arith.minimumf %min3A_1025, %get3A_1029 : vector<16xf32>
      %get3A_1031 = arith.index_cast %scan3A_906 : i32 to index
      %get3A_1032 = arith.constant 400 : index
      %get3A_1033 = tpu.vector_load %arg5[%get3A_1031, %get3A_1032] {strides = array<i32>} : memref<32x512xf32, #tpu.memory_space<vmem>>, vector<1x16xf32>,
      %get3A_1034 = vector.shape_cast %get3A_1033 : vector<1x16xf32> to vector<16xf32>
      %min3A_1035 = arith.minimumf %min3A_1030, %get3A_1034 : vector<16xf32>
      %get3A_1036 = arith.index_cast %scan3A_906 : i32 to index
      %get3A_1037 = arith.constant 416 : index
      %get3A_1038 = tpu.vector_load %arg5[%get3A_1036, %get3A_1037] {strides = array<i32>} : memref<32x512xf32, #tpu.memory_space<vmem>>, vector<1x16xf32>,
      %get3A_1039 = vector.shape_cast %get3A_1038 : vector<1x16xf32> to vector<16xf32>
      %min3A_1040 = arith.minimumf %min3A_1035, %get3A_1039 : vector<16xf32>
      %get3A_1041 = arith.index_cast %scan3A_906 : i32 to index
      %get3A_1042 = arith.constant 432 : index
      %get3A_1043 = tpu.vector_load %arg5[%get3A_1041, %get3A_1042] {strides = array<i32>} : memref<32x512xf32, #tpu.memory_space<vmem>>, vector<1x16xf32>,
      %get3A_1044 = vector.shape_cast %get3A_1043 : vector<1x16xf32> to vector<16xf32>
      %min3A_1045 = arith.minimumf %min3A_1040, %get3A_1044 : vector<16xf32>
      %get3A_1046 = arith.index_cast %scan3A_906 : i32 to index
      %get3A_1047 = arith.constant 448 : index
      %get3A_1048 = tpu.vector_load %arg5[%get3A_1046, %get3A_1047] {strides = array<i32>} : memref<32x512xf32, #tpu.memory_space<vmem>>, vector<1x16xf32>,
      %get3A_1049 = vector.shape_cast %get3A_1048 : vector<1x16xf32> to vector<16xf32>
      %min3A_1050 = arith.minimumf %min3A_1045, %get3A_1049 : vector<16xf32>
      %get3A_1051 = arith.index_cast %scan3A_906 : i32 to index
      %get3A_1052 = arith.constant 464 : index
      %get3A_1053 = tpu.vector_load %arg5[%get3A_1051, %get3A_1052] {strides = array<i32>} : memref<32x512xf32, #tpu.memory_space<vmem>>, vector<1x16xf32>,
      %get3A_1054 = vector.shape_cast %get3A_1053 : vector<1x16xf32> to vector<16xf32>
      %min3A_1055 = arith.minimumf %min3A_1050, %get3A_1054 : vector<16xf32>
      %get3A_1056 = arith.index_cast %scan3A_906 : i32 to index
      %get3A_1057 = arith.constant 480 : index
      %get3A_1058 = tpu.vector_load %arg5[%get3A_1056, %get3A_1057] {strides = array<i32>} : memref<32x512xf32, #tpu.memory_space<vmem>>, vector<1x16xf32>,
      %get3A_1059 = vector.shape_cast %get3A_1058 : vector<1x16xf32> to vector<16xf32>
      %min3A_1060 = arith.minimumf %min3A_1055, %get3A_1059 : vector<16xf32>
      %get3A_1061 = arith.index_cast %scan3A_906 : i32 to index
      %get3A_1062 = arith.constant 496 : index
      %get3A_1063 = tpu.vector_load %arg5[%get3A_1061, %get3A_1062] {strides = array<i32>} : memref<32x512xf32, #tpu.memory_space<vmem>>, vector<1x16xf32>,
      %get3A_1064 = vector.shape_cast %get3A_1063 : vector<1x16xf32> to vector<16xf32>
      %min3A_1065 = arith.minimumf %min3A_1060, %get3A_1064 : vector<16xf32>
      scf.yield %min3A_1065 : vector<16xf32>
    }
    %scan3A_302 = arith.constant 32 : i32
    %dma_wait3A_303 = arith.constant 0 : i32
    %dma_wait3A_304 = arith.constant 0 : i32
    %dma_wait3A_305 = arith.constant 0 : i32
    %dma_wait3A_306 = tpu.memref_slice %arg2[%dma_wait3A_303, %dma_wait3A_304, %dma_wait3A_305] : memref<784x64x512xf32, #tpu.memory_space<hbm>> -> memref<1x32x512xf32, #tpu.memory_space<hbm>>
    %dma_wait3A_307 = tpu.memref_squeeze %dma_wait3A_306 : memref<1x32x512xf32, #tpu.memory_space<hbm>> -> memref<32x512xf32, #tpu.memory_space<hbm>>
    %dma_wait3A_308 = arith.constant 0 : i32
    %dma_wait3A_309 = arith.constant 0 : i32
    %dma_wait3A_310 = tpu.memref_slice %arg2[%dma_wait3A_303, %dma_wait3A_308, %dma_wait3A_309] : memref<784x64x512xf32, #tpu.memory_space<hbm>> -> memref<1x32x512xf32, #tpu.memory_space<hbm>>
    %dma_wait3A_311 = tpu.memref_squeeze %dma_wait3A_310 : memref<1x32x512xf32, #tpu.memory_space<hbm>> -> memref<32x512xf32, #tpu.memory_space<hbm>>
    tpu.wait_dma2 semaphore(%arg7 : memref<!tpu.dma_semaphore, #tpu.memory_space<semaphore_mem>>) src(%dma_wait3A_311 : memref<32x512xf32, #tpu.memory_space<hbm>>) dst(%arg4 : memref<32x512xf32, #tpu.memory_space<vmem>>)
    %add3A_312 = arith.constant 5 : i32
    %add3A_313 = arith.addi %add3A_4, %add3A_312 : i32
    %jit3A_314 = arith.constant 2 : i32
    %div3A_315 = arith.divsi %add3A_313, %jit3A_314 : i32
    %sign3A_316 = arith.constant 0 : i32
    %sign3A_317 = arith.cmpi sgt, %add3A_313, %sign3A_316 : i32
    %sign3A_318 = arith.extui %sign3A_317 : i1 to i32
    %sign3A_319 = arith.constant 0 : i32
    %sign3A_320 = arith.cmpi slt, %add3A_313, %sign3A_319 : i32
    %sign3A_321 = arith.extui %sign3A_320 : i1 to i32
    %sign3A_322 = arith.subi %sign3A_318, %sign3A_321 : i32
    %sign3A_323 = arith.constant 0 : i32
    %sign3A_324 = arith.cmpi sgt, %jit3A_314, %sign3A_323 : i32
    %sign3A_325 = arith.extui %sign3A_324 : i1 to i32
    %sign3A_326 = arith.constant 0 : i32
    %sign3A_327 = arith.cmpi slt, %jit3A_314, %sign3A_326 : i32
    %sign3A_328 = arith.extui %sign3A_327 : i1 to i32
    %sign3A_329 = arith.subi %sign3A_325, %sign3A_328 : i32
    %ne3A_330 = arith.cmpi ne, %sign3A_322, %sign3A_329 : i32
    %rem3A_331 = arith.remsi %add3A_313, %jit3A_314 : i32
    %ne3A_332 = arith.constant 0 : i32
    %ne3A_333 = arith.cmpi ne, %rem3A_331, %ne3A_332 : i32
    %and3A_334 = arith.andi %ne3A_330, %ne3A_333 : i1
    %sub3A_335 = arith.constant 1 : i32
    %sub3A_336 = arith.subi %div3A_315, %sub3A_335 : i32
    %select_n3A_337 = arith.select %and3A_334, %sub3A_336, %div3A_315 : i32
    %jit3A_338 = arith.constant 2 : i32
    %eq3A_339 = arith.constant 0 : i32
    %eq3A_340 = arith.cmpi eq, %jit3A_338, %eq3A_339 : i32
    %jit3A_341 = arith.constant 1 : i32
    %select_n3A_342 = arith.select %eq3A_340, %jit3A_341, %jit3A_338 : i32
    %rem3A_343 = arith.remsi %add3A_313, %select_n3A_342 : i32
    %ne3A_344 = arith.constant 0 : i32
    %ne3A_345 = arith.cmpi ne, %rem3A_343, %ne3A_344 : i32
    %lt3A_346 = arith.constant 0 : i32
    %lt3A_347 = arith.cmpi slt, %rem3A_343, %lt3A_346 : i32
    %lt3A_348 = arith.constant 0 : i32
    %lt3A_349 = arith.cmpi slt, %select_n3A_342, %lt3A_348 : i32
    %ne3A_350 = arith.xori %lt3A_347, %lt3A_349 : i1
    %and3A_351 = arith.andi %ne3A_350, %ne3A_345 : i1
    %add3A_352 = arith.addi %rem3A_343, %select_n3A_342 : i32
    %select_n3A_353 = arith.select %and3A_351, %add3A_352, %rem3A_343 : i32
    %mul3A_354 = arith.constant 32 : i32
    %mul3A_355 = arith.muli %select_n3A_353, %mul3A_354 : i32
    %dma_start3A_356 = arith.constant 0 : i32
    %dma_start3A_357 = tpu.memref_slice %arg2[%select_n3A_337, %mul3A_355, %dma_start3A_356] : memref<784x64x512xf32, #tpu.memory_space<hbm>> -> memref<1x32x512xf32, #tpu.memory_space<hbm>>
    %dma_start3A_358 = tpu.memref_squeeze %dma_start3A_357 : memref<1x32x512xf32, #tpu.memory_space<hbm>> -> memref<32x512xf32, #tpu.memory_space<hbm>>
    %dma_start3A_359 = arith.constant 0 : i32
    %dma_start3A_360 = tpu.memref_slice %arg2[%select_n3A_337, %mul3A_355, %dma_start3A_359] : memref<784x64x512xf32, #tpu.memory_space<hbm>> -> memref<1x32x512xf32, #tpu.memory_space<hbm>>
    %dma_start3A_361 = tpu.memref_squeeze %dma_start3A_360 : memref<1x32x512xf32, #tpu.memory_space<hbm>> -> memref<32x512xf32, #tpu.memory_space<hbm>>
    tpu.enqueue_dma source(%dma_start3A_361 : memref<32x512xf32, #tpu.memory_space<hbm>>) target(%arg5 : memref<32x512xf32, #tpu.memory_space<vmem>>) target_semaphore(%arg8 : memref<!tpu.dma_semaphore, #tpu.memory_space<semaphore_mem>>)
    %scan3A_362 = arith.constant 0 : i32
    %scan3A_363 = arith.constant 32 : i32
    %scan3A_364 = arith.addi %scan3A_362, %scan3A_363 : i32
    %scan3A_365 = arith.constant 1 : i32
    %scan3A_366 = scf.for %scan3A_906 = %scan3A_362 to %scan3A_364 step %scan3A_365 iter_args(%scan3A_907 = %scan3A_301) -> (vector<16xf32>)  : i32 {
      %get3A = arith.index_cast %scan3A_906 : i32 to index
      %get3A_908 = arith.constant 0 : index
      %get3A_909 = tpu.vector_load %arg4[%get3A, %get3A_908] {strides = array<i32>} : memref<32x512xf32, #tpu.memory_space<vmem>>, vector<1x16xf32>,
      %get3A_910 = vector.shape_cast %get3A_909 : vector<1x16xf32> to vector<16xf32>
      %min3A = arith.minimumf %scan3A_907, %get3A_910 : vector<16xf32>
      %get3A_911 = arith.index_cast %scan3A_906 : i32 to index
      %get3A_912 = arith.constant 16 : index
      %get3A_913 = tpu.vector_load %arg4[%get3A_911, %get3A_912] {strides = array<i32>} : memref<32x512xf32, #tpu.memory_space<vmem>>, vector<1x16xf32>,
      %get3A_914 = vector.shape_cast %get3A_913 : vector<1x16xf32> to vector<16xf32>
      %min3A_915 = arith.minimumf %min3A, %get3A_914 : vector<16xf32>
      %get3A_916 = arith.index_cast %scan3A_906 : i32 to index
      %get3A_917 = arith.constant 32 : index
      %get3A_918 = tpu.vector_load %arg4[%get3A_916, %get3A_917] {strides = array<i32>} : memref<32x512xf32, #tpu.memory_space<vmem>>, vector<1x16xf32>,
      %get3A_919 = vector.shape_cast %get3A_918 : vector<1x16xf32> to vector<16xf32>
      %min3A_920 = arith.minimumf %min3A_915, %get3A_919 : vector<16xf32>
      %get3A_921 = arith.index_cast %scan3A_906 : i32 to index
      %get3A_922 = arith.constant 48 : index
      %get3A_923 = tpu.vector_load %arg4[%get3A_921, %get3A_922] {strides = array<i32>} : memref<32x512xf32, #tpu.memory_space<vmem>>, vector<1x16xf32>,
      %get3A_924 = vector.shape_cast %get3A_923 : vector<1x16xf32> to vector<16xf32>
      %min3A_925 = arith.minimumf %min3A_920, %get3A_924 : vector<16xf32>
      %get3A_926 = arith.index_cast %scan3A_906 : i32 to index
      %get3A_927 = arith.constant 64 : index
      %get3A_928 = tpu.vector_load %arg4[%get3A_926, %get3A_927] {strides = array<i32>} : memref<32x512xf32, #tpu.memory_space<vmem>>, vector<1x16xf32>,
      %get3A_929 = vector.shape_cast %get3A_928 : vector<1x16xf32> to vector<16xf32>
      %min3A_930 = arith.minimumf %min3A_925, %get3A_929 : vector<16xf32>
      %get3A_931 = arith.index_cast %scan3A_906 : i32 to index
      %get3A_932 = arith.constant 80 : index
      %get3A_933 = tpu.vector_load %arg4[%get3A_931, %get3A_932] {strides = array<i32>} : memref<32x512xf32, #tpu.memory_space<vmem>>, vector<1x16xf32>,
      %get3A_934 = vector.shape_cast %get3A_933 : vector<1x16xf32> to vector<16xf32>
      %min3A_935 = arith.minimumf %min3A_930, %get3A_934 : vector<16xf32>
      %get3A_936 = arith.index_cast %scan3A_906 : i32 to index
      %get3A_937 = arith.constant 96 : index
      %get3A_938 = tpu.vector_load %arg4[%get3A_936, %get3A_937] {strides = array<i32>} : memref<32x512xf32, #tpu.memory_space<vmem>>, vector<1x16xf32>,
      %get3A_939 = vector.shape_cast %get3A_938 : vector<1x16xf32> to vector<16xf32>
      %min3A_940 = arith.minimumf %min3A_935, %get3A_939 : vector<16xf32>
      %get3A_941 = arith.index_cast %scan3A_906 : i32 to index
      %get3A_942 = arith.constant 112 : index
      %get3A_943 = tpu.vector_load %arg4[%get3A_941, %get3A_942] {strides = array<i32>} : memref<32x512xf32, #tpu.memory_space<vmem>>, vector<1x16xf32>,
      %get3A_944 = vector.shape_cast %get3A_943 : vector<1x16xf32> to vector<16xf32>
      %min3A_945 = arith.minimumf %min3A_940, %get3A_944 : vector<16xf32>
      %get3A_946 = arith.index_cast %scan3A_906 : i32 to index
      %get3A_947 = arith.constant 128 : index
      %get3A_948 = tpu.vector_load %arg4[%get3A_946, %get3A_947] {strides = array<i32>} : memref<32x512xf32, #tpu.memory_space<vmem>>, vector<1x16xf32>,
      %get3A_949 = vector.shape_cast %get3A_948 : vector<1x16xf32> to vector<16xf32>
      %min3A_950 = arith.minimumf %min3A_945, %get3A_949 : vector<16xf32>
      %get3A_951 = arith.index_cast %scan3A_906 : i32 to index
      %get3A_952 = arith.constant 144 : index
      %get3A_953 = tpu.vector_load %arg4[%get3A_951, %get3A_952] {strides = array<i32>} : memref<32x512xf32, #tpu.memory_space<vmem>>, vector<1x16xf32>,
      %get3A_954 = vector.shape_cast %get3A_953 : vector<1x16xf32> to vector<16xf32>
      %min3A_955 = arith.minimumf %min3A_950, %get3A_954 : vector<16xf32>
      %get3A_956 = arith.index_cast %scan3A_906 : i32 to index
      %get3A_957 = arith.constant 160 : index
      %get3A_958 = tpu.vector_load %arg4[%get3A_956, %get3A_957] {strides = array<i32>} : memref<32x512xf32, #tpu.memory_space<vmem>>, vector<1x16xf32>,
      %get3A_959 = vector.shape_cast %get3A_958 : vector<1x16xf32> to vector<16xf32>
      %min3A_960 = arith.minimumf %min3A_955, %get3A_959 : vector<16xf32>
      %get3A_961 = arith.index_cast %scan3A_906 : i32 to index
      %get3A_962 = arith.constant 176 : index
      %get3A_963 = tpu.vector_load %arg4[%get3A_961, %get3A_962] {strides = array<i32>} : memref<32x512xf32, #tpu.memory_space<vmem>>, vector<1x16xf32>,
      %get3A_964 = vector.shape_cast %get3A_963 : vector<1x16xf32> to vector<16xf32>
      %min3A_965 = arith.minimumf %min3A_960, %get3A_964 : vector<16xf32>
      %get3A_966 = arith.index_cast %scan3A_906 : i32 to index
      %get3A_967 = arith.constant 192 : index
      %get3A_968 = tpu.vector_load %arg4[%get3A_966, %get3A_967] {strides = array<i32>} : memref<32x512xf32, #tpu.memory_space<vmem>>, vector<1x16xf32>,
      %get3A_969 = vector.shape_cast %get3A_968 : vector<1x16xf32> to vector<16xf32>
      %min3A_970 = arith.minimumf %min3A_965, %get3A_969 : vector<16xf32>
      %get3A_971 = arith.index_cast %scan3A_906 : i32 to index
      %get3A_972 = arith.constant 208 : index
      %get3A_973 = tpu.vector_load %arg4[%get3A_971, %get3A_972] {strides = array<i32>} : memref<32x512xf32, #tpu.memory_space<vmem>>, vector<1x16xf32>,
      %get3A_974 = vector.shape_cast %get3A_973 : vector<1x16xf32> to vector<16xf32>
      %min3A_975 = arith.minimumf %min3A_970, %get3A_974 : vector<16xf32>
      %get3A_976 = arith.index_cast %scan3A_906 : i32 to index
      %get3A_977 = arith.constant 224 : index
      %get3A_978 = tpu.vector_load %arg4[%get3A_976, %get3A_977] {strides = array<i32>} : memref<32x512xf32, #tpu.memory_space<vmem>>, vector<1x16xf32>,
      %get3A_979 = vector.shape_cast %get3A_978 : vector<1x16xf32> to vector<16xf32>
      %min3A_980 = arith.minimumf %min3A_975, %get3A_979 : vector<16xf32>
      %get3A_981 = arith.index_cast %scan3A_906 : i32 to index
      %get3A_982 = arith.constant 240 : index
      %get3A_983 = tpu.vector_load %arg4[%get3A_981, %get3A_982] {strides = array<i32>} : memref<32x512xf32, #tpu.memory_space<vmem>>, vector<1x16xf32>,
      %get3A_984 = vector.shape_cast %get3A_983 : vector<1x16xf32> to vector<16xf32>
      %min3A_985 = arith.minimumf %min3A_980, %get3A_984 : vector<16xf32>
      %get3A_986 = arith.index_cast %scan3A_906 : i32 to index
      %get3A_987 = arith.constant 256 : index
      %get3A_988 = tpu.vector_load %arg4[%get3A_986, %get3A_987] {strides = array<i32>} : memref<32x512xf32, #tpu.memory_space<vmem>>, vector<1x16xf32>,
      %get3A_989 = vector.shape_cast %get3A_988 : vector<1x16xf32> to vector<16xf32>
      %min3A_990 = arith.minimumf %min3A_985, %get3A_989 : vector<16xf32>
      %get3A_991 = arith.index_cast %scan3A_906 : i32 to index
      %get3A_992 = arith.constant 272 : index
      %get3A_993 = tpu.vector_load %arg4[%get3A_991, %get3A_992] {strides = array<i32>} : memref<32x512xf32, #tpu.memory_space<vmem>>, vector<1x16xf32>,
      %get3A_994 = vector.shape_cast %get3A_993 : vector<1x16xf32> to vector<16xf32>
      %min3A_995 = arith.minimumf %min3A_990, %get3A_994 : vector<16xf32>
      %get3A_996 = arith.index_cast %scan3A_906 : i32 to index
      %get3A_997 = arith.constant 288 : index
      %get3A_998 = tpu.vector_load %arg4[%get3A_996, %get3A_997] {strides = array<i32>} : memref<32x512xf32, #tpu.memory_space<vmem>>, vector<1x16xf32>,
      %get3A_999 = vector.shape_cast %get3A_998 : vector<1x16xf32> to vector<16xf32>
      %min3A_1000 = arith.minimumf %min3A_995, %get3A_999 : vector<16xf32>
      %get3A_1001 = arith.index_cast %scan3A_906 : i32 to index
      %get3A_1002 = arith.constant 304 : index
      %get3A_1003 = tpu.vector_load %arg4[%get3A_1001, %get3A_1002] {strides = array<i32>} : memref<32x512xf32, #tpu.memory_space<vmem>>, vector<1x16xf32>,
      %get3A_1004 = vector.shape_cast %get3A_1003 : vector<1x16xf32> to vector<16xf32>
      %min3A_1005 = arith.minimumf %min3A_1000, %get3A_1004 : vector<16xf32>
      %get3A_1006 = arith.index_cast %scan3A_906 : i32 to index
      %get3A_1007 = arith.constant 320 : index
      %get3A_1008 = tpu.vector_load %arg4[%get3A_1006, %get3A_1007] {strides = array<i32>} : memref<32x512xf32, #tpu.memory_space<vmem>>, vector<1x16xf32>,
      %get3A_1009 = vector.shape_cast %get3A_1008 : vector<1x16xf32> to vector<16xf32>
      %min3A_1010 = arith.minimumf %min3A_1005, %get3A_1009 : vector<16xf32>
      %get3A_1011 = arith.index_cast %scan3A_906 : i32 to index
      %get3A_1012 = arith.constant 336 : index
      %get3A_1013 = tpu.vector_load %arg4[%get3A_1011, %get3A_1012] {strides = array<i32>} : memref<32x512xf32, #tpu.memory_space<vmem>>, vector<1x16xf32>,
      %get3A_1014 = vector.shape_cast %get3A_1013 : vector<1x16xf32> to vector<16xf32>
      %min3A_1015 = arith.minimumf %min3A_1010, %get3A_1014 : vector<16xf32>
      %get3A_1016 = arith.index_cast %scan3A_906 : i32 to index
      %get3A_1017 = arith.constant 352 : index
      %get3A_1018 = tpu.vector_load %arg4[%get3A_1016, %get3A_1017] {strides = array<i32>} : memref<32x512xf32, #tpu.memory_space<vmem>>, vector<1x16xf32>,
      %get3A_1019 = vector.shape_cast %get3A_1018 : vector<1x16xf32> to vector<16xf32>
      %min3A_1020 = arith.minimumf %min3A_1015, %get3A_1019 : vector<16xf32>
      %get3A_1021 = arith.index_cast %scan3A_906 : i32 to index
      %get3A_1022 = arith.constant 368 : index
      %get3A_1023 = tpu.vector_load %arg4[%get3A_1021, %get3A_1022] {strides = array<i32>} : memref<32x512xf32, #tpu.memory_space<vmem>>, vector<1x16xf32>,
      %get3A_1024 = vector.shape_cast %get3A_1023 : vector<1x16xf32> to vector<16xf32>
      %min3A_1025 = arith.minimumf %min3A_1020, %get3A_1024 : vector<16xf32>
      %get3A_1026 = arith.index_cast %scan3A_906 : i32 to index
      %get3A_1027 = arith.constant 384 : index
      %get3A_1028 = tpu.vector_load %arg4[%get3A_1026, %get3A_1027] {strides = array<i32>} : memref<32x512xf32, #tpu.memory_space<vmem>>, vector<1x16xf32>,
      %get3A_1029 = vector.shape_cast %get3A_1028 : vector<1x16xf32> to vector<16xf32>
      %min3A_1030 = arith.minimumf %min3A_1025, %get3A_1029 : vector<16xf32>
      %get3A_1031 = arith.index_cast %scan3A_906 : i32 to index
      %get3A_1032 = arith.constant 400 : index
      %get3A_1033 = tpu.vector_load %arg4[%get3A_1031, %get3A_1032] {strides = array<i32>} : memref<32x512xf32, #tpu.memory_space<vmem>>, vector<1x16xf32>,
      %get3A_1034 = vector.shape_cast %get3A_1033 : vector<1x16xf32> to vector<16xf32>
      %min3A_1035 = arith.minimumf %min3A_1030, %get3A_1034 : vector<16xf32>
      %get3A_1036 = arith.index_cast %scan3A_906 : i32 to index
      %get3A_1037 = arith.constant 416 : index
      %get3A_1038 = tpu.vector_load %arg4[%get3A_1036, %get3A_1037] {strides = array<i32>} : memref<32x512xf32, #tpu.memory_space<vmem>>, vector<1x16xf32>,
      %get3A_1039 = vector.shape_cast %get3A_1038 : vector<1x16xf32> to vector<16xf32>
      %min3A_1040 = arith.minimumf %min3A_1035, %get3A_1039 : vector<16xf32>
      %get3A_1041 = arith.index_cast %scan3A_906 : i32 to index
      %get3A_1042 = arith.constant 432 : index
      %get3A_1043 = tpu.vector_load %arg4[%get3A_1041, %get3A_1042] {strides = array<i32>} : memref<32x512xf32, #tpu.memory_space<vmem>>, vector<1x16xf32>,
      %get3A_1044 = vector.shape_cast %get3A_1043 : vector<1x16xf32> to vector<16xf32>
      %min3A_1045 = arith.minimumf %min3A_1040, %get3A_1044 : vector<16xf32>
      %get3A_1046 = arith.index_cast %scan3A_906 : i32 to index
      %get3A_1047 = arith.constant 448 : index
      %get3A_1048 = tpu.vector_load %arg4[%get3A_1046, %get3A_1047] {strides = array<i32>} : memref<32x512xf32, #tpu.memory_space<vmem>>, vector<1x16xf32>,
      %get3A_1049 = vector.shape_cast %get3A_1048 : vector<1x16xf32> to vector<16xf32>
      %min3A_1050 = arith.minimumf %min3A_1045, %get3A_1049 : vector<16xf32>
      %get3A_1051 = arith.index_cast %scan3A_906 : i32 to index
      %get3A_1052 = arith.constant 464 : index
      %get3A_1053 = tpu.vector_load %arg4[%get3A_1051, %get3A_1052] {strides = array<i32>} : memref<32x512xf32, #tpu.memory_space<vmem>>, vector<1x16xf32>,
      %get3A_1054 = vector.shape_cast %get3A_1053 : vector<1x16xf32> to vector<16xf32>
      %min3A_1055 = arith.minimumf %min3A_1050, %get3A_1054 : vector<16xf32>
      %get3A_1056 = arith.index_cast %scan3A_906 : i32 to index
      %get3A_1057 = arith.constant 480 : index
      %get3A_1058 = tpu.vector_load %arg4[%get3A_1056, %get3A_1057] {strides = array<i32>} : memref<32x512xf32, #tpu.memory_space<vmem>>, vector<1x16xf32>,
      %get3A_1059 = vector.shape_cast %get3A_1058 : vector<1x16xf32> to vector<16xf32>
      %min3A_1060 = arith.minimumf %min3A_1055, %get3A_1059 : vector<16xf32>
      %get3A_1061 = arith.index_cast %scan3A_906 : i32 to index
      %get3A_1062 = arith.constant 496 : index
      %get3A_1063 = tpu.vector_load %arg4[%get3A_1061, %get3A_1062] {strides = array<i32>} : memref<32x512xf32, #tpu.memory_space<vmem>>, vector<1x16xf32>,
      %get3A_1064 = vector.shape_cast %get3A_1063 : vector<1x16xf32> to vector<16xf32>
      %min3A_1065 = arith.minimumf %min3A_1060, %get3A_1064 : vector<16xf32>
      scf.yield %min3A_1065 : vector<16xf32>
    }
    %scan3A_367 = arith.constant 32 : i32
    %dma_wait3A_368 = arith.constant 0 : i32
    %dma_wait3A_369 = arith.constant 0 : i32
    %dma_wait3A_370 = arith.constant 0 : i32
    %dma_wait3A_371 = tpu.memref_slice %arg2[%dma_wait3A_368, %dma_wait3A_369, %dma_wait3A_370] : memref<784x64x512xf32, #tpu.memory_space<hbm>> -> memref<1x32x512xf32, #tpu.memory_space<hbm>>
    %dma_wait3A_372 = tpu.memref_squeeze %dma_wait3A_371 : memref<1x32x512xf32, #tpu.memory_space<hbm>> -> memref<32x512xf32, #tpu.memory_space<hbm>>
    %dma_wait3A_373 = arith.constant 0 : i32
    %dma_wait3A_374 = arith.constant 0 : i32
    %dma_wait3A_375 = tpu.memref_slice %arg2[%dma_wait3A_368, %dma_wait3A_373, %dma_wait3A_374] : memref<784x64x512xf32, #tpu.memory_space<hbm>> -> memref<1x32x512xf32, #tpu.memory_space<hbm>>
    %dma_wait3A_376 = tpu.memref_squeeze %dma_wait3A_375 : memref<1x32x512xf32, #tpu.memory_space<hbm>> -> memref<32x512xf32, #tpu.memory_space<hbm>>
    tpu.wait_dma2 semaphore(%arg8 : memref<!tpu.dma_semaphore, #tpu.memory_space<semaphore_mem>>) src(%dma_wait3A_376 : memref<32x512xf32, #tpu.memory_space<hbm>>) dst(%arg5 : memref<32x512xf32, #tpu.memory_space<vmem>>)
    %add3A_377 = arith.constant 6 : i32
    %add3A_378 = arith.addi %add3A_4, %add3A_377 : i32
    %jit3A_379 = arith.constant 2 : i32
    %div3A_380 = arith.divsi %add3A_378, %jit3A_379 : i32
    %sign3A_381 = arith.constant 0 : i32
    %sign3A_382 = arith.cmpi sgt, %add3A_378, %sign3A_381 : i32
    %sign3A_383 = arith.extui %sign3A_382 : i1 to i32
    %sign3A_384 = arith.constant 0 : i32
    %sign3A_385 = arith.cmpi slt, %add3A_378, %sign3A_384 : i32
    %sign3A_386 = arith.extui %sign3A_385 : i1 to i32
    %sign3A_387 = arith.subi %sign3A_383, %sign3A_386 : i32
    %sign3A_388 = arith.constant 0 : i32
    %sign3A_389 = arith.cmpi sgt, %jit3A_379, %sign3A_388 : i32
    %sign3A_390 = arith.extui %sign3A_389 : i1 to i32
    %sign3A_391 = arith.constant 0 : i32
    %sign3A_392 = arith.cmpi slt, %jit3A_379, %sign3A_391 : i32
    %sign3A_393 = arith.extui %sign3A_392 : i1 to i32
    %sign3A_394 = arith.subi %sign3A_390, %sign3A_393 : i32
    %ne3A_395 = arith.cmpi ne, %sign3A_387, %sign3A_394 : i32
    %rem3A_396 = arith.remsi %add3A_378, %jit3A_379 : i32
    %ne3A_397 = arith.constant 0 : i32
    %ne3A_398 = arith.cmpi ne, %rem3A_396, %ne3A_397 : i32
    %and3A_399 = arith.andi %ne3A_395, %ne3A_398 : i1
    %sub3A_400 = arith.constant 1 : i32
    %sub3A_401 = arith.subi %div3A_380, %sub3A_400 : i32
    %select_n3A_402 = arith.select %and3A_399, %sub3A_401, %div3A_380 : i32
    %jit3A_403 = arith.constant 2 : i32
    %eq3A_404 = arith.constant 0 : i32
    %eq3A_405 = arith.cmpi eq, %jit3A_403, %eq3A_404 : i32
    %jit3A_406 = arith.constant 1 : i32
    %select_n3A_407 = arith.select %eq3A_405, %jit3A_406, %jit3A_403 : i32
    %rem3A_408 = arith.remsi %add3A_378, %select_n3A_407 : i32
    %ne3A_409 = arith.constant 0 : i32
    %ne3A_410 = arith.cmpi ne, %rem3A_408, %ne3A_409 : i32
    %lt3A_411 = arith.constant 0 : i32
    %lt3A_412 = arith.cmpi slt, %rem3A_408, %lt3A_411 : i32
    %lt3A_413 = arith.constant 0 : i32
    %lt3A_414 = arith.cmpi slt, %select_n3A_407, %lt3A_413 : i32
    %ne3A_415 = arith.xori %lt3A_412, %lt3A_414 : i1
    %and3A_416 = arith.andi %ne3A_415, %ne3A_410 : i1
    %add3A_417 = arith.addi %rem3A_408, %select_n3A_407 : i32
    %select_n3A_418 = arith.select %and3A_416, %add3A_417, %rem3A_408 : i32
    %mul3A_419 = arith.constant 32 : i32
    %mul3A_420 = arith.muli %select_n3A_418, %mul3A_419 : i32
    %dma_start3A_421 = arith.constant 0 : i32
    %dma_start3A_422 = tpu.memref_slice %arg2[%select_n3A_402, %mul3A_420, %dma_start3A_421] : memref<784x64x512xf32, #tpu.memory_space<hbm>> -> memref<1x32x512xf32, #tpu.memory_space<hbm>>
    %dma_start3A_423 = tpu.memref_squeeze %dma_start3A_422 : memref<1x32x512xf32, #tpu.memory_space<hbm>> -> memref<32x512xf32, #tpu.memory_space<hbm>>
    %dma_start3A_424 = arith.constant 0 : i32
    %dma_start3A_425 = tpu.memref_slice %arg2[%select_n3A_402, %mul3A_420, %dma_start3A_424] : memref<784x64x512xf32, #tpu.memory_space<hbm>> -> memref<1x32x512xf32, #tpu.memory_space<hbm>>
    %dma_start3A_426 = tpu.memref_squeeze %dma_start3A_425 : memref<1x32x512xf32, #tpu.memory_space<hbm>> -> memref<32x512xf32, #tpu.memory_space<hbm>>
    tpu.enqueue_dma source(%dma_start3A_426 : memref<32x512xf32, #tpu.memory_space<hbm>>) target(%arg4 : memref<32x512xf32, #tpu.memory_space<vmem>>) target_semaphore(%arg7 : memref<!tpu.dma_semaphore, #tpu.memory_space<semaphore_mem>>)
    %scan3A_427 = arith.constant 0 : i32
    %scan3A_428 = arith.constant 32 : i32
    %scan3A_429 = arith.addi %scan3A_427, %scan3A_428 : i32
    %scan3A_430 = arith.constant 1 : i32
    %scan3A_431 = scf.for %scan3A_906 = %scan3A_427 to %scan3A_429 step %scan3A_430 iter_args(%scan3A_907 = %scan3A_366) -> (vector<16xf32>)  : i32 {
      %get3A = arith.index_cast %scan3A_906 : i32 to index
      %get3A_908 = arith.constant 0 : index
      %get3A_909 = tpu.vector_load %arg5[%get3A, %get3A_908] {strides = array<i32>} : memref<32x512xf32, #tpu.memory_space<vmem>>, vector<1x16xf32>,
      %get3A_910 = vector.shape_cast %get3A_909 : vector<1x16xf32> to vector<16xf32>
      %min3A = arith.minimumf %scan3A_907, %get3A_910 : vector<16xf32>
      %get3A_911 = arith.index_cast %scan3A_906 : i32 to index
      %get3A_912 = arith.constant 16 : index
      %get3A_913 = tpu.vector_load %arg5[%get3A_911, %get3A_912] {strides = array<i32>} : memref<32x512xf32, #tpu.memory_space<vmem>>, vector<1x16xf32>,
      %get3A_914 = vector.shape_cast %get3A_913 : vector<1x16xf32> to vector<16xf32>
      %min3A_915 = arith.minimumf %min3A, %get3A_914 : vector<16xf32>
      %get3A_916 = arith.index_cast %scan3A_906 : i32 to index
      %get3A_917 = arith.constant 32 : index
      %get3A_918 = tpu.vector_load %arg5[%get3A_916, %get3A_917] {strides = array<i32>} : memref<32x512xf32, #tpu.memory_space<vmem>>, vector<1x16xf32>,
      %get3A_919 = vector.shape_cast %get3A_918 : vector<1x16xf32> to vector<16xf32>
      %min3A_920 = arith.minimumf %min3A_915, %get3A_919 : vector<16xf32>
      %get3A_921 = arith.index_cast %scan3A_906 : i32 to index
      %get3A_922 = arith.constant 48 : index
      %get3A_923 = tpu.vector_load %arg5[%get3A_921, %get3A_922] {strides = array<i32>} : memref<32x512xf32, #tpu.memory_space<vmem>>, vector<1x16xf32>,
      %get3A_924 = vector.shape_cast %get3A_923 : vector<1x16xf32> to vector<16xf32>
      %min3A_925 = arith.minimumf %min3A_920, %get3A_924 : vector<16xf32>
      %get3A_926 = arith.index_cast %scan3A_906 : i32 to index
      %get3A_927 = arith.constant 64 : index
      %get3A_928 = tpu.vector_load %arg5[%get3A_926, %get3A_927] {strides = array<i32>} : memref<32x512xf32, #tpu.memory_space<vmem>>, vector<1x16xf32>,
      %get3A_929 = vector.shape_cast %get3A_928 : vector<1x16xf32> to vector<16xf32>
      %min3A_930 = arith.minimumf %min3A_925, %get3A_929 : vector<16xf32>
      %get3A_931 = arith.index_cast %scan3A_906 : i32 to index
      %get3A_932 = arith.constant 80 : index
      %get3A_933 = tpu.vector_load %arg5[%get3A_931, %get3A_932] {strides = array<i32>} : memref<32x512xf32, #tpu.memory_space<vmem>>, vector<1x16xf32>,
      %get3A_934 = vector.shape_cast %get3A_933 : vector<1x16xf32> to vector<16xf32>
      %min3A_935 = arith.minimumf %min3A_930, %get3A_934 : vector<16xf32>
      %get3A_936 = arith.index_cast %scan3A_906 : i32 to index
      %get3A_937 = arith.constant 96 : index
      %get3A_938 = tpu.vector_load %arg5[%get3A_936, %get3A_937] {strides = array<i32>} : memref<32x512xf32, #tpu.memory_space<vmem>>, vector<1x16xf32>,
      %get3A_939 = vector.shape_cast %get3A_938 : vector<1x16xf32> to vector<16xf32>
      %min3A_940 = arith.minimumf %min3A_935, %get3A_939 : vector<16xf32>
      %get3A_941 = arith.index_cast %scan3A_906 : i32 to index
      %get3A_942 = arith.constant 112 : index
      %get3A_943 = tpu.vector_load %arg5[%get3A_941, %get3A_942] {strides = array<i32>} : memref<32x512xf32, #tpu.memory_space<vmem>>, vector<1x16xf32>,
      %get3A_944 = vector.shape_cast %get3A_943 : vector<1x16xf32> to vector<16xf32>
      %min3A_945 = arith.minimumf %min3A_940, %get3A_944 : vector<16xf32>
      %get3A_946 = arith.index_cast %scan3A_906 : i32 to index
      %get3A_947 = arith.constant 128 : index
      %get3A_948 = tpu.vector_load %arg5[%get3A_946, %get3A_947] {strides = array<i32>} : memref<32x512xf32, #tpu.memory_space<vmem>>, vector<1x16xf32>,
      %get3A_949 = vector.shape_cast %get3A_948 : vector<1x16xf32> to vector<16xf32>
      %min3A_950 = arith.minimumf %min3A_945, %get3A_949 : vector<16xf32>
      %get3A_951 = arith.index_cast %scan3A_906 : i32 to index
      %get3A_952 = arith.constant 144 : index
      %get3A_953 = tpu.vector_load %arg5[%get3A_951, %get3A_952] {strides = array<i32>} : memref<32x512xf32, #tpu.memory_space<vmem>>, vector<1x16xf32>,
      %get3A_954 = vector.shape_cast %get3A_953 : vector<1x16xf32> to vector<16xf32>
      %min3A_955 = arith.minimumf %min3A_950, %get3A_954 : vector<16xf32>
      %get3A_956 = arith.index_cast %scan3A_906 : i32 to index
      %get3A_957 = arith.constant 160 : index
      %get3A_958 = tpu.vector_load %arg5[%get3A_956, %get3A_957] {strides = array<i32>} : memref<32x512xf32, #tpu.memory_space<vmem>>, vector<1x16xf32>,
      %get3A_959 = vector.shape_cast %get3A_958 : vector<1x16xf32> to vector<16xf32>
      %min3A_960 = arith.minimumf %min3A_955, %get3A_959 : vector<16xf32>
      %get3A_961 = arith.index_cast %scan3A_906 : i32 to index
      %get3A_962 = arith.constant 176 : index
      %get3A_963 = tpu.vector_load %arg5[%get3A_961, %get3A_962] {strides = array<i32>} : memref<32x512xf32, #tpu.memory_space<vmem>>, vector<1x16xf32>,
      %get3A_964 = vector.shape_cast %get3A_963 : vector<1x16xf32> to vector<16xf32>
      %min3A_965 = arith.minimumf %min3A_960, %get3A_964 : vector<16xf32>
      %get3A_966 = arith.index_cast %scan3A_906 : i32 to index
      %get3A_967 = arith.constant 192 : index
      %get3A_968 = tpu.vector_load %arg5[%get3A_966, %get3A_967] {strides = array<i32>} : memref<32x512xf32, #tpu.memory_space<vmem>>, vector<1x16xf32>,
      %get3A_969 = vector.shape_cast %get3A_968 : vector<1x16xf32> to vector<16xf32>
      %min3A_970 = arith.minimumf %min3A_965, %get3A_969 : vector<16xf32>
      %get3A_971 = arith.index_cast %scan3A_906 : i32 to index
      %get3A_972 = arith.constant 208 : index
      %get3A_973 = tpu.vector_load %arg5[%get3A_971, %get3A_972] {strides = array<i32>} : memref<32x512xf32, #tpu.memory_space<vmem>>, vector<1x16xf32>,
      %get3A_974 = vector.shape_cast %get3A_973 : vector<1x16xf32> to vector<16xf32>
      %min3A_975 = arith.minimumf %min3A_970, %get3A_974 : vector<16xf32>
      %get3A_976 = arith.index_cast %scan3A_906 : i32 to index
      %get3A_977 = arith.constant 224 : index
      %get3A_978 = tpu.vector_load %arg5[%get3A_976, %get3A_977] {strides = array<i32>} : memref<32x512xf32, #tpu.memory_space<vmem>>, vector<1x16xf32>,
      %get3A_979 = vector.shape_cast %get3A_978 : vector<1x16xf32> to vector<16xf32>
      %min3A_980 = arith.minimumf %min3A_975, %get3A_979 : vector<16xf32>
      %get3A_981 = arith.index_cast %scan3A_906 : i32 to index
      %get3A_982 = arith.constant 240 : index
      %get3A_983 = tpu.vector_load %arg5[%get3A_981, %get3A_982] {strides = array<i32>} : memref<32x512xf32, #tpu.memory_space<vmem>>, vector<1x16xf32>,
      %get3A_984 = vector.shape_cast %get3A_983 : vector<1x16xf32> to vector<16xf32>
      %min3A_985 = arith.minimumf %min3A_980, %get3A_984 : vector<16xf32>
      %get3A_986 = arith.index_cast %scan3A_906 : i32 to index
      %get3A_987 = arith.constant 256 : index
      %get3A_988 = tpu.vector_load %arg5[%get3A_986, %get3A_987] {strides = array<i32>} : memref<32x512xf32, #tpu.memory_space<vmem>>, vector<1x16xf32>,
      %get3A_989 = vector.shape_cast %get3A_988 : vector<1x16xf32> to vector<16xf32>
      %min3A_990 = arith.minimumf %min3A_985, %get3A_989 : vector<16xf32>
      %get3A_991 = arith.index_cast %scan3A_906 : i32 to index
      %get3A_992 = arith.constant 272 : index
      %get3A_993 = tpu.vector_load %arg5[%get3A_991, %get3A_992] {strides = array<i32>} : memref<32x512xf32, #tpu.memory_space<vmem>>, vector<1x16xf32>,
      %get3A_994 = vector.shape_cast %get3A_993 : vector<1x16xf32> to vector<16xf32>
      %min3A_995 = arith.minimumf %min3A_990, %get3A_994 : vector<16xf32>
      %get3A_996 = arith.index_cast %scan3A_906 : i32 to index
      %get3A_997 = arith.constant 288 : index
      %get3A_998 = tpu.vector_load %arg5[%get3A_996, %get3A_997] {strides = array<i32>} : memref<32x512xf32, #tpu.memory_space<vmem>>, vector<1x16xf32>,
      %get3A_999 = vector.shape_cast %get3A_998 : vector<1x16xf32> to vector<16xf32>
      %min3A_1000 = arith.minimumf %min3A_995, %get3A_999 : vector<16xf32>
      %get3A_1001 = arith.index_cast %scan3A_906 : i32 to index
      %get3A_1002 = arith.constant 304 : index
      %get3A_1003 = tpu.vector_load %arg5[%get3A_1001, %get3A_1002] {strides = array<i32>} : memref<32x512xf32, #tpu.memory_space<vmem>>, vector<1x16xf32>,
      %get3A_1004 = vector.shape_cast %get3A_1003 : vector<1x16xf32> to vector<16xf32>
      %min3A_1005 = arith.minimumf %min3A_1000, %get3A_1004 : vector<16xf32>
      %get3A_1006 = arith.index_cast %scan3A_906 : i32 to index
      %get3A_1007 = arith.constant 320 : index
      %get3A_1008 = tpu.vector_load %arg5[%get3A_1006, %get3A_1007] {strides = array<i32>} : memref<32x512xf32, #tpu.memory_space<vmem>>, vector<1x16xf32>,
      %get3A_1009 = vector.shape_cast %get3A_1008 : vector<1x16xf32> to vector<16xf32>
      %min3A_1010 = arith.minimumf %min3A_1005, %get3A_1009 : vector<16xf32>
      %get3A_1011 = arith.index_cast %scan3A_906 : i32 to index
      %get3A_1012 = arith.constant 336 : index
      %get3A_1013 = tpu.vector_load %arg5[%get3A_1011, %get3A_1012] {strides = array<i32>} : memref<32x512xf32, #tpu.memory_space<vmem>>, vector<1x16xf32>,
      %get3A_1014 = vector.shape_cast %get3A_1013 : vector<1x16xf32> to vector<16xf32>
      %min3A_1015 = arith.minimumf %min3A_1010, %get3A_1014 : vector<16xf32>
      %get3A_1016 = arith.index_cast %scan3A_906 : i32 to index
      %get3A_1017 = arith.constant 352 : index
      %get3A_1018 = tpu.vector_load %arg5[%get3A_1016, %get3A_1017] {strides = array<i32>} : memref<32x512xf32, #tpu.memory_space<vmem>>, vector<1x16xf32>,
      %get3A_1019 = vector.shape_cast %get3A_1018 : vector<1x16xf32> to vector<16xf32>
      %min3A_1020 = arith.minimumf %min3A_1015, %get3A_1019 : vector<16xf32>
      %get3A_1021 = arith.index_cast %scan3A_906 : i32 to index
      %get3A_1022 = arith.constant 368 : index
      %get3A_1023 = tpu.vector_load %arg5[%get3A_1021, %get3A_1022] {strides = array<i32>} : memref<32x512xf32, #tpu.memory_space<vmem>>, vector<1x16xf32>,
      %get3A_1024 = vector.shape_cast %get3A_1023 : vector<1x16xf32> to vector<16xf32>
      %min3A_1025 = arith.minimumf %min3A_1020, %get3A_1024 : vector<16xf32>
      %get3A_1026 = arith.index_cast %scan3A_906 : i32 to index
      %get3A_1027 = arith.constant 384 : index
      %get3A_1028 = tpu.vector_load %arg5[%get3A_1026, %get3A_1027] {strides = array<i32>} : memref<32x512xf32, #tpu.memory_space<vmem>>, vector<1x16xf32>,
      %get3A_1029 = vector.shape_cast %get3A_1028 : vector<1x16xf32> to vector<16xf32>
      %min3A_1030 = arith.minimumf %min3A_1025, %get3A_1029 : vector<16xf32>
      %get3A_1031 = arith.index_cast %scan3A_906 : i32 to index
      %get3A_1032 = arith.constant 400 : index
      %get3A_1033 = tpu.vector_load %arg5[%get3A_1031, %get3A_1032] {strides = array<i32>} : memref<32x512xf32, #tpu.memory_space<vmem>>, vector<1x16xf32>,
      %get3A_1034 = vector.shape_cast %get3A_1033 : vector<1x16xf32> to vector<16xf32>
      %min3A_1035 = arith.minimumf %min3A_1030, %get3A_1034 : vector<16xf32>
      %get3A_1036 = arith.index_cast %scan3A_906 : i32 to index
      %get3A_1037 = arith.constant 416 : index
      %get3A_1038 = tpu.vector_load %arg5[%get3A_1036, %get3A_1037] {strides = array<i32>} : memref<32x512xf32, #tpu.memory_space<vmem>>, vector<1x16xf32>,
      %get3A_1039 = vector.shape_cast %get3A_1038 : vector<1x16xf32> to vector<16xf32>
      %min3A_1040 = arith.minimumf %min3A_1035, %get3A_1039 : vector<16xf32>
      %get3A_1041 = arith.index_cast %scan3A_906 : i32 to index
      %get3A_1042 = arith.constant 432 : index
      %get3A_1043 = tpu.vector_load %arg5[%get3A_1041, %get3A_1042] {strides = array<i32>} : memref<32x512xf32, #tpu.memory_space<vmem>>, vector<1x16xf32>,
      %get3A_1044 = vector.shape_cast %get3A_1043 : vector<1x16xf32> to vector<16xf32>
      %min3A_1045 = arith.minimumf %min3A_1040, %get3A_1044 : vector<16xf32>
      %get3A_1046 = arith.index_cast %scan3A_906 : i32 to index
      %get3A_1047 = arith.constant 448 : index
      %get3A_1048 = tpu.vector_load %arg5[%get3A_1046, %get3A_1047] {strides = array<i32>} : memref<32x512xf32, #tpu.memory_space<vmem>>, vector<1x16xf32>,
      %get3A_1049 = vector.shape_cast %get3A_1048 : vector<1x16xf32> to vector<16xf32>
      %min3A_1050 = arith.minimumf %min3A_1045, %get3A_1049 : vector<16xf32>
      %get3A_1051 = arith.index_cast %scan3A_906 : i32 to index
      %get3A_1052 = arith.constant 464 : index
      %get3A_1053 = tpu.vector_load %arg5[%get3A_1051, %get3A_1052] {strides = array<i32>} : memref<32x512xf32, #tpu.memory_space<vmem>>, vector<1x16xf32>,
      %get3A_1054 = vector.shape_cast %get3A_1053 : vector<1x16xf32> to vector<16xf32>
      %min3A_1055 = arith.minimumf %min3A_1050, %get3A_1054 : vector<16xf32>
      %get3A_1056 = arith.index_cast %scan3A_906 : i32 to index
      %get3A_1057 = arith.constant 480 : index
      %get3A_1058 = tpu.vector_load %arg5[%get3A_1056, %get3A_1057] {strides = array<i32>} : memref<32x512xf32, #tpu.memory_space<vmem>>, vector<1x16xf32>,
      %get3A_1059 = vector.shape_cast %get3A_1058 : vector<1x16xf32> to vector<16xf32>
      %min3A_1060 = arith.minimumf %min3A_1055, %get3A_1059 : vector<16xf32>
      %get3A_1061 = arith.index_cast %scan3A_906 : i32 to index
      %get3A_1062 = arith.constant 496 : index
      %get3A_1063 = tpu.vector_load %arg5[%get3A_1061, %get3A_1062] {strides = array<i32>} : memref<32x512xf32, #tpu.memory_space<vmem>>, vector<1x16xf32>,
      %get3A_1064 = vector.shape_cast %get3A_1063 : vector<1x16xf32> to vector<16xf32>
      %min3A_1065 = arith.minimumf %min3A_1060, %get3A_1064 : vector<16xf32>
      scf.yield %min3A_1065 : vector<16xf32>
    }
    %scan3A_432 = arith.constant 32 : i32
    %dma_wait3A_433 = arith.constant 0 : i32
    %dma_wait3A_434 = arith.constant 0 : i32
    %dma_wait3A_435 = arith.constant 0 : i32
    %dma_wait3A_436 = tpu.memref_slice %arg2[%dma_wait3A_433, %dma_wait3A_434, %dma_wait3A_435] : memref<784x64x512xf32, #tpu.memory_space<hbm>> -> memref<1x32x512xf32, #tpu.memory_space<hbm>>
    %dma_wait3A_437 = tpu.memref_squeeze %dma_wait3A_436 : memref<1x32x512xf32, #tpu.memory_space<hbm>> -> memref<32x512xf32, #tpu.memory_space<hbm>>
    %dma_wait3A_438 = arith.constant 0 : i32
    %dma_wait3A_439 = arith.constant 0 : i32
    %dma_wait3A_440 = tpu.memref_slice %arg2[%dma_wait3A_433, %dma_wait3A_438, %dma_wait3A_439] : memref<784x64x512xf32, #tpu.memory_space<hbm>> -> memref<1x32x512xf32, #tpu.memory_space<hbm>>
    %dma_wait3A_441 = tpu.memref_squeeze %dma_wait3A_440 : memref<1x32x512xf32, #tpu.memory_space<hbm>> -> memref<32x512xf32, #tpu.memory_space<hbm>>
    tpu.wait_dma2 semaphore(%arg7 : memref<!tpu.dma_semaphore, #tpu.memory_space<semaphore_mem>>) src(%dma_wait3A_441 : memref<32x512xf32, #tpu.memory_space<hbm>>) dst(%arg4 : memref<32x512xf32, #tpu.memory_space<vmem>>)
    %add3A_442 = arith.constant 7 : i32
    %add3A_443 = arith.addi %add3A_4, %add3A_442 : i32
    %jit3A_444 = arith.constant 2 : i32
    %div3A_445 = arith.divsi %add3A_443, %jit3A_444 : i32
    %sign3A_446 = arith.constant 0 : i32
    %sign3A_447 = arith.cmpi sgt, %add3A_443, %sign3A_446 : i32
    %sign3A_448 = arith.extui %sign3A_447 : i1 to i32
    %sign3A_449 = arith.constant 0 : i32
    %sign3A_450 = arith.cmpi slt, %add3A_443, %sign3A_449 : i32
    %sign3A_451 = arith.extui %sign3A_450 : i1 to i32
    %sign3A_452 = arith.subi %sign3A_448, %sign3A_451 : i32
    %sign3A_453 = arith.constant 0 : i32
    %sign3A_454 = arith.cmpi sgt, %jit3A_444, %sign3A_453 : i32
    %sign3A_455 = arith.extui %sign3A_454 : i1 to i32
    %sign3A_456 = arith.constant 0 : i32
    %sign3A_457 = arith.cmpi slt, %jit3A_444, %sign3A_456 : i32
    %sign3A_458 = arith.extui %sign3A_457 : i1 to i32
    %sign3A_459 = arith.subi %sign3A_455, %sign3A_458 : i32
    %ne3A_460 = arith.cmpi ne, %sign3A_452, %sign3A_459 : i32
    %rem3A_461 = arith.remsi %add3A_443, %jit3A_444 : i32
    %ne3A_462 = arith.constant 0 : i32
    %ne3A_463 = arith.cmpi ne, %rem3A_461, %ne3A_462 : i32
    %and3A_464 = arith.andi %ne3A_460, %ne3A_463 : i1
    %sub3A_465 = arith.constant 1 : i32
    %sub3A_466 = arith.subi %div3A_445, %sub3A_465 : i32
    %select_n3A_467 = arith.select %and3A_464, %sub3A_466, %div3A_445 : i32
    %jit3A_468 = arith.constant 2 : i32
    %eq3A_469 = arith.constant 0 : i32
    %eq3A_470 = arith.cmpi eq, %jit3A_468, %eq3A_469 : i32
    %jit3A_471 = arith.constant 1 : i32
    %select_n3A_472 = arith.select %eq3A_470, %jit3A_471, %jit3A_468 : i32
    %rem3A_473 = arith.remsi %add3A_443, %select_n3A_472 : i32
    %ne3A_474 = arith.constant 0 : i32
    %ne3A_475 = arith.cmpi ne, %rem3A_473, %ne3A_474 : i32
    %lt3A_476 = arith.constant 0 : i32
    %lt3A_477 = arith.cmpi slt, %rem3A_473, %lt3A_476 : i32
    %lt3A_478 = arith.constant 0 : i32
    %lt3A_479 = arith.cmpi slt, %select_n3A_472, %lt3A_478 : i32
    %ne3A_480 = arith.xori %lt3A_477, %lt3A_479 : i1
    %and3A_481 = arith.andi %ne3A_480, %ne3A_475 : i1
    %add3A_482 = arith.addi %rem3A_473, %select_n3A_472 : i32
    %select_n3A_483 = arith.select %and3A_481, %add3A_482, %rem3A_473 : i32
    %mul3A_484 = arith.constant 32 : i32
    %mul3A_485 = arith.muli %select_n3A_483, %mul3A_484 : i32
    %dma_start3A_486 = arith.constant 0 : i32
    %dma_start3A_487 = tpu.memref_slice %arg2[%select_n3A_467, %mul3A_485, %dma_start3A_486] : memref<784x64x512xf32, #tpu.memory_space<hbm>> -> memref<1x32x512xf32, #tpu.memory_space<hbm>>
    %dma_start3A_488 = tpu.memref_squeeze %dma_start3A_487 : memref<1x32x512xf32, #tpu.memory_space<hbm>> -> memref<32x512xf32, #tpu.memory_space<hbm>>
    %dma_start3A_489 = arith.constant 0 : i32
    %dma_start3A_490 = tpu.memref_slice %arg2[%select_n3A_467, %mul3A_485, %dma_start3A_489] : memref<784x64x512xf32, #tpu.memory_space<hbm>> -> memref<1x32x512xf32, #tpu.memory_space<hbm>>
    %dma_start3A_491 = tpu.memref_squeeze %dma_start3A_490 : memref<1x32x512xf32, #tpu.memory_space<hbm>> -> memref<32x512xf32, #tpu.memory_space<hbm>>
    tpu.enqueue_dma source(%dma_start3A_491 : memref<32x512xf32, #tpu.memory_space<hbm>>) target(%arg5 : memref<32x512xf32, #tpu.memory_space<vmem>>) target_semaphore(%arg8 : memref<!tpu.dma_semaphore, #tpu.memory_space<semaphore_mem>>)
    %scan3A_492 = arith.constant 0 : i32
    %scan3A_493 = arith.constant 32 : i32
    %scan3A_494 = arith.addi %scan3A_492, %scan3A_493 : i32
    %scan3A_495 = arith.constant 1 : i32
    %scan3A_496 = scf.for %scan3A_906 = %scan3A_492 to %scan3A_494 step %scan3A_495 iter_args(%scan3A_907 = %scan3A_431) -> (vector<16xf32>)  : i32 {
      %get3A = arith.index_cast %scan3A_906 : i32 to index
      %get3A_908 = arith.constant 0 : index
      %get3A_909 = tpu.vector_load %arg4[%get3A, %get3A_908] {strides = array<i32>} : memref<32x512xf32, #tpu.memory_space<vmem>>, vector<1x16xf32>,
      %get3A_910 = vector.shape_cast %get3A_909 : vector<1x16xf32> to vector<16xf32>
      %min3A = arith.minimumf %scan3A_907, %get3A_910 : vector<16xf32>
      %get3A_911 = arith.index_cast %scan3A_906 : i32 to index
      %get3A_912 = arith.constant 16 : index
      %get3A_913 = tpu.vector_load %arg4[%get3A_911, %get3A_912] {strides = array<i32>} : memref<32x512xf32, #tpu.memory_space<vmem>>, vector<1x16xf32>,
      %get3A_914 = vector.shape_cast %get3A_913 : vector<1x16xf32> to vector<16xf32>
      %min3A_915 = arith.minimumf %min3A, %get3A_914 : vector<16xf32>
      %get3A_916 = arith.index_cast %scan3A_906 : i32 to index
      %get3A_917 = arith.constant 32 : index
      %get3A_918 = tpu.vector_load %arg4[%get3A_916, %get3A_917] {strides = array<i32>} : memref<32x512xf32, #tpu.memory_space<vmem>>, vector<1x16xf32>,
      %get3A_919 = vector.shape_cast %get3A_918 : vector<1x16xf32> to vector<16xf32>
      %min3A_920 = arith.minimumf %min3A_915, %get3A_919 : vector<16xf32>
      %get3A_921 = arith.index_cast %scan3A_906 : i32 to index
      %get3A_922 = arith.constant 48 : index
      %get3A_923 = tpu.vector_load %arg4[%get3A_921, %get3A_922] {strides = array<i32>} : memref<32x512xf32, #tpu.memory_space<vmem>>, vector<1x16xf32>,
      %get3A_924 = vector.shape_cast %get3A_923 : vector<1x16xf32> to vector<16xf32>
      %min3A_925 = arith.minimumf %min3A_920, %get3A_924 : vector<16xf32>
      %get3A_926 = arith.index_cast %scan3A_906 : i32 to index
      %get3A_927 = arith.constant 64 : index
      %get3A_928 = tpu.vector_load %arg4[%get3A_926, %get3A_927] {strides = array<i32>} : memref<32x512xf32, #tpu.memory_space<vmem>>, vector<1x16xf32>,
      %get3A_929 = vector.shape_cast %get3A_928 : vector<1x16xf32> to vector<16xf32>
      %min3A_930 = arith.minimumf %min3A_925, %get3A_929 : vector<16xf32>
      %get3A_931 = arith.index_cast %scan3A_906 : i32 to index
      %get3A_932 = arith.constant 80 : index
      %get3A_933 = tpu.vector_load %arg4[%get3A_931, %get3A_932] {strides = array<i32>} : memref<32x512xf32, #tpu.memory_space<vmem>>, vector<1x16xf32>,
      %get3A_934 = vector.shape_cast %get3A_933 : vector<1x16xf32> to vector<16xf32>
      %min3A_935 = arith.minimumf %min3A_930, %get3A_934 : vector<16xf32>
      %get3A_936 = arith.index_cast %scan3A_906 : i32 to index
      %get3A_937 = arith.constant 96 : index
      %get3A_938 = tpu.vector_load %arg4[%get3A_936, %get3A_937] {strides = array<i32>} : memref<32x512xf32, #tpu.memory_space<vmem>>, vector<1x16xf32>,
      %get3A_939 = vector.shape_cast %get3A_938 : vector<1x16xf32> to vector<16xf32>
      %min3A_940 = arith.minimumf %min3A_935, %get3A_939 : vector<16xf32>
      %get3A_941 = arith.index_cast %scan3A_906 : i32 to index
      %get3A_942 = arith.constant 112 : index
      %get3A_943 = tpu.vector_load %arg4[%get3A_941, %get3A_942] {strides = array<i32>} : memref<32x512xf32, #tpu.memory_space<vmem>>, vector<1x16xf32>,
      %get3A_944 = vector.shape_cast %get3A_943 : vector<1x16xf32> to vector<16xf32>
      %min3A_945 = arith.minimumf %min3A_940, %get3A_944 : vector<16xf32>
      %get3A_946 = arith.index_cast %scan3A_906 : i32 to index
      %get3A_947 = arith.constant 128 : index
      %get3A_948 = tpu.vector_load %arg4[%get3A_946, %get3A_947] {strides = array<i32>} : memref<32x512xf32, #tpu.memory_space<vmem>>, vector<1x16xf32>,
      %get3A_949 = vector.shape_cast %get3A_948 : vector<1x16xf32> to vector<16xf32>
      %min3A_950 = arith.minimumf %min3A_945, %get3A_949 : vector<16xf32>
      %get3A_951 = arith.index_cast %scan3A_906 : i32 to index
      %get3A_952 = arith.constant 144 : index
      %get3A_953 = tpu.vector_load %arg4[%get3A_951, %get3A_952] {strides = array<i32>} : memref<32x512xf32, #tpu.memory_space<vmem>>, vector<1x16xf32>,
      %get3A_954 = vector.shape_cast %get3A_953 : vector<1x16xf32> to vector<16xf32>
      %min3A_955 = arith.minimumf %min3A_950, %get3A_954 : vector<16xf32>
      %get3A_956 = arith.index_cast %scan3A_906 : i32 to index
      %get3A_957 = arith.constant 160 : index
      %get3A_958 = tpu.vector_load %arg4[%get3A_956, %get3A_957] {strides = array<i32>} : memref<32x512xf32, #tpu.memory_space<vmem>>, vector<1x16xf32>,
      %get3A_959 = vector.shape_cast %get3A_958 : vector<1x16xf32> to vector<16xf32>
      %min3A_960 = arith.minimumf %min3A_955, %get3A_959 : vector<16xf32>
      %get3A_961 = arith.index_cast %scan3A_906 : i32 to index
      %get3A_962 = arith.constant 176 : index
      %get3A_963 = tpu.vector_load %arg4[%get3A_961, %get3A_962] {strides = array<i32>} : memref<32x512xf32, #tpu.memory_space<vmem>>, vector<1x16xf32>,
      %get3A_964 = vector.shape_cast %get3A_963 : vector<1x16xf32> to vector<16xf32>
      %min3A_965 = arith.minimumf %min3A_960, %get3A_964 : vector<16xf32>
      %get3A_966 = arith.index_cast %scan3A_906 : i32 to index
      %get3A_967 = arith.constant 192 : index
      %get3A_968 = tpu.vector_load %arg4[%get3A_966, %get3A_967] {strides = array<i32>} : memref<32x512xf32, #tpu.memory_space<vmem>>, vector<1x16xf32>,
      %get3A_969 = vector.shape_cast %get3A_968 : vector<1x16xf32> to vector<16xf32>
      %min3A_970 = arith.minimumf %min3A_965, %get3A_969 : vector<16xf32>
      %get3A_971 = arith.index_cast %scan3A_906 : i32 to index
      %get3A_972 = arith.constant 208 : index
      %get3A_973 = tpu.vector_load %arg4[%get3A_971, %get3A_972] {strides = array<i32>} : memref<32x512xf32, #tpu.memory_space<vmem>>, vector<1x16xf32>,
      %get3A_974 = vector.shape_cast %get3A_973 : vector<1x16xf32> to vector<16xf32>
      %min3A_975 = arith.minimumf %min3A_970, %get3A_974 : vector<16xf32>
      %get3A_976 = arith.index_cast %scan3A_906 : i32 to index
      %get3A_977 = arith.constant 224 : index
      %get3A_978 = tpu.vector_load %arg4[%get3A_976, %get3A_977] {strides = array<i32>} : memref<32x512xf32, #tpu.memory_space<vmem>>, vector<1x16xf32>,
      %get3A_979 = vector.shape_cast %get3A_978 : vector<1x16xf32> to vector<16xf32>
      %min3A_980 = arith.minimumf %min3A_975, %get3A_979 : vector<16xf32>
      %get3A_981 = arith.index_cast %scan3A_906 : i32 to index
      %get3A_982 = arith.constant 240 : index
      %get3A_983 = tpu.vector_load %arg4[%get3A_981, %get3A_982] {strides = array<i32>} : memref<32x512xf32, #tpu.memory_space<vmem>>, vector<1x16xf32>,
      %get3A_984 = vector.shape_cast %get3A_983 : vector<1x16xf32> to vector<16xf32>
      %min3A_985 = arith.minimumf %min3A_980, %get3A_984 : vector<16xf32>
      %get3A_986 = arith.index_cast %scan3A_906 : i32 to index
      %get3A_987 = arith.constant 256 : index
      %get3A_988 = tpu.vector_load %arg4[%get3A_986, %get3A_987] {strides = array<i32>} : memref<32x512xf32, #tpu.memory_space<vmem>>, vector<1x16xf32>,
      %get3A_989 = vector.shape_cast %get3A_988 : vector<1x16xf32> to vector<16xf32>
      %min3A_990 = arith.minimumf %min3A_985, %get3A_989 : vector<16xf32>
      %get3A_991 = arith.index_cast %scan3A_906 : i32 to index
      %get3A_992 = arith.constant 272 : index
      %get3A_993 = tpu.vector_load %arg4[%get3A_991, %get3A_992] {strides = array<i32>} : memref<32x512xf32, #tpu.memory_space<vmem>>, vector<1x16xf32>,
      %get3A_994 = vector.shape_cast %get3A_993 : vector<1x16xf32> to vector<16xf32>
      %min3A_995 = arith.minimumf %min3A_990, %get3A_994 : vector<16xf32>
      %get3A_996 = arith.index_cast %scan3A_906 : i32 to index
      %get3A_997 = arith.constant 288 : index
      %get3A_998 = tpu.vector_load %arg4[%get3A_996, %get3A_997] {strides = array<i32>} : memref<32x512xf32, #tpu.memory_space<vmem>>, vector<1x16xf32>,
      %get3A_999 = vector.shape_cast %get3A_998 : vector<1x16xf32> to vector<16xf32>
      %min3A_1000 = arith.minimumf %min3A_995, %get3A_999 : vector<16xf32>
      %get3A_1001 = arith.index_cast %scan3A_906 : i32 to index
      %get3A_1002 = arith.constant 304 : index
      %get3A_1003 = tpu.vector_load %arg4[%get3A_1001, %get3A_1002] {strides = array<i32>} : memref<32x512xf32, #tpu.memory_space<vmem>>, vector<1x16xf32>,
      %get3A_1004 = vector.shape_cast %get3A_1003 : vector<1x16xf32> to vector<16xf32>
      %min3A_1005 = arith.minimumf %min3A_1000, %get3A_1004 : vector<16xf32>
      %get3A_1006 = arith.index_cast %scan3A_906 : i32 to index
      %get3A_1007 = arith.constant 320 : index
      %get3A_1008 = tpu.vector_load %arg4[%get3A_1006, %get3A_1007] {strides = array<i32>} : memref<32x512xf32, #tpu.memory_space<vmem>>, vector<1x16xf32>,
      %get3A_1009 = vector.shape_cast %get3A_1008 : vector<1x16xf32> to vector<16xf32>
      %min3A_1010 = arith.minimumf %min3A_1005, %get3A_1009 : vector<16xf32>
      %get3A_1011 = arith.index_cast %scan3A_906 : i32 to index
      %get3A_1012 = arith.constant 336 : index
      %get3A_1013 = tpu.vector_load %arg4[%get3A_1011, %get3A_1012] {strides = array<i32>} : memref<32x512xf32, #tpu.memory_space<vmem>>, vector<1x16xf32>,
      %get3A_1014 = vector.shape_cast %get3A_1013 : vector<1x16xf32> to vector<16xf32>
      %min3A_1015 = arith.minimumf %min3A_1010, %get3A_1014 : vector<16xf32>
      %get3A_1016 = arith.index_cast %scan3A_906 : i32 to index
      %get3A_1017 = arith.constant 352 : index
      %get3A_1018 = tpu.vector_load %arg4[%get3A_1016, %get3A_1017] {strides = array<i32>} : memref<32x512xf32, #tpu.memory_space<vmem>>, vector<1x16xf32>,
      %get3A_1019 = vector.shape_cast %get3A_1018 : vector<1x16xf32> to vector<16xf32>
      %min3A_1020 = arith.minimumf %min3A_1015, %get3A_1019 : vector<16xf32>
      %get3A_1021 = arith.index_cast %scan3A_906 : i32 to index
      %get3A_1022 = arith.constant 368 : index
      %get3A_1023 = tpu.vector_load %arg4[%get3A_1021, %get3A_1022] {strides = array<i32>} : memref<32x512xf32, #tpu.memory_space<vmem>>, vector<1x16xf32>,
      %get3A_1024 = vector.shape_cast %get3A_1023 : vector<1x16xf32> to vector<16xf32>
      %min3A_1025 = arith.minimumf %min3A_1020, %get3A_1024 : vector<16xf32>
      %get3A_1026 = arith.index_cast %scan3A_906 : i32 to index
      %get3A_1027 = arith.constant 384 : index
      %get3A_1028 = tpu.vector_load %arg4[%get3A_1026, %get3A_1027] {strides = array<i32>} : memref<32x512xf32, #tpu.memory_space<vmem>>, vector<1x16xf32>,
      %get3A_1029 = vector.shape_cast %get3A_1028 : vector<1x16xf32> to vector<16xf32>
      %min3A_1030 = arith.minimumf %min3A_1025, %get3A_1029 : vector<16xf32>
      %get3A_1031 = arith.index_cast %scan3A_906 : i32 to index
      %get3A_1032 = arith.constant 400 : index
      %get3A_1033 = tpu.vector_load %arg4[%get3A_1031, %get3A_1032] {strides = array<i32>} : memref<32x512xf32, #tpu.memory_space<vmem>>, vector<1x16xf32>,
      %get3A_1034 = vector.shape_cast %get3A_1033 : vector<1x16xf32> to vector<16xf32>
      %min3A_1035 = arith.minimumf %min3A_1030, %get3A_1034 : vector<16xf32>
      %get3A_1036 = arith.index_cast %scan3A_906 : i32 to index
      %get3A_1037 = arith.constant 416 : index
      %get3A_1038 = tpu.vector_load %arg4[%get3A_1036, %get3A_1037] {strides = array<i32>} : memref<32x512xf32, #tpu.memory_space<vmem>>, vector<1x16xf32>,
      %get3A_1039 = vector.shape_cast %get3A_1038 : vector<1x16xf32> to vector<16xf32>
      %min3A_1040 = arith.minimumf %min3A_1035, %get3A_1039 : vector<16xf32>
      %get3A_1041 = arith.index_cast %scan3A_906 : i32 to index
      %get3A_1042 = arith.constant 432 : index
      %get3A_1043 = tpu.vector_load %arg4[%get3A_1041, %get3A_1042] {strides = array<i32>} : memref<32x512xf32, #tpu.memory_space<vmem>>, vector<1x16xf32>,
      %get3A_1044 = vector.shape_cast %get3A_1043 : vector<1x16xf32> to vector<16xf32>
      %min3A_1045 = arith.minimumf %min3A_1040, %get3A_1044 : vector<16xf32>
      %get3A_1046 = arith.index_cast %scan3A_906 : i32 to index
      %get3A_1047 = arith.constant 448 : index
      %get3A_1048 = tpu.vector_load %arg4[%get3A_1046, %get3A_1047] {strides = array<i32>} : memref<32x512xf32, #tpu.memory_space<vmem>>, vector<1x16xf32>,
      %get3A_1049 = vector.shape_cast %get3A_1048 : vector<1x16xf32> to vector<16xf32>
      %min3A_1050 = arith.minimumf %min3A_1045, %get3A_1049 : vector<16xf32>
      %get3A_1051 = arith.index_cast %scan3A_906 : i32 to index
      %get3A_1052 = arith.constant 464 : index
      %get3A_1053 = tpu.vector_load %arg4[%get3A_1051, %get3A_1052] {strides = array<i32>} : memref<32x512xf32, #tpu.memory_space<vmem>>, vector<1x16xf32>,
      %get3A_1054 = vector.shape_cast %get3A_1053 : vector<1x16xf32> to vector<16xf32>
      %min3A_1055 = arith.minimumf %min3A_1050, %get3A_1054 : vector<16xf32>
      %get3A_1056 = arith.index_cast %scan3A_906 : i32 to index
      %get3A_1057 = arith.constant 480 : index
      %get3A_1058 = tpu.vector_load %arg4[%get3A_1056, %get3A_1057] {strides = array<i32>} : memref<32x512xf32, #tpu.memory_space<vmem>>, vector<1x16xf32>,
      %get3A_1059 = vector.shape_cast %get3A_1058 : vector<1x16xf32> to vector<16xf32>
      %min3A_1060 = arith.minimumf %min3A_1055, %get3A_1059 : vector<16xf32>
      %get3A_1061 = arith.index_cast %scan3A_906 : i32 to index
      %get3A_1062 = arith.constant 496 : index
      %get3A_1063 = tpu.vector_load %arg4[%get3A_1061, %get3A_1062] {strides = array<i32>} : memref<32x512xf32, #tpu.memory_space<vmem>>, vector<1x16xf32>,
      %get3A_1064 = vector.shape_cast %get3A_1063 : vector<1x16xf32> to vector<16xf32>
      %min3A_1065 = arith.minimumf %min3A_1060, %get3A_1064 : vector<16xf32>
      scf.yield %min3A_1065 : vector<16xf32>
    }
    %scan3A_497 = arith.constant 32 : i32
    %dma_wait3A_498 = arith.constant 0 : i32
    %dma_wait3A_499 = arith.constant 0 : i32
    %dma_wait3A_500 = arith.constant 0 : i32
    %dma_wait3A_501 = tpu.memref_slice %arg2[%dma_wait3A_498, %dma_wait3A_499, %dma_wait3A_500] : memref<784x64x512xf32, #tpu.memory_space<hbm>> -> memref<1x32x512xf32, #tpu.memory_space<hbm>>
    %dma_wait3A_502 = tpu.memref_squeeze %dma_wait3A_501 : memref<1x32x512xf32, #tpu.memory_space<hbm>> -> memref<32x512xf32, #tpu.memory_space<hbm>>
    %dma_wait3A_503 = arith.constant 0 : i32
    %dma_wait3A_504 = arith.constant 0 : i32
    %dma_wait3A_505 = tpu.memref_slice %arg2[%dma_wait3A_498, %dma_wait3A_503, %dma_wait3A_504] : memref<784x64x512xf32, #tpu.memory_space<hbm>> -> memref<1x32x512xf32, #tpu.memory_space<hbm>>
    %dma_wait3A_506 = tpu.memref_squeeze %dma_wait3A_505 : memref<1x32x512xf32, #tpu.memory_space<hbm>> -> memref<32x512xf32, #tpu.memory_space<hbm>>
    tpu.wait_dma2 semaphore(%arg8 : memref<!tpu.dma_semaphore, #tpu.memory_space<semaphore_mem>>) src(%dma_wait3A_506 : memref<32x512xf32, #tpu.memory_space<hbm>>) dst(%arg5 : memref<32x512xf32, #tpu.memory_space<vmem>>)
    %add3A_507 = arith.constant 8 : i32
    %add3A_508 = arith.addi %add3A_4, %add3A_507 : i32
    %jit3A_509 = arith.constant 2 : i32
    %div3A_510 = arith.divsi %add3A_508, %jit3A_509 : i32
    %sign3A_511 = arith.constant 0 : i32
    %sign3A_512 = arith.cmpi sgt, %add3A_508, %sign3A_511 : i32
    %sign3A_513 = arith.extui %sign3A_512 : i1 to i32
    %sign3A_514 = arith.constant 0 : i32
    %sign3A_515 = arith.cmpi slt, %add3A_508, %sign3A_514 : i32
    %sign3A_516 = arith.extui %sign3A_515 : i1 to i32
    %sign3A_517 = arith.subi %sign3A_513, %sign3A_516 : i32
    %sign3A_518 = arith.constant 0 : i32
    %sign3A_519 = arith.cmpi sgt, %jit3A_509, %sign3A_518 : i32
    %sign3A_520 = arith.extui %sign3A_519 : i1 to i32
    %sign3A_521 = arith.constant 0 : i32
    %sign3A_522 = arith.cmpi slt, %jit3A_509, %sign3A_521 : i32
    %sign3A_523 = arith.extui %sign3A_522 : i1 to i32
    %sign3A_524 = arith.subi %sign3A_520, %sign3A_523 : i32
    %ne3A_525 = arith.cmpi ne, %sign3A_517, %sign3A_524 : i32
    %rem3A_526 = arith.remsi %add3A_508, %jit3A_509 : i32
    %ne3A_527 = arith.constant 0 : i32
    %ne3A_528 = arith.cmpi ne, %rem3A_526, %ne3A_527 : i32
    %and3A_529 = arith.andi %ne3A_525, %ne3A_528 : i1
    %sub3A_530 = arith.constant 1 : i32
    %sub3A_531 = arith.subi %div3A_510, %sub3A_530 : i32
    %select_n3A_532 = arith.select %and3A_529, %sub3A_531, %div3A_510 : i32
    %jit3A_533 = arith.constant 2 : i32
    %eq3A_534 = arith.constant 0 : i32
    %eq3A_535 = arith.cmpi eq, %jit3A_533, %eq3A_534 : i32
    %jit3A_536 = arith.constant 1 : i32
    %select_n3A_537 = arith.select %eq3A_535, %jit3A_536, %jit3A_533 : i32
    %rem3A_538 = arith.remsi %add3A_508, %select_n3A_537 : i32
    %ne3A_539 = arith.constant 0 : i32
    %ne3A_540 = arith.cmpi ne, %rem3A_538, %ne3A_539 : i32
    %lt3A_541 = arith.constant 0 : i32
    %lt3A_542 = arith.cmpi slt, %rem3A_538, %lt3A_541 : i32
    %lt3A_543 = arith.constant 0 : i32
    %lt3A_544 = arith.cmpi slt, %select_n3A_537, %lt3A_543 : i32
    %ne3A_545 = arith.xori %lt3A_542, %lt3A_544 : i1
    %and3A_546 = arith.andi %ne3A_545, %ne3A_540 : i1
    %add3A_547 = arith.addi %rem3A_538, %select_n3A_537 : i32
    %select_n3A_548 = arith.select %and3A_546, %add3A_547, %rem3A_538 : i32
    %mul3A_549 = arith.constant 32 : i32
    %mul3A_550 = arith.muli %select_n3A_548, %mul3A_549 : i32
    %dma_start3A_551 = arith.constant 0 : i32
    %dma_start3A_552 = tpu.memref_slice %arg2[%select_n3A_532, %mul3A_550, %dma_start3A_551] : memref<784x64x512xf32, #tpu.memory_space<hbm>> -> memref<1x32x512xf32, #tpu.memory_space<hbm>>
    %dma_start3A_553 = tpu.memref_squeeze %dma_start3A_552 : memref<1x32x512xf32, #tpu.memory_space<hbm>> -> memref<32x512xf32, #tpu.memory_space<hbm>>
    %dma_start3A_554 = arith.constant 0 : i32
    %dma_start3A_555 = tpu.memref_slice %arg2[%select_n3A_532, %mul3A_550, %dma_start3A_554] : memref<784x64x512xf32, #tpu.memory_space<hbm>> -> memref<1x32x512xf32, #tpu.memory_space<hbm>>
    %dma_start3A_556 = tpu.memref_squeeze %dma_start3A_555 : memref<1x32x512xf32, #tpu.memory_space<hbm>> -> memref<32x512xf32, #tpu.memory_space<hbm>>
    tpu.enqueue_dma source(%dma_start3A_556 : memref<32x512xf32, #tpu.memory_space<hbm>>) target(%arg4 : memref<32x512xf32, #tpu.memory_space<vmem>>) target_semaphore(%arg7 : memref<!tpu.dma_semaphore, #tpu.memory_space<semaphore_mem>>)
    %scan3A_557 = arith.constant 0 : i32
    %scan3A_558 = arith.constant 32 : i32
    %scan3A_559 = arith.addi %scan3A_557, %scan3A_558 : i32
    %scan3A_560 = arith.constant 1 : i32
    %scan3A_561 = scf.for %scan3A_906 = %scan3A_557 to %scan3A_559 step %scan3A_560 iter_args(%scan3A_907 = %scan3A_496) -> (vector<16xf32>)  : i32 {
      %get3A = arith.index_cast %scan3A_906 : i32 to index
      %get3A_908 = arith.constant 0 : index
      %get3A_909 = tpu.vector_load %arg5[%get3A, %get3A_908] {strides = array<i32>} : memref<32x512xf32, #tpu.memory_space<vmem>>, vector<1x16xf32>,
      %get3A_910 = vector.shape_cast %get3A_909 : vector<1x16xf32> to vector<16xf32>
      %min3A = arith.minimumf %scan3A_907, %get3A_910 : vector<16xf32>
      %get3A_911 = arith.index_cast %scan3A_906 : i32 to index
      %get3A_912 = arith.constant 16 : index
      %get3A_913 = tpu.vector_load %arg5[%get3A_911, %get3A_912] {strides = array<i32>} : memref<32x512xf32, #tpu.memory_space<vmem>>, vector<1x16xf32>,
      %get3A_914 = vector.shape_cast %get3A_913 : vector<1x16xf32> to vector<16xf32>
      %min3A_915 = arith.minimumf %min3A, %get3A_914 : vector<16xf32>
      %get3A_916 = arith.index_cast %scan3A_906 : i32 to index
      %get3A_917 = arith.constant 32 : index
      %get3A_918 = tpu.vector_load %arg5[%get3A_916, %get3A_917] {strides = array<i32>} : memref<32x512xf32, #tpu.memory_space<vmem>>, vector<1x16xf32>,
      %get3A_919 = vector.shape_cast %get3A_918 : vector<1x16xf32> to vector<16xf32>
      %min3A_920 = arith.minimumf %min3A_915, %get3A_919 : vector<16xf32>
      %get3A_921 = arith.index_cast %scan3A_906 : i32 to index
      %get3A_922 = arith.constant 48 : index
      %get3A_923 = tpu.vector_load %arg5[%get3A_921, %get3A_922] {strides = array<i32>} : memref<32x512xf32, #tpu.memory_space<vmem>>, vector<1x16xf32>,
      %get3A_924 = vector.shape_cast %get3A_923 : vector<1x16xf32> to vector<16xf32>
      %min3A_925 = arith.minimumf %min3A_920, %get3A_924 : vector<16xf32>
      %get3A_926 = arith.index_cast %scan3A_906 : i32 to index
      %get3A_927 = arith.constant 64 : index
      %get3A_928 = tpu.vector_load %arg5[%get3A_926, %get3A_927] {strides = array<i32>} : memref<32x512xf32, #tpu.memory_space<vmem>>, vector<1x16xf32>,
      %get3A_929 = vector.shape_cast %get3A_928 : vector<1x16xf32> to vector<16xf32>
      %min3A_930 = arith.minimumf %min3A_925, %get3A_929 : vector<16xf32>
      %get3A_931 = arith.index_cast %scan3A_906 : i32 to index
      %get3A_932 = arith.constant 80 : index
      %get3A_933 = tpu.vector_load %arg5[%get3A_931, %get3A_932] {strides = array<i32>} : memref<32x512xf32, #tpu.memory_space<vmem>>, vector<1x16xf32>,
      %get3A_934 = vector.shape_cast %get3A_933 : vector<1x16xf32> to vector<16xf32>
      %min3A_935 = arith.minimumf %min3A_930, %get3A_934 : vector<16xf32>
      %get3A_936 = arith.index_cast %scan3A_906 : i32 to index
      %get3A_937 = arith.constant 96 : index
      %get3A_938 = tpu.vector_load %arg5[%get3A_936, %get3A_937] {strides = array<i32>} : memref<32x512xf32, #tpu.memory_space<vmem>>, vector<1x16xf32>,
      %get3A_939 = vector.shape_cast %get3A_938 : vector<1x16xf32> to vector<16xf32>
      %min3A_940 = arith.minimumf %min3A_935, %get3A_939 : vector<16xf32>
      %get3A_941 = arith.index_cast %scan3A_906 : i32 to index
      %get3A_942 = arith.constant 112 : index
      %get3A_943 = tpu.vector_load %arg5[%get3A_941, %get3A_942] {strides = array<i32>} : memref<32x512xf32, #tpu.memory_space<vmem>>, vector<1x16xf32>,
      %get3A_944 = vector.shape_cast %get3A_943 : vector<1x16xf32> to vector<16xf32>
      %min3A_945 = arith.minimumf %min3A_940, %get3A_944 : vector<16xf32>
      %get3A_946 = arith.index_cast %scan3A_906 : i32 to index
      %get3A_947 = arith.constant 128 : index
      %get3A_948 = tpu.vector_load %arg5[%get3A_946, %get3A_947] {strides = array<i32>} : memref<32x512xf32, #tpu.memory_space<vmem>>, vector<1x16xf32>,
      %get3A_949 = vector.shape_cast %get3A_948 : vector<1x16xf32> to vector<16xf32>
      %min3A_950 = arith.minimumf %min3A_945, %get3A_949 : vector<16xf32>
      %get3A_951 = arith.index_cast %scan3A_906 : i32 to index
      %get3A_952 = arith.constant 144 : index
      %get3A_953 = tpu.vector_load %arg5[%get3A_951, %get3A_952] {strides = array<i32>} : memref<32x512xf32, #tpu.memory_space<vmem>>, vector<1x16xf32>,
      %get3A_954 = vector.shape_cast %get3A_953 : vector<1x16xf32> to vector<16xf32>
      %min3A_955 = arith.minimumf %min3A_950, %get3A_954 : vector<16xf32>
      %get3A_956 = arith.index_cast %scan3A_906 : i32 to index
      %get3A_957 = arith.constant 160 : index
      %get3A_958 = tpu.vector_load %arg5[%get3A_956, %get3A_957] {strides = array<i32>} : memref<32x512xf32, #tpu.memory_space<vmem>>, vector<1x16xf32>,
      %get3A_959 = vector.shape_cast %get3A_958 : vector<1x16xf32> to vector<16xf32>
      %min3A_960 = arith.minimumf %min3A_955, %get3A_959 : vector<16xf32>
      %get3A_961 = arith.index_cast %scan3A_906 : i32 to index
      %get3A_962 = arith.constant 176 : index
      %get3A_963 = tpu.vector_load %arg5[%get3A_961, %get3A_962] {strides = array<i32>} : memref<32x512xf32, #tpu.memory_space<vmem>>, vector<1x16xf32>,
      %get3A_964 = vector.shape_cast %get3A_963 : vector<1x16xf32> to vector<16xf32>
      %min3A_965 = arith.minimumf %min3A_960, %get3A_964 : vector<16xf32>
      %get3A_966 = arith.index_cast %scan3A_906 : i32 to index
      %get3A_967 = arith.constant 192 : index
      %get3A_968 = tpu.vector_load %arg5[%get3A_966, %get3A_967] {strides = array<i32>} : memref<32x512xf32, #tpu.memory_space<vmem>>, vector<1x16xf32>,
      %get3A_969 = vector.shape_cast %get3A_968 : vector<1x16xf32> to vector<16xf32>
      %min3A_970 = arith.minimumf %min3A_965, %get3A_969 : vector<16xf32>
      %get3A_971 = arith.index_cast %scan3A_906 : i32 to index
      %get3A_972 = arith.constant 208 : index
      %get3A_973 = tpu.vector_load %arg5[%get3A_971, %get3A_972] {strides = array<i32>} : memref<32x512xf32, #tpu.memory_space<vmem>>, vector<1x16xf32>,
      %get3A_974 = vector.shape_cast %get3A_973 : vector<1x16xf32> to vector<16xf32>
      %min3A_975 = arith.minimumf %min3A_970, %get3A_974 : vector<16xf32>
      %get3A_976 = arith.index_cast %scan3A_906 : i32 to index
      %get3A_977 = arith.constant 224 : index
      %get3A_978 = tpu.vector_load %arg5[%get3A_976, %get3A_977] {strides = array<i32>} : memref<32x512xf32, #tpu.memory_space<vmem>>, vector<1x16xf32>,
      %get3A_979 = vector.shape_cast %get3A_978 : vector<1x16xf32> to vector<16xf32>
      %min3A_980 = arith.minimumf %min3A_975, %get3A_979 : vector<16xf32>
      %get3A_981 = arith.index_cast %scan3A_906 : i32 to index
      %get3A_982 = arith.constant 240 : index
      %get3A_983 = tpu.vector_load %arg5[%get3A_981, %get3A_982] {strides = array<i32>} : memref<32x512xf32, #tpu.memory_space<vmem>>, vector<1x16xf32>,
      %get3A_984 = vector.shape_cast %get3A_983 : vector<1x16xf32> to vector<16xf32>
      %min3A_985 = arith.minimumf %min3A_980, %get3A_984 : vector<16xf32>
      %get3A_986 = arith.index_cast %scan3A_906 : i32 to index
      %get3A_987 = arith.constant 256 : index
      %get3A_988 = tpu.vector_load %arg5[%get3A_986, %get3A_987] {strides = array<i32>} : memref<32x512xf32, #tpu.memory_space<vmem>>, vector<1x16xf32>,
      %get3A_989 = vector.shape_cast %get3A_988 : vector<1x16xf32> to vector<16xf32>
      %min3A_990 = arith.minimumf %min3A_985, %get3A_989 : vector<16xf32>
      %get3A_991 = arith.index_cast %scan3A_906 : i32 to index
      %get3A_992 = arith.constant 272 : index
      %get3A_993 = tpu.vector_load %arg5[%get3A_991, %get3A_992] {strides = array<i32>} : memref<32x512xf32, #tpu.memory_space<vmem>>, vector<1x16xf32>,
      %get3A_994 = vector.shape_cast %get3A_993 : vector<1x16xf32> to vector<16xf32>
      %min3A_995 = arith.minimumf %min3A_990, %get3A_994 : vector<16xf32>
      %get3A_996 = arith.index_cast %scan3A_906 : i32 to index
      %get3A_997 = arith.constant 288 : index
      %get3A_998 = tpu.vector_load %arg5[%get3A_996, %get3A_997] {strides = array<i32>} : memref<32x512xf32, #tpu.memory_space<vmem>>, vector<1x16xf32>,
      %get3A_999 = vector.shape_cast %get3A_998 : vector<1x16xf32> to vector<16xf32>
      %min3A_1000 = arith.minimumf %min3A_995, %get3A_999 : vector<16xf32>
      %get3A_1001 = arith.index_cast %scan3A_906 : i32 to index
      %get3A_1002 = arith.constant 304 : index
      %get3A_1003 = tpu.vector_load %arg5[%get3A_1001, %get3A_1002] {strides = array<i32>} : memref<32x512xf32, #tpu.memory_space<vmem>>, vector<1x16xf32>,
      %get3A_1004 = vector.shape_cast %get3A_1003 : vector<1x16xf32> to vector<16xf32>
      %min3A_1005 = arith.minimumf %min3A_1000, %get3A_1004 : vector<16xf32>
      %get3A_1006 = arith.index_cast %scan3A_906 : i32 to index
      %get3A_1007 = arith.constant 320 : index
      %get3A_1008 = tpu.vector_load %arg5[%get3A_1006, %get3A_1007] {strides = array<i32>} : memref<32x512xf32, #tpu.memory_space<vmem>>, vector<1x16xf32>,
      %get3A_1009 = vector.shape_cast %get3A_1008 : vector<1x16xf32> to vector<16xf32>
      %min3A_1010 = arith.minimumf %min3A_1005, %get3A_1009 : vector<16xf32>
      %get3A_1011 = arith.index_cast %scan3A_906 : i32 to index
      %get3A_1012 = arith.constant 336 : index
      %get3A_1013 = tpu.vector_load %arg5[%get3A_1011, %get3A_1012] {strides = array<i32>} : memref<32x512xf32, #tpu.memory_space<vmem>>, vector<1x16xf32>,
      %get3A_1014 = vector.shape_cast %get3A_1013 : vector<1x16xf32> to vector<16xf32>
      %min3A_1015 = arith.minimumf %min3A_1010, %get3A_1014 : vector<16xf32>
      %get3A_1016 = arith.index_cast %scan3A_906 : i32 to index
      %get3A_1017 = arith.constant 352 : index
      %get3A_1018 = tpu.vector_load %arg5[%get3A_1016, %get3A_1017] {strides = array<i32>} : memref<32x512xf32, #tpu.memory_space<vmem>>, vector<1x16xf32>,
      %get3A_1019 = vector.shape_cast %get3A_1018 : vector<1x16xf32> to vector<16xf32>
      %min3A_1020 = arith.minimumf %min3A_1015, %get3A_1019 : vector<16xf32>
      %get3A_1021 = arith.index_cast %scan3A_906 : i32 to index
      %get3A_1022 = arith.constant 368 : index
      %get3A_1023 = tpu.vector_load %arg5[%get3A_1021, %get3A_1022] {strides = array<i32>} : memref<32x512xf32, #tpu.memory_space<vmem>>, vector<1x16xf32>,
      %get3A_1024 = vector.shape_cast %get3A_1023 : vector<1x16xf32> to vector<16xf32>
      %min3A_1025 = arith.minimumf %min3A_1020, %get3A_1024 : vector<16xf32>
      %get3A_1026 = arith.index_cast %scan3A_906 : i32 to index
      %get3A_1027 = arith.constant 384 : index
      %get3A_1028 = tpu.vector_load %arg5[%get3A_1026, %get3A_1027] {strides = array<i32>} : memref<32x512xf32, #tpu.memory_space<vmem>>, vector<1x16xf32>,
      %get3A_1029 = vector.shape_cast %get3A_1028 : vector<1x16xf32> to vector<16xf32>
      %min3A_1030 = arith.minimumf %min3A_1025, %get3A_1029 : vector<16xf32>
      %get3A_1031 = arith.index_cast %scan3A_906 : i32 to index
      %get3A_1032 = arith.constant 400 : index
      %get3A_1033 = tpu.vector_load %arg5[%get3A_1031, %get3A_1032] {strides = array<i32>} : memref<32x512xf32, #tpu.memory_space<vmem>>, vector<1x16xf32>,
      %get3A_1034 = vector.shape_cast %get3A_1033 : vector<1x16xf32> to vector<16xf32>
      %min3A_1035 = arith.minimumf %min3A_1030, %get3A_1034 : vector<16xf32>
      %get3A_1036 = arith.index_cast %scan3A_906 : i32 to index
      %get3A_1037 = arith.constant 416 : index
      %get3A_1038 = tpu.vector_load %arg5[%get3A_1036, %get3A_1037] {strides = array<i32>} : memref<32x512xf32, #tpu.memory_space<vmem>>, vector<1x16xf32>,
      %get3A_1039 = vector.shape_cast %get3A_1038 : vector<1x16xf32> to vector<16xf32>
      %min3A_1040 = arith.minimumf %min3A_1035, %get3A_1039 : vector<16xf32>
      %get3A_1041 = arith.index_cast %scan3A_906 : i32 to index
      %get3A_1042 = arith.constant 432 : index
      %get3A_1043 = tpu.vector_load %arg5[%get3A_1041, %get3A_1042] {strides = array<i32>} : memref<32x512xf32, #tpu.memory_space<vmem>>, vector<1x16xf32>,
      %get3A_1044 = vector.shape_cast %get3A_1043 : vector<1x16xf32> to vector<16xf32>
      %min3A_1045 = arith.minimumf %min3A_1040, %get3A_1044 : vector<16xf32>
      %get3A_1046 = arith.index_cast %scan3A_906 : i32 to index
      %get3A_1047 = arith.constant 448 : index
      %get3A_1048 = tpu.vector_load %arg5[%get3A_1046, %get3A_1047] {strides = array<i32>} : memref<32x512xf32, #tpu.memory_space<vmem>>, vector<1x16xf32>,
      %get3A_1049 = vector.shape_cast %get3A_1048 : vector<1x16xf32> to vector<16xf32>
      %min3A_1050 = arith.minimumf %min3A_1045, %get3A_1049 : vector<16xf32>
      %get3A_1051 = arith.index_cast %scan3A_906 : i32 to index
      %get3A_1052 = arith.constant 464 : index
      %get3A_1053 = tpu.vector_load %arg5[%get3A_1051, %get3A_1052] {strides = array<i32>} : memref<32x512xf32, #tpu.memory_space<vmem>>, vector<1x16xf32>,
      %get3A_1054 = vector.shape_cast %get3A_1053 : vector<1x16xf32> to vector<16xf32>
      %min3A_1055 = arith.minimumf %min3A_1050, %get3A_1054 : vector<16xf32>
      %get3A_1056 = arith.index_cast %scan3A_906 : i32 to index
      %get3A_1057 = arith.constant 480 : index
      %get3A_1058 = tpu.vector_load %arg5[%get3A_1056, %get3A_1057] {strides = array<i32>} : memref<32x512xf32, #tpu.memory_space<vmem>>, vector<1x16xf32>,
      %get3A_1059 = vector.shape_cast %get3A_1058 : vector<1x16xf32> to vector<16xf32>
      %min3A_1060 = arith.minimumf %min3A_1055, %get3A_1059 : vector<16xf32>
      %get3A_1061 = arith.index_cast %scan3A_906 : i32 to index
      %get3A_1062 = arith.constant 496 : index
      %get3A_1063 = tpu.vector_load %arg5[%get3A_1061, %get3A_1062] {strides = array<i32>} : memref<32x512xf32, #tpu.memory_space<vmem>>, vector<1x16xf32>,
      %get3A_1064 = vector.shape_cast %get3A_1063 : vector<1x16xf32> to vector<16xf32>
      %min3A_1065 = arith.minimumf %min3A_1060, %get3A_1064 : vector<16xf32>
      scf.yield %min3A_1065 : vector<16xf32>
    }
    %scan3A_562 = arith.constant 32 : i32
    %dma_wait3A_563 = arith.constant 0 : i32
    %dma_wait3A_564 = arith.constant 0 : i32
    %dma_wait3A_565 = arith.constant 0 : i32
    %dma_wait3A_566 = tpu.memref_slice %arg2[%dma_wait3A_563, %dma_wait3A_564, %dma_wait3A_565] : memref<784x64x512xf32, #tpu.memory_space<hbm>> -> memref<1x32x512xf32, #tpu.memory_space<hbm>>
    %dma_wait3A_567 = tpu.memref_squeeze %dma_wait3A_566 : memref<1x32x512xf32, #tpu.memory_space<hbm>> -> memref<32x512xf32, #tpu.memory_space<hbm>>
    %dma_wait3A_568 = arith.constant 0 : i32
    %dma_wait3A_569 = arith.constant 0 : i32
    %dma_wait3A_570 = tpu.memref_slice %arg2[%dma_wait3A_563, %dma_wait3A_568, %dma_wait3A_569] : memref<784x64x512xf32, #tpu.memory_space<hbm>> -> memref<1x32x512xf32, #tpu.memory_space<hbm>>
    %dma_wait3A_571 = tpu.memref_squeeze %dma_wait3A_570 : memref<1x32x512xf32, #tpu.memory_space<hbm>> -> memref<32x512xf32, #tpu.memory_space<hbm>>
    tpu.wait_dma2 semaphore(%arg7 : memref<!tpu.dma_semaphore, #tpu.memory_space<semaphore_mem>>) src(%dma_wait3A_571 : memref<32x512xf32, #tpu.memory_space<hbm>>) dst(%arg4 : memref<32x512xf32, #tpu.memory_space<vmem>>)
    %add3A_572 = arith.constant 9 : i32
    %add3A_573 = arith.addi %add3A_4, %add3A_572 : i32
    %jit3A_574 = arith.constant 2 : i32
    %div3A_575 = arith.divsi %add3A_573, %jit3A_574 : i32
    %sign3A_576 = arith.constant 0 : i32
    %sign3A_577 = arith.cmpi sgt, %add3A_573, %sign3A_576 : i32
    %sign3A_578 = arith.extui %sign3A_577 : i1 to i32
    %sign3A_579 = arith.constant 0 : i32
    %sign3A_580 = arith.cmpi slt, %add3A_573, %sign3A_579 : i32
    %sign3A_581 = arith.extui %sign3A_580 : i1 to i32
    %sign3A_582 = arith.subi %sign3A_578, %sign3A_581 : i32
    %sign3A_583 = arith.constant 0 : i32
    %sign3A_584 = arith.cmpi sgt, %jit3A_574, %sign3A_583 : i32
    %sign3A_585 = arith.extui %sign3A_584 : i1 to i32
    %sign3A_586 = arith.constant 0 : i32
    %sign3A_587 = arith.cmpi slt, %jit3A_574, %sign3A_586 : i32
    %sign3A_588 = arith.extui %sign3A_587 : i1 to i32
    %sign3A_589 = arith.subi %sign3A_585, %sign3A_588 : i32
    %ne3A_590 = arith.cmpi ne, %sign3A_582, %sign3A_589 : i32
    %rem3A_591 = arith.remsi %add3A_573, %jit3A_574 : i32
    %ne3A_592 = arith.constant 0 : i32
    %ne3A_593 = arith.cmpi ne, %rem3A_591, %ne3A_592 : i32
    %and3A_594 = arith.andi %ne3A_590, %ne3A_593 : i1
    %sub3A_595 = arith.constant 1 : i32
    %sub3A_596 = arith.subi %div3A_575, %sub3A_595 : i32
    %select_n3A_597 = arith.select %and3A_594, %sub3A_596, %div3A_575 : i32
    %jit3A_598 = arith.constant 2 : i32
    %eq3A_599 = arith.constant 0 : i32
    %eq3A_600 = arith.cmpi eq, %jit3A_598, %eq3A_599 : i32
    %jit3A_601 = arith.constant 1 : i32
    %select_n3A_602 = arith.select %eq3A_600, %jit3A_601, %jit3A_598 : i32
    %rem3A_603 = arith.remsi %add3A_573, %select_n3A_602 : i32
    %ne3A_604 = arith.constant 0 : i32
    %ne3A_605 = arith.cmpi ne, %rem3A_603, %ne3A_604 : i32
    %lt3A_606 = arith.constant 0 : i32
    %lt3A_607 = arith.cmpi slt, %rem3A_603, %lt3A_606 : i32
    %lt3A_608 = arith.constant 0 : i32
    %lt3A_609 = arith.cmpi slt, %select_n3A_602, %lt3A_608 : i32
    %ne3A_610 = arith.xori %lt3A_607, %lt3A_609 : i1
    %and3A_611 = arith.andi %ne3A_610, %ne3A_605 : i1
    %add3A_612 = arith.addi %rem3A_603, %select_n3A_602 : i32
    %select_n3A_613 = arith.select %and3A_611, %add3A_612, %rem3A_603 : i32
    %mul3A_614 = arith.constant 32 : i32
    %mul3A_615 = arith.muli %select_n3A_613, %mul3A_614 : i32
    %dma_start3A_616 = arith.constant 0 : i32
    %dma_start3A_617 = tpu.memref_slice %arg2[%select_n3A_597, %mul3A_615, %dma_start3A_616] : memref<784x64x512xf32, #tpu.memory_space<hbm>> -> memref<1x32x512xf32, #tpu.memory_space<hbm>>
    %dma_start3A_618 = tpu.memref_squeeze %dma_start3A_617 : memref<1x32x512xf32, #tpu.memory_space<hbm>> -> memref<32x512xf32, #tpu.memory_space<hbm>>
    %dma_start3A_619 = arith.constant 0 : i32
    %dma_start3A_620 = tpu.memref_slice %arg2[%select_n3A_597, %mul3A_615, %dma_start3A_619] : memref<784x64x512xf32, #tpu.memory_space<hbm>> -> memref<1x32x512xf32, #tpu.memory_space<hbm>>
    %dma_start3A_621 = tpu.memref_squeeze %dma_start3A_620 : memref<1x32x512xf32, #tpu.memory_space<hbm>> -> memref<32x512xf32, #tpu.memory_space<hbm>>
    tpu.enqueue_dma source(%dma_start3A_621 : memref<32x512xf32, #tpu.memory_space<hbm>>) target(%arg5 : memref<32x512xf32, #tpu.memory_space<vmem>>) target_semaphore(%arg8 : memref<!tpu.dma_semaphore, #tpu.memory_space<semaphore_mem>>)
    %scan3A_622 = arith.constant 0 : i32
    %scan3A_623 = arith.constant 32 : i32
    %scan3A_624 = arith.addi %scan3A_622, %scan3A_623 : i32
    %scan3A_625 = arith.constant 1 : i32
    %scan3A_626 = scf.for %scan3A_906 = %scan3A_622 to %scan3A_624 step %scan3A_625 iter_args(%scan3A_907 = %scan3A_561) -> (vector<16xf32>)  : i32 {
      %get3A = arith.index_cast %scan3A_906 : i32 to index
      %get3A_908 = arith.constant 0 : index
      %get3A_909 = tpu.vector_load %arg4[%get3A, %get3A_908] {strides = array<i32>} : memref<32x512xf32, #tpu.memory_space<vmem>>, vector<1x16xf32>,
      %get3A_910 = vector.shape_cast %get3A_909 : vector<1x16xf32> to vector<16xf32>
      %min3A = arith.minimumf %scan3A_907, %get3A_910 : vector<16xf32>
      %get3A_911 = arith.index_cast %scan3A_906 : i32 to index
      %get3A_912 = arith.constant 16 : index
      %get3A_913 = tpu.vector_load %arg4[%get3A_911, %get3A_912] {strides = array<i32>} : memref<32x512xf32, #tpu.memory_space<vmem>>, vector<1x16xf32>,
      %get3A_914 = vector.shape_cast %get3A_913 : vector<1x16xf32> to vector<16xf32>
      %min3A_915 = arith.minimumf %min3A, %get3A_914 : vector<16xf32>
      %get3A_916 = arith.index_cast %scan3A_906 : i32 to index
      %get3A_917 = arith.constant 32 : index
      %get3A_918 = tpu.vector_load %arg4[%get3A_916, %get3A_917] {strides = array<i32>} : memref<32x512xf32, #tpu.memory_space<vmem>>, vector<1x16xf32>,
      %get3A_919 = vector.shape_cast %get3A_918 : vector<1x16xf32> to vector<16xf32>
      %min3A_920 = arith.minimumf %min3A_915, %get3A_919 : vector<16xf32>
      %get3A_921 = arith.index_cast %scan3A_906 : i32 to index
      %get3A_922 = arith.constant 48 : index
      %get3A_923 = tpu.vector_load %arg4[%get3A_921, %get3A_922] {strides = array<i32>} : memref<32x512xf32, #tpu.memory_space<vmem>>, vector<1x16xf32>,
      %get3A_924 = vector.shape_cast %get3A_923 : vector<1x16xf32> to vector<16xf32>
      %min3A_925 = arith.minimumf %min3A_920, %get3A_924 : vector<16xf32>
      %get3A_926 = arith.index_cast %scan3A_906 : i32 to index
      %get3A_927 = arith.constant 64 : index
      %get3A_928 = tpu.vector_load %arg4[%get3A_926, %get3A_927] {strides = array<i32>} : memref<32x512xf32, #tpu.memory_space<vmem>>, vector<1x16xf32>,
      %get3A_929 = vector.shape_cast %get3A_928 : vector<1x16xf32> to vector<16xf32>
      %min3A_930 = arith.minimumf %min3A_925, %get3A_929 : vector<16xf32>
      %get3A_931 = arith.index_cast %scan3A_906 : i32 to index
      %get3A_932 = arith.constant 80 : index
      %get3A_933 = tpu.vector_load %arg4[%get3A_931, %get3A_932] {strides = array<i32>} : memref<32x512xf32, #tpu.memory_space<vmem>>, vector<1x16xf32>,
      %get3A_934 = vector.shape_cast %get3A_933 : vector<1x16xf32> to vector<16xf32>
      %min3A_935 = arith.minimumf %min3A_930, %get3A_934 : vector<16xf32>
      %get3A_936 = arith.index_cast %scan3A_906 : i32 to index
      %get3A_937 = arith.constant 96 : index
      %get3A_938 = tpu.vector_load %arg4[%get3A_936, %get3A_937] {strides = array<i32>} : memref<32x512xf32, #tpu.memory_space<vmem>>, vector<1x16xf32>,
      %get3A_939 = vector.shape_cast %get3A_938 : vector<1x16xf32> to vector<16xf32>
      %min3A_940 = arith.minimumf %min3A_935, %get3A_939 : vector<16xf32>
      %get3A_941 = arith.index_cast %scan3A_906 : i32 to index
      %get3A_942 = arith.constant 112 : index
      %get3A_943 = tpu.vector_load %arg4[%get3A_941, %get3A_942] {strides = array<i32>} : memref<32x512xf32, #tpu.memory_space<vmem>>, vector<1x16xf32>,
      %get3A_944 = vector.shape_cast %get3A_943 : vector<1x16xf32> to vector<16xf32>
      %min3A_945 = arith.minimumf %min3A_940, %get3A_944 : vector<16xf32>
      %get3A_946 = arith.index_cast %scan3A_906 : i32 to index
      %get3A_947 = arith.constant 128 : index
      %get3A_948 = tpu.vector_load %arg4[%get3A_946, %get3A_947] {strides = array<i32>} : memref<32x512xf32, #tpu.memory_space<vmem>>, vector<1x16xf32>,
      %get3A_949 = vector.shape_cast %get3A_948 : vector<1x16xf32> to vector<16xf32>
      %min3A_950 = arith.minimumf %min3A_945, %get3A_949 : vector<16xf32>
      %get3A_951 = arith.index_cast %scan3A_906 : i32 to index
      %get3A_952 = arith.constant 144 : index
      %get3A_953 = tpu.vector_load %arg4[%get3A_951, %get3A_952] {strides = array<i32>} : memref<32x512xf32, #tpu.memory_space<vmem>>, vector<1x16xf32>,
      %get3A_954 = vector.shape_cast %get3A_953 : vector<1x16xf32> to vector<16xf32>
      %min3A_955 = arith.minimumf %min3A_950, %get3A_954 : vector<16xf32>
      %get3A_956 = arith.index_cast %scan3A_906 : i32 to index
      %get3A_957 = arith.constant 160 : index
      %get3A_958 = tpu.vector_load %arg4[%get3A_956, %get3A_957] {strides = array<i32>} : memref<32x512xf32, #tpu.memory_space<vmem>>, vector<1x16xf32>,
      %get3A_959 = vector.shape_cast %get3A_958 : vector<1x16xf32> to vector<16xf32>
      %min3A_960 = arith.minimumf %min3A_955, %get3A_959 : vector<16xf32>
      %get3A_961 = arith.index_cast %scan3A_906 : i32 to index
      %get3A_962 = arith.constant 176 : index
      %get3A_963 = tpu.vector_load %arg4[%get3A_961, %get3A_962] {strides = array<i32>} : memref<32x512xf32, #tpu.memory_space<vmem>>, vector<1x16xf32>,
      %get3A_964 = vector.shape_cast %get3A_963 : vector<1x16xf32> to vector<16xf32>
      %min3A_965 = arith.minimumf %min3A_960, %get3A_964 : vector<16xf32>
      %get3A_966 = arith.index_cast %scan3A_906 : i32 to index
      %get3A_967 = arith.constant 192 : index
      %get3A_968 = tpu.vector_load %arg4[%get3A_966, %get3A_967] {strides = array<i32>} : memref<32x512xf32, #tpu.memory_space<vmem>>, vector<1x16xf32>,
      %get3A_969 = vector.shape_cast %get3A_968 : vector<1x16xf32> to vector<16xf32>
      %min3A_970 = arith.minimumf %min3A_965, %get3A_969 : vector<16xf32>
      %get3A_971 = arith.index_cast %scan3A_906 : i32 to index
      %get3A_972 = arith.constant 208 : index
      %get3A_973 = tpu.vector_load %arg4[%get3A_971, %get3A_972] {strides = array<i32>} : memref<32x512xf32, #tpu.memory_space<vmem>>, vector<1x16xf32>,
      %get3A_974 = vector.shape_cast %get3A_973 : vector<1x16xf32> to vector<16xf32>
      %min3A_975 = arith.minimumf %min3A_970, %get3A_974 : vector<16xf32>
      %get3A_976 = arith.index_cast %scan3A_906 : i32 to index
      %get3A_977 = arith.constant 224 : index
      %get3A_978 = tpu.vector_load %arg4[%get3A_976, %get3A_977] {strides = array<i32>} : memref<32x512xf32, #tpu.memory_space<vmem>>, vector<1x16xf32>,
      %get3A_979 = vector.shape_cast %get3A_978 : vector<1x16xf32> to vector<16xf32>
      %min3A_980 = arith.minimumf %min3A_975, %get3A_979 : vector<16xf32>
      %get3A_981 = arith.index_cast %scan3A_906 : i32 to index
      %get3A_982 = arith.constant 240 : index
      %get3A_983 = tpu.vector_load %arg4[%get3A_981, %get3A_982] {strides = array<i32>} : memref<32x512xf32, #tpu.memory_space<vmem>>, vector<1x16xf32>,
      %get3A_984 = vector.shape_cast %get3A_983 : vector<1x16xf32> to vector<16xf32>
      %min3A_985 = arith.minimumf %min3A_980, %get3A_984 : vector<16xf32>
      %get3A_986 = arith.index_cast %scan3A_906 : i32 to index
      %get3A_987 = arith.constant 256 : index
      %get3A_988 = tpu.vector_load %arg4[%get3A_986, %get3A_987] {strides = array<i32>} : memref<32x512xf32, #tpu.memory_space<vmem>>, vector<1x16xf32>,
      %get3A_989 = vector.shape_cast %get3A_988 : vector<1x16xf32> to vector<16xf32>
      %min3A_990 = arith.minimumf %min3A_985, %get3A_989 : vector<16xf32>
      %get3A_991 = arith.index_cast %scan3A_906 : i32 to index
      %get3A_992 = arith.constant 272 : index
      %get3A_993 = tpu.vector_load %arg4[%get3A_991, %get3A_992] {strides = array<i32>} : memref<32x512xf32, #tpu.memory_space<vmem>>, vector<1x16xf32>,
      %get3A_994 = vector.shape_cast %get3A_993 : vector<1x16xf32> to vector<16xf32>
      %min3A_995 = arith.minimumf %min3A_990, %get3A_994 : vector<16xf32>
      %get3A_996 = arith.index_cast %scan3A_906 : i32 to index
      %get3A_997 = arith.constant 288 : index
      %get3A_998 = tpu.vector_load %arg4[%get3A_996, %get3A_997] {strides = array<i32>} : memref<32x512xf32, #tpu.memory_space<vmem>>, vector<1x16xf32>,
      %get3A_999 = vector.shape_cast %get3A_998 : vector<1x16xf32> to vector<16xf32>
      %min3A_1000 = arith.minimumf %min3A_995, %get3A_999 : vector<16xf32>
      %get3A_1001 = arith.index_cast %scan3A_906 : i32 to index
      %get3A_1002 = arith.constant 304 : index
      %get3A_1003 = tpu.vector_load %arg4[%get3A_1001, %get3A_1002] {strides = array<i32>} : memref<32x512xf32, #tpu.memory_space<vmem>>, vector<1x16xf32>,
      %get3A_1004 = vector.shape_cast %get3A_1003 : vector<1x16xf32> to vector<16xf32>
      %min3A_1005 = arith.minimumf %min3A_1000, %get3A_1004 : vector<16xf32>
      %get3A_1006 = arith.index_cast %scan3A_906 : i32 to index
      %get3A_1007 = arith.constant 320 : index
      %get3A_1008 = tpu.vector_load %arg4[%get3A_1006, %get3A_1007] {strides = array<i32>} : memref<32x512xf32, #tpu.memory_space<vmem>>, vector<1x16xf32>,
      %get3A_1009 = vector.shape_cast %get3A_1008 : vector<1x16xf32> to vector<16xf32>
      %min3A_1010 = arith.minimumf %min3A_1005, %get3A_1009 : vector<16xf32>
      %get3A_1011 = arith.index_cast %scan3A_906 : i32 to index
      %get3A_1012 = arith.constant 336 : index
      %get3A_1013 = tpu.vector_load %arg4[%get3A_1011, %get3A_1012] {strides = array<i32>} : memref<32x512xf32, #tpu.memory_space<vmem>>, vector<1x16xf32>,
      %get3A_1014 = vector.shape_cast %get3A_1013 : vector<1x16xf32> to vector<16xf32>
      %min3A_1015 = arith.minimumf %min3A_1010, %get3A_1014 : vector<16xf32>
      %get3A_1016 = arith.index_cast %scan3A_906 : i32 to index
      %get3A_1017 = arith.constant 352 : index
      %get3A_1018 = tpu.vector_load %arg4[%get3A_1016, %get3A_1017] {strides = array<i32>} : memref<32x512xf32, #tpu.memory_space<vmem>>, vector<1x16xf32>,
      %get3A_1019 = vector.shape_cast %get3A_1018 : vector<1x16xf32> to vector<16xf32>
      %min3A_1020 = arith.minimumf %min3A_1015, %get3A_1019 : vector<16xf32>
      %get3A_1021 = arith.index_cast %scan3A_906 : i32 to index
      %get3A_1022 = arith.constant 368 : index
      %get3A_1023 = tpu.vector_load %arg4[%get3A_1021, %get3A_1022] {strides = array<i32>} : memref<32x512xf32, #tpu.memory_space<vmem>>, vector<1x16xf32>,
      %get3A_1024 = vector.shape_cast %get3A_1023 : vector<1x16xf32> to vector<16xf32>
      %min3A_1025 = arith.minimumf %min3A_1020, %get3A_1024 : vector<16xf32>
      %get3A_1026 = arith.index_cast %scan3A_906 : i32 to index
      %get3A_1027 = arith.constant 384 : index
      %get3A_1028 = tpu.vector_load %arg4[%get3A_1026, %get3A_1027] {strides = array<i32>} : memref<32x512xf32, #tpu.memory_space<vmem>>, vector<1x16xf32>,
      %get3A_1029 = vector.shape_cast %get3A_1028 : vector<1x16xf32> to vector<16xf32>
      %min3A_1030 = arith.minimumf %min3A_1025, %get3A_1029 : vector<16xf32>
      %get3A_1031 = arith.index_cast %scan3A_906 : i32 to index
      %get3A_1032 = arith.constant 400 : index
      %get3A_1033 = tpu.vector_load %arg4[%get3A_1031, %get3A_1032] {strides = array<i32>} : memref<32x512xf32, #tpu.memory_space<vmem>>, vector<1x16xf32>,
      %get3A_1034 = vector.shape_cast %get3A_1033 : vector<1x16xf32> to vector<16xf32>
      %min3A_1035 = arith.minimumf %min3A_1030, %get3A_1034 : vector<16xf32>
      %get3A_1036 = arith.index_cast %scan3A_906 : i32 to index
      %get3A_1037 = arith.constant 416 : index
      %get3A_1038 = tpu.vector_load %arg4[%get3A_1036, %get3A_1037] {strides = array<i32>} : memref<32x512xf32, #tpu.memory_space<vmem>>, vector<1x16xf32>,
      %get3A_1039 = vector.shape_cast %get3A_1038 : vector<1x16xf32> to vector<16xf32>
      %min3A_1040 = arith.minimumf %min3A_1035, %get3A_1039 : vector<16xf32>
      %get3A_1041 = arith.index_cast %scan3A_906 : i32 to index
      %get3A_1042 = arith.constant 432 : index
      %get3A_1043 = tpu.vector_load %arg4[%get3A_1041, %get3A_1042] {strides = array<i32>} : memref<32x512xf32, #tpu.memory_space<vmem>>, vector<1x16xf32>,
      %get3A_1044 = vector.shape_cast %get3A_1043 : vector<1x16xf32> to vector<16xf32>
      %min3A_1045 = arith.minimumf %min3A_1040, %get3A_1044 : vector<16xf32>
      %get3A_1046 = arith.index_cast %scan3A_906 : i32 to index
      %get3A_1047 = arith.constant 448 : index
      %get3A_1048 = tpu.vector_load %arg4[%get3A_1046, %get3A_1047] {strides = array<i32>} : memref<32x512xf32, #tpu.memory_space<vmem>>, vector<1x16xf32>,
      %get3A_1049 = vector.shape_cast %get3A_1048 : vector<1x16xf32> to vector<16xf32>
      %min3A_1050 = arith.minimumf %min3A_1045, %get3A_1049 : vector<16xf32>
      %get3A_1051 = arith.index_cast %scan3A_906 : i32 to index
      %get3A_1052 = arith.constant 464 : index
      %get3A_1053 = tpu.vector_load %arg4[%get3A_1051, %get3A_1052] {strides = array<i32>} : memref<32x512xf32, #tpu.memory_space<vmem>>, vector<1x16xf32>,
      %get3A_1054 = vector.shape_cast %get3A_1053 : vector<1x16xf32> to vector<16xf32>
      %min3A_1055 = arith.minimumf %min3A_1050, %get3A_1054 : vector<16xf32>
      %get3A_1056 = arith.index_cast %scan3A_906 : i32 to index
      %get3A_1057 = arith.constant 480 : index
      %get3A_1058 = tpu.vector_load %arg4[%get3A_1056, %get3A_1057] {strides = array<i32>} : memref<32x512xf32, #tpu.memory_space<vmem>>, vector<1x16xf32>,
      %get3A_1059 = vector.shape_cast %get3A_1058 : vector<1x16xf32> to vector<16xf32>
      %min3A_1060 = arith.minimumf %min3A_1055, %get3A_1059 : vector<16xf32>
      %get3A_1061 = arith.index_cast %scan3A_906 : i32 to index
      %get3A_1062 = arith.constant 496 : index
      %get3A_1063 = tpu.vector_load %arg4[%get3A_1061, %get3A_1062] {strides = array<i32>} : memref<32x512xf32, #tpu.memory_space<vmem>>, vector<1x16xf32>,
      %get3A_1064 = vector.shape_cast %get3A_1063 : vector<1x16xf32> to vector<16xf32>
      %min3A_1065 = arith.minimumf %min3A_1060, %get3A_1064 : vector<16xf32>
      scf.yield %min3A_1065 : vector<16xf32>
    }
    %scan3A_627 = arith.constant 32 : i32
    %dma_wait3A_628 = arith.constant 0 : i32
    %dma_wait3A_629 = arith.constant 0 : i32
    %dma_wait3A_630 = arith.constant 0 : i32
    %dma_wait3A_631 = tpu.memref_slice %arg2[%dma_wait3A_628, %dma_wait3A_629, %dma_wait3A_630] : memref<784x64x512xf32, #tpu.memory_space<hbm>> -> memref<1x32x512xf32, #tpu.memory_space<hbm>>
    %dma_wait3A_632 = tpu.memref_squeeze %dma_wait3A_631 : memref<1x32x512xf32, #tpu.memory_space<hbm>> -> memref<32x512xf32, #tpu.memory_space<hbm>>
    %dma_wait3A_633 = arith.constant 0 : i32
    %dma_wait3A_634 = arith.constant 0 : i32
    %dma_wait3A_635 = tpu.memref_slice %arg2[%dma_wait3A_628, %dma_wait3A_633, %dma_wait3A_634] : memref<784x64x512xf32, #tpu.memory_space<hbm>> -> memref<1x32x512xf32, #tpu.memory_space<hbm>>
    %dma_wait3A_636 = tpu.memref_squeeze %dma_wait3A_635 : memref<1x32x512xf32, #tpu.memory_space<hbm>> -> memref<32x512xf32, #tpu.memory_space<hbm>>
    tpu.wait_dma2 semaphore(%arg8 : memref<!tpu.dma_semaphore, #tpu.memory_space<semaphore_mem>>) src(%dma_wait3A_636 : memref<32x512xf32, #tpu.memory_space<hbm>>) dst(%arg5 : memref<32x512xf32, #tpu.memory_space<vmem>>)
    %add3A_637 = arith.constant 10 : i32
    %add3A_638 = arith.addi %add3A_4, %add3A_637 : i32
    %jit3A_639 = arith.constant 2 : i32
    %div3A_640 = arith.divsi %add3A_638, %jit3A_639 : i32
    %sign3A_641 = arith.constant 0 : i32
    %sign3A_642 = arith.cmpi sgt, %add3A_638, %sign3A_641 : i32
    %sign3A_643 = arith.extui %sign3A_642 : i1 to i32
    %sign3A_644 = arith.constant 0 : i32
    %sign3A_645 = arith.cmpi slt, %add3A_638, %sign3A_644 : i32
    %sign3A_646 = arith.extui %sign3A_645 : i1 to i32
    %sign3A_647 = arith.subi %sign3A_643, %sign3A_646 : i32
    %sign3A_648 = arith.constant 0 : i32
    %sign3A_649 = arith.cmpi sgt, %jit3A_639, %sign3A_648 : i32
    %sign3A_650 = arith.extui %sign3A_649 : i1 to i32
    %sign3A_651 = arith.constant 0 : i32
    %sign3A_652 = arith.cmpi slt, %jit3A_639, %sign3A_651 : i32
    %sign3A_653 = arith.extui %sign3A_652 : i1 to i32
    %sign3A_654 = arith.subi %sign3A_650, %sign3A_653 : i32
    %ne3A_655 = arith.cmpi ne, %sign3A_647, %sign3A_654 : i32
    %rem3A_656 = arith.remsi %add3A_638, %jit3A_639 : i32
    %ne3A_657 = arith.constant 0 : i32
    %ne3A_658 = arith.cmpi ne, %rem3A_656, %ne3A_657 : i32
    %and3A_659 = arith.andi %ne3A_655, %ne3A_658 : i1
    %sub3A_660 = arith.constant 1 : i32
    %sub3A_661 = arith.subi %div3A_640, %sub3A_660 : i32
    %select_n3A_662 = arith.select %and3A_659, %sub3A_661, %div3A_640 : i32
    %jit3A_663 = arith.constant 2 : i32
    %eq3A_664 = arith.constant 0 : i32
    %eq3A_665 = arith.cmpi eq, %jit3A_663, %eq3A_664 : i32
    %jit3A_666 = arith.constant 1 : i32
    %select_n3A_667 = arith.select %eq3A_665, %jit3A_666, %jit3A_663 : i32
    %rem3A_668 = arith.remsi %add3A_638, %select_n3A_667 : i32
    %ne3A_669 = arith.constant 0 : i32
    %ne3A_670 = arith.cmpi ne, %rem3A_668, %ne3A_669 : i32
    %lt3A_671 = arith.constant 0 : i32
    %lt3A_672 = arith.cmpi slt, %rem3A_668, %lt3A_671 : i32
    %lt3A_673 = arith.constant 0 : i32
    %lt3A_674 = arith.cmpi slt, %select_n3A_667, %lt3A_673 : i32
    %ne3A_675 = arith.xori %lt3A_672, %lt3A_674 : i1
    %and3A_676 = arith.andi %ne3A_675, %ne3A_670 : i1
    %add3A_677 = arith.addi %rem3A_668, %select_n3A_667 : i32
    %select_n3A_678 = arith.select %and3A_676, %add3A_677, %rem3A_668 : i32
    %mul3A_679 = arith.constant 32 : i32
    %mul3A_680 = arith.muli %select_n3A_678, %mul3A_679 : i32
    %dma_start3A_681 = arith.constant 0 : i32
    %dma_start3A_682 = tpu.memref_slice %arg2[%select_n3A_662, %mul3A_680, %dma_start3A_681] : memref<784x64x512xf32, #tpu.memory_space<hbm>> -> memref<1x32x512xf32, #tpu.memory_space<hbm>>
    %dma_start3A_683 = tpu.memref_squeeze %dma_start3A_682 : memref<1x32x512xf32, #tpu.memory_space<hbm>> -> memref<32x512xf32, #tpu.memory_space<hbm>>
    %dma_start3A_684 = arith.constant 0 : i32
    %dma_start3A_685 = tpu.memref_slice %arg2[%select_n3A_662, %mul3A_680, %dma_start3A_684] : memref<784x64x512xf32, #tpu.memory_space<hbm>> -> memref<1x32x512xf32, #tpu.memory_space<hbm>>
    %dma_start3A_686 = tpu.memref_squeeze %dma_start3A_685 : memref<1x32x512xf32, #tpu.memory_space<hbm>> -> memref<32x512xf32, #tpu.memory_space<hbm>>
    tpu.enqueue_dma source(%dma_start3A_686 : memref<32x512xf32, #tpu.memory_space<hbm>>) target(%arg4 : memref<32x512xf32, #tpu.memory_space<vmem>>) target_semaphore(%arg7 : memref<!tpu.dma_semaphore, #tpu.memory_space<semaphore_mem>>)
    %scan3A_687 = arith.constant 0 : i32
    %scan3A_688 = arith.constant 32 : i32
    %scan3A_689 = arith.addi %scan3A_687, %scan3A_688 : i32
    %scan3A_690 = arith.constant 1 : i32
    %scan3A_691 = scf.for %scan3A_906 = %scan3A_687 to %scan3A_689 step %scan3A_690 iter_args(%scan3A_907 = %scan3A_626) -> (vector<16xf32>)  : i32 {
      %get3A = arith.index_cast %scan3A_906 : i32 to index
      %get3A_908 = arith.constant 0 : index
      %get3A_909 = tpu.vector_load %arg5[%get3A, %get3A_908] {strides = array<i32>} : memref<32x512xf32, #tpu.memory_space<vmem>>, vector<1x16xf32>,
      %get3A_910 = vector.shape_cast %get3A_909 : vector<1x16xf32> to vector<16xf32>
      %min3A = arith.minimumf %scan3A_907, %get3A_910 : vector<16xf32>
      %get3A_911 = arith.index_cast %scan3A_906 : i32 to index
      %get3A_912 = arith.constant 16 : index
      %get3A_913 = tpu.vector_load %arg5[%get3A_911, %get3A_912] {strides = array<i32>} : memref<32x512xf32, #tpu.memory_space<vmem>>, vector<1x16xf32>,
      %get3A_914 = vector.shape_cast %get3A_913 : vector<1x16xf32> to vector<16xf32>
      %min3A_915 = arith.minimumf %min3A, %get3A_914 : vector<16xf32>
      %get3A_916 = arith.index_cast %scan3A_906 : i32 to index
      %get3A_917 = arith.constant 32 : index
      %get3A_918 = tpu.vector_load %arg5[%get3A_916, %get3A_917] {strides = array<i32>} : memref<32x512xf32, #tpu.memory_space<vmem>>, vector<1x16xf32>,
      %get3A_919 = vector.shape_cast %get3A_918 : vector<1x16xf32> to vector<16xf32>
      %min3A_920 = arith.minimumf %min3A_915, %get3A_919 : vector<16xf32>
      %get3A_921 = arith.index_cast %scan3A_906 : i32 to index
      %get3A_922 = arith.constant 48 : index
      %get3A_923 = tpu.vector_load %arg5[%get3A_921, %get3A_922] {strides = array<i32>} : memref<32x512xf32, #tpu.memory_space<vmem>>, vector<1x16xf32>,
      %get3A_924 = vector.shape_cast %get3A_923 : vector<1x16xf32> to vector<16xf32>
      %min3A_925 = arith.minimumf %min3A_920, %get3A_924 : vector<16xf32>
      %get3A_926 = arith.index_cast %scan3A_906 : i32 to index
      %get3A_927 = arith.constant 64 : index
      %get3A_928 = tpu.vector_load %arg5[%get3A_926, %get3A_927] {strides = array<i32>} : memref<32x512xf32, #tpu.memory_space<vmem>>, vector<1x16xf32>,
      %get3A_929 = vector.shape_cast %get3A_928 : vector<1x16xf32> to vector<16xf32>
      %min3A_930 = arith.minimumf %min3A_925, %get3A_929 : vector<16xf32>
      %get3A_931 = arith.index_cast %scan3A_906 : i32 to index
      %get3A_932 = arith.constant 80 : index
      %get3A_933 = tpu.vector_load %arg5[%get3A_931, %get3A_932] {strides = array<i32>} : memref<32x512xf32, #tpu.memory_space<vmem>>, vector<1x16xf32>,
      %get3A_934 = vector.shape_cast %get3A_933 : vector<1x16xf32> to vector<16xf32>
      %min3A_935 = arith.minimumf %min3A_930, %get3A_934 : vector<16xf32>
      %get3A_936 = arith.index_cast %scan3A_906 : i32 to index
      %get3A_937 = arith.constant 96 : index
      %get3A_938 = tpu.vector_load %arg5[%get3A_936, %get3A_937] {strides = array<i32>} : memref<32x512xf32, #tpu.memory_space<vmem>>, vector<1x16xf32>,
      %get3A_939 = vector.shape_cast %get3A_938 : vector<1x16xf32> to vector<16xf32>
      %min3A_940 = arith.minimumf %min3A_935, %get3A_939 : vector<16xf32>
      %get3A_941 = arith.index_cast %scan3A_906 : i32 to index
      %get3A_942 = arith.constant 112 : index
      %get3A_943 = tpu.vector_load %arg5[%get3A_941, %get3A_942] {strides = array<i32>} : memref<32x512xf32, #tpu.memory_space<vmem>>, vector<1x16xf32>,
      %get3A_944 = vector.shape_cast %get3A_943 : vector<1x16xf32> to vector<16xf32>
      %min3A_945 = arith.minimumf %min3A_940, %get3A_944 : vector<16xf32>
      %get3A_946 = arith.index_cast %scan3A_906 : i32 to index
      %get3A_947 = arith.constant 128 : index
      %get3A_948 = tpu.vector_load %arg5[%get3A_946, %get3A_947] {strides = array<i32>} : memref<32x512xf32, #tpu.memory_space<vmem>>, vector<1x16xf32>,
      %get3A_949 = vector.shape_cast %get3A_948 : vector<1x16xf32> to vector<16xf32>
      %min3A_950 = arith.minimumf %min3A_945, %get3A_949 : vector<16xf32>
      %get3A_951 = arith.index_cast %scan3A_906 : i32 to index
      %get3A_952 = arith.constant 144 : index
      %get3A_953 = tpu.vector_load %arg5[%get3A_951, %get3A_952] {strides = array<i32>} : memref<32x512xf32, #tpu.memory_space<vmem>>, vector<1x16xf32>,
      %get3A_954 = vector.shape_cast %get3A_953 : vector<1x16xf32> to vector<16xf32>
      %min3A_955 = arith.minimumf %min3A_950, %get3A_954 : vector<16xf32>
      %get3A_956 = arith.index_cast %scan3A_906 : i32 to index
      %get3A_957 = arith.constant 160 : index
      %get3A_958 = tpu.vector_load %arg5[%get3A_956, %get3A_957] {strides = array<i32>} : memref<32x512xf32, #tpu.memory_space<vmem>>, vector<1x16xf32>,
      %get3A_959 = vector.shape_cast %get3A_958 : vector<1x16xf32> to vector<16xf32>
      %min3A_960 = arith.minimumf %min3A_955, %get3A_959 : vector<16xf32>
      %get3A_961 = arith.index_cast %scan3A_906 : i32 to index
      %get3A_962 = arith.constant 176 : index
      %get3A_963 = tpu.vector_load %arg5[%get3A_961, %get3A_962] {strides = array<i32>} : memref<32x512xf32, #tpu.memory_space<vmem>>, vector<1x16xf32>,
      %get3A_964 = vector.shape_cast %get3A_963 : vector<1x16xf32> to vector<16xf32>
      %min3A_965 = arith.minimumf %min3A_960, %get3A_964 : vector<16xf32>
      %get3A_966 = arith.index_cast %scan3A_906 : i32 to index
      %get3A_967 = arith.constant 192 : index
      %get3A_968 = tpu.vector_load %arg5[%get3A_966, %get3A_967] {strides = array<i32>} : memref<32x512xf32, #tpu.memory_space<vmem>>, vector<1x16xf32>,
      %get3A_969 = vector.shape_cast %get3A_968 : vector<1x16xf32> to vector<16xf32>
      %min3A_970 = arith.minimumf %min3A_965, %get3A_969 : vector<16xf32>
      %get3A_971 = arith.index_cast %scan3A_906 : i32 to index
      %get3A_972 = arith.constant 208 : index
      %get3A_973 = tpu.vector_load %arg5[%get3A_971, %get3A_972] {strides = array<i32>} : memref<32x512xf32, #tpu.memory_space<vmem>>, vector<1x16xf32>,
      %get3A_974 = vector.shape_cast %get3A_973 : vector<1x16xf32> to vector<16xf32>
      %min3A_975 = arith.minimumf %min3A_970, %get3A_974 : vector<16xf32>
      %get3A_976 = arith.index_cast %scan3A_906 : i32 to index
      %get3A_977 = arith.constant 224 : index
      %get3A_978 = tpu.vector_load %arg5[%get3A_976, %get3A_977] {strides = array<i32>} : memref<32x512xf32, #tpu.memory_space<vmem>>, vector<1x16xf32>,
      %get3A_979 = vector.shape_cast %get3A_978 : vector<1x16xf32> to vector<16xf32>
      %min3A_980 = arith.minimumf %min3A_975, %get3A_979 : vector<16xf32>
      %get3A_981 = arith.index_cast %scan3A_906 : i32 to index
      %get3A_982 = arith.constant 240 : index
      %get3A_983 = tpu.vector_load %arg5[%get3A_981, %get3A_982] {strides = array<i32>} : memref<32x512xf32, #tpu.memory_space<vmem>>, vector<1x16xf32>,
      %get3A_984 = vector.shape_cast %get3A_983 : vector<1x16xf32> to vector<16xf32>
      %min3A_985 = arith.minimumf %min3A_980, %get3A_984 : vector<16xf32>
      %get3A_986 = arith.index_cast %scan3A_906 : i32 to index
      %get3A_987 = arith.constant 256 : index
      %get3A_988 = tpu.vector_load %arg5[%get3A_986, %get3A_987] {strides = array<i32>} : memref<32x512xf32, #tpu.memory_space<vmem>>, vector<1x16xf32>,
      %get3A_989 = vector.shape_cast %get3A_988 : vector<1x16xf32> to vector<16xf32>
      %min3A_990 = arith.minimumf %min3A_985, %get3A_989 : vector<16xf32>
      %get3A_991 = arith.index_cast %scan3A_906 : i32 to index
      %get3A_992 = arith.constant 272 : index
      %get3A_993 = tpu.vector_load %arg5[%get3A_991, %get3A_992] {strides = array<i32>} : memref<32x512xf32, #tpu.memory_space<vmem>>, vector<1x16xf32>,
      %get3A_994 = vector.shape_cast %get3A_993 : vector<1x16xf32> to vector<16xf32>
      %min3A_995 = arith.minimumf %min3A_990, %get3A_994 : vector<16xf32>
      %get3A_996 = arith.index_cast %scan3A_906 : i32 to index
      %get3A_997 = arith.constant 288 : index
      %get3A_998 = tpu.vector_load %arg5[%get3A_996, %get3A_997] {strides = array<i32>} : memref<32x512xf32, #tpu.memory_space<vmem>>, vector<1x16xf32>,
      %get3A_999 = vector.shape_cast %get3A_998 : vector<1x16xf32> to vector<16xf32>
      %min3A_1000 = arith.minimumf %min3A_995, %get3A_999 : vector<16xf32>
      %get3A_1001 = arith.index_cast %scan3A_906 : i32 to index
      %get3A_1002 = arith.constant 304 : index
      %get3A_1003 = tpu.vector_load %arg5[%get3A_1001, %get3A_1002] {strides = array<i32>} : memref<32x512xf32, #tpu.memory_space<vmem>>, vector<1x16xf32>,
      %get3A_1004 = vector.shape_cast %get3A_1003 : vector<1x16xf32> to vector<16xf32>
      %min3A_1005 = arith.minimumf %min3A_1000, %get3A_1004 : vector<16xf32>
      %get3A_1006 = arith.index_cast %scan3A_906 : i32 to index
      %get3A_1007 = arith.constant 320 : index
      %get3A_1008 = tpu.vector_load %arg5[%get3A_1006, %get3A_1007] {strides = array<i32>} : memref<32x512xf32, #tpu.memory_space<vmem>>, vector<1x16xf32>,
      %get3A_1009 = vector.shape_cast %get3A_1008 : vector<1x16xf32> to vector<16xf32>
      %min3A_1010 = arith.minimumf %min3A_1005, %get3A_1009 : vector<16xf32>
      %get3A_1011 = arith.index_cast %scan3A_906 : i32 to index
      %get3A_1012 = arith.constant 336 : index
      %get3A_1013 = tpu.vector_load %arg5[%get3A_1011, %get3A_1012] {strides = array<i32>} : memref<32x512xf32, #tpu.memory_space<vmem>>, vector<1x16xf32>,
      %get3A_1014 = vector.shape_cast %get3A_1013 : vector<1x16xf32> to vector<16xf32>
      %min3A_1015 = arith.minimumf %min3A_1010, %get3A_1014 : vector<16xf32>
      %get3A_1016 = arith.index_cast %scan3A_906 : i32 to index
      %get3A_1017 = arith.constant 352 : index
      %get3A_1018 = tpu.vector_load %arg5[%get3A_1016, %get3A_1017] {strides = array<i32>} : memref<32x512xf32, #tpu.memory_space<vmem>>, vector<1x16xf32>,
      %get3A_1019 = vector.shape_cast %get3A_1018 : vector<1x16xf32> to vector<16xf32>
      %min3A_1020 = arith.minimumf %min3A_1015, %get3A_1019 : vector<16xf32>
      %get3A_1021 = arith.index_cast %scan3A_906 : i32 to index
      %get3A_1022 = arith.constant 368 : index
      %get3A_1023 = tpu.vector_load %arg5[%get3A_1021, %get3A_1022] {strides = array<i32>} : memref<32x512xf32, #tpu.memory_space<vmem>>, vector<1x16xf32>,
      %get3A_1024 = vector.shape_cast %get3A_1023 : vector<1x16xf32> to vector<16xf32>
      %min3A_1025 = arith.minimumf %min3A_1020, %get3A_1024 : vector<16xf32>
      %get3A_1026 = arith.index_cast %scan3A_906 : i32 to index
      %get3A_1027 = arith.constant 384 : index
      %get3A_1028 = tpu.vector_load %arg5[%get3A_1026, %get3A_1027] {strides = array<i32>} : memref<32x512xf32, #tpu.memory_space<vmem>>, vector<1x16xf32>,
      %get3A_1029 = vector.shape_cast %get3A_1028 : vector<1x16xf32> to vector<16xf32>
      %min3A_1030 = arith.minimumf %min3A_1025, %get3A_1029 : vector<16xf32>
      %get3A_1031 = arith.index_cast %scan3A_906 : i32 to index
      %get3A_1032 = arith.constant 400 : index
      %get3A_1033 = tpu.vector_load %arg5[%get3A_1031, %get3A_1032] {strides = array<i32>} : memref<32x512xf32, #tpu.memory_space<vmem>>, vector<1x16xf32>,
      %get3A_1034 = vector.shape_cast %get3A_1033 : vector<1x16xf32> to vector<16xf32>
      %min3A_1035 = arith.minimumf %min3A_1030, %get3A_1034 : vector<16xf32>
      %get3A_1036 = arith.index_cast %scan3A_906 : i32 to index
      %get3A_1037 = arith.constant 416 : index
      %get3A_1038 = tpu.vector_load %arg5[%get3A_1036, %get3A_1037] {strides = array<i32>} : memref<32x512xf32, #tpu.memory_space<vmem>>, vector<1x16xf32>,
      %get3A_1039 = vector.shape_cast %get3A_1038 : vector<1x16xf32> to vector<16xf32>
      %min3A_1040 = arith.minimumf %min3A_1035, %get3A_1039 : vector<16xf32>
      %get3A_1041 = arith.index_cast %scan3A_906 : i32 to index
      %get3A_1042 = arith.constant 432 : index
      %get3A_1043 = tpu.vector_load %arg5[%get3A_1041, %get3A_1042] {strides = array<i32>} : memref<32x512xf32, #tpu.memory_space<vmem>>, vector<1x16xf32>,
      %get3A_1044 = vector.shape_cast %get3A_1043 : vector<1x16xf32> to vector<16xf32>
      %min3A_1045 = arith.minimumf %min3A_1040, %get3A_1044 : vector<16xf32>
      %get3A_1046 = arith.index_cast %scan3A_906 : i32 to index
      %get3A_1047 = arith.constant 448 : index
      %get3A_1048 = tpu.vector_load %arg5[%get3A_1046, %get3A_1047] {strides = array<i32>} : memref<32x512xf32, #tpu.memory_space<vmem>>, vector<1x16xf32>,
      %get3A_1049 = vector.shape_cast %get3A_1048 : vector<1x16xf32> to vector<16xf32>
      %min3A_1050 = arith.minimumf %min3A_1045, %get3A_1049 : vector<16xf32>
      %get3A_1051 = arith.index_cast %scan3A_906 : i32 to index
      %get3A_1052 = arith.constant 464 : index
      %get3A_1053 = tpu.vector_load %arg5[%get3A_1051, %get3A_1052] {strides = array<i32>} : memref<32x512xf32, #tpu.memory_space<vmem>>, vector<1x16xf32>,
      %get3A_1054 = vector.shape_cast %get3A_1053 : vector<1x16xf32> to vector<16xf32>
      %min3A_1055 = arith.minimumf %min3A_1050, %get3A_1054 : vector<16xf32>
      %get3A_1056 = arith.index_cast %scan3A_906 : i32 to index
      %get3A_1057 = arith.constant 480 : index
      %get3A_1058 = tpu.vector_load %arg5[%get3A_1056, %get3A_1057] {strides = array<i32>} : memref<32x512xf32, #tpu.memory_space<vmem>>, vector<1x16xf32>,
      %get3A_1059 = vector.shape_cast %get3A_1058 : vector<1x16xf32> to vector<16xf32>
      %min3A_1060 = arith.minimumf %min3A_1055, %get3A_1059 : vector<16xf32>
      %get3A_1061 = arith.index_cast %scan3A_906 : i32 to index
      %get3A_1062 = arith.constant 496 : index
      %get3A_1063 = tpu.vector_load %arg5[%get3A_1061, %get3A_1062] {strides = array<i32>} : memref<32x512xf32, #tpu.memory_space<vmem>>, vector<1x16xf32>,
      %get3A_1064 = vector.shape_cast %get3A_1063 : vector<1x16xf32> to vector<16xf32>
      %min3A_1065 = arith.minimumf %min3A_1060, %get3A_1064 : vector<16xf32>
      scf.yield %min3A_1065 : vector<16xf32>
    }
    %scan3A_692 = arith.constant 32 : i32
    %dma_wait3A_693 = arith.constant 0 : i32
    %dma_wait3A_694 = arith.constant 0 : i32
    %dma_wait3A_695 = arith.constant 0 : i32
    %dma_wait3A_696 = tpu.memref_slice %arg2[%dma_wait3A_693, %dma_wait3A_694, %dma_wait3A_695] : memref<784x64x512xf32, #tpu.memory_space<hbm>> -> memref<1x32x512xf32, #tpu.memory_space<hbm>>
    %dma_wait3A_697 = tpu.memref_squeeze %dma_wait3A_696 : memref<1x32x512xf32, #tpu.memory_space<hbm>> -> memref<32x512xf32, #tpu.memory_space<hbm>>
    %dma_wait3A_698 = arith.constant 0 : i32
    %dma_wait3A_699 = arith.constant 0 : i32
    %dma_wait3A_700 = tpu.memref_slice %arg2[%dma_wait3A_693, %dma_wait3A_698, %dma_wait3A_699] : memref<784x64x512xf32, #tpu.memory_space<hbm>> -> memref<1x32x512xf32, #tpu.memory_space<hbm>>
    %dma_wait3A_701 = tpu.memref_squeeze %dma_wait3A_700 : memref<1x32x512xf32, #tpu.memory_space<hbm>> -> memref<32x512xf32, #tpu.memory_space<hbm>>
    tpu.wait_dma2 semaphore(%arg7 : memref<!tpu.dma_semaphore, #tpu.memory_space<semaphore_mem>>) src(%dma_wait3A_701 : memref<32x512xf32, #tpu.memory_space<hbm>>) dst(%arg4 : memref<32x512xf32, #tpu.memory_space<vmem>>)
    %add3A_702 = arith.constant 11 : i32
    %add3A_703 = arith.addi %add3A_4, %add3A_702 : i32
    %jit3A_704 = arith.constant 2 : i32
    %div3A_705 = arith.divsi %add3A_703, %jit3A_704 : i32
    %sign3A_706 = arith.constant 0 : i32
    %sign3A_707 = arith.cmpi sgt, %add3A_703, %sign3A_706 : i32
    %sign3A_708 = arith.extui %sign3A_707 : i1 to i32
    %sign3A_709 = arith.constant 0 : i32
    %sign3A_710 = arith.cmpi slt, %add3A_703, %sign3A_709 : i32
    %sign3A_711 = arith.extui %sign3A_710 : i1 to i32
    %sign3A_712 = arith.subi %sign3A_708, %sign3A_711 : i32
    %sign3A_713 = arith.constant 0 : i32
    %sign3A_714 = arith.cmpi sgt, %jit3A_704, %sign3A_713 : i32
    %sign3A_715 = arith.extui %sign3A_714 : i1 to i32
    %sign3A_716 = arith.constant 0 : i32
    %sign3A_717 = arith.cmpi slt, %jit3A_704, %sign3A_716 : i32
    %sign3A_718 = arith.extui %sign3A_717 : i1 to i32
    %sign3A_719 = arith.subi %sign3A_715, %sign3A_718 : i32
    %ne3A_720 = arith.cmpi ne, %sign3A_712, %sign3A_719 : i32
    %rem3A_721 = arith.remsi %add3A_703, %jit3A_704 : i32
    %ne3A_722 = arith.constant 0 : i32
    %ne3A_723 = arith.cmpi ne, %rem3A_721, %ne3A_722 : i32
    %and3A_724 = arith.andi %ne3A_720, %ne3A_723 : i1
    %sub3A_725 = arith.constant 1 : i32
    %sub3A_726 = arith.subi %div3A_705, %sub3A_725 : i32
    %select_n3A_727 = arith.select %and3A_724, %sub3A_726, %div3A_705 : i32
    %jit3A_728 = arith.constant 2 : i32
    %eq3A_729 = arith.constant 0 : i32
    %eq3A_730 = arith.cmpi eq, %jit3A_728, %eq3A_729 : i32
    %jit3A_731 = arith.constant 1 : i32
    %select_n3A_732 = arith.select %eq3A_730, %jit3A_731, %jit3A_728 : i32
    %rem3A_733 = arith.remsi %add3A_703, %select_n3A_732 : i32
    %ne3A_734 = arith.constant 0 : i32
    %ne3A_735 = arith.cmpi ne, %rem3A_733, %ne3A_734 : i32
    %lt3A_736 = arith.constant 0 : i32
    %lt3A_737 = arith.cmpi slt, %rem3A_733, %lt3A_736 : i32
    %lt3A_738 = arith.constant 0 : i32
    %lt3A_739 = arith.cmpi slt, %select_n3A_732, %lt3A_738 : i32
    %ne3A_740 = arith.xori %lt3A_737, %lt3A_739 : i1
    %and3A_741 = arith.andi %ne3A_740, %ne3A_735 : i1
    %add3A_742 = arith.addi %rem3A_733, %select_n3A_732 : i32
    %select_n3A_743 = arith.select %and3A_741, %add3A_742, %rem3A_733 : i32
    %mul3A_744 = arith.constant 32 : i32
    %mul3A_745 = arith.muli %select_n3A_743, %mul3A_744 : i32
    %dma_start3A_746 = arith.constant 0 : i32
    %dma_start3A_747 = tpu.memref_slice %arg2[%select_n3A_727, %mul3A_745, %dma_start3A_746] : memref<784x64x512xf32, #tpu.memory_space<hbm>> -> memref<1x32x512xf32, #tpu.memory_space<hbm>>
    %dma_start3A_748 = tpu.memref_squeeze %dma_start3A_747 : memref<1x32x512xf32, #tpu.memory_space<hbm>> -> memref<32x512xf32, #tpu.memory_space<hbm>>
    %dma_start3A_749 = arith.constant 0 : i32
    %dma_start3A_750 = tpu.memref_slice %arg2[%select_n3A_727, %mul3A_745, %dma_start3A_749] : memref<784x64x512xf32, #tpu.memory_space<hbm>> -> memref<1x32x512xf32, #tpu.memory_space<hbm>>
    %dma_start3A_751 = tpu.memref_squeeze %dma_start3A_750 : memref<1x32x512xf32, #tpu.memory_space<hbm>> -> memref<32x512xf32, #tpu.memory_space<hbm>>
    tpu.enqueue_dma source(%dma_start3A_751 : memref<32x512xf32, #tpu.memory_space<hbm>>) target(%arg5 : memref<32x512xf32, #tpu.memory_space<vmem>>) target_semaphore(%arg8 : memref<!tpu.dma_semaphore, #tpu.memory_space<semaphore_mem>>)
    %scan3A_752 = arith.constant 0 : i32
    %scan3A_753 = arith.constant 32 : i32
    %scan3A_754 = arith.addi %scan3A_752, %scan3A_753 : i32
    %scan3A_755 = arith.constant 1 : i32
    %scan3A_756 = scf.for %scan3A_906 = %scan3A_752 to %scan3A_754 step %scan3A_755 iter_args(%scan3A_907 = %scan3A_691) -> (vector<16xf32>)  : i32 {
      %get3A = arith.index_cast %scan3A_906 : i32 to index
      %get3A_908 = arith.constant 0 : index
      %get3A_909 = tpu.vector_load %arg4[%get3A, %get3A_908] {strides = array<i32>} : memref<32x512xf32, #tpu.memory_space<vmem>>, vector<1x16xf32>,
      %get3A_910 = vector.shape_cast %get3A_909 : vector<1x16xf32> to vector<16xf32>
      %min3A = arith.minimumf %scan3A_907, %get3A_910 : vector<16xf32>
      %get3A_911 = arith.index_cast %scan3A_906 : i32 to index
      %get3A_912 = arith.constant 16 : index
      %get3A_913 = tpu.vector_load %arg4[%get3A_911, %get3A_912] {strides = array<i32>} : memref<32x512xf32, #tpu.memory_space<vmem>>, vector<1x16xf32>,
      %get3A_914 = vector.shape_cast %get3A_913 : vector<1x16xf32> to vector<16xf32>
      %min3A_915 = arith.minimumf %min3A, %get3A_914 : vector<16xf32>
      %get3A_916 = arith.index_cast %scan3A_906 : i32 to index
      %get3A_917 = arith.constant 32 : index
      %get3A_918 = tpu.vector_load %arg4[%get3A_916, %get3A_917] {strides = array<i32>} : memref<32x512xf32, #tpu.memory_space<vmem>>, vector<1x16xf32>,
      %get3A_919 = vector.shape_cast %get3A_918 : vector<1x16xf32> to vector<16xf32>
      %min3A_920 = arith.minimumf %min3A_915, %get3A_919 : vector<16xf32>
      %get3A_921 = arith.index_cast %scan3A_906 : i32 to index
      %get3A_922 = arith.constant 48 : index
      %get3A_923 = tpu.vector_load %arg4[%get3A_921, %get3A_922] {strides = array<i32>} : memref<32x512xf32, #tpu.memory_space<vmem>>, vector<1x16xf32>,
      %get3A_924 = vector.shape_cast %get3A_923 : vector<1x16xf32> to vector<16xf32>
      %min3A_925 = arith.minimumf %min3A_920, %get3A_924 : vector<16xf32>
      %get3A_926 = arith.index_cast %scan3A_906 : i32 to index
      %get3A_927 = arith.constant 64 : index
      %get3A_928 = tpu.vector_load %arg4[%get3A_926, %get3A_927] {strides = array<i32>} : memref<32x512xf32, #tpu.memory_space<vmem>>, vector<1x16xf32>,
      %get3A_929 = vector.shape_cast %get3A_928 : vector<1x16xf32> to vector<16xf32>
      %min3A_930 = arith.minimumf %min3A_925, %get3A_929 : vector<16xf32>
      %get3A_931 = arith.index_cast %scan3A_906 : i32 to index
      %get3A_932 = arith.constant 80 : index
      %get3A_933 = tpu.vector_load %arg4[%get3A_931, %get3A_932] {strides = array<i32>} : memref<32x512xf32, #tpu.memory_space<vmem>>, vector<1x16xf32>,
      %get3A_934 = vector.shape_cast %get3A_933 : vector<1x16xf32> to vector<16xf32>
      %min3A_935 = arith.minimumf %min3A_930, %get3A_934 : vector<16xf32>
      %get3A_936 = arith.index_cast %scan3A_906 : i32 to index
      %get3A_937 = arith.constant 96 : index
      %get3A_938 = tpu.vector_load %arg4[%get3A_936, %get3A_937] {strides = array<i32>} : memref<32x512xf32, #tpu.memory_space<vmem>>, vector<1x16xf32>,
      %get3A_939 = vector.shape_cast %get3A_938 : vector<1x16xf32> to vector<16xf32>
      %min3A_940 = arith.minimumf %min3A_935, %get3A_939 : vector<16xf32>
      %get3A_941 = arith.index_cast %scan3A_906 : i32 to index
      %get3A_942 = arith.constant 112 : index
      %get3A_943 = tpu.vector_load %arg4[%get3A_941, %get3A_942] {strides = array<i32>} : memref<32x512xf32, #tpu.memory_space<vmem>>, vector<1x16xf32>,
      %get3A_944 = vector.shape_cast %get3A_943 : vector<1x16xf32> to vector<16xf32>
      %min3A_945 = arith.minimumf %min3A_940, %get3A_944 : vector<16xf32>
      %get3A_946 = arith.index_cast %scan3A_906 : i32 to index
      %get3A_947 = arith.constant 128 : index
      %get3A_948 = tpu.vector_load %arg4[%get3A_946, %get3A_947] {strides = array<i32>} : memref<32x512xf32, #tpu.memory_space<vmem>>, vector<1x16xf32>,
      %get3A_949 = vector.shape_cast %get3A_948 : vector<1x16xf32> to vector<16xf32>
      %min3A_950 = arith.minimumf %min3A_945, %get3A_949 : vector<16xf32>
      %get3A_951 = arith.index_cast %scan3A_906 : i32 to index
      %get3A_952 = arith.constant 144 : index
      %get3A_953 = tpu.vector_load %arg4[%get3A_951, %get3A_952] {strides = array<i32>} : memref<32x512xf32, #tpu.memory_space<vmem>>, vector<1x16xf32>,
      %get3A_954 = vector.shape_cast %get3A_953 : vector<1x16xf32> to vector<16xf32>
      %min3A_955 = arith.minimumf %min3A_950, %get3A_954 : vector<16xf32>
      %get3A_956 = arith.index_cast %scan3A_906 : i32 to index
      %get3A_957 = arith.constant 160 : index
      %get3A_958 = tpu.vector_load %arg4[%get3A_956, %get3A_957] {strides = array<i32>} : memref<32x512xf32, #tpu.memory_space<vmem>>, vector<1x16xf32>,
      %get3A_959 = vector.shape_cast %get3A_958 : vector<1x16xf32> to vector<16xf32>
      %min3A_960 = arith.minimumf %min3A_955, %get3A_959 : vector<16xf32>
      %get3A_961 = arith.index_cast %scan3A_906 : i32 to index
      %get3A_962 = arith.constant 176 : index
      %get3A_963 = tpu.vector_load %arg4[%get3A_961, %get3A_962] {strides = array<i32>} : memref<32x512xf32, #tpu.memory_space<vmem>>, vector<1x16xf32>,
      %get3A_964 = vector.shape_cast %get3A_963 : vector<1x16xf32> to vector<16xf32>
      %min3A_965 = arith.minimumf %min3A_960, %get3A_964 : vector<16xf32>
      %get3A_966 = arith.index_cast %scan3A_906 : i32 to index
      %get3A_967 = arith.constant 192 : index
      %get3A_968 = tpu.vector_load %arg4[%get3A_966, %get3A_967] {strides = array<i32>} : memref<32x512xf32, #tpu.memory_space<vmem>>, vector<1x16xf32>,
      %get3A_969 = vector.shape_cast %get3A_968 : vector<1x16xf32> to vector<16xf32>
      %min3A_970 = arith.minimumf %min3A_965, %get3A_969 : vector<16xf32>
      %get3A_971 = arith.index_cast %scan3A_906 : i32 to index
      %get3A_972 = arith.constant 208 : index
      %get3A_973 = tpu.vector_load %arg4[%get3A_971, %get3A_972] {strides = array<i32>} : memref<32x512xf32, #tpu.memory_space<vmem>>, vector<1x16xf32>,
      %get3A_974 = vector.shape_cast %get3A_973 : vector<1x16xf32> to vector<16xf32>
      %min3A_975 = arith.minimumf %min3A_970, %get3A_974 : vector<16xf32>
      %get3A_976 = arith.index_cast %scan3A_906 : i32 to index
      %get3A_977 = arith.constant 224 : index
      %get3A_978 = tpu.vector_load %arg4[%get3A_976, %get3A_977] {strides = array<i32>} : memref<32x512xf32, #tpu.memory_space<vmem>>, vector<1x16xf32>,
      %get3A_979 = vector.shape_cast %get3A_978 : vector<1x16xf32> to vector<16xf32>
      %min3A_980 = arith.minimumf %min3A_975, %get3A_979 : vector<16xf32>
      %get3A_981 = arith.index_cast %scan3A_906 : i32 to index
      %get3A_982 = arith.constant 240 : index
      %get3A_983 = tpu.vector_load %arg4[%get3A_981, %get3A_982] {strides = array<i32>} : memref<32x512xf32, #tpu.memory_space<vmem>>, vector<1x16xf32>,
      %get3A_984 = vector.shape_cast %get3A_983 : vector<1x16xf32> to vector<16xf32>
      %min3A_985 = arith.minimumf %min3A_980, %get3A_984 : vector<16xf32>
      %get3A_986 = arith.index_cast %scan3A_906 : i32 to index
      %get3A_987 = arith.constant 256 : index
      %get3A_988 = tpu.vector_load %arg4[%get3A_986, %get3A_987] {strides = array<i32>} : memref<32x512xf32, #tpu.memory_space<vmem>>, vector<1x16xf32>,
      %get3A_989 = vector.shape_cast %get3A_988 : vector<1x16xf32> to vector<16xf32>
      %min3A_990 = arith.minimumf %min3A_985, %get3A_989 : vector<16xf32>
      %get3A_991 = arith.index_cast %scan3A_906 : i32 to index
      %get3A_992 = arith.constant 272 : index
      %get3A_993 = tpu.vector_load %arg4[%get3A_991, %get3A_992] {strides = array<i32>} : memref<32x512xf32, #tpu.memory_space<vmem>>, vector<1x16xf32>,
      %get3A_994 = vector.shape_cast %get3A_993 : vector<1x16xf32> to vector<16xf32>
      %min3A_995 = arith.minimumf %min3A_990, %get3A_994 : vector<16xf32>
      %get3A_996 = arith.index_cast %scan3A_906 : i32 to index
      %get3A_997 = arith.constant 288 : index
      %get3A_998 = tpu.vector_load %arg4[%get3A_996, %get3A_997] {strides = array<i32>} : memref<32x512xf32, #tpu.memory_space<vmem>>, vector<1x16xf32>,
      %get3A_999 = vector.shape_cast %get3A_998 : vector<1x16xf32> to vector<16xf32>
      %min3A_1000 = arith.minimumf %min3A_995, %get3A_999 : vector<16xf32>
      %get3A_1001 = arith.index_cast %scan3A_906 : i32 to index
      %get3A_1002 = arith.constant 304 : index
      %get3A_1003 = tpu.vector_load %arg4[%get3A_1001, %get3A_1002] {strides = array<i32>} : memref<32x512xf32, #tpu.memory_space<vmem>>, vector<1x16xf32>,
      %get3A_1004 = vector.shape_cast %get3A_1003 : vector<1x16xf32> to vector<16xf32>
      %min3A_1005 = arith.minimumf %min3A_1000, %get3A_1004 : vector<16xf32>
      %get3A_1006 = arith.index_cast %scan3A_906 : i32 to index
      %get3A_1007 = arith.constant 320 : index
      %get3A_1008 = tpu.vector_load %arg4[%get3A_1006, %get3A_1007] {strides = array<i32>} : memref<32x512xf32, #tpu.memory_space<vmem>>, vector<1x16xf32>,
      %get3A_1009 = vector.shape_cast %get3A_1008 : vector<1x16xf32> to vector<16xf32>
      %min3A_1010 = arith.minimumf %min3A_1005, %get3A_1009 : vector<16xf32>
      %get3A_1011 = arith.index_cast %scan3A_906 : i32 to index
      %get3A_1012 = arith.constant 336 : index
      %get3A_1013 = tpu.vector_load %arg4[%get3A_1011, %get3A_1012] {strides = array<i32>} : memref<32x512xf32, #tpu.memory_space<vmem>>, vector<1x16xf32>,
      %get3A_1014 = vector.shape_cast %get3A_1013 : vector<1x16xf32> to vector<16xf32>
      %min3A_1015 = arith.minimumf %min3A_1010, %get3A_1014 : vector<16xf32>
      %get3A_1016 = arith.index_cast %scan3A_906 : i32 to index
      %get3A_1017 = arith.constant 352 : index
      %get3A_1018 = tpu.vector_load %arg4[%get3A_1016, %get3A_1017] {strides = array<i32>} : memref<32x512xf32, #tpu.memory_space<vmem>>, vector<1x16xf32>,
      %get3A_1019 = vector.shape_cast %get3A_1018 : vector<1x16xf32> to vector<16xf32>
      %min3A_1020 = arith.minimumf %min3A_1015, %get3A_1019 : vector<16xf32>
      %get3A_1021 = arith.index_cast %scan3A_906 : i32 to index
      %get3A_1022 = arith.constant 368 : index
      %get3A_1023 = tpu.vector_load %arg4[%get3A_1021, %get3A_1022] {strides = array<i32>} : memref<32x512xf32, #tpu.memory_space<vmem>>, vector<1x16xf32>,
      %get3A_1024 = vector.shape_cast %get3A_1023 : vector<1x16xf32> to vector<16xf32>
      %min3A_1025 = arith.minimumf %min3A_1020, %get3A_1024 : vector<16xf32>
      %get3A_1026 = arith.index_cast %scan3A_906 : i32 to index
      %get3A_1027 = arith.constant 384 : index
      %get3A_1028 = tpu.vector_load %arg4[%get3A_1026, %get3A_1027] {strides = array<i32>} : memref<32x512xf32, #tpu.memory_space<vmem>>, vector<1x16xf32>,
      %get3A_1029 = vector.shape_cast %get3A_1028 : vector<1x16xf32> to vector<16xf32>
      %min3A_1030 = arith.minimumf %min3A_1025, %get3A_1029 : vector<16xf32>
      %get3A_1031 = arith.index_cast %scan3A_906 : i32 to index
      %get3A_1032 = arith.constant 400 : index
      %get3A_1033 = tpu.vector_load %arg4[%get3A_1031, %get3A_1032] {strides = array<i32>} : memref<32x512xf32, #tpu.memory_space<vmem>>, vector<1x16xf32>,
      %get3A_1034 = vector.shape_cast %get3A_1033 : vector<1x16xf32> to vector<16xf32>
      %min3A_1035 = arith.minimumf %min3A_1030, %get3A_1034 : vector<16xf32>
      %get3A_1036 = arith.index_cast %scan3A_906 : i32 to index
      %get3A_1037 = arith.constant 416 : index
      %get3A_1038 = tpu.vector_load %arg4[%get3A_1036, %get3A_1037] {strides = array<i32>} : memref<32x512xf32, #tpu.memory_space<vmem>>, vector<1x16xf32>,
      %get3A_1039 = vector.shape_cast %get3A_1038 : vector<1x16xf32> to vector<16xf32>
      %min3A_1040 = arith.minimumf %min3A_1035, %get3A_1039 : vector<16xf32>
      %get3A_1041 = arith.index_cast %scan3A_906 : i32 to index
      %get3A_1042 = arith.constant 432 : index
      %get3A_1043 = tpu.vector_load %arg4[%get3A_1041, %get3A_1042] {strides = array<i32>} : memref<32x512xf32, #tpu.memory_space<vmem>>, vector<1x16xf32>,
      %get3A_1044 = vector.shape_cast %get3A_1043 : vector<1x16xf32> to vector<16xf32>
      %min3A_1045 = arith.minimumf %min3A_1040, %get3A_1044 : vector<16xf32>
      %get3A_1046 = arith.index_cast %scan3A_906 : i32 to index
      %get3A_1047 = arith.constant 448 : index
      %get3A_1048 = tpu.vector_load %arg4[%get3A_1046, %get3A_1047] {strides = array<i32>} : memref<32x512xf32, #tpu.memory_space<vmem>>, vector<1x16xf32>,
      %get3A_1049 = vector.shape_cast %get3A_1048 : vector<1x16xf32> to vector<16xf32>
      %min3A_1050 = arith.minimumf %min3A_1045, %get3A_1049 : vector<16xf32>
      %get3A_1051 = arith.index_cast %scan3A_906 : i32 to index
      %get3A_1052 = arith.constant 464 : index
      %get3A_1053 = tpu.vector_load %arg4[%get3A_1051, %get3A_1052] {strides = array<i32>} : memref<32x512xf32, #tpu.memory_space<vmem>>, vector<1x16xf32>,
      %get3A_1054 = vector.shape_cast %get3A_1053 : vector<1x16xf32> to vector<16xf32>
      %min3A_1055 = arith.minimumf %min3A_1050, %get3A_1054 : vector<16xf32>
      %get3A_1056 = arith.index_cast %scan3A_906 : i32 to index
      %get3A_1057 = arith.constant 480 : index
      %get3A_1058 = tpu.vector_load %arg4[%get3A_1056, %get3A_1057] {strides = array<i32>} : memref<32x512xf32, #tpu.memory_space<vmem>>, vector<1x16xf32>,
      %get3A_1059 = vector.shape_cast %get3A_1058 : vector<1x16xf32> to vector<16xf32>
      %min3A_1060 = arith.minimumf %min3A_1055, %get3A_1059 : vector<16xf32>
      %get3A_1061 = arith.index_cast %scan3A_906 : i32 to index
      %get3A_1062 = arith.constant 496 : index
      %get3A_1063 = tpu.vector_load %arg4[%get3A_1061, %get3A_1062] {strides = array<i32>} : memref<32x512xf32, #tpu.memory_space<vmem>>, vector<1x16xf32>,
      %get3A_1064 = vector.shape_cast %get3A_1063 : vector<1x16xf32> to vector<16xf32>
      %min3A_1065 = arith.minimumf %min3A_1060, %get3A_1064 : vector<16xf32>
      scf.yield %min3A_1065 : vector<16xf32>
    }
    %scan3A_757 = arith.constant 32 : i32
    %dma_wait3A_758 = arith.constant 0 : i32
    %dma_wait3A_759 = arith.constant 0 : i32
    %dma_wait3A_760 = arith.constant 0 : i32
    %dma_wait3A_761 = tpu.memref_slice %arg2[%dma_wait3A_758, %dma_wait3A_759, %dma_wait3A_760] : memref<784x64x512xf32, #tpu.memory_space<hbm>> -> memref<1x32x512xf32, #tpu.memory_space<hbm>>
    %dma_wait3A_762 = tpu.memref_squeeze %dma_wait3A_761 : memref<1x32x512xf32, #tpu.memory_space<hbm>> -> memref<32x512xf32, #tpu.memory_space<hbm>>
    %dma_wait3A_763 = arith.constant 0 : i32
    %dma_wait3A_764 = arith.constant 0 : i32
    %dma_wait3A_765 = tpu.memref_slice %arg2[%dma_wait3A_758, %dma_wait3A_763, %dma_wait3A_764] : memref<784x64x512xf32, #tpu.memory_space<hbm>> -> memref<1x32x512xf32, #tpu.memory_space<hbm>>
    %dma_wait3A_766 = tpu.memref_squeeze %dma_wait3A_765 : memref<1x32x512xf32, #tpu.memory_space<hbm>> -> memref<32x512xf32, #tpu.memory_space<hbm>>
    tpu.wait_dma2 semaphore(%arg8 : memref<!tpu.dma_semaphore, #tpu.memory_space<semaphore_mem>>) src(%dma_wait3A_766 : memref<32x512xf32, #tpu.memory_space<hbm>>) dst(%arg5 : memref<32x512xf32, #tpu.memory_space<vmem>>)
    %add3A_767 = arith.constant 12 : i32
    %add3A_768 = arith.addi %add3A_4, %add3A_767 : i32
    %jit3A_769 = arith.constant 2 : i32
    %div3A_770 = arith.divsi %add3A_768, %jit3A_769 : i32
    %sign3A_771 = arith.constant 0 : i32
    %sign3A_772 = arith.cmpi sgt, %add3A_768, %sign3A_771 : i32
    %sign3A_773 = arith.extui %sign3A_772 : i1 to i32
    %sign3A_774 = arith.constant 0 : i32
    %sign3A_775 = arith.cmpi slt, %add3A_768, %sign3A_774 : i32
    %sign3A_776 = arith.extui %sign3A_775 : i1 to i32
    %sign3A_777 = arith.subi %sign3A_773, %sign3A_776 : i32
    %sign3A_778 = arith.constant 0 : i32
    %sign3A_779 = arith.cmpi sgt, %jit3A_769, %sign3A_778 : i32
    %sign3A_780 = arith.extui %sign3A_779 : i1 to i32
    %sign3A_781 = arith.constant 0 : i32
    %sign3A_782 = arith.cmpi slt, %jit3A_769, %sign3A_781 : i32
    %sign3A_783 = arith.extui %sign3A_782 : i1 to i32
    %sign3A_784 = arith.subi %sign3A_780, %sign3A_783 : i32
    %ne3A_785 = arith.cmpi ne, %sign3A_777, %sign3A_784 : i32
    %rem3A_786 = arith.remsi %add3A_768, %jit3A_769 : i32
    %ne3A_787 = arith.constant 0 : i32
    %ne3A_788 = arith.cmpi ne, %rem3A_786, %ne3A_787 : i32
    %and3A_789 = arith.andi %ne3A_785, %ne3A_788 : i1
    %sub3A_790 = arith.constant 1 : i32
    %sub3A_791 = arith.subi %div3A_770, %sub3A_790 : i32
    %select_n3A_792 = arith.select %and3A_789, %sub3A_791, %div3A_770 : i32
    %jit3A_793 = arith.constant 2 : i32
    %eq3A_794 = arith.constant 0 : i32
    %eq3A_795 = arith.cmpi eq, %jit3A_793, %eq3A_794 : i32
    %jit3A_796 = arith.constant 1 : i32
    %select_n3A_797 = arith.select %eq3A_795, %jit3A_796, %jit3A_793 : i32
    %rem3A_798 = arith.remsi %add3A_768, %select_n3A_797 : i32
    %ne3A_799 = arith.constant 0 : i32
    %ne3A_800 = arith.cmpi ne, %rem3A_798, %ne3A_799 : i32
    %lt3A_801 = arith.constant 0 : i32
    %lt3A_802 = arith.cmpi slt, %rem3A_798, %lt3A_801 : i32
    %lt3A_803 = arith.constant 0 : i32
    %lt3A_804 = arith.cmpi slt, %select_n3A_797, %lt3A_803 : i32
    %ne3A_805 = arith.xori %lt3A_802, %lt3A_804 : i1
    %and3A_806 = arith.andi %ne3A_805, %ne3A_800 : i1
    %add3A_807 = arith.addi %rem3A_798, %select_n3A_797 : i32
    %select_n3A_808 = arith.select %and3A_806, %add3A_807, %rem3A_798 : i32
    %mul3A_809 = arith.constant 32 : i32
    %mul3A_810 = arith.muli %select_n3A_808, %mul3A_809 : i32
    %dma_start3A_811 = arith.constant 0 : i32
    %dma_start3A_812 = tpu.memref_slice %arg2[%select_n3A_792, %mul3A_810, %dma_start3A_811] : memref<784x64x512xf32, #tpu.memory_space<hbm>> -> memref<1x32x512xf32, #tpu.memory_space<hbm>>
    %dma_start3A_813 = tpu.memref_squeeze %dma_start3A_812 : memref<1x32x512xf32, #tpu.memory_space<hbm>> -> memref<32x512xf32, #tpu.memory_space<hbm>>
    %dma_start3A_814 = arith.constant 0 : i32
    %dma_start3A_815 = tpu.memref_slice %arg2[%select_n3A_792, %mul3A_810, %dma_start3A_814] : memref<784x64x512xf32, #tpu.memory_space<hbm>> -> memref<1x32x512xf32, #tpu.memory_space<hbm>>
    %dma_start3A_816 = tpu.memref_squeeze %dma_start3A_815 : memref<1x32x512xf32, #tpu.memory_space<hbm>> -> memref<32x512xf32, #tpu.memory_space<hbm>>
    tpu.enqueue_dma source(%dma_start3A_816 : memref<32x512xf32, #tpu.memory_space<hbm>>) target(%arg4 : memref<32x512xf32, #tpu.memory_space<vmem>>) target_semaphore(%arg7 : memref<!tpu.dma_semaphore, #tpu.memory_space<semaphore_mem>>)
    %scan3A_817 = arith.constant 0 : i32
    %scan3A_818 = arith.constant 32 : i32
    %scan3A_819 = arith.addi %scan3A_817, %scan3A_818 : i32
    %scan3A_820 = arith.constant 1 : i32
    %scan3A_821 = scf.for %scan3A_906 = %scan3A_817 to %scan3A_819 step %scan3A_820 iter_args(%scan3A_907 = %scan3A_756) -> (vector<16xf32>)  : i32 {
      %get3A = arith.index_cast %scan3A_906 : i32 to index
      %get3A_908 = arith.constant 0 : index
      %get3A_909 = tpu.vector_load %arg5[%get3A, %get3A_908] {strides = array<i32>} : memref<32x512xf32, #tpu.memory_space<vmem>>, vector<1x16xf32>,
      %get3A_910 = vector.shape_cast %get3A_909 : vector<1x16xf32> to vector<16xf32>
      %min3A = arith.minimumf %scan3A_907, %get3A_910 : vector<16xf32>
      %get3A_911 = arith.index_cast %scan3A_906 : i32 to index
      %get3A_912 = arith.constant 16 : index
      %get3A_913 = tpu.vector_load %arg5[%get3A_911, %get3A_912] {strides = array<i32>} : memref<32x512xf32, #tpu.memory_space<vmem>>, vector<1x16xf32>,
      %get3A_914 = vector.shape_cast %get3A_913 : vector<1x16xf32> to vector<16xf32>
      %min3A_915 = arith.minimumf %min3A, %get3A_914 : vector<16xf32>
      %get3A_916 = arith.index_cast %scan3A_906 : i32 to index
      %get3A_917 = arith.constant 32 : index
      %get3A_918 = tpu.vector_load %arg5[%get3A_916, %get3A_917] {strides = array<i32>} : memref<32x512xf32, #tpu.memory_space<vmem>>, vector<1x16xf32>,
      %get3A_919 = vector.shape_cast %get3A_918 : vector<1x16xf32> to vector<16xf32>
      %min3A_920 = arith.minimumf %min3A_915, %get3A_919 : vector<16xf32>
      %get3A_921 = arith.index_cast %scan3A_906 : i32 to index
      %get3A_922 = arith.constant 48 : index
      %get3A_923 = tpu.vector_load %arg5[%get3A_921, %get3A_922] {strides = array<i32>} : memref<32x512xf32, #tpu.memory_space<vmem>>, vector<1x16xf32>,
      %get3A_924 = vector.shape_cast %get3A_923 : vector<1x16xf32> to vector<16xf32>
      %min3A_925 = arith.minimumf %min3A_920, %get3A_924 : vector<16xf32>
      %get3A_926 = arith.index_cast %scan3A_906 : i32 to index
      %get3A_927 = arith.constant 64 : index
      %get3A_928 = tpu.vector_load %arg5[%get3A_926, %get3A_927] {strides = array<i32>} : memref<32x512xf32, #tpu.memory_space<vmem>>, vector<1x16xf32>,
      %get3A_929 = vector.shape_cast %get3A_928 : vector<1x16xf32> to vector<16xf32>
      %min3A_930 = arith.minimumf %min3A_925, %get3A_929 : vector<16xf32>
      %get3A_931 = arith.index_cast %scan3A_906 : i32 to index
      %get3A_932 = arith.constant 80 : index
      %get3A_933 = tpu.vector_load %arg5[%get3A_931, %get3A_932] {strides = array<i32>} : memref<32x512xf32, #tpu.memory_space<vmem>>, vector<1x16xf32>,
      %get3A_934 = vector.shape_cast %get3A_933 : vector<1x16xf32> to vector<16xf32>
      %min3A_935 = arith.minimumf %min3A_930, %get3A_934 : vector<16xf32>
      %get3A_936 = arith.index_cast %scan3A_906 : i32 to index
      %get3A_937 = arith.constant 96 : index
      %get3A_938 = tpu.vector_load %arg5[%get3A_936, %get3A_937] {strides = array<i32>} : memref<32x512xf32, #tpu.memory_space<vmem>>, vector<1x16xf32>,
      %get3A_939 = vector.shape_cast %get3A_938 : vector<1x16xf32> to vector<16xf32>
      %min3A_940 = arith.minimumf %min3A_935, %get3A_939 : vector<16xf32>
      %get3A_941 = arith.index_cast %scan3A_906 : i32 to index
      %get3A_942 = arith.constant 112 : index
      %get3A_943 = tpu.vector_load %arg5[%get3A_941, %get3A_942] {strides = array<i32>} : memref<32x512xf32, #tpu.memory_space<vmem>>, vector<1x16xf32>,
      %get3A_944 = vector.shape_cast %get3A_943 : vector<1x16xf32> to vector<16xf32>
      %min3A_945 = arith.minimumf %min3A_940, %get3A_944 : vector<16xf32>
      %get3A_946 = arith.index_cast %scan3A_906 : i32 to index
      %get3A_947 = arith.constant 128 : index
      %get3A_948 = tpu.vector_load %arg5[%get3A_946, %get3A_947] {strides = array<i32>} : memref<32x512xf32, #tpu.memory_space<vmem>>, vector<1x16xf32>,
      %get3A_949 = vector.shape_cast %get3A_948 : vector<1x16xf32> to vector<16xf32>
      %min3A_950 = arith.minimumf %min3A_945, %get3A_949 : vector<16xf32>
      %get3A_951 = arith.index_cast %scan3A_906 : i32 to index
      %get3A_952 = arith.constant 144 : index
      %get3A_953 = tpu.vector_load %arg5[%get3A_951, %get3A_952] {strides = array<i32>} : memref<32x512xf32, #tpu.memory_space<vmem>>, vector<1x16xf32>,
      %get3A_954 = vector.shape_cast %get3A_953 : vector<1x16xf32> to vector<16xf32>
      %min3A_955 = arith.minimumf %min3A_950, %get3A_954 : vector<16xf32>
      %get3A_956 = arith.index_cast %scan3A_906 : i32 to index
      %get3A_957 = arith.constant 160 : index
      %get3A_958 = tpu.vector_load %arg5[%get3A_956, %get3A_957] {strides = array<i32>} : memref<32x512xf32, #tpu.memory_space<vmem>>, vector<1x16xf32>,
      %get3A_959 = vector.shape_cast %get3A_958 : vector<1x16xf32> to vector<16xf32>
      %min3A_960 = arith.minimumf %min3A_955, %get3A_959 : vector<16xf32>
      %get3A_961 = arith.index_cast %scan3A_906 : i32 to index
      %get3A_962 = arith.constant 176 : index
      %get3A_963 = tpu.vector_load %arg5[%get3A_961, %get3A_962] {strides = array<i32>} : memref<32x512xf32, #tpu.memory_space<vmem>>, vector<1x16xf32>,
      %get3A_964 = vector.shape_cast %get3A_963 : vector<1x16xf32> to vector<16xf32>
      %min3A_965 = arith.minimumf %min3A_960, %get3A_964 : vector<16xf32>
      %get3A_966 = arith.index_cast %scan3A_906 : i32 to index
      %get3A_967 = arith.constant 192 : index
      %get3A_968 = tpu.vector_load %arg5[%get3A_966, %get3A_967] {strides = array<i32>} : memref<32x512xf32, #tpu.memory_space<vmem>>, vector<1x16xf32>,
      %get3A_969 = vector.shape_cast %get3A_968 : vector<1x16xf32> to vector<16xf32>
      %min3A_970 = arith.minimumf %min3A_965, %get3A_969 : vector<16xf32>
      %get3A_971 = arith.index_cast %scan3A_906 : i32 to index
      %get3A_972 = arith.constant 208 : index
      %get3A_973 = tpu.vector_load %arg5[%get3A_971, %get3A_972] {strides = array<i32>} : memref<32x512xf32, #tpu.memory_space<vmem>>, vector<1x16xf32>,
      %get3A_974 = vector.shape_cast %get3A_973 : vector<1x16xf32> to vector<16xf32>
      %min3A_975 = arith.minimumf %min3A_970, %get3A_974 : vector<16xf32>
      %get3A_976 = arith.index_cast %scan3A_906 : i32 to index
      %get3A_977 = arith.constant 224 : index
      %get3A_978 = tpu.vector_load %arg5[%get3A_976, %get3A_977] {strides = array<i32>} : memref<32x512xf32, #tpu.memory_space<vmem>>, vector<1x16xf32>,
      %get3A_979 = vector.shape_cast %get3A_978 : vector<1x16xf32> to vector<16xf32>
      %min3A_980 = arith.minimumf %min3A_975, %get3A_979 : vector<16xf32>
      %get3A_981 = arith.index_cast %scan3A_906 : i32 to index
      %get3A_982 = arith.constant 240 : index
      %get3A_983 = tpu.vector_load %arg5[%get3A_981, %get3A_982] {strides = array<i32>} : memref<32x512xf32, #tpu.memory_space<vmem>>, vector<1x16xf32>,
      %get3A_984 = vector.shape_cast %get3A_983 : vector<1x16xf32> to vector<16xf32>
      %min3A_985 = arith.minimumf %min3A_980, %get3A_984 : vector<16xf32>
      %get3A_986 = arith.index_cast %scan3A_906 : i32 to index
      %get3A_987 = arith.constant 256 : index
      %get3A_988 = tpu.vector_load %arg5[%get3A_986, %get3A_987] {strides = array<i32>} : memref<32x512xf32, #tpu.memory_space<vmem>>, vector<1x16xf32>,
      %get3A_989 = vector.shape_cast %get3A_988 : vector<1x16xf32> to vector<16xf32>
      %min3A_990 = arith.minimumf %min3A_985, %get3A_989 : vector<16xf32>
      %get3A_991 = arith.index_cast %scan3A_906 : i32 to index
      %get3A_992 = arith.constant 272 : index
      %get3A_993 = tpu.vector_load %arg5[%get3A_991, %get3A_992] {strides = array<i32>} : memref<32x512xf32, #tpu.memory_space<vmem>>, vector<1x16xf32>,
      %get3A_994 = vector.shape_cast %get3A_993 : vector<1x16xf32> to vector<16xf32>
      %min3A_995 = arith.minimumf %min3A_990, %get3A_994 : vector<16xf32>
      %get3A_996 = arith.index_cast %scan3A_906 : i32 to index
      %get3A_997 = arith.constant 288 : index
      %get3A_998 = tpu.vector_load %arg5[%get3A_996, %get3A_997] {strides = array<i32>} : memref<32x512xf32, #tpu.memory_space<vmem>>, vector<1x16xf32>,
      %get3A_999 = vector.shape_cast %get3A_998 : vector<1x16xf32> to vector<16xf32>
      %min3A_1000 = arith.minimumf %min3A_995, %get3A_999 : vector<16xf32>
      %get3A_1001 = arith.index_cast %scan3A_906 : i32 to index
      %get3A_1002 = arith.constant 304 : index
      %get3A_1003 = tpu.vector_load %arg5[%get3A_1001, %get3A_1002] {strides = array<i32>} : memref<32x512xf32, #tpu.memory_space<vmem>>, vector<1x16xf32>,
      %get3A_1004 = vector.shape_cast %get3A_1003 : vector<1x16xf32> to vector<16xf32>
      %min3A_1005 = arith.minimumf %min3A_1000, %get3A_1004 : vector<16xf32>
      %get3A_1006 = arith.index_cast %scan3A_906 : i32 to index
      %get3A_1007 = arith.constant 320 : index
      %get3A_1008 = tpu.vector_load %arg5[%get3A_1006, %get3A_1007] {strides = array<i32>} : memref<32x512xf32, #tpu.memory_space<vmem>>, vector<1x16xf32>,
      %get3A_1009 = vector.shape_cast %get3A_1008 : vector<1x16xf32> to vector<16xf32>
      %min3A_1010 = arith.minimumf %min3A_1005, %get3A_1009 : vector<16xf32>
      %get3A_1011 = arith.index_cast %scan3A_906 : i32 to index
      %get3A_1012 = arith.constant 336 : index
      %get3A_1013 = tpu.vector_load %arg5[%get3A_1011, %get3A_1012] {strides = array<i32>} : memref<32x512xf32, #tpu.memory_space<vmem>>, vector<1x16xf32>,
      %get3A_1014 = vector.shape_cast %get3A_1013 : vector<1x16xf32> to vector<16xf32>
      %min3A_1015 = arith.minimumf %min3A_1010, %get3A_1014 : vector<16xf32>
      %get3A_1016 = arith.index_cast %scan3A_906 : i32 to index
      %get3A_1017 = arith.constant 352 : index
      %get3A_1018 = tpu.vector_load %arg5[%get3A_1016, %get3A_1017] {strides = array<i32>} : memref<32x512xf32, #tpu.memory_space<vmem>>, vector<1x16xf32>,
      %get3A_1019 = vector.shape_cast %get3A_1018 : vector<1x16xf32> to vector<16xf32>
      %min3A_1020 = arith.minimumf %min3A_1015, %get3A_1019 : vector<16xf32>
      %get3A_1021 = arith.index_cast %scan3A_906 : i32 to index
      %get3A_1022 = arith.constant 368 : index
      %get3A_1023 = tpu.vector_load %arg5[%get3A_1021, %get3A_1022] {strides = array<i32>} : memref<32x512xf32, #tpu.memory_space<vmem>>, vector<1x16xf32>,
      %get3A_1024 = vector.shape_cast %get3A_1023 : vector<1x16xf32> to vector<16xf32>
      %min3A_1025 = arith.minimumf %min3A_1020, %get3A_1024 : vector<16xf32>
      %get3A_1026 = arith.index_cast %scan3A_906 : i32 to index
      %get3A_1027 = arith.constant 384 : index
      %get3A_1028 = tpu.vector_load %arg5[%get3A_1026, %get3A_1027] {strides = array<i32>} : memref<32x512xf32, #tpu.memory_space<vmem>>, vector<1x16xf32>,
      %get3A_1029 = vector.shape_cast %get3A_1028 : vector<1x16xf32> to vector<16xf32>
      %min3A_1030 = arith.minimumf %min3A_1025, %get3A_1029 : vector<16xf32>
      %get3A_1031 = arith.index_cast %scan3A_906 : i32 to index
      %get3A_1032 = arith.constant 400 : index
      %get3A_1033 = tpu.vector_load %arg5[%get3A_1031, %get3A_1032] {strides = array<i32>} : memref<32x512xf32, #tpu.memory_space<vmem>>, vector<1x16xf32>,
      %get3A_1034 = vector.shape_cast %get3A_1033 : vector<1x16xf32> to vector<16xf32>
      %min3A_1035 = arith.minimumf %min3A_1030, %get3A_1034 : vector<16xf32>
      %get3A_1036 = arith.index_cast %scan3A_906 : i32 to index
      %get3A_1037 = arith.constant 416 : index
      %get3A_1038 = tpu.vector_load %arg5[%get3A_1036, %get3A_1037] {strides = array<i32>} : memref<32x512xf32, #tpu.memory_space<vmem>>, vector<1x16xf32>,
      %get3A_1039 = vector.shape_cast %get3A_1038 : vector<1x16xf32> to vector<16xf32>
      %min3A_1040 = arith.minimumf %min3A_1035, %get3A_1039 : vector<16xf32>
      %get3A_1041 = arith.index_cast %scan3A_906 : i32 to index
      %get3A_1042 = arith.constant 432 : index
      %get3A_1043 = tpu.vector_load %arg5[%get3A_1041, %get3A_1042] {strides = array<i32>} : memref<32x512xf32, #tpu.memory_space<vmem>>, vector<1x16xf32>,
      %get3A_1044 = vector.shape_cast %get3A_1043 : vector<1x16xf32> to vector<16xf32>
      %min3A_1045 = arith.minimumf %min3A_1040, %get3A_1044 : vector<16xf32>
      %get3A_1046 = arith.index_cast %scan3A_906 : i32 to index
      %get3A_1047 = arith.constant 448 : index
      %get3A_1048 = tpu.vector_load %arg5[%get3A_1046, %get3A_1047] {strides = array<i32>} : memref<32x512xf32, #tpu.memory_space<vmem>>, vector<1x16xf32>,
      %get3A_1049 = vector.shape_cast %get3A_1048 : vector<1x16xf32> to vector<16xf32>
      %min3A_1050 = arith.minimumf %min3A_1045, %get3A_1049 : vector<16xf32>
      %get3A_1051 = arith.index_cast %scan3A_906 : i32 to index
      %get3A_1052 = arith.constant 464 : index
      %get3A_1053 = tpu.vector_load %arg5[%get3A_1051, %get3A_1052] {strides = array<i32>} : memref<32x512xf32, #tpu.memory_space<vmem>>, vector<1x16xf32>,
      %get3A_1054 = vector.shape_cast %get3A_1053 : vector<1x16xf32> to vector<16xf32>
      %min3A_1055 = arith.minimumf %min3A_1050, %get3A_1054 : vector<16xf32>
      %get3A_1056 = arith.index_cast %scan3A_906 : i32 to index
      %get3A_1057 = arith.constant 480 : index
      %get3A_1058 = tpu.vector_load %arg5[%get3A_1056, %get3A_1057] {strides = array<i32>} : memref<32x512xf32, #tpu.memory_space<vmem>>, vector<1x16xf32>,
      %get3A_1059 = vector.shape_cast %get3A_1058 : vector<1x16xf32> to vector<16xf32>
      %min3A_1060 = arith.minimumf %min3A_1055, %get3A_1059 : vector<16xf32>
      %get3A_1061 = arith.index_cast %scan3A_906 : i32 to index
      %get3A_1062 = arith.constant 496 : index
      %get3A_1063 = tpu.vector_load %arg5[%get3A_1061, %get3A_1062] {strides = array<i32>} : memref<32x512xf32, #tpu.memory_space<vmem>>, vector<1x16xf32>,
      %get3A_1064 = vector.shape_cast %get3A_1063 : vector<1x16xf32> to vector<16xf32>
      %min3A_1065 = arith.minimumf %min3A_1060, %get3A_1064 : vector<16xf32>
      scf.yield %min3A_1065 : vector<16xf32>
    }
    %scan3A_822 = arith.constant 32 : i32
    %dma_wait3A_823 = arith.constant 0 : i32
    %dma_wait3A_824 = arith.constant 0 : i32
    %dma_wait3A_825 = arith.constant 0 : i32
    %dma_wait3A_826 = tpu.memref_slice %arg2[%dma_wait3A_823, %dma_wait3A_824, %dma_wait3A_825] : memref<784x64x512xf32, #tpu.memory_space<hbm>> -> memref<1x32x512xf32, #tpu.memory_space<hbm>>
    %dma_wait3A_827 = tpu.memref_squeeze %dma_wait3A_826 : memref<1x32x512xf32, #tpu.memory_space<hbm>> -> memref<32x512xf32, #tpu.memory_space<hbm>>
    %dma_wait3A_828 = arith.constant 0 : i32
    %dma_wait3A_829 = arith.constant 0 : i32
    %dma_wait3A_830 = tpu.memref_slice %arg2[%dma_wait3A_823, %dma_wait3A_828, %dma_wait3A_829] : memref<784x64x512xf32, #tpu.memory_space<hbm>> -> memref<1x32x512xf32, #tpu.memory_space<hbm>>
    %dma_wait3A_831 = tpu.memref_squeeze %dma_wait3A_830 : memref<1x32x512xf32, #tpu.memory_space<hbm>> -> memref<32x512xf32, #tpu.memory_space<hbm>>
    tpu.wait_dma2 semaphore(%arg7 : memref<!tpu.dma_semaphore, #tpu.memory_space<semaphore_mem>>) src(%dma_wait3A_831 : memref<32x512xf32, #tpu.memory_space<hbm>>) dst(%arg4 : memref<32x512xf32, #tpu.memory_space<vmem>>)
    %add3A_832 = arith.constant 13 : i32
    %add3A_833 = arith.addi %add3A_4, %add3A_832 : i32
    %jit3A_834 = arith.constant 2 : i32
    %div3A_835 = arith.divsi %add3A_833, %jit3A_834 : i32
    %sign3A_836 = arith.constant 0 : i32
    %sign3A_837 = arith.cmpi sgt, %add3A_833, %sign3A_836 : i32
    %sign3A_838 = arith.extui %sign3A_837 : i1 to i32
    %sign3A_839 = arith.constant 0 : i32
    %sign3A_840 = arith.cmpi slt, %add3A_833, %sign3A_839 : i32
    %sign3A_841 = arith.extui %sign3A_840 : i1 to i32
    %sign3A_842 = arith.subi %sign3A_838, %sign3A_841 : i32
    %sign3A_843 = arith.constant 0 : i32
    %sign3A_844 = arith.cmpi sgt, %jit3A_834, %sign3A_843 : i32
    %sign3A_845 = arith.extui %sign3A_844 : i1 to i32
    %sign3A_846 = arith.constant 0 : i32
    %sign3A_847 = arith.cmpi slt, %jit3A_834, %sign3A_846 : i32
    %sign3A_848 = arith.extui %sign3A_847 : i1 to i32
    %sign3A_849 = arith.subi %sign3A_845, %sign3A_848 : i32
    %ne3A_850 = arith.cmpi ne, %sign3A_842, %sign3A_849 : i32
    %rem3A_851 = arith.remsi %add3A_833, %jit3A_834 : i32
    %ne3A_852 = arith.constant 0 : i32
    %ne3A_853 = arith.cmpi ne, %rem3A_851, %ne3A_852 : i32
    %and3A_854 = arith.andi %ne3A_850, %ne3A_853 : i1
    %sub3A_855 = arith.constant 1 : i32
    %sub3A_856 = arith.subi %div3A_835, %sub3A_855 : i32
    %select_n3A_857 = arith.select %and3A_854, %sub3A_856, %div3A_835 : i32
    %jit3A_858 = arith.constant 2 : i32
    %eq3A_859 = arith.constant 0 : i32
    %eq3A_860 = arith.cmpi eq, %jit3A_858, %eq3A_859 : i32
    %jit3A_861 = arith.constant 1 : i32
    %select_n3A_862 = arith.select %eq3A_860, %jit3A_861, %jit3A_858 : i32
    %rem3A_863 = arith.remsi %add3A_833, %select_n3A_862 : i32
    %ne3A_864 = arith.constant 0 : i32
    %ne3A_865 = arith.cmpi ne, %rem3A_863, %ne3A_864 : i32
    %lt3A_866 = arith.constant 0 : i32
    %lt3A_867 = arith.cmpi slt, %rem3A_863, %lt3A_866 : i32
    %lt3A_868 = arith.constant 0 : i32
    %lt3A_869 = arith.cmpi slt, %select_n3A_862, %lt3A_868 : i32
    %ne3A_870 = arith.xori %lt3A_867, %lt3A_869 : i1
    %and3A_871 = arith.andi %ne3A_870, %ne3A_865 : i1
    %add3A_872 = arith.addi %rem3A_863, %select_n3A_862 : i32
    %select_n3A_873 = arith.select %and3A_871, %add3A_872, %rem3A_863 : i32
    %mul3A_874 = arith.constant 32 : i32
    %mul3A_875 = arith.muli %select_n3A_873, %mul3A_874 : i32
    %dma_start3A_876 = arith.constant 0 : i32
    %dma_start3A_877 = tpu.memref_slice %arg2[%select_n3A_857, %mul3A_875, %dma_start3A_876] : memref<784x64x512xf32, #tpu.memory_space<hbm>> -> memref<1x32x512xf32, #tpu.memory_space<hbm>>
    %dma_start3A_878 = tpu.memref_squeeze %dma_start3A_877 : memref<1x32x512xf32, #tpu.memory_space<hbm>> -> memref<32x512xf32, #tpu.memory_space<hbm>>
    %dma_start3A_879 = arith.constant 0 : i32
    %dma_start3A_880 = tpu.memref_slice %arg2[%select_n3A_857, %mul3A_875, %dma_start3A_879] : memref<784x64x512xf32, #tpu.memory_space<hbm>> -> memref<1x32x512xf32, #tpu.memory_space<hbm>>
    %dma_start3A_881 = tpu.memref_squeeze %dma_start3A_880 : memref<1x32x512xf32, #tpu.memory_space<hbm>> -> memref<32x512xf32, #tpu.memory_space<hbm>>
    tpu.enqueue_dma source(%dma_start3A_881 : memref<32x512xf32, #tpu.memory_space<hbm>>) target(%arg5 : memref<32x512xf32, #tpu.memory_space<vmem>>) target_semaphore(%arg8 : memref<!tpu.dma_semaphore, #tpu.memory_space<semaphore_mem>>)
    %scan3A_882 = arith.constant 0 : i32
    %scan3A_883 = arith.constant 32 : i32
    %scan3A_884 = arith.addi %scan3A_882, %scan3A_883 : i32
    %scan3A_885 = arith.constant 1 : i32
    %scan3A_886 = scf.for %scan3A_906 = %scan3A_882 to %scan3A_884 step %scan3A_885 iter_args(%scan3A_907 = %scan3A_821) -> (vector<16xf32>)  : i32 {
      %get3A = arith.index_cast %scan3A_906 : i32 to index
      %get3A_908 = arith.constant 0 : index
      %get3A_909 = tpu.vector_load %arg4[%get3A, %get3A_908] {strides = array<i32>} : memref<32x512xf32, #tpu.memory_space<vmem>>, vector<1x16xf32>,
      %get3A_910 = vector.shape_cast %get3A_909 : vector<1x16xf32> to vector<16xf32>
      %min3A = arith.minimumf %scan3A_907, %get3A_910 : vector<16xf32>
      %get3A_911 = arith.index_cast %scan3A_906 : i32 to index
      %get3A_912 = arith.constant 16 : index
      %get3A_913 = tpu.vector_load %arg4[%get3A_911, %get3A_912] {strides = array<i32>} : memref<32x512xf32, #tpu.memory_space<vmem>>, vector<1x16xf32>,
      %get3A_914 = vector.shape_cast %get3A_913 : vector<1x16xf32> to vector<16xf32>
      %min3A_915 = arith.minimumf %min3A, %get3A_914 : vector<16xf32>
      %get3A_916 = arith.index_cast %scan3A_906 : i32 to index
      %get3A_917 = arith.constant 32 : index
      %get3A_918 = tpu.vector_load %arg4[%get3A_916, %get3A_917] {strides = array<i32>} : memref<32x512xf32, #tpu.memory_space<vmem>>, vector<1x16xf32>,
      %get3A_919 = vector.shape_cast %get3A_918 : vector<1x16xf32> to vector<16xf32>
      %min3A_920 = arith.minimumf %min3A_915, %get3A_919 : vector<16xf32>
      %get3A_921 = arith.index_cast %scan3A_906 : i32 to index
      %get3A_922 = arith.constant 48 : index
      %get3A_923 = tpu.vector_load %arg4[%get3A_921, %get3A_922] {strides = array<i32>} : memref<32x512xf32, #tpu.memory_space<vmem>>, vector<1x16xf32>,
      %get3A_924 = vector.shape_cast %get3A_923 : vector<1x16xf32> to vector<16xf32>
      %min3A_925 = arith.minimumf %min3A_920, %get3A_924 : vector<16xf32>
      %get3A_926 = arith.index_cast %scan3A_906 : i32 to index
      %get3A_927 = arith.constant 64 : index
      %get3A_928 = tpu.vector_load %arg4[%get3A_926, %get3A_927] {strides = array<i32>} : memref<32x512xf32, #tpu.memory_space<vmem>>, vector<1x16xf32>,
      %get3A_929 = vector.shape_cast %get3A_928 : vector<1x16xf32> to vector<16xf32>
      %min3A_930 = arith.minimumf %min3A_925, %get3A_929 : vector<16xf32>
      %get3A_931 = arith.index_cast %scan3A_906 : i32 to index
      %get3A_932 = arith.constant 80 : index
      %get3A_933 = tpu.vector_load %arg4[%get3A_931, %get3A_932] {strides = array<i32>} : memref<32x512xf32, #tpu.memory_space<vmem>>, vector<1x16xf32>,
      %get3A_934 = vector.shape_cast %get3A_933 : vector<1x16xf32> to vector<16xf32>
      %min3A_935 = arith.minimumf %min3A_930, %get3A_934 : vector<16xf32>
      %get3A_936 = arith.index_cast %scan3A_906 : i32 to index
      %get3A_937 = arith.constant 96 : index
      %get3A_938 = tpu.vector_load %arg4[%get3A_936, %get3A_937] {strides = array<i32>} : memref<32x512xf32, #tpu.memory_space<vmem>>, vector<1x16xf32>,
      %get3A_939 = vector.shape_cast %get3A_938 : vector<1x16xf32> to vector<16xf32>
      %min3A_940 = arith.minimumf %min3A_935, %get3A_939 : vector<16xf32>
      %get3A_941 = arith.index_cast %scan3A_906 : i32 to index
      %get3A_942 = arith.constant 112 : index
      %get3A_943 = tpu.vector_load %arg4[%get3A_941, %get3A_942] {strides = array<i32>} : memref<32x512xf32, #tpu.memory_space<vmem>>, vector<1x16xf32>,
      %get3A_944 = vector.shape_cast %get3A_943 : vector<1x16xf32> to vector<16xf32>
      %min3A_945 = arith.minimumf %min3A_940, %get3A_944 : vector<16xf32>
      %get3A_946 = arith.index_cast %scan3A_906 : i32 to index
      %get3A_947 = arith.constant 128 : index
      %get3A_948 = tpu.vector_load %arg4[%get3A_946, %get3A_947] {strides = array<i32>} : memref<32x512xf32, #tpu.memory_space<vmem>>, vector<1x16xf32>,
      %get3A_949 = vector.shape_cast %get3A_948 : vector<1x16xf32> to vector<16xf32>
      %min3A_950 = arith.minimumf %min3A_945, %get3A_949 : vector<16xf32>
      %get3A_951 = arith.index_cast %scan3A_906 : i32 to index
      %get3A_952 = arith.constant 144 : index
      %get3A_953 = tpu.vector_load %arg4[%get3A_951, %get3A_952] {strides = array<i32>} : memref<32x512xf32, #tpu.memory_space<vmem>>, vector<1x16xf32>,
      %get3A_954 = vector.shape_cast %get3A_953 : vector<1x16xf32> to vector<16xf32>
      %min3A_955 = arith.minimumf %min3A_950, %get3A_954 : vector<16xf32>
      %get3A_956 = arith.index_cast %scan3A_906 : i32 to index
      %get3A_957 = arith.constant 160 : index
      %get3A_958 = tpu.vector_load %arg4[%get3A_956, %get3A_957] {strides = array<i32>} : memref<32x512xf32, #tpu.memory_space<vmem>>, vector<1x16xf32>,
      %get3A_959 = vector.shape_cast %get3A_958 : vector<1x16xf32> to vector<16xf32>
      %min3A_960 = arith.minimumf %min3A_955, %get3A_959 : vector<16xf32>
      %get3A_961 = arith.index_cast %scan3A_906 : i32 to index
      %get3A_962 = arith.constant 176 : index
      %get3A_963 = tpu.vector_load %arg4[%get3A_961, %get3A_962] {strides = array<i32>} : memref<32x512xf32, #tpu.memory_space<vmem>>, vector<1x16xf32>,
      %get3A_964 = vector.shape_cast %get3A_963 : vector<1x16xf32> to vector<16xf32>
      %min3A_965 = arith.minimumf %min3A_960, %get3A_964 : vector<16xf32>
      %get3A_966 = arith.index_cast %scan3A_906 : i32 to index
      %get3A_967 = arith.constant 192 : index
      %get3A_968 = tpu.vector_load %arg4[%get3A_966, %get3A_967] {strides = array<i32>} : memref<32x512xf32, #tpu.memory_space<vmem>>, vector<1x16xf32>,
      %get3A_969 = vector.shape_cast %get3A_968 : vector<1x16xf32> to vector<16xf32>
      %min3A_970 = arith.minimumf %min3A_965, %get3A_969 : vector<16xf32>
      %get3A_971 = arith.index_cast %scan3A_906 : i32 to index
      %get3A_972 = arith.constant 208 : index
      %get3A_973 = tpu.vector_load %arg4[%get3A_971, %get3A_972] {strides = array<i32>} : memref<32x512xf32, #tpu.memory_space<vmem>>, vector<1x16xf32>,
      %get3A_974 = vector.shape_cast %get3A_973 : vector<1x16xf32> to vector<16xf32>
      %min3A_975 = arith.minimumf %min3A_970, %get3A_974 : vector<16xf32>
      %get3A_976 = arith.index_cast %scan3A_906 : i32 to index
      %get3A_977 = arith.constant 224 : index
      %get3A_978 = tpu.vector_load %arg4[%get3A_976, %get3A_977] {strides = array<i32>} : memref<32x512xf32, #tpu.memory_space<vmem>>, vector<1x16xf32>,
      %get3A_979 = vector.shape_cast %get3A_978 : vector<1x16xf32> to vector<16xf32>
      %min3A_980 = arith.minimumf %min3A_975, %get3A_979 : vector<16xf32>
      %get3A_981 = arith.index_cast %scan3A_906 : i32 to index
      %get3A_982 = arith.constant 240 : index
      %get3A_983 = tpu.vector_load %arg4[%get3A_981, %get3A_982] {strides = array<i32>} : memref<32x512xf32, #tpu.memory_space<vmem>>, vector<1x16xf32>,
      %get3A_984 = vector.shape_cast %get3A_983 : vector<1x16xf32> to vector<16xf32>
      %min3A_985 = arith.minimumf %min3A_980, %get3A_984 : vector<16xf32>
      %get3A_986 = arith.index_cast %scan3A_906 : i32 to index
      %get3A_987 = arith.constant 256 : index
      %get3A_988 = tpu.vector_load %arg4[%get3A_986, %get3A_987] {strides = array<i32>} : memref<32x512xf32, #tpu.memory_space<vmem>>, vector<1x16xf32>,
      %get3A_989 = vector.shape_cast %get3A_988 : vector<1x16xf32> to vector<16xf32>
      %min3A_990 = arith.minimumf %min3A_985, %get3A_989 : vector<16xf32>
      %get3A_991 = arith.index_cast %scan3A_906 : i32 to index
      %get3A_992 = arith.constant 272 : index
      %get3A_993 = tpu.vector_load %arg4[%get3A_991, %get3A_992] {strides = array<i32>} : memref<32x512xf32, #tpu.memory_space<vmem>>, vector<1x16xf32>,
      %get3A_994 = vector.shape_cast %get3A_993 : vector<1x16xf32> to vector<16xf32>
      %min3A_995 = arith.minimumf %min3A_990, %get3A_994 : vector<16xf32>
      %get3A_996 = arith.index_cast %scan3A_906 : i32 to index
      %get3A_997 = arith.constant 288 : index
      %get3A_998 = tpu.vector_load %arg4[%get3A_996, %get3A_997] {strides = array<i32>} : memref<32x512xf32, #tpu.memory_space<vmem>>, vector<1x16xf32>,
      %get3A_999 = vector.shape_cast %get3A_998 : vector<1x16xf32> to vector<16xf32>
      %min3A_1000 = arith.minimumf %min3A_995, %get3A_999 : vector<16xf32>
      %get3A_1001 = arith.index_cast %scan3A_906 : i32 to index
      %get3A_1002 = arith.constant 304 : index
      %get3A_1003 = tpu.vector_load %arg4[%get3A_1001, %get3A_1002] {strides = array<i32>} : memref<32x512xf32, #tpu.memory_space<vmem>>, vector<1x16xf32>,
      %get3A_1004 = vector.shape_cast %get3A_1003 : vector<1x16xf32> to vector<16xf32>
      %min3A_1005 = arith.minimumf %min3A_1000, %get3A_1004 : vector<16xf32>
      %get3A_1006 = arith.index_cast %scan3A_906 : i32 to index
      %get3A_1007 = arith.constant 320 : index
      %get3A_1008 = tpu.vector_load %arg4[%get3A_1006, %get3A_1007] {strides = array<i32>} : memref<32x512xf32, #tpu.memory_space<vmem>>, vector<1x16xf32>,
      %get3A_1009 = vector.shape_cast %get3A_1008 : vector<1x16xf32> to vector<16xf32>
      %min3A_1010 = arith.minimumf %min3A_1005, %get3A_1009 : vector<16xf32>
      %get3A_1011 = arith.index_cast %scan3A_906 : i32 to index
      %get3A_1012 = arith.constant 336 : index
      %get3A_1013 = tpu.vector_load %arg4[%get3A_1011, %get3A_1012] {strides = array<i32>} : memref<32x512xf32, #tpu.memory_space<vmem>>, vector<1x16xf32>,
      %get3A_1014 = vector.shape_cast %get3A_1013 : vector<1x16xf32> to vector<16xf32>
      %min3A_1015 = arith.minimumf %min3A_1010, %get3A_1014 : vector<16xf32>
      %get3A_1016 = arith.index_cast %scan3A_906 : i32 to index
      %get3A_1017 = arith.constant 352 : index
      %get3A_1018 = tpu.vector_load %arg4[%get3A_1016, %get3A_1017] {strides = array<i32>} : memref<32x512xf32, #tpu.memory_space<vmem>>, vector<1x16xf32>,
      %get3A_1019 = vector.shape_cast %get3A_1018 : vector<1x16xf32> to vector<16xf32>
      %min3A_1020 = arith.minimumf %min3A_1015, %get3A_1019 : vector<16xf32>
      %get3A_1021 = arith.index_cast %scan3A_906 : i32 to index
      %get3A_1022 = arith.constant 368 : index
      %get3A_1023 = tpu.vector_load %arg4[%get3A_1021, %get3A_1022] {strides = array<i32>} : memref<32x512xf32, #tpu.memory_space<vmem>>, vector<1x16xf32>,
      %get3A_1024 = vector.shape_cast %get3A_1023 : vector<1x16xf32> to vector<16xf32>
      %min3A_1025 = arith.minimumf %min3A_1020, %get3A_1024 : vector<16xf32>
      %get3A_1026 = arith.index_cast %scan3A_906 : i32 to index
      %get3A_1027 = arith.constant 384 : index
      %get3A_1028 = tpu.vector_load %arg4[%get3A_1026, %get3A_1027] {strides = array<i32>} : memref<32x512xf32, #tpu.memory_space<vmem>>, vector<1x16xf32>,
      %get3A_1029 = vector.shape_cast %get3A_1028 : vector<1x16xf32> to vector<16xf32>
      %min3A_1030 = arith.minimumf %min3A_1025, %get3A_1029 : vector<16xf32>
      %get3A_1031 = arith.index_cast %scan3A_906 : i32 to index
      %get3A_1032 = arith.constant 400 : index
      %get3A_1033 = tpu.vector_load %arg4[%get3A_1031, %get3A_1032] {strides = array<i32>} : memref<32x512xf32, #tpu.memory_space<vmem>>, vector<1x16xf32>,
      %get3A_1034 = vector.shape_cast %get3A_1033 : vector<1x16xf32> to vector<16xf32>
      %min3A_1035 = arith.minimumf %min3A_1030, %get3A_1034 : vector<16xf32>
      %get3A_1036 = arith.index_cast %scan3A_906 : i32 to index
      %get3A_1037 = arith.constant 416 : index
      %get3A_1038 = tpu.vector_load %arg4[%get3A_1036, %get3A_1037] {strides = array<i32>} : memref<32x512xf32, #tpu.memory_space<vmem>>, vector<1x16xf32>,
      %get3A_1039 = vector.shape_cast %get3A_1038 : vector<1x16xf32> to vector<16xf32>
      %min3A_1040 = arith.minimumf %min3A_1035, %get3A_1039 : vector<16xf32>
      %get3A_1041 = arith.index_cast %scan3A_906 : i32 to index
      %get3A_1042 = arith.constant 432 : index
      %get3A_1043 = tpu.vector_load %arg4[%get3A_1041, %get3A_1042] {strides = array<i32>} : memref<32x512xf32, #tpu.memory_space<vmem>>, vector<1x16xf32>,
      %get3A_1044 = vector.shape_cast %get3A_1043 : vector<1x16xf32> to vector<16xf32>
      %min3A_1045 = arith.minimumf %min3A_1040, %get3A_1044 : vector<16xf32>
      %get3A_1046 = arith.index_cast %scan3A_906 : i32 to index
      %get3A_1047 = arith.constant 448 : index
      %get3A_1048 = tpu.vector_load %arg4[%get3A_1046, %get3A_1047] {strides = array<i32>} : memref<32x512xf32, #tpu.memory_space<vmem>>, vector<1x16xf32>,
      %get3A_1049 = vector.shape_cast %get3A_1048 : vector<1x16xf32> to vector<16xf32>
      %min3A_1050 = arith.minimumf %min3A_1045, %get3A_1049 : vector<16xf32>
      %get3A_1051 = arith.index_cast %scan3A_906 : i32 to index
      %get3A_1052 = arith.constant 464 : index
      %get3A_1053 = tpu.vector_load %arg4[%get3A_1051, %get3A_1052] {strides = array<i32>} : memref<32x512xf32, #tpu.memory_space<vmem>>, vector<1x16xf32>,
      %get3A_1054 = vector.shape_cast %get3A_1053 : vector<1x16xf32> to vector<16xf32>
      %min3A_1055 = arith.minimumf %min3A_1050, %get3A_1054 : vector<16xf32>
      %get3A_1056 = arith.index_cast %scan3A_906 : i32 to index
      %get3A_1057 = arith.constant 480 : index
      %get3A_1058 = tpu.vector_load %arg4[%get3A_1056, %get3A_1057] {strides = array<i32>} : memref<32x512xf32, #tpu.memory_space<vmem>>, vector<1x16xf32>,
      %get3A_1059 = vector.shape_cast %get3A_1058 : vector<1x16xf32> to vector<16xf32>
      %min3A_1060 = arith.minimumf %min3A_1055, %get3A_1059 : vector<16xf32>
      %get3A_1061 = arith.index_cast %scan3A_906 : i32 to index
      %get3A_1062 = arith.constant 496 : index
      %get3A_1063 = tpu.vector_load %arg4[%get3A_1061, %get3A_1062] {strides = array<i32>} : memref<32x512xf32, #tpu.memory_space<vmem>>, vector<1x16xf32>,
      %get3A_1064 = vector.shape_cast %get3A_1063 : vector<1x16xf32> to vector<16xf32>
      %min3A_1065 = arith.minimumf %min3A_1060, %get3A_1064 : vector<16xf32>
      scf.yield %min3A_1065 : vector<16xf32>
    }
    %scan3A_887 = arith.constant 32 : i32
    %dma_wait3A_888 = arith.constant 0 : i32
    %dma_wait3A_889 = arith.constant 0 : i32
    %dma_wait3A_890 = arith.constant 0 : i32
    %dma_wait3A_891 = tpu.memref_slice %arg2[%dma_wait3A_888, %dma_wait3A_889, %dma_wait3A_890] : memref<784x64x512xf32, #tpu.memory_space<hbm>> -> memref<1x32x512xf32, #tpu.memory_space<hbm>>
    %dma_wait3A_892 = tpu.memref_squeeze %dma_wait3A_891 : memref<1x32x512xf32, #tpu.memory_space<hbm>> -> memref<32x512xf32, #tpu.memory_space<hbm>>
    %dma_wait3A_893 = arith.constant 0 : i32
    %dma_wait3A_894 = arith.constant 0 : i32
    %dma_wait3A_895 = tpu.memref_slice %arg2[%dma_wait3A_888, %dma_wait3A_893, %dma_wait3A_894] : memref<784x64x512xf32, #tpu.memory_space<hbm>> -> memref<1x32x512xf32, #tpu.memory_space<hbm>>
    %dma_wait3A_896 = tpu.memref_squeeze %dma_wait3A_895 : memref<1x32x512xf32, #tpu.memory_space<hbm>> -> memref<32x512xf32, #tpu.memory_space<hbm>>
    tpu.wait_dma2 semaphore(%arg8 : memref<!tpu.dma_semaphore, #tpu.memory_space<semaphore_mem>>) src(%dma_wait3A_896 : memref<32x512xf32, #tpu.memory_space<hbm>>) dst(%arg5 : memref<32x512xf32, #tpu.memory_space<vmem>>)
    %scan3A_897 = arith.constant 0 : i32
    %scan3A_898 = arith.constant 32 : i32
    %scan3A_899 = arith.addi %scan3A_897, %scan3A_898 : i32
    %scan3A_900 = arith.constant 1 : i32
    %scan3A_901 = scf.for %scan3A_906 = %scan3A_897 to %scan3A_899 step %scan3A_900 iter_args(%scan3A_907 = %scan3A_886) -> (vector<16xf32>)  : i32 {
      %get3A = arith.index_cast %scan3A_906 : i32 to index
      %get3A_908 = arith.constant 0 : index
      %get3A_909 = tpu.vector_load %arg5[%get3A, %get3A_908] {strides = array<i32>} : memref<32x512xf32, #tpu.memory_space<vmem>>, vector<1x16xf32>,
      %get3A_910 = vector.shape_cast %get3A_909 : vector<1x16xf32> to vector<16xf32>
      %min3A = arith.minimumf %scan3A_907, %get3A_910 : vector<16xf32>
      %get3A_911 = arith.index_cast %scan3A_906 : i32 to index
      %get3A_912 = arith.constant 16 : index
      %get3A_913 = tpu.vector_load %arg5[%get3A_911, %get3A_912] {strides = array<i32>} : memref<32x512xf32, #tpu.memory_space<vmem>>, vector<1x16xf32>,
      %get3A_914 = vector.shape_cast %get3A_913 : vector<1x16xf32> to vector<16xf32>
      %min3A_915 = arith.minimumf %min3A, %get3A_914 : vector<16xf32>
      %get3A_916 = arith.index_cast %scan3A_906 : i32 to index
      %get3A_917 = arith.constant 32 : index
      %get3A_918 = tpu.vector_load %arg5[%get3A_916, %get3A_917] {strides = array<i32>} : memref<32x512xf32, #tpu.memory_space<vmem>>, vector<1x16xf32>,
      %get3A_919 = vector.shape_cast %get3A_918 : vector<1x16xf32> to vector<16xf32>
      %min3A_920 = arith.minimumf %min3A_915, %get3A_919 : vector<16xf32>
      %get3A_921 = arith.index_cast %scan3A_906 : i32 to index
      %get3A_922 = arith.constant 48 : index
      %get3A_923 = tpu.vector_load %arg5[%get3A_921, %get3A_922] {strides = array<i32>} : memref<32x512xf32, #tpu.memory_space<vmem>>, vector<1x16xf32>,
      %get3A_924 = vector.shape_cast %get3A_923 : vector<1x16xf32> to vector<16xf32>
      %min3A_925 = arith.minimumf %min3A_920, %get3A_924 : vector<16xf32>
      %get3A_926 = arith.index_cast %scan3A_906 : i32 to index
      %get3A_927 = arith.constant 64 : index
      %get3A_928 = tpu.vector_load %arg5[%get3A_926, %get3A_927] {strides = array<i32>} : memref<32x512xf32, #tpu.memory_space<vmem>>, vector<1x16xf32>,
      %get3A_929 = vector.shape_cast %get3A_928 : vector<1x16xf32> to vector<16xf32>
      %min3A_930 = arith.minimumf %min3A_925, %get3A_929 : vector<16xf32>
      %get3A_931 = arith.index_cast %scan3A_906 : i32 to index
      %get3A_932 = arith.constant 80 : index
      %get3A_933 = tpu.vector_load %arg5[%get3A_931, %get3A_932] {strides = array<i32>} : memref<32x512xf32, #tpu.memory_space<vmem>>, vector<1x16xf32>,
      %get3A_934 = vector.shape_cast %get3A_933 : vector<1x16xf32> to vector<16xf32>
      %min3A_935 = arith.minimumf %min3A_930, %get3A_934 : vector<16xf32>
      %get3A_936 = arith.index_cast %scan3A_906 : i32 to index
      %get3A_937 = arith.constant 96 : index
      %get3A_938 = tpu.vector_load %arg5[%get3A_936, %get3A_937] {strides = array<i32>} : memref<32x512xf32, #tpu.memory_space<vmem>>, vector<1x16xf32>,
      %get3A_939 = vector.shape_cast %get3A_938 : vector<1x16xf32> to vector<16xf32>
      %min3A_940 = arith.minimumf %min3A_935, %get3A_939 : vector<16xf32>
      %get3A_941 = arith.index_cast %scan3A_906 : i32 to index
      %get3A_942 = arith.constant 112 : index
      %get3A_943 = tpu.vector_load %arg5[%get3A_941, %get3A_942] {strides = array<i32>} : memref<32x512xf32, #tpu.memory_space<vmem>>, vector<1x16xf32>,
      %get3A_944 = vector.shape_cast %get3A_943 : vector<1x16xf32> to vector<16xf32>
      %min3A_945 = arith.minimumf %min3A_940, %get3A_944 : vector<16xf32>
      %get3A_946 = arith.index_cast %scan3A_906 : i32 to index
      %get3A_947 = arith.constant 128 : index
      %get3A_948 = tpu.vector_load %arg5[%get3A_946, %get3A_947] {strides = array<i32>} : memref<32x512xf32, #tpu.memory_space<vmem>>, vector<1x16xf32>,
      %get3A_949 = vector.shape_cast %get3A_948 : vector<1x16xf32> to vector<16xf32>
      %min3A_950 = arith.minimumf %min3A_945, %get3A_949 : vector<16xf32>
      %get3A_951 = arith.index_cast %scan3A_906 : i32 to index
      %get3A_952 = arith.constant 144 : index
      %get3A_953 = tpu.vector_load %arg5[%get3A_951, %get3A_952] {strides = array<i32>} : memref<32x512xf32, #tpu.memory_space<vmem>>, vector<1x16xf32>,
      %get3A_954 = vector.shape_cast %get3A_953 : vector<1x16xf32> to vector<16xf32>
      %min3A_955 = arith.minimumf %min3A_950, %get3A_954 : vector<16xf32>
      %get3A_956 = arith.index_cast %scan3A_906 : i32 to index
      %get3A_957 = arith.constant 160 : index
      %get3A_958 = tpu.vector_load %arg5[%get3A_956, %get3A_957] {strides = array<i32>} : memref<32x512xf32, #tpu.memory_space<vmem>>, vector<1x16xf32>,
      %get3A_959 = vector.shape_cast %get3A_958 : vector<1x16xf32> to vector<16xf32>
      %min3A_960 = arith.minimumf %min3A_955, %get3A_959 : vector<16xf32>
      %get3A_961 = arith.index_cast %scan3A_906 : i32 to index
      %get3A_962 = arith.constant 176 : index
      %get3A_963 = tpu.vector_load %arg5[%get3A_961, %get3A_962] {strides = array<i32>} : memref<32x512xf32, #tpu.memory_space<vmem>>, vector<1x16xf32>,
      %get3A_964 = vector.shape_cast %get3A_963 : vector<1x16xf32> to vector<16xf32>
      %min3A_965 = arith.minimumf %min3A_960, %get3A_964 : vector<16xf32>
      %get3A_966 = arith.index_cast %scan3A_906 : i32 to index
      %get3A_967 = arith.constant 192 : index
      %get3A_968 = tpu.vector_load %arg5[%get3A_966, %get3A_967] {strides = array<i32>} : memref<32x512xf32, #tpu.memory_space<vmem>>, vector<1x16xf32>,
      %get3A_969 = vector.shape_cast %get3A_968 : vector<1x16xf32> to vector<16xf32>
      %min3A_970 = arith.minimumf %min3A_965, %get3A_969 : vector<16xf32>
      %get3A_971 = arith.index_cast %scan3A_906 : i32 to index
      %get3A_972 = arith.constant 208 : index
      %get3A_973 = tpu.vector_load %arg5[%get3A_971, %get3A_972] {strides = array<i32>} : memref<32x512xf32, #tpu.memory_space<vmem>>, vector<1x16xf32>,
      %get3A_974 = vector.shape_cast %get3A_973 : vector<1x16xf32> to vector<16xf32>
      %min3A_975 = arith.minimumf %min3A_970, %get3A_974 : vector<16xf32>
      %get3A_976 = arith.index_cast %scan3A_906 : i32 to index
      %get3A_977 = arith.constant 224 : index
      %get3A_978 = tpu.vector_load %arg5[%get3A_976, %get3A_977] {strides = array<i32>} : memref<32x512xf32, #tpu.memory_space<vmem>>, vector<1x16xf32>,
      %get3A_979 = vector.shape_cast %get3A_978 : vector<1x16xf32> to vector<16xf32>
      %min3A_980 = arith.minimumf %min3A_975, %get3A_979 : vector<16xf32>
      %get3A_981 = arith.index_cast %scan3A_906 : i32 to index
      %get3A_982 = arith.constant 240 : index
      %get3A_983 = tpu.vector_load %arg5[%get3A_981, %get3A_982] {strides = array<i32>} : memref<32x512xf32, #tpu.memory_space<vmem>>, vector<1x16xf32>,
      %get3A_984 = vector.shape_cast %get3A_983 : vector<1x16xf32> to vector<16xf32>
      %min3A_985 = arith.minimumf %min3A_980, %get3A_984 : vector<16xf32>
      %get3A_986 = arith.index_cast %scan3A_906 : i32 to index
      %get3A_987 = arith.constant 256 : index
      %get3A_988 = tpu.vector_load %arg5[%get3A_986, %get3A_987] {strides = array<i32>} : memref<32x512xf32, #tpu.memory_space<vmem>>, vector<1x16xf32>,
      %get3A_989 = vector.shape_cast %get3A_988 : vector<1x16xf32> to vector<16xf32>
      %min3A_990 = arith.minimumf %min3A_985, %get3A_989 : vector<16xf32>
      %get3A_991 = arith.index_cast %scan3A_906 : i32 to index
      %get3A_992 = arith.constant 272 : index
      %get3A_993 = tpu.vector_load %arg5[%get3A_991, %get3A_992] {strides = array<i32>} : memref<32x512xf32, #tpu.memory_space<vmem>>, vector<1x16xf32>,
      %get3A_994 = vector.shape_cast %get3A_993 : vector<1x16xf32> to vector<16xf32>
      %min3A_995 = arith.minimumf %min3A_990, %get3A_994 : vector<16xf32>
      %get3A_996 = arith.index_cast %scan3A_906 : i32 to index
      %get3A_997 = arith.constant 288 : index
      %get3A_998 = tpu.vector_load %arg5[%get3A_996, %get3A_997] {strides = array<i32>} : memref<32x512xf32, #tpu.memory_space<vmem>>, vector<1x16xf32>,
      %get3A_999 = vector.shape_cast %get3A_998 : vector<1x16xf32> to vector<16xf32>
      %min3A_1000 = arith.minimumf %min3A_995, %get3A_999 : vector<16xf32>
      %get3A_1001 = arith.index_cast %scan3A_906 : i32 to index
      %get3A_1002 = arith.constant 304 : index
      %get3A_1003 = tpu.vector_load %arg5[%get3A_1001, %get3A_1002] {strides = array<i32>} : memref<32x512xf32, #tpu.memory_space<vmem>>, vector<1x16xf32>,
      %get3A_1004 = vector.shape_cast %get3A_1003 : vector<1x16xf32> to vector<16xf32>
      %min3A_1005 = arith.minimumf %min3A_1000, %get3A_1004 : vector<16xf32>
      %get3A_1006 = arith.index_cast %scan3A_906 : i32 to index
      %get3A_1007 = arith.constant 320 : index
      %get3A_1008 = tpu.vector_load %arg5[%get3A_1006, %get3A_1007] {strides = array<i32>} : memref<32x512xf32, #tpu.memory_space<vmem>>, vector<1x16xf32>,
      %get3A_1009 = vector.shape_cast %get3A_1008 : vector<1x16xf32> to vector<16xf32>
      %min3A_1010 = arith.minimumf %min3A_1005, %get3A_1009 : vector<16xf32>
      %get3A_1011 = arith.index_cast %scan3A_906 : i32 to index
      %get3A_1012 = arith.constant 336 : index
      %get3A_1013 = tpu.vector_load %arg5[%get3A_1011, %get3A_1012] {strides = array<i32>} : memref<32x512xf32, #tpu.memory_space<vmem>>, vector<1x16xf32>,
      %get3A_1014 = vector.shape_cast %get3A_1013 : vector<1x16xf32> to vector<16xf32>
      %min3A_1015 = arith.minimumf %min3A_1010, %get3A_1014 : vector<16xf32>
      %get3A_1016 = arith.index_cast %scan3A_906 : i32 to index
      %get3A_1017 = arith.constant 352 : index
      %get3A_1018 = tpu.vector_load %arg5[%get3A_1016, %get3A_1017] {strides = array<i32>} : memref<32x512xf32, #tpu.memory_space<vmem>>, vector<1x16xf32>,
      %get3A_1019 = vector.shape_cast %get3A_1018 : vector<1x16xf32> to vector<16xf32>
      %min3A_1020 = arith.minimumf %min3A_1015, %get3A_1019 : vector<16xf32>
      %get3A_1021 = arith.index_cast %scan3A_906 : i32 to index
      %get3A_1022 = arith.constant 368 : index
      %get3A_1023 = tpu.vector_load %arg5[%get3A_1021, %get3A_1022] {strides = array<i32>} : memref<32x512xf32, #tpu.memory_space<vmem>>, vector<1x16xf32>,
      %get3A_1024 = vector.shape_cast %get3A_1023 : vector<1x16xf32> to vector<16xf32>
      %min3A_1025 = arith.minimumf %min3A_1020, %get3A_1024 : vector<16xf32>
      %get3A_1026 = arith.index_cast %scan3A_906 : i32 to index
      %get3A_1027 = arith.constant 384 : index
      %get3A_1028 = tpu.vector_load %arg5[%get3A_1026, %get3A_1027] {strides = array<i32>} : memref<32x512xf32, #tpu.memory_space<vmem>>, vector<1x16xf32>,
      %get3A_1029 = vector.shape_cast %get3A_1028 : vector<1x16xf32> to vector<16xf32>
      %min3A_1030 = arith.minimumf %min3A_1025, %get3A_1029 : vector<16xf32>
      %get3A_1031 = arith.index_cast %scan3A_906 : i32 to index
      %get3A_1032 = arith.constant 400 : index
      %get3A_1033 = tpu.vector_load %arg5[%get3A_1031, %get3A_1032] {strides = array<i32>} : memref<32x512xf32, #tpu.memory_space<vmem>>, vector<1x16xf32>,
      %get3A_1034 = vector.shape_cast %get3A_1033 : vector<1x16xf32> to vector<16xf32>
      %min3A_1035 = arith.minimumf %min3A_1030, %get3A_1034 : vector<16xf32>
      %get3A_1036 = arith.index_cast %scan3A_906 : i32 to index
      %get3A_1037 = arith.constant 416 : index
      %get3A_1038 = tpu.vector_load %arg5[%get3A_1036, %get3A_1037] {strides = array<i32>} : memref<32x512xf32, #tpu.memory_space<vmem>>, vector<1x16xf32>,
      %get3A_1039 = vector.shape_cast %get3A_1038 : vector<1x16xf32> to vector<16xf32>
      %min3A_1040 = arith.minimumf %min3A_1035, %get3A_1039 : vector<16xf32>
      %get3A_1041 = arith.index_cast %scan3A_906 : i32 to index
      %get3A_1042 = arith.constant 432 : index
      %get3A_1043 = tpu.vector_load %arg5[%get3A_1041, %get3A_1042] {strides = array<i32>} : memref<32x512xf32, #tpu.memory_space<vmem>>, vector<1x16xf32>,
      %get3A_1044 = vector.shape_cast %get3A_1043 : vector<1x16xf32> to vector<16xf32>
      %min3A_1045 = arith.minimumf %min3A_1040, %get3A_1044 : vector<16xf32>
      %get3A_1046 = arith.index_cast %scan3A_906 : i32 to index
      %get3A_1047 = arith.constant 448 : index
      %get3A_1048 = tpu.vector_load %arg5[%get3A_1046, %get3A_1047] {strides = array<i32>} : memref<32x512xf32, #tpu.memory_space<vmem>>, vector<1x16xf32>,
      %get3A_1049 = vector.shape_cast %get3A_1048 : vector<1x16xf32> to vector<16xf32>
      %min3A_1050 = arith.minimumf %min3A_1045, %get3A_1049 : vector<16xf32>
      %get3A_1051 = arith.index_cast %scan3A_906 : i32 to index
      %get3A_1052 = arith.constant 464 : index
      %get3A_1053 = tpu.vector_load %arg5[%get3A_1051, %get3A_1052] {strides = array<i32>} : memref<32x512xf32, #tpu.memory_space<vmem>>, vector<1x16xf32>,
      %get3A_1054 = vector.shape_cast %get3A_1053 : vector<1x16xf32> to vector<16xf32>
      %min3A_1055 = arith.minimumf %min3A_1050, %get3A_1054 : vector<16xf32>
      %get3A_1056 = arith.index_cast %scan3A_906 : i32 to index
      %get3A_1057 = arith.constant 480 : index
      %get3A_1058 = tpu.vector_load %arg5[%get3A_1056, %get3A_1057] {strides = array<i32>} : memref<32x512xf32, #tpu.memory_space<vmem>>, vector<1x16xf32>,
      %get3A_1059 = vector.shape_cast %get3A_1058 : vector<1x16xf32> to vector<16xf32>
      %min3A_1060 = arith.minimumf %min3A_1055, %get3A_1059 : vector<16xf32>
      %get3A_1061 = arith.index_cast %scan3A_906 : i32 to index
      %get3A_1062 = arith.constant 496 : index
      %get3A_1063 = tpu.vector_load %arg5[%get3A_1061, %get3A_1062] {strides = array<i32>} : memref<32x512xf32, #tpu.memory_space<vmem>>, vector<1x16xf32>,
      %get3A_1064 = vector.shape_cast %get3A_1063 : vector<1x16xf32> to vector<16xf32>
      %min3A_1065 = arith.minimumf %min3A_1060, %get3A_1064 : vector<16xf32>
      scf.yield %min3A_1065 : vector<16xf32>
    }
    %scan3A_902 = arith.constant 32 : i32
    %swap3A = arith.constant 0 : index
    %swap3A_903 = tpu.vector_load %arg6[%swap3A] {strides = array<i32>} : memref<16xf32, #tpu.memory_space<vmem>>, vector<16xf32>,
    %swap3A_904 = vector.shape_cast %swap3A_903 : vector<16xf32> to vector<16xf32>
    %swap3A_905 = vector.shape_cast %scan3A_901 : vector<16xf32> to vector<16xf32>
    tpu.vector_store %arg6[%swap3A], %swap3A_905 {strides = array<i32>} : memref<16xf32, #tpu.memory_space<vmem>>, vector<16xf32>,
    "tpu.region"() ({
      %run_scoped3A = tpu.sem_alloc : memref<!tpu.dma_semaphore, #tpu.memory_space<semaphore_mem>>
      %dma_start3A_906 = arith.constant 0 : i32
      %dma_start3A_907 = tpu.memref_slice %arg3[%add3A, %dma_start3A_906] : memref<32x16xf32, #tpu.memory_space<hbm>> -> memref<1x16xf32, #tpu.memory_space<hbm>>
      %dma_start3A_908 = tpu.memref_squeeze %dma_start3A_907 : memref<1x16xf32, #tpu.memory_space<hbm>> -> memref<16xf32, #tpu.memory_space<hbm>>
      %dma_start3A_909 = arith.constant 0 : i32
      %dma_start3A_910 = tpu.memref_slice %arg3[%add3A, %dma_start3A_909] : memref<32x16xf32, #tpu.memory_space<hbm>> -> memref<1x16xf32, #tpu.memory_space<hbm>>
      %dma_start3A_911 = tpu.memref_squeeze %dma_start3A_910 : memref<1x16xf32, #tpu.memory_space<hbm>> -> memref<16xf32, #tpu.memory_space<hbm>>
      tpu.enqueue_dma source(%arg6 : memref<16xf32, #tpu.memory_space<vmem>>) target(%dma_start3A_911 : memref<16xf32, #tpu.memory_space<hbm>>) target_semaphore(%run_scoped3A : memref<!tpu.dma_semaphore, #tpu.memory_space<semaphore_mem>>)
      %dma_wait3A_912 = arith.constant 0 : i32
      %dma_wait3A_913 = tpu.memref_slice %arg3[%add3A, %dma_wait3A_912] : memref<32x16xf32, #tpu.memory_space<hbm>> -> memref<1x16xf32, #tpu.memory_space<hbm>>
      %dma_wait3A_914 = tpu.memref_squeeze %dma_wait3A_913 : memref<1x16xf32, #tpu.memory_space<hbm>> -> memref<16xf32, #tpu.memory_space<hbm>>
      %dma_wait3A_915 = arith.constant 0 : i32
      %dma_wait3A_916 = tpu.memref_slice %arg3[%add3A, %dma_wait3A_915] : memref<32x16xf32, #tpu.memory_space<hbm>> -> memref<1x16xf32, #tpu.memory_space<hbm>>
      %dma_wait3A_917 = tpu.memref_squeeze %dma_wait3A_916 : memref<1x16xf32, #tpu.memory_space<hbm>> -> memref<16xf32, #tpu.memory_space<hbm>>
      tpu.wait_dma2 semaphore(%run_scoped3A : memref<!tpu.dma_semaphore, #tpu.memory_space<semaphore_mem>>) src(%arg6 : memref<16xf32, #tpu.memory_space<vmem>>) dst(%dma_wait3A_917 : memref<16xf32, #tpu.memory_space<hbm>>)
      tpu.yield
    }) : () -> ()
    return
  }
}

module attributes {stable_mosaic.version = 14 : i64} {
  func.func @_tc_min_body(%arg0: i32, %arg1: memref<56x64x512xf32, #tpu.memory_space<vmem>>, %arg2: memref<1x1xf32, #tpu.memory_space<smem>>, %arg3: memref<1xf32, #tpu.memory_space<smem>>) attributes {dimension_semantics = [#tpu.dimension_semantics<arbitrary>], iteration_bounds = array<i64: 10>, scalar_prefetch = 0 : i64, scratch_operands = 1 : i64, tpu.core_type = #tpu.core_type<tc>, window_params = [{transform_indices = @transform_0, window_bounds = array<i64: 56, 64, 512>}, {transform_indices = @transform_1, window_bounds = array<i64: 1, 1>}]} {
    %get3A = arith.constant 0 : index
    %get3A_0 = arith.constant 0 : index
    %get3A_1 = arith.constant 0 : index
    %get3A_2 = vector.load %arg1[%get3A, %get3A_0, %get3A_1] : memref<56x64x512xf32, #tpu.memory_space<vmem>>, vector<56x64x512xf32>
    %reduce_min3A = vector.shape_cast %get3A_2 : vector<56x64x512xf32> to vector<1x56x64x512xf32>
    %reduce_min3A_3 = arith.constant dense<0x7F800000> : vector<1xf32>
    %reduce_min3A_4 = vector.multi_reduction <minimumf>, %reduce_min3A, %reduce_min3A_3 [1, 2, 3] : vector<1x56x64x512xf32> to vector<1xf32>
    %reduce_min3A_5 = vector.shape_cast %reduce_min3A_4 : vector<1xf32> to vector<1x1x1x1xf32>
    %reduce_min3A_6 = vector.extract %reduce_min3A_5[0, 0, 0, 0] : f32 from vector<1x1x1x1xf32>
    %eq3A = arith.constant 0 : i32
    %eq3A_7 = arith.cmpi eq, %arg0, %eq3A : i32
    %convert_element_type3A = arith.extui %eq3A_7 : i1 to i32
    %cond3A = arith.constant 0 : i32
    %cond3A_8 = arith.cmpi ne, %convert_element_type3A, %cond3A : i32
    scf.if %cond3A_8 {
      %swap3A = arith.constant 0 : index
      %swap3A_18 = memref.load %arg3[%swap3A] : memref<1xf32, #tpu.memory_space<smem>>
      memref.store %reduce_min3A_6, %arg3[%swap3A] : memref<1xf32, #tpu.memory_space<smem>>
    } else {
    }
    %gt3A = arith.constant 0 : i32
    %gt3A_9 = arith.cmpi sgt, %arg0, %gt3A : i32
    %convert_element_type3A_10 = arith.extui %gt3A_9 : i1 to i32
    %cond3A_11 = arith.constant 0 : i32
    %cond3A_12 = arith.cmpi ne, %convert_element_type3A_10, %cond3A_11 : i32
    scf.if %cond3A_12 {
      %get3A_18 = arith.constant 0 : index
      %get3A_19 = memref.load %arg3[%get3A_18] : memref<1xf32, #tpu.memory_space<smem>>
      %min3A = arith.minimumf %get3A_19, %reduce_min3A_6 : f32
      %swap3A = arith.constant 0 : index
      %swap3A_20 = memref.load %arg3[%swap3A] : memref<1xf32, #tpu.memory_space<smem>>
      memref.store %min3A, %arg3[%swap3A] : memref<1xf32, #tpu.memory_space<smem>>
    } else {
    }
    %eq3A_13 = arith.constant 9 : i32
    %eq3A_14 = arith.cmpi eq, %arg0, %eq3A_13 : i32
    %convert_element_type3A_15 = arith.extui %eq3A_14 : i1 to i32
    %cond3A_16 = arith.constant 0 : i32
    %cond3A_17 = arith.cmpi ne, %convert_element_type3A_15, %cond3A_16 : i32
    scf.if %cond3A_17 {
      %get3A_18 = arith.constant 0 : index
      %get3A_19 = memref.load %arg3[%get3A_18] : memref<1xf32, #tpu.memory_space<smem>>
      %swap3A = arith.constant 0 : index
      %swap3A_20 = arith.constant 0 : index
      %swap3A_21 = memref.load %arg2[%swap3A, %swap3A_20] : memref<1x1xf32, #tpu.memory_space<smem>>
      memref.store %get3A_19, %arg2[%swap3A, %swap3A_20] : memref<1x1xf32, #tpu.memory_space<smem>>
    } else {
    }
    return
  }
  func.func @transform_0(%arg0: i32) -> (i32, i32, i32) {
    %c0_i32 = arith.constant 0 : i32
    %c0_i32_0 = arith.constant 0 : i32
    %c0_i32_1 = arith.constant 0 : i32
    return %arg0, %c0_i32, %c0_i32_0 : i32, i32, i32
  }
  func.func @transform_1(%arg0: i32) -> (i32, i32) {
    %c0_i32 = arith.constant 0 : i32
    %c0_i32_0 = arith.constant 0 : i32
    %c0_i32_1 = arith.constant 0 : i32
    return %c0_i32, %c0_i32_0 : i32, i32
  }
}

module attributes {stable_mosaic.version = 14 : i64} {
  func.func @_apply_body(%arg0: i32, %arg1: memref<56x64x512xf32, #tpu.memory_space<vmem>>, %arg2: memref<32x16xf32, #tpu.memory_space<vmem>>, %arg3: memref<1x1xf32, #tpu.memory_space<smem>>, %arg4: memref<64x1xi32, #tpu.memory_space<vmem>>, %arg5: memref<56x64x512xf32, #tpu.memory_space<vmem>>, %arg6: memref<64x1xf32, #tpu.memory_space<vmem>>) attributes {dimension_semantics = [#tpu.dimension_semantics<arbitrary>], iteration_bounds = array<i64: 14>, scalar_prefetch = 0 : i64, scratch_operands = 1 : i64, tpu.core_type = #tpu.core_type<tc>, window_params = [{transform_indices = @transform_0, window_bounds = array<i64: 56, 64, 512>}, {pipeline_mode = #tpu.pipeline_mode<synchronous>, transform_indices = @transform_1, window_bounds = array<i64: 32, 16>}, {transform_indices = @transform_2, window_bounds = array<i64: 1, 1>}, {pipeline_mode = #tpu.pipeline_mode<synchronous>, transform_indices = @transform_3, window_bounds = array<i64: 64, 1>}, {transform_indices = @transform_4, window_bounds = array<i64: 56, 64, 512>}]} {
    %eq3A = arith.constant 0 : i32
    %eq3A_0 = arith.cmpi eq, %arg0, %eq3A : i32
    %convert_element_type3A = arith.extui %eq3A_0 : i1 to i32
    %cond3A = arith.constant 0 : i32
    %cond3A_1 = arith.cmpi ne, %convert_element_type3A, %cond3A : i32
    scf.if %cond3A_1 {
      %get3A_22 = arith.constant 0 : index
      %get3A_23 = arith.constant 0 : index
      %get3A_24 = vector.load %arg2[%get3A_22, %get3A_23] : memref<32x16xf32, #tpu.memory_space<vmem>>, vector<32x16xf32>
      %reduce_min3A = vector.shape_cast %get3A_24 : vector<32x16xf32> to vector<1x32x16xf32>
      %reduce_min3A_25 = arith.constant dense<0x7F800000> : vector<1xf32>
      %reduce_min3A_26 = vector.multi_reduction <minimumf>, %reduce_min3A, %reduce_min3A_25 [1, 2] : vector<1x32x16xf32> to vector<1xf32>
      %reduce_min3A_27 = vector.shape_cast %reduce_min3A_26 : vector<1xf32> to vector<1x1x1xf32>
      %reduce_min3A_28 = vector.extract %reduce_min3A_27[0, 0, 0] : f32 from vector<1x1x1xf32>
      %get3A_29 = arith.constant 0 : index
      %get3A_30 = arith.constant 0 : index
      %get3A_31 = memref.load %arg3[%get3A_29, %get3A_30] : memref<1x1xf32, #tpu.memory_space<smem>>
      %min3A = arith.minimumf %reduce_min3A_28, %get3A_31 : f32
      %iota3A_32 = tpu.iota {dimensions = array<i32: 0>} : vector<64x1xi32>
      %broadcast_in_dim3A_33 = vector.broadcast %min3A : f32 to vector<64x1xf32>
      %scan3A = arith.constant 0 : i32
      %scan3A_34 = arith.constant 64 : i32
      %scan3A_35 = arith.addi %scan3A, %scan3A_34 : i32
      %scan3A_36 = arith.constant 1 : i32
      %scan3A_37 = scf.for %scan3A_42 = %scan3A to %scan3A_35 step %scan3A_36 iter_args(%scan3A_43 = %broadcast_in_dim3A_33) -> (vector<64x1xf32>)  : i32 {
        %eq3A_44 = arith.constant 0.000000e+00 : f32
        %eq3A_45 = vector.broadcast %eq3A_44 : f32 to vector<64x1xf32>
        %eq3A_46 = arith.cmpf oeq, %scan3A_43, %eq3A_45 : vector<64x1xf32>
        %sub3A = arith.constant 1.000000e+07 : f32
        %sub3A_47 = vector.broadcast %sub3A : f32 to vector<64x1xf32>
        %sub3A_48 = arith.subf %scan3A_43, %sub3A_47 : vector<64x1xf32>
        %jit3A = arith.constant 0.000000e+00 : f32
        %broadcast_in_dim3A_49 = vector.broadcast %jit3A : f32 to vector<64x1xf32>
        %select_n3A_50 = arith.select %eq3A_46, %broadcast_in_dim3A_49, %sub3A_48 : vector<64x1xi1>, vector<64x1xf32>
        %ge3A = vector.broadcast %scan3A_42 : i32 to vector<64x1xi32>
        %ge3A_51 = arith.cmpi sge, %iota3A_32, %ge3A : vector<64x1xi32>
        %select_n3A_52 = arith.select %ge3A_51, %select_n3A_50, %scan3A_43 : vector<64x1xi1>, vector<64x1xf32>
        scf.yield %select_n3A_52 : vector<64x1xf32>
      }
      %scan3A_38 = arith.constant 64 : i32
      %swap3A_39 = arith.constant 0 : index
      %swap3A_40 = arith.constant 0 : index
      %swap3A_41 = vector.load %arg6[%swap3A_39, %swap3A_40] : memref<64x1xf32, #tpu.memory_space<vmem>>, vector<64x1xf32>
      tpu.vector_store %arg6[%swap3A_39, %swap3A_40], %scan3A_37 {strides = array<i32>} : memref<64x1xf32, #tpu.memory_space<vmem>>, vector<64x1xf32>,
    } else {
    }
    %iota3A = tpu.iota {dimensions = array<i32: 2>} : vector<1x64x512xi32>
    %get3A = arith.constant 0 : index
    %get3A_2 = arith.constant 0 : index
    %get3A_3 = vector.load %arg4[%get3A, %get3A_2] : memref<64x1xi32, #tpu.memory_space<vmem>>, vector<64x1xi32>
    %reshape3A = vector.shape_cast %get3A_3 : vector<64x1xi32> to vector<1x64x1xi32>
    %eq3A_4 = vector.broadcast %reshape3A : vector<1x64x1xi32> to vector<1x64x512xi32>
    %eq3A_5 = arith.cmpi eq, %iota3A, %eq3A_4 : vector<1x64x512xi32>
    %get3A_6 = arith.constant 0 : index
    %get3A_7 = arith.constant 0 : index
    %get3A_8 = vector.load %arg6[%get3A_6, %get3A_7] : memref<64x1xf32, #tpu.memory_space<vmem>>, vector<64x1xf32>
    %reshape3A_9 = vector.shape_cast %get3A_8 : vector<64x1xf32> to vector<1x64x1xf32>
    %broadcast_in_dim3A = vector.shape_cast %reshape3A_9 : vector<1x64x1xf32> to vector<1x64x1xf32>
    %broadcast_in_dim3A_10 = vector.broadcast %broadcast_in_dim3A : vector<1x64x1xf32> to vector<1x64x512xf32>
    %get3A_11 = arith.constant 0 : index
    %get3A_12 = arith.constant 0 : index
    %get3A_13 = arith.constant 0 : index
    %get3A_14 = vector.load %arg1[%get3A_11, %get3A_12, %get3A_13] : memref<56x64x512xf32, #tpu.memory_space<vmem>>, vector<56x64x512xf32>
    %broadcast_in_dim3A_15 = vector.shape_cast %eq3A_5 : vector<1x64x512xi1> to vector<1x64x512xi1>
    %broadcast_in_dim3A_16 = vector.broadcast %broadcast_in_dim3A_15 : vector<1x64x512xi1> to vector<56x64x512xi1>
    %broadcast_in_dim3A_17 = vector.shape_cast %broadcast_in_dim3A_10 : vector<1x64x512xf32> to vector<1x64x512xf32>
    %broadcast_in_dim3A_18 = vector.broadcast %broadcast_in_dim3A_17 : vector<1x64x512xf32> to vector<56x64x512xf32>
    %select_n3A = arith.select %broadcast_in_dim3A_16, %broadcast_in_dim3A_18, %get3A_14 : vector<56x64x512xi1>, vector<56x64x512xf32>
    %swap3A = arith.constant 0 : index
    %swap3A_19 = arith.constant 0 : index
    %swap3A_20 = arith.constant 0 : index
    %swap3A_21 = vector.load %arg5[%swap3A, %swap3A_19, %swap3A_20] : memref<56x64x512xf32, #tpu.memory_space<vmem>>, vector<56x64x512xf32>
    tpu.vector_store %arg5[%swap3A, %swap3A_19, %swap3A_20], %select_n3A {strides = array<i32>} : memref<56x64x512xf32, #tpu.memory_space<vmem>>, vector<56x64x512xf32>,
    return
  }
  func.func @transform_0(%arg0: i32) -> (i32, i32, i32) {
    %c0_i32 = arith.constant 0 : i32
    %c0_i32_0 = arith.constant 0 : i32
    %c0_i32_1 = arith.constant 0 : i32
    return %arg0, %c0_i32, %c0_i32_0 : i32, i32, i32
  }
  func.func @transform_1(%arg0: i32) -> (i32, i32) {
    %c0_i32 = arith.constant 0 : i32
    %c0_i32_0 = arith.constant 0 : i32
    %c0_i32_1 = arith.constant 0 : i32
    return %c0_i32, %c0_i32_0 : i32, i32
  }
  func.func @transform_2(%arg0: i32) -> (i32, i32) {
    %c0_i32 = arith.constant 0 : i32
    %c0_i32_0 = arith.constant 0 : i32
    %c0_i32_1 = arith.constant 0 : i32
    return %c0_i32, %c0_i32_0 : i32, i32
  }
  func.func @transform_3(%arg0: i32) -> (i32, i32) {
    %c0_i32 = arith.constant 0 : i32
    %c0_i32_0 = arith.constant 0 : i32
    %c0_i32_1 = arith.constant 0 : i32
    return %c0_i32, %c0_i32_0 : i32, i32
  }
  func.func @transform_4(%arg0: i32) -> (i32, i32, i32) {
    %c0_i32 = arith.constant 0 : i32
    %c0_i32_0 = arith.constant 0 : i32
    %c0_i32_1 = arith.constant 0 : i32
    return %arg0, %c0_i32, %c0_i32_0 : i32, i32, i32
  }
}

</mosaic_0001>

<sc_bundles>
// kernel: kernel.5.cloned.1.call-start
scs
__scs_entry_jumppad:
0x0: {  	(pc) =	sbr.rel $0x88, $3  }
0x1: {  	(tag) =	ssettag $0x0;
	lr =	simm.s32 $0x1  }
0x2: {  	[smem:$0x3F9F] =	sst lr;
	_ =	strace $0xD0000000  }
0x3: {  	_ = 	snop  }
0x4: {  	_ = 	snop  }
0x5: {  	_ = 	snop  }
0x6: {  	_ = 	snop  }
0x7: {  	_ = 	snop  }
__scs_overlays_trampoline_lowered:
0x8: {  	[smem:$0x3FAE] =	sst s0  }
0x9: {  	[smem:$0x3FAF] =	sst s1  }
0xa: {  	[smem:$0x3FB0] =	sst s2  }
0xb: {  	[smem:$0x3FB1] =	sst s3  }
0xc: {  	[smem:$0x3FB2] =	sst s4  }
0xd: {  	[smem:$0x3FB3] =	sst s5  }
0xe: {  	[smem:$0x3FB4] =	sst s6  }
0xf: {  	[smem:$0x3FB5] =	sst s7  }
0x10: {  	[smem:$0x3FB6] =	sst s8  }
0x11: {  	[smem:$0x3FB7] =	sst s9;
	s0 =	simm.s32 @!p0 $0x0  }
0x12: {  	s1 =	sld [smem:$0x3F9D];
	s0 =	simm.s32 @p0 $0x1  }
0x13: {  	[smem:$0x3FB8] =	sst s0;
	s0 =	simm.s32 @!p1 $0x0  }
0x14: {  	s2 =	sld [smem:$0x3F9C];
	s0 =	simm.s32 @p1 $0x1  }
0x15: {  	[smem:$0x3FB9] =	sst s0;
	s0 =	simm.s32 @!p2 $0x0  }
0x16: {  	s3 =	sld [smem:$0x3FDB];
	s0 =	simm.s32 @p2 $0x1  }
0x17: {  	s4 =	simm.s32 $0x1BF5;
	[smem:$0x3FBB] =	sst s0  }
0x18: {  	s0 =	sld [smem:$0x3F9E];
	_ =	swait.ge [sflag:s4], $0x0  }
0x19: {  	s7 =	sld [smem:$0x3F9F]  }
0x1a: {  	s8 =	sadd.s32 $0xFFFFE003, lr  }
0x1b: {  	s9 =	sadd.s32 $0xFFFFFEF7, lr;
	s5 =	simm.s32 $0xFFFFFFFF;
	p2 =	slt.u32 s8, $0xFFFFF086  }
0x1c: {  	p1 =	slt.u32 s9, $0xF7A;
	s5 =	simm.s32 @!p2 $0x0  }
0x1d: {  	s5 =	simm.s32 @p1 $0x1;
	p0 =	seq.s32 s7, s2  }
0x1e: {  	s7 =	smul.u32 @!p0 $0xF7A, s2;
	p2 =	seq.s32 @!p0 s5, $0x0  }
0x1f: {  	s9 =	smul.u32 $0xF7A, s1;
	s8 =	simm.s32 @!p0 $0x1BF5;
	p2 =	por !p2, p0  }
0x20: {  	[sflag:s8] =	ssyncset.s32 @!p0 $0xFFFFF086;
	s6 =	sadd.s32 @!p0 s3, s7;
	s7 =	simm.s32 @!p0 $0x108  }
0x21: {  	s3 =	sadd.s32 s3, s9;
	s6 =	sadd.s32 @!p0 $0x88, s6;
	s7 =	simm.s32 @p2 $0x1082  }
0x22: {  	[simem:s7], [sflag:s8] =	dma.local @!p0 [hbm:s6], $0xF7A  }
0x23: {  	s9 =	sor.u32 $0xD0000000, s2;
	s6 =	simm.s32 $0x108;
	_ =	swait.ge @!p0 [sflag:s8], $0x0  }
0x24: {  	s3 =	sadd.s32 $0x88, s3;
	s6 =	simm.s32 @!p1 $0x1082;
	[sflag:s4] =	ssyncset.s32 $0xFFFFF086  }
0x25: {  	[simem:s6], [sflag:s4] =	dma.local [hbm:s3], $0xF7A  }
0x26: {  	[smem:$0x3F9F] =	sst s1;
	(tag) =	ssettag s2;
	_ =	strace s9  }
0x27: {  	s1 =	sld [smem:$0x3FAF]  }
0x28: {  	s2 =	sld [smem:$0x3FB0]  }
0x29: {  	s4 =	sld [smem:$0x3FB2]  }
0x2a: {  	p0 =	seq.s32 s5, $0x0;
	s5 =	sld [smem:$0x3FB3]  }
0x2b: {  	s6 =	sld [smem:$0x3FB4]  }
0x2c: {  	s7 =	sld [smem:$0x3FB5]  }
0x2d: {  	s3 =	simm.s32 $0x108;
	s8 =	sld [smem:$0x3FB6]  }
0x2e: {  	s3 =	simm.s32 @!p0 $0x1082;
	s9 =	sld [smem:$0x3FB7]  }
0x2f: {  	lr =	sadd.s32 s0, s3;
	s0 =	sld [smem:$0x3FAE]  }
0x30: {  	s3 =	sld [smem:$0x3FB1]  }
0x31: {  	[smem:$0x3FBA] =	sst s10  }
0x32: {  	s10 =	sld [smem:$0x3FB8];
	_ =	sdelay $0x3  }
0x33: {  	p0 =	seq.s32 s10, $0x1;
	s10 =	sld [smem:$0x3FBA];
	_ =	sdelay $0x3  }
0x34: {  	[smem:$0x3FBA] =	sst s10  }
0x35: {  	s10 =	sld [smem:$0x3FB9];
	_ =	sdelay $0x3  }
0x36: {  	p1 =	seq.s32 s10, $0x1;
	s10 =	sld [smem:$0x3FBA];
	_ =	sdelay $0x3  }
0x37: {  	[smem:$0x3FBA] =	sst s10  }
0x38: {  	s10 =	sld [smem:$0x3FBB]  }
0x39: {  	_ = 	snop;
	(pc) =	sbr.ind lr, $3  }
0x3a: {  	_ = 	snop  }
0x3b: {  	_ = 	snop  }
0x3c: {  	p2 =	seq.s32 s10, $0x1;
	s10 =	sld [smem:$0x3FBA]  }
0x3d: {  	_ =	shalt  }
0x3e: {  	_ =	shalt  }
0x3f: {  	_ =	shalt  }
0x40: {  	_ =	shalt  }
0x41: {  	_ =	shalt  }
0x42: {  	_ =	shalt  }
0x43: {  	_ =	shalt  }
0x44: {  	_ =	shalt  }
0x45: {  	_ =	shalt  }
0x46: {  	_ =	shalt  }
0x47: {  	_ =	shalt  }
0x48: {  	_ =	shalt  }
0x49: {  	_ =	shalt  }
0x4a: {  	_ =	shalt  }
0x4b: {  	_ =	shalt  }
0x4c: {  	_ =	shalt  }
0x4d: {  	_ =	shalt  }
0x4e: {  	_ =	shalt  }
0x4f: {  	_ =	shalt  }
0x50: {  	_ =	shalt  }
0x51: {  	_ =	shalt  }
0x52: {  	_ =	shalt  }
0x53: {  	_ =	shalt  }
0x54: {  	_ =	shalt  }
0x55: {  	_ =	shalt  }
0x56: {  	_ =	shalt  }
0x57: {  	_ =	shalt  }
0x58: {  	_ =	shalt  }
0x59: {  	_ =	shalt  }
0x5a: {  	_ =	shalt  }
0x5b: {  	_ =	shalt  }
0x5c: {  	_ =	shalt  }
0x5d: {  	_ =	shalt  }
0x5e: {  	_ =	shalt  }
0x5f: {  	_ =	shalt  }
0x60: {  	_ =	shalt  }
0x61: {  	_ =	shalt  }
0x62: {  	_ =	shalt  }
0x63: {  	_ =	shalt  }
0x64: {  	_ =	shalt  }
0x65: {  	_ =	shalt  }
0x66: {  	_ =	shalt  }
0x67: {  	_ =	shalt  }
0x68: {  	_ =	shalt  }
0x69: {  	_ =	shalt  }
0x6a: {  	_ =	shalt  }
0x6b: {  	_ =	shalt  }
0x6c: {  	_ =	shalt  }
0x6d: {  	_ =	shalt  }
0x6e: {  	_ =	shalt  }
0x6f: {  	_ =	shalt  }
0x70: {  	_ =	shalt  }
0x71: {  	_ =	shalt  }
0x72: {  	_ =	shalt  }
0x73: {  	_ =	shalt  }
0x74: {  	_ =	shalt  }
0x75: {  	_ =	shalt  }
0x76: {  	_ =	shalt  }
0x77: {  	_ =	shalt  }
0x78: {  	_ =	shalt  }
0x79: {  	_ =	shalt  }
0x7a: {  	_ =	shalt  }
0x7b: {  	_ =	shalt  }
0x7c: {  	_ =	shalt  }
0x7d: {  	_ =	shalt  }
0x7e: {  	_ =	shalt  }
0x7f: {  	_ =	shalt  }
0x80: {  	_ =	shalt  }
0x81: {  	_ =	shalt  }
0x82: {  	_ =	shalt  }
0x83: {  	_ =	shalt  }
0x84: {  	_ =	shalt  }
0x85: {  	_ =	shalt  }
0x86: {  	_ =	shalt  }
0x87: {  	_ =	shalt  }
.Lfunc_end0:
.L_simem_size_0:
called_computation_lowered:
.L_overlay_start_0:
0x88: {  	s2 =	sld [smem:$0x3FD9]  }
0x89: {  	s3 =	sld [smem:$0x3FFE];
	_ =	sdelay $0x1  }
0x8a: {  	s1 =	srdreg.scid  }
0x8b: {  	s0 =	sand.u32 $0x1, s1  }
0x8c: {  	s18 =	sshll.u32 s0, $0xA;
	s2 =	sadd.s32 s3, s2  }
0x8d: {  	s2 =	sadd.s32 s2, s18  }
0x8e: {  	[smem:$0x3FC6] =	sst s2  }
0x8f: {  	_ = 	snop  }
0x90: {  	s2 =	sld [smem:$0x3FC9]  }
0x91: {  	s19 =	sld [smem:$0x3FD0];
	(tm) =	ssettm $0x1  }
0x92: {  	s4 =	sld [smem:$0x3FFB];
	_ =	sdelay $0x3  }
0x93: {  	_ =	strace s4  }
0x94: {  	s4 =	sld [smem:$0x3FFC];
	_ =	sdelay $0x3  }
0x95: {  	_ =	strace s4  }
0x96: {  	s4 =	sld [smem:$0x3FFD];
	_ =	sdelay $0x3  }
0x97: {  	_ =	strace s4  }
0x98: {  	_ =	strace $0x8FFFFFFF  }
0x99: {  	s20 =	sld [smem:$0x3FDB];
	_ =	sdelay $0x1  }
0x9a: {  	s5 =	simm.s32 $_scs_section_size  }
0x9b: {  	s6 =	simm.s32 $_size__tile_overlayer_lowered;
	s7 =	simm.s32 $_tile_overlayer_lowered  }
0x9c: {  	s23 =	simm.s32 $0x1BFF;
	s22 =	sshll.u32 s7, $0x1;
	s4 =	sadd.s32 s5, s20  }
0x9d: {  	s8 =	simm.s32 $0x0;
	s21 =	sshll.u32 s6, $0x1;
	s6 =	sadd.s32 s22, s4  }
0x9e: {  	[timem:s8], [sflag:s23] =	dma.local [hbm:s6], s21  }
0x9f: {  	_ =	swait.ge [sflag:s23], s21  }
0xa0: {  	s5 =	ssub.s32 $0x0, s21;
	[sflag:s23] =	ssyncset.done $0x0  }
0xa1: {  	[sflag:s23] =	ssyncadd.s32 s5;
	_ =	sdelay $0x1  }
0xa2: {  	s24 =	simm.s32 $0x1B8B  }
0xa3: {  	_ =	swait.ge [sflag:s24], $0x1  }
0xa4: {  	[sflag:s24] =	ssyncset.done $0x0  }
0xa5: {  	s25 =	simm.s32 $0x1B8E;
	[sflag:s24] =	ssyncadd.s32 $0xFFFFFFFF  }
0xa6: {  	s26 =	simm.s32 $execute0_lowered;
	[smem:$0x3FD2] =	sst s25  }
0xa7: {  	s5 =	sshll.u32 s26, $0x1;
	_ =	strace $0x80000046;
	[dreg:$0x1] =	wrdreg $0xFFFFFFFF  }
0xa8: {  	s28 =	simm.s32 $_size_execute0_lowered;
	s4 =	sadd.s32 s4, s5;
	[dreg:$0x0] =	wrdreg $0x0  }
0xa9: {  	s5 =	sshll.u32 s28, $0x1;
	[dreg:$0x2] =	wrdreg s4  }
0xaa: {  	[dreg:$0x3] =	wrdreg s5  }
0xab: {  	[dreg:$0x4] =	wrdreg $0xC0  }
0xac: {  	_ =	task [dreg:s8], $0x5FFFF  }
0xad: {  	[dreg:$0x1] =	wrdreg $0xFFFFFFFF  }
0xae: {  	[dreg:$0x0] =	wrdreg $0x60  }
0xaf: {  	[dreg:$0x2] =	wrdreg s2  }
0xb0: {  	[dreg:$0x3] =	wrdreg s19  }
0xb1: {  	[dreg:$0x4] =	wrdreg $0x9  }
0xb2: {  	_ =	task.clear_ibuf [dreg:s8], $0x5FFFF;
	_ =	strace $0x90000046  }
0xb3: {  	s29 =	simm.s32 $0x9;
	_ =	strace $0x80000048  }
0xb4: {  	_ =	swait.ge [sflag:s29], $0x1  }
0xb5: {  	[sflag:s29] =	ssyncadd.s32 $0xFFFFFFFF  }
0xb6: {  	_ =	strace $0x90000048  }
0xb7: {  	_ =	sfence  }
0xb8: {  	s30 =	sld [smem:$0x0];
	_ =	sdelay $0x2  }
0xb9: {  	s31 =	sshll.u32 s1, $0xD;
	s1 =	sshrl.u32 s1, $0x2  }
0xba: {  	s3 =	sand.u32 $0x4000, s31;
	s1 =	sadd.s32 s1, s30  }
0xbb: {  	s0 =	sor.u32 s3, s0;
	s1 =	sshll.u32 s1, $0x11  }
0xbc: {  	s0 =	sor.u32 s1, s0  }
0xbd: {  	s0 =	sadd.s32 $0x8F2B, s0  }
0xbe: {  	[sflag:s0] =	ssyncadd.remote.s32 $0x1  }
0xbf: {  	_ =	sfence.sel $0xFFFF  }
0xc0: {  	[dreg:$0x0] =	wrdreg $0xFFFFFFFF;
	(pc) =	sbr.abs _section_cstart, $3  }
0xc1: {  	[dreg:$0x1] =	wrdreg $0xFFFFFFFF  }
0xc2: {  	_ =	task.clear_ibuf [dreg:s8], $0x2FFFF;
	_ =	strace $0x9FFFFFFF  }
0xc3: {  	(tm) =	ssettm $0x7FFFFFFF  }
tec
execute0_lowered:
.L_overlay_start_1:
0x0: {  	(tag) =	ssettag $0x1  }
0x1: {  	s1 =	srdreg.scid  }
0x2: {  	s0 =	stileid.u32;
	s3 =	rddreg [dreg:$0x0]  }
0x3: {  	s17 =	rddreg [dreg:$0x1];
	s2 =	simm.s32 $0x0;
	s21 =	simm.s32 $0x2  }
0x4: {  	s22 =	simm.s32 $0x8000;
	s4 =	sand.u32 $0x1, s1;
	s30 =	sshll.u32 s0, $0x1  }
0x5: {  	s23 =	simm.s32 $0x3;
	s1 =	rddreg [dreg:$0x2];
	s16 =	sor.u32 s4, s30  }
0x6: {  	s24 =	simm.s32 $0x0;
	[smem:$0x7FF] =	sst s2;
	s6 =	smul.u32 $0x7000, s16  }
0x7: {  	_ =	strace $0x80000047;
	s7 =	ssub.s32 $0x2, s4;
	s5 =	smul.u32 $0x38000, s16  }
0x8: {  	s8 =	sshrl.u32 s7, $0x1;
	s20 =	sshll.u32 s16, $0x4;
	s18 =	sadd.s32 s6, s3  }
0x9: {  	s17 =	sadd.s32 s17, s20;
	s20 =	simm.s32 $0x4000;
	s4 =	sadd.s32 $0x230800, s18  }
0xa: {  	s19 =	ssub.s32 s7, s8;
	s6 =	sadd.s32 $0x231800, s18;
	s7 =	sadd.s32 $0x232800, s18  }
0xb: {  	s31 =	sshrl.u32 s5, $0x3;
	s10 =	sadd.s32 $0x233800, s18;
	s12 =	sadd.s32 $0x234800, s18  }
0xc: {  	s15 =	sadd.s32 s3, s31;
	s14 =	sadd.s32 $0x235800, s18;
	s16 =	sadd.s32 $0x236800, s18  }
0xd: {  	s18 =	smax.u32 s19, $0x1;
	s19 =	simm.s32 $0x1;
	s3 =	sadd.s32 $0x230000, s15  }
0xe: {  	s5 =	sadd.s32 $0x231000, s15;
	s8 =	sadd.s32 $0x232000, s15;
	s9 =	sadd.s32 $0x233000, s15  }
0xf: {  	s11 =	sadd.s32 $0x234000, s15;
	s13 =	sadd.s32 $0x235000, s15;
	s15 =	sadd.s32 $0x236000, s15  }
.LBB2_1:
0x10: {  	[tilespmem:s2], [sflag:$0x1] =	stream.linear.gather [hbm4b:s3+s2], $0x4000, $0x38;
	[tilespmem:$0x8080] =	vst v63  }
0x11: {  	_ =	swait.ge [sflag:s19], $0x4000  }
0x12: {  	s25 =	sand.u32 $0x3000, s2;
	s26 =	sand.u32 $0x380, s2;
	[sflag:s19] =	ssyncset.done $0x0  }
0x13: {  	s25 =	sor.u32 s26, s25;
	[sflag:s19] =	ssyncadd.s32 $0xFFFFC000  }
0x14: {  	[tilespmem:s20], [sflag:$0x2] =	stream.linear.gather [hbm4b:s4+s2], $0x4000, $0x38;
	[tilespmem:$0x8080] =	vst v63  }
0x15: {  	v0 =	vld [tilespmem:s25+$0x0]  }
0x16: {  	v1 =	vld [tilespmem:s25+$0x10]  }
0x17: {  	v2 =	vld [tilespmem:s25+$0x20]  }
0x18: {  	v3 =	vld [tilespmem:s25+$0x30]  }
0x19: {  	v4 =	vimm.f32 $+Inf;
	v5 =	vld [tilespmem:s25+$0x40]  }
0x1a: {  	v0 =	vmin.f32 v4, v0;
	v4 =	vld [tilespmem:s25+$0x50]  }
0x1b: {  	v0 =	vmin.f32 v0, v1;
	v1 =	vld [tilespmem:s25+$0x60]  }
0x1c: {  	v0 =	vmin.f32 v0, v2;
	v2 =	vld [tilespmem:s25+$0x70]  }
0x1d: {  	v0 =	vmin.f32 v0, v3;
	v3 =	vld [tilespmem:s25+$0x400]  }
0x1e: {  	v0 =	vmin.f32 v0, v5;
	v5 =	vld [tilespmem:s25+$0x410]  }
0x1f: {  	v0 =	vmin.f32 v0, v4;
	v4 =	vld [tilespmem:s25+$0x420]  }
0x20: {  	v0 =	vmin.f32 v0, v1;
	v1 =	vld [tilespmem:s25+$0x430]  }
0x21: {  	v0 =	vmin.f32 v0, v2;
	v2 =	vld [tilespmem:s25+$0x440]  }
0x22: {  	v0 =	vmin.f32 v0, v3;
	v3 =	vld [tilespmem:s25+$0x450]  }
0x23: {  	v0 =	vmin.f32 v0, v5;
	v5 =	vld [tilespmem:s25+$0x460]  }
0x24: {  	v0 =	vmin.f32 v0, v4;
	v4 =	vld [tilespmem:s25+$0x470]  }
0x25: {  	v0 =	vmin.f32 v0, v1;
	v1 =	vld [tilespmem:s25+$0x800]  }
0x26: {  	v0 =	vmin.f32 v0, v2;
	v2 =	vld [tilespmem:s25+$0x810]  }
0x27: {  	v0 =	vmin.f32 v0, v3;
	v3 =	vld [tilespmem:s25+$0x820]  }
0x28: {  	v0 =	vmin.f32 v0, v5;
	v5 =	vld [tilespmem:s25+$0x830]  }
0x29: {  	v0 =	vmin.f32 v0, v4;
	v4 =	vld [tilespmem:s25+$0x840]  }
0x2a: {  	v0 =	vmin.f32 v0, v1;
	v1 =	vld [tilespmem:s25+$0x850]  }
0x2b: {  	v0 =	vmin.f32 v0, v2;
	v2 =	vld [tilespmem:s25+$0x860]  }
0x2c: {  	v6 =	vld [tilespmem:s25+$0x870];
	v0 =	vmin.f32 v0, v3  }
0x2d: {  	v0 =	vmin.f32 v0, v5;
	v5 =	vld [tilespmem:s25+$0xC00]  }
0x2e: {  	v0 =	vmin.f32 v0, v4;
	v4 =	vld [tilespmem:s25+$0xC10]  }
0x2f: {  	v3 =	vld [tilespmem:s25+$0xC20];
	v0 =	vmin.f32 v0, v1  }
0x30: {  	v1 =	vmin.f32 v0, v2;
	v0 =	vld [tilespmem:s25+$0xC30]  }
0x31: {  	v2 =	vmin.f32 v1, v6;
	v1 =	vld [tilespmem:s25+$0xC40]  }
0x32: {  	s28 =	simm.s32 $0x200;
	s26 =	simm.s32 $0x80;
	v5 =	vmin.f32 v2, v5;
	v2 =	vld [tilespmem:s25+$0xC50]  }
0x33: {  	s29 =	sand.u32 $0x3000, s28;
	s28 =	simm.s32 $0x400;
	s30 =	sand.u32 $0x380, s26;
	v5 =	vmin.f32 v5, v4;
	v4 =	vld [tilespmem:s25+$0xC60]  }
.LBB2_2:
0x34: {  	p0 =	sne.s32 s28, $0x3E00;
	v3 =	vmin.f32 v5, v3;
	v5 =	vld [tilespmem:s25+$0xC70];
	s25 =	sor.u32 s30, s29  }
0x35: {  	v6 =	vld [tilespmem:s25+$0x0];
	v0 =	vmin.f32 v3, v0  }
0x36: {  	v3 =	vld [tilespmem:s25+$0x10];
	v0 =	vmin.f32 v0, v1  }
0x37: {  	v1 =	vld [tilespmem:s25+$0x20];
	v0 =	vmin.f32 v0, v2  }
0x38: {  	v2 =	vld [tilespmem:s25+$0x30];
	v0 =	vmin.f32 v0, v4  }
0x39: {  	v4 =	vld [tilespmem:s25+$0x40];
	v0 =	vmin.f32 v0, v5  }
0x3a: {  	v0 =	vmin.f32 v0, v6;
	v5 =	vld [tilespmem:s25+$0x50]  }
0x3b: {  	v0 =	vmin.f32 v0, v3;
	v3 =	vld [tilespmem:s25+$0x60]  }
0x3c: {  	v0 =	vmin.f32 v0, v1;
	v1 =	vld [tilespmem:s25+$0x70]  }
0x3d: {  	v0 =	vmin.f32 v0, v2;
	v2 =	vld [tilespmem:s25+$0x400]  }
0x3e: {  	v0 =	vmin.f32 v0, v4;
	v4 =	vld [tilespmem:s25+$0x410]  }
0x3f: {  	v0 =	vmin.f32 v0, v5;
	v5 =	vld [tilespmem:s25+$0x420]  }
0x40: {  	v0 =	vmin.f32 v0, v3;
	v3 =	vld [tilespmem:s25+$0x430]  }
0x41: {  	v0 =	vmin.f32 v0, v1;
	v1 =	vld [tilespmem:s25+$0x440]  }
0x42: {  	v0 =	vmin.f32 v0, v2;
	v2 =	vld [tilespmem:s25+$0x450]  }
0x43: {  	v0 =	vmin.f32 v0, v4;
	v4 =	vld [tilespmem:s25+$0x460]  }
0x44: {  	v0 =	vmin.f32 v0, v5;
	v5 =	vld [tilespmem:s25+$0x470]  }
0x45: {  	v0 =	vmin.f32 v0, v3;
	v3 =	vld [tilespmem:s25+$0x800]  }
0x46: {  	v0 =	vmin.f32 v0, v1;
	v1 =	vld [tilespmem:s25+$0x810]  }
0x47: {  	v0 =	vmin.f32 v0, v2;
	v2 =	vld [tilespmem:s25+$0x820]  }
0x48: {  	v0 =	vmin.f32 v0, v4;
	v4 =	vld [tilespmem:s25+$0x830]  }
0x49: {  	v0 =	vmin.f32 v0, v5;
	v5 =	vld [tilespmem:s25+$0x840]  }
0x4a: {  	v0 =	vmin.f32 v0, v3;
	v3 =	vld [tilespmem:s25+$0x850]  }
0x4b: {  	v0 =	vmin.f32 v0, v1;
	v1 =	vld [tilespmem:s25+$0x860]  }
0x4c: {  	v0 =	vmin.f32 v0, v2;
	v2 =	vld [tilespmem:s25+$0x870]  }
0x4d: {  	v0 =	vmin.f32 v0, v4;
	v4 =	vld [tilespmem:s25+$0xC00]  }
0x4e: {  	v0 =	vmin.f32 v0, v5;
	v5 =	vld [tilespmem:s25+$0xC10]  }
.Ltmp0:
0x4f: {  	v0 =	vmin.f32 v0, v3;
	v3 =	vld [tilespmem:s25+$0xC20];
	(pc) =	sbr.rel @p0 .LBB2_2-.Ltmp0, $4  }
0x50: {  	v1 =	vmin.f32 v0, v1;
	v0 =	vld [tilespmem:s25+$0xC30]  }
0x51: {  	v2 =	vmin.f32 v1, v2;
	v1 =	vld [tilespmem:s25+$0xC40]  }
0x52: {  	s26 =	sadd.s32 $0x80, s26;
	v4 =	vmin.f32 v2, v4;
	v2 =	vld [tilespmem:s25+$0xC50]  }
0x53: {  	s29 =	sand.u32 $0x3000, s28;
	s28 =	sadd.s32 $0x200, s28;
	s30 =	sand.u32 $0x380, s26;
	v5 =	vmin.f32 v4, v5;
	v4 =	vld [tilespmem:s25+$0xC60]  }
0x54: {  	s26 =	sor.u32 s30, s29;
	v6 =	vld [tilespmem:s25+$0xC70]  }
0x55: {  	v7 =	vld [tilespmem:s26+$0x0]  }
0x56: {  	v8 =	vld [tilespmem:s26+$0x10]  }
0x57: {  	v3 =	vmin.f32 v5, v3;
	v9 =	vld [tilespmem:s26+$0x20]  }
0x58: {  	v10 =	vld [tilespmem:s26+$0x30];
	v0 =	vmin.f32 v3, v0  }
0x59: {  	v11 =	vld [tilespmem:s26+$0x40];
	v0 =	vmin.f32 v0, v1  }
0x5a: {  	v5 =	vld [tilespmem:s26+$0x50];
	v0 =	vmin.f32 v0, v2  }
0x5b: {  	v3 =	vld [tilespmem:s26+$0x60];
	v0 =	vmin.f32 v0, v4  }
0x5c: {  	v56 =	vld [tilespmem:s26+$0x440];
	v0 =	vmin.f32 v0, v6  }
0x5d: {  	v57 =	vld [tilespmem:s26+$0x450];
	v0 =	vmin.f32 v0, v7  }
0x5e: {  	v58 =	vld [tilespmem:s26+$0x460];
	v0 =	vmin.f32 v0, v8  }
0x5f: {  	v1 =	vld [tilespmem:s26+$0x70];
	v0 =	vmin.f32 v0, v9  }
0x60: {  	v2 =	vld [tilespmem:s26+$0x400];
	v0 =	vmin.f32 v0, v10  }
0x61: {  	v4 =	vld [tilespmem:s26+$0x410];
	v0 =	vmin.f32 v0, v11  }
0x62: {  	v6 =	vld [tilespmem:s26+$0x420];
	v0 =	vmin.f32 v0, v5  }
0x63: {  	v7 =	vld [tilespmem:s26+$0x430];
	v0 =	vmin.f32 v0, v3  }
0x64: {  	v59 =	vld [tilespmem:s26+$0x470];
	v0 =	vmin.f32 v0, v1  }
0x65: {  	v60 =	vld [tilespmem:s26+$0x870];
	v0 =	vmin.f32 v0, v2  }
0x66: {  	v61 =	vld [tilespmem:s26+$0xC00];
	v0 =	vmin.f32 v0, v4  }
0x67: {  	v62 =	vld [tilespmem:s26+$0xC10];
	v0 =	vmin.f32 v0, v6  }
0x68: {  	v5 =	vld [tilespmem:s26+$0x800];
	v0 =	vmin.f32 v0, v7  }
0x69: {  	v3 =	vld [tilespmem:s26+$0x810];
	v0 =	vmin.f32 v0, v56  }
0x6a: {  	v1 =	vld [tilespmem:s26+$0x820];
	v0 =	vmin.f32 v0, v57  }
0x6b: {  	v2 =	vld [tilespmem:s26+$0x830];
	v0 =	vmin.f32 v0, v58  }
0x6c: {  	v4 =	vld [tilespmem:s26+$0x840];
	v0 =	vmin.f32 v0, v59  }
0x6d: {  	v6 =	vld [tilespmem:s26+$0x850];
	v0 =	vmin.f32 v0, v5  }
0x6e: {  	v7 =	vld [tilespmem:s26+$0x860];
	v0 =	vmin.f32 v0, v3  }
0x6f: {  	v63 =	vld [tilespmem:s26+$0xC20];
	v0 =	vmin.f32 v0, v1  }
0x70: {  	v5 =	vld [tilespmem:s26+$0xC30];
	v0 =	vmin.f32 v0, v2  }
0x71: {  	v3 =	vld [tilespmem:s26+$0xC40];
	v0 =	vmin.f32 v0, v4  }
0x72: {  	v1 =	vld [tilespmem:s26+$0xC50];
	v0 =	vmin.f32 v0, v6  }
0x73: {  	v2 =	vld [tilespmem:s26+$0xC60];
	v0 =	vmin.f32 v0, v7  }
0x74: {  	v4 =	vld [tilespmem:s26+$0xC70];
	_ =	swait.ge [sflag:s21], $0x4000;
	s26 =	simm.s32 $0x0;
	v0 =	vmin.f32 v0, v60  }
0x75: {  	[sflag:s21] =	ssyncset.done $0x0;
	s31 =	sand.u32 $0x3000, s26;
	s25 =	sand.u32 $0x380, s26;
	v0 =	vmin.f32 v0, v61  }
0x76: {  	[sflag:s21] =	ssyncadd.s32 $0xFFFFC000;
	s25 =	sor.u32 s25, s31;
	v0 =	vmin.f32 v0, v62  }
0x77: {  	[tilespmem:s26], [sflag:$0x1] =	stream.linear.gather [hbm4b:s5+s26], $0x4000, $0x38;
	v0 =	vmin.f32 v0, v63;
	[tilespmem:$0x8080] =	vst v63  }
0x78: {  	v0 =	vmin.f32 v0, v5;
	v5 =	vld [tilespmem:s25+$0x4000]  }
0x79: {  	v0 =	vmin.f32 v0, v3;
	v3 =	vld [tilespmem:s25+$0x4010]  }
0x7a: {  	v0 =	vmin.f32 v0, v1;
	v1 =	vld [tilespmem:s25+$0x4020]  }
0x7b: {  	v0 =	vmin.f32 v0, v2;
	v2 =	vld [tilespmem:s25+$0x4030]  }
0x7c: {  	v0 =	vmin.f32 v0, v4;
	v4 =	vld [tilespmem:s25+$0x4040]  }
0x7d: {  	v0 =	vmin.f32 v0, v5;
	v5 =	vld [tilespmem:s25+$0x4050]  }
0x7e: {  	v0 =	vmin.f32 v0, v3;
	v3 =	vld [tilespmem:s25+$0x4060]  }
0x7f: {  	v0 =	vmin.f32 v0, v1;
	v1 =	vld [tilespmem:s25+$0x4070]  }
0x80: {  	v0 =	vmin.f32 v0, v2;
	v2 =	vld [tilespmem:s25+$0x4400]  }
0x81: {  	v0 =	vmin.f32 v0, v4;
	v4 =	vld [tilespmem:s25+$0x4410]  }
0x82: {  	v0 =	vmin.f32 v0, v5;
	v5 =	vld [tilespmem:s25+$0x4420]  }
0x83: {  	v0 =	vmin.f32 v0, v3;
	v3 =	vld [tilespmem:s25+$0x4430]  }
0x84: {  	v0 =	vmin.f32 v0, v1;
	v1 =	vld [tilespmem:s25+$0x4440]  }
0x85: {  	v0 =	vmin.f32 v0, v2;
	v2 =	vld [tilespmem:s25+$0x4450]  }
0x86: {  	v0 =	vmin.f32 v0, v4;
	v4 =	vld [tilespmem:s25+$0x4460]  }
0x87: {  	v0 =	vmin.f32 v0, v5;
	v5 =	vld [tilespmem:s25+$0x4470]  }
0x88: {  	v0 =	vmin.f32 v0, v3;
	v3 =	vld [tilespmem:s25+$0x4800]  }
0x89: {  	v0 =	vmin.f32 v0, v1;
	v1 =	vld [tilespmem:s25+$0x4810]  }
0x8a: {  	v0 =	vmin.f32 v0, v2;
	v2 =	vld [tilespmem:s25+$0x4820]  }
0x8b: {  	v0 =	vmin.f32 v0, v4;
	v4 =	vld [tilespmem:s25+$0x4830]  }
0x8c: {  	v0 =	vmin.f32 v0, v5;
	v5 =	vld [tilespmem:s25+$0x4840]  }
0x8d: {  	v0 =	vmin.f32 v0, v3;
	v3 =	vld [tilespmem:s25+$0x4850]  }
0x8e: {  	v0 =	vmin.f32 v0, v1;
	v1 =	vld [tilespmem:s25+$0x4860]  }
0x8f: {  	v0 =	vmin.f32 v0, v2;
	v2 =	vld [tilespmem:s25+$0x4870]  }
0x90: {  	v0 =	vmin.f32 v0, v4;
	v4 =	vld [tilespmem:s25+$0x4C00]  }
0x91: {  	v0 =	vmin.f32 v0, v5;
	v5 =	vld [tilespmem:s25+$0x4C10]  }
0x92: {  	v0 =	vmin.f32 v0, v3;
	v3 =	vld [tilespmem:s25+$0x4C20]  }
0x93: {  	v1 =	vmin.f32 v0, v1;
	v0 =	vld [tilespmem:s25+$0x4C30]  }
0x94: {  	v2 =	vmin.f32 v1, v2;
	v1 =	vld [tilespmem:s25+$0x4C40]  }
0x95: {  	s28 =	simm.s32 $0x200;
	s26 =	simm.s32 $0x80;
	v4 =	vmin.f32 v2, v4;
	v2 =	vld [tilespmem:s25+$0x4C50]  }
0x96: {  	s29 =	sand.u32 $0x3000, s28;
	s28 =	simm.s32 $0x400;
	s30 =	sand.u32 $0x380, s26;
	v5 =	vmin.f32 v4, v5;
	v4 =	vld [tilespmem:s25+$0x4C60]  }
.LBB2_4:
0x97: {  	p0 =	sne.s32 s28, $0x3E00;
	v3 =	vmin.f32 v5, v3;
	v5 =	vld [tilespmem:s25+$0x4C70];
	s25 =	sor.u32 s30, s29  }
0x98: {  	v6 =	vld [tilespmem:s25+$0x4000];
	v0 =	vmin.f32 v3, v0  }
0x99: {  	v3 =	vld [tilespmem:s25+$0x4010];
	v0 =	vmin.f32 v0, v1  }
0x9a: {  	v1 =	vld [tilespmem:s25+$0x4020];
	v0 =	vmin.f32 v0, v2  }
0x9b: {  	v2 =	vld [tilespmem:s25+$0x4030];
	v0 =	vmin.f32 v0, v4  }
0x9c: {  	v4 =	vld [tilespmem:s25+$0x4040];
	v0 =	vmin.f32 v0, v5  }
0x9d: {  	v0 =	vmin.f32 v0, v6;
	v5 =	vld [tilespmem:s25+$0x4050]  }
0x9e: {  	v0 =	vmin.f32 v0, v3;
	v3 =	vld [tilespmem:s25+$0x4060]  }
0x9f: {  	v0 =	vmin.f32 v0, v1;
	v1 =	vld [tilespmem:s25+$0x4070]  }
0xa0: {  	v0 =	vmin.f32 v0, v2;
	v2 =	vld [tilespmem:s25+$0x4400]  }
0xa1: {  	v0 =	vmin.f32 v0, v4;
	v4 =	vld [tilespmem:s25+$0x4410]  }
0xa2: {  	v0 =	vmin.f32 v0, v5;
	v5 =	vld [tilespmem:s25+$0x4420]  }
0xa3: {  	v0 =	vmin.f32 v0, v3;
	v3 =	vld [tilespmem:s25+$0x4430]  }
0xa4: {  	v0 =	vmin.f32 v0, v1;
	v1 =	vld [tilespmem:s25+$0x4440]  }
0xa5: {  	v0 =	vmin.f32 v0, v2;
	v2 =	vld [tilespmem:s25+$0x4450]  }
0xa6: {  	v0 =	vmin.f32 v0, v4;
	v4 =	vld [tilespmem:s25+$0x4460]  }
0xa7: {  	v0 =	vmin.f32 v0, v5;
	v5 =	vld [tilespmem:s25+$0x4470]  }
0xa8: {  	v0 =	vmin.f32 v0, v3;
	v3 =	vld [tilespmem:s25+$0x4800]  }
0xa9: {  	v0 =	vmin.f32 v0, v1;
	v1 =	vld [tilespmem:s25+$0x4810]  }
0xaa: {  	v0 =	vmin.f32 v0, v2;
	v2 =	vld [tilespmem:s25+$0x4820]  }
0xab: {  	v0 =	vmin.f32 v0, v4;
	v4 =	vld [tilespmem:s25+$0x4830]  }
0xac: {  	v0 =	vmin.f32 v0, v5;
	v5 =	vld [tilespmem:s25+$0x4840]  }
0xad: {  	v0 =	vmin.f32 v0, v3;
	v3 =	vld [tilespmem:s25+$0x4850]  }
0xae: {  	v0 =	vmin.f32 v0, v1;
	v1 =	vld [tilespmem:s25+$0x4860]  }
0xaf: {  	v0 =	vmin.f32 v0, v2;
	v2 =	vld [tilespmem:s25+$0x4870]  }
0xb0: {  	v0 =	vmin.f32 v0, v4;
	v4 =	vld [tilespmem:s25+$0x4C00]  }
0xb1: {  	v0 =	vmin.f32 v0, v5;
	v5 =	vld [tilespmem:s25+$0x4C10]  }
.Ltmp1:
0xb2: {  	v0 =	vmin.f32 v0, v3;
	v3 =	vld [tilespmem:s25+$0x4C20];
	(pc) =	sbr.rel @p0 .LBB2_4-.Ltmp1, $4  }
0xb3: {  	v1 =	vmin.f32 v0, v1;
	v0 =	vld [tilespmem:s25+$0x4C30]  }
0xb4: {  	v2 =	vmin.f32 v1, v2;
	v1 =	vld [tilespmem:s25+$0x4C40]  }
0xb5: {  	s26 =	sadd.s32 $0x80, s26;
	v4 =	vmin.f32 v2, v4;
	v2 =	vld [tilespmem:s25+$0x4C50]  }
0xb6: {  	s29 =	sand.u32 $0x3000, s28;
	s28 =	sadd.s32 $0x200, s28;
	s30 =	sand.u32 $0x380, s26;
	v5 =	vmin.f32 v4, v5;
	v4 =	vld [tilespmem:s25+$0x4C60]  }
0xb7: {  	s26 =	sor.u32 s30, s29;
	v6 =	vld [tilespmem:s25+$0x4C70]  }
0xb8: {  	v7 =	vld [tilespmem:s26+$0x4000]  }
0xb9: {  	v8 =	vld [tilespmem:s26+$0x4010]  }
0xba: {  	v3 =	vmin.f32 v5, v3;
	v9 =	vld [tilespmem:s26+$0x4020]  }
0xbb: {  	v10 =	vld [tilespmem:s26+$0x4030];
	v0 =	vmin.f32 v3, v0  }
0xbc: {  	v11 =	vld [tilespmem:s26+$0x4040];
	v0 =	vmin.f32 v0, v1  }
0xbd: {  	v5 =	vld [tilespmem:s26+$0x4050];
	v0 =	vmin.f32 v0, v2  }
0xbe: {  	v3 =	vld [tilespmem:s26+$0x4060];
	v0 =	vmin.f32 v0, v4  }
0xbf: {  	v56 =	vld [tilespmem:s26+$0x4440];
	v0 =	vmin.f32 v0, v6  }
0xc0: {  	v57 =	vld [tilespmem:s26+$0x4450];
	v0 =	vmin.f32 v0, v7  }
0xc1: {  	v58 =	vld [tilespmem:s26+$0x4460];
	v0 =	vmin.f32 v0, v8  }
0xc2: {  	v1 =	vld [tilespmem:s26+$0x4070];
	v0 =	vmin.f32 v0, v9  }
0xc3: {  	v2 =	vld [tilespmem:s26+$0x4400];
	v0 =	vmin.f32 v0, v10  }
0xc4: {  	v4 =	vld [tilespmem:s26+$0x4410];
	v0 =	vmin.f32 v0, v11  }
0xc5: {  	v6 =	vld [tilespmem:s26+$0x4420];
	v0 =	vmin.f32 v0, v5  }
0xc6: {  	v7 =	vld [tilespmem:s26+$0x4430];
	v0 =	vmin.f32 v0, v3  }
0xc7: {  	v59 =	vld [tilespmem:s26+$0x4470];
	v0 =	vmin.f32 v0, v1  }
0xc8: {  	v60 =	vld [tilespmem:s26+$0x4870];
	v0 =	vmin.f32 v0, v2  }
0xc9: {  	v61 =	vld [tilespmem:s26+$0x4C00];
	v0 =	vmin.f32 v0, v4  }
0xca: {  	v62 =	vld [tilespmem:s26+$0x4C10];
	v0 =	vmin.f32 v0, v6  }
0xcb: {  	v5 =	vld [tilespmem:s26+$0x4800];
	v0 =	vmin.f32 v0, v7  }
0xcc: {  	v3 =	vld [tilespmem:s26+$0x4810];
	v0 =	vmin.f32 v0, v56  }
0xcd: {  	v1 =	vld [tilespmem:s26+$0x4820];
	v0 =	vmin.f32 v0, v57  }
0xce: {  	v2 =	vld [tilespmem:s26+$0x4830];
	v0 =	vmin.f32 v0, v58  }
0xcf: {  	v4 =	vld [tilespmem:s26+$0x4840];
	v0 =	vmin.f32 v0, v59  }
0xd0: {  	v6 =	vld [tilespmem:s26+$0x4850];
	v0 =	vmin.f32 v0, v5  }
0xd1: {  	v7 =	vld [tilespmem:s26+$0x4860];
	v0 =	vmin.f32 v0, v3  }
0xd2: {  	v63 =	vld [tilespmem:s26+$0x4C20];
	v0 =	vmin.f32 v0, v1  }
0xd3: {  	v5 =	vld [tilespmem:s26+$0x4C30];
	v0 =	vmin.f32 v0, v2  }
0xd4: {  	v3 =	vld [tilespmem:s26+$0x4C40];
	v0 =	vmin.f32 v0, v4  }
0xd5: {  	v1 =	vld [tilespmem:s26+$0x4C50];
	v0 =	vmin.f32 v0, v6  }
0xd6: {  	v2 =	vld [tilespmem:s26+$0x4C60];
	v0 =	vmin.f32 v0, v7  }
0xd7: {  	v4 =	vld [tilespmem:s26+$0x4C70];
	_ =	swait.ge [sflag:s19], $0x4000;
	s26 =	simm.s32 $0x0;
	v0 =	vmin.f32 v0, v60  }
0xd8: {  	[sflag:s19] =	ssyncset.done $0x0;
	s31 =	sand.u32 $0x3000, s26;
	s25 =	sand.u32 $0x380, s26;
	v0 =	vmin.f32 v0, v61  }
0xd9: {  	[sflag:s19] =	ssyncadd.s32 $0xFFFFC000;
	s25 =	sor.u32 s25, s31;
	v0 =	vmin.f32 v0, v62  }
0xda: {  	[tilespmem:s20], [sflag:$0x2] =	stream.linear.gather [hbm4b:s6+s26], $0x4000, $0x38;
	v0 =	vmin.f32 v0, v63;
	[tilespmem:$0x8080] =	vst v63  }
0xdb: {  	v0 =	vmin.f32 v0, v5;
	v5 =	vld [tilespmem:s25+$0x0]  }
0xdc: {  	v0 =	vmin.f32 v0, v3;
	v3 =	vld [tilespmem:s25+$0x10]  }
0xdd: {  	v0 =	vmin.f32 v0, v1;
	v1 =	vld [tilespmem:s25+$0x20]  }
0xde: {  	v0 =	vmin.f32 v0, v2;
	v2 =	vld [tilespmem:s25+$0x30]  }
0xdf: {  	v0 =	vmin.f32 v0, v4;
	v4 =	vld [tilespmem:s25+$0x40]  }
0xe0: {  	v0 =	vmin.f32 v0, v5;
	v5 =	vld [tilespmem:s25+$0x50]  }
0xe1: {  	v0 =	vmin.f32 v0, v3;
	v3 =	vld [tilespmem:s25+$0x60]  }
0xe2: {  	v0 =	vmin.f32 v0, v1;
	v1 =	vld [tilespmem:s25+$0x70]  }
0xe3: {  	v0 =	vmin.f32 v0, v2;
	v2 =	vld [tilespmem:s25+$0x400]  }
0xe4: {  	v0 =	vmin.f32 v0, v4;
	v4 =	vld [tilespmem:s25+$0x410]  }
0xe5: {  	v0 =	vmin.f32 v0, v5;
	v5 =	vld [tilespmem:s25+$0x420]  }
0xe6: {  	v0 =	vmin.f32 v0, v3;
	v3 =	vld [tilespmem:s25+$0x430]  }
0xe7: {  	v0 =	vmin.f32 v0, v1;
	v1 =	vld [tilespmem:s25+$0x440]  }
0xe8: {  	v0 =	vmin.f32 v0, v2;
	v2 =	vld [tilespmem:s25+$0x450]  }
0xe9: {  	v0 =	vmin.f32 v0, v4;
	v4 =	vld [tilespmem:s25+$0x460]  }
0xea: {  	v0 =	vmin.f32 v0, v5;
	v5 =	vld [tilespmem:s25+$0x470]  }
0xeb: {  	v0 =	vmin.f32 v0, v3;
	v3 =	vld [tilespmem:s25+$0x800]  }
0xec: {  	v0 =	vmin.f32 v0, v1;
	v1 =	vld [tilespmem:s25+$0x810]  }
0xed: {  	v0 =	vmin.f32 v0, v2;
	v2 =	vld [tilespmem:s25+$0x820]  }
0xee: {  	v0 =	vmin.f32 v0, v4;
	v4 =	vld [tilespmem:s25+$0x830]  }
0xef: {  	v0 =	vmin.f32 v0, v5;
	v5 =	vld [tilespmem:s25+$0x840]  }
0xf0: {  	v0 =	vmin.f32 v0, v3;
	v3 =	vld [tilespmem:s25+$0x850]  }
0xf1: {  	v0 =	vmin.f32 v0, v1;
	v1 =	vld [tilespmem:s25+$0x860]  }
0xf2: {  	v0 =	vmin.f32 v0, v2;
	v2 =	vld [tilespmem:s25+$0x870]  }
0xf3: {  	v0 =	vmin.f32 v0, v4;
	v4 =	vld [tilespmem:s25+$0xC00]  }
0xf4: {  	v0 =	vmin.f32 v0, v5;
	v5 =	vld [tilespmem:s25+$0xC10]  }
0xf5: {  	v0 =	vmin.f32 v0, v3;
	v3 =	vld [tilespmem:s25+$0xC20]  }
0xf6: {  	v1 =	vmin.f32 v0, v1;
	v0 =	vld [tilespmem:s25+$0xC30]  }
0xf7: {  	v2 =	vmin.f32 v1, v2;
	v1 =	vld [tilespmem:s25+$0xC40]  }
0xf8: {  	s28 =	simm.s32 $0x200;
	s26 =	simm.s32 $0x80;
	v4 =	vmin.f32 v2, v4;
	v2 =	vld [tilespmem:s25+$0xC50]  }
0xf9: {  	s29 =	sand.u32 $0x3000, s28;
	s28 =	simm.s32 $0x400;
	s30 =	sand.u32 $0x380, s26;
	v5 =	vmin.f32 v4, v5;
	v4 =	vld [tilespmem:s25+$0xC60]  }
.LBB2_6:
0xfa: {  	p0 =	sne.s32 s28, $0x3E00;
	v3 =	vmin.f32 v5, v3;
	v5 =	vld [tilespmem:s25+$0xC70];
	s25 =	sor.u32 s30, s29  }
0xfb: {  	v6 =	vld [tilespmem:s25+$0x0];
	v0 =	vmin.f32 v3, v0  }
0xfc: {  	v3 =	vld [tilespmem:s25+$0x10];
	v0 =	vmin.f32 v0, v1  }
0xfd: {  	v1 =	vld [tilespmem:s25+$0x20];
	v0 =	vmin.f32 v0, v2  }
0xfe: {  	v2 =	vld [tilespmem:s25+$0x30];
	v0 =	vmin.f32 v0, v4  }
0xff: {  	v4 =	vld [tilespmem:s25+$0x40];
	v0 =	vmin.f32 v0, v5  }
0x100: {  	v0 =	vmin.f32 v0, v6;
	v5 =	vld [tilespmem:s25+$0x50]  }
0x101: {  	v0 =	vmin.f32 v0, v3;
	v3 =	vld [tilespmem:s25+$0x60]  }
0x102: {  	v0 =	vmin.f32 v0, v1;
	v1 =	vld [tilespmem:s25+$0x70]  }
0x103: {  	v0 =	vmin.f32 v0, v2;
	v2 =	vld [tilespmem:s25+$0x400]  }
0x104: {  	v0 =	vmin.f32 v0, v4;
	v4 =	vld [tilespmem:s25+$0x410]  }
0x105: {  	v0 =	vmin.f32 v0, v5;
	v5 =	vld [tilespmem:s25+$0x420]  }
0x106: {  	v0 =	vmin.f32 v0, v3;
	v3 =	vld [tilespmem:s25+$0x430]  }
0x107: {  	v0 =	vmin.f32 v0, v1;
	v1 =	vld [tilespmem:s25+$0x440]  }
0x108: {  	v0 =	vmin.f32 v0, v2;
	v2 =	vld [tilespmem:s25+$0x450]  }
0x109: {  	v0 =	vmin.f32 v0, v4;
	v4 =	vld [tilespmem:s25+$0x460]  }
0x10a: {  	v0 =	vmin.f32 v0, v5;
	v5 =	vld [tilespmem:s25+$0x470]  }
0x10b: {  	v0 =	vmin.f32 v0, v3;
	v3 =	vld [tilespmem:s25+$0x800]  }
0x10c: {  	v0 =	vmin.f32 v0, v1;
	v1 =	vld [tilespmem:s25+$0x810]  }
0x10d: {  	v0 =	vmin.f32 v0, v2;
	v2 =	vld [tilespmem:s25+$0x820]  }
0x10e: {  	v0 =	vmin.f32 v0, v4;
	v4 =	vld [tilespmem:s25+$0x830]  }
0x10f: {  	v0 =	vmin.f32 v0, v5;
	v5 =	vld [tilespmem:s25+$0x840]  }
0x110: {  	v0 =	vmin.f32 v0, v3;
	v3 =	vld [tilespmem:s25+$0x850]  }
0x111: {  	v0 =	vmin.f32 v0, v1;
	v1 =	vld [tilespmem:s25+$0x860]  }
0x112: {  	v0 =	vmin.f32 v0, v2;
	v2 =	vld [tilespmem:s25+$0x870]  }
0x113: {  	v0 =	vmin.f32 v0, v4;
	v4 =	vld [tilespmem:s25+$0xC00]  }
0x114: {  	v0 =	vmin.f32 v0, v5;
	v5 =	vld [tilespmem:s25+$0xC10]  }
.Ltmp2:
0x115: {  	v0 =	vmin.f32 v0, v3;
	v3 =	vld [tilespmem:s25+$0xC20];
	(pc) =	sbr.rel @p0 .LBB2_6-.Ltmp2, $4  }
0x116: {  	v1 =	vmin.f32 v0, v1;
	v0 =	vld [tilespmem:s25+$0xC30]  }
0x117: {  	v2 =	vmin.f32 v1, v2;
	v1 =	vld [tilespmem:s25+$0xC40]  }
0x118: {  	s26 =	sadd.s32 $0x80, s26;
	v4 =	vmin.f32 v2, v4;
	v2 =	vld [tilespmem:s25+$0xC50]  }
0x119: {  	s29 =	sand.u32 $0x3000, s28;
	s28 =	sadd.s32 $0x200, s28;
	s30 =	sand.u32 $0x380, s26;
	v5 =	vmin.f32 v4, v5;
	v4 =	vld [tilespmem:s25+$0xC60]  }
0x11a: {  	s26 =	sor.u32 s30, s29;
	v6 =	vld [tilespmem:s25+$0xC70]  }
0x11b: {  	v7 =	vld [tilespmem:s26+$0x0]  }
0x11c: {  	v8 =	vld [tilespmem:s26+$0x10]  }
0x11d: {  	v3 =	vmin.f32 v5, v3;
	v9 =	vld [tilespmem:s26+$0x20]  }
0x11e: {  	v10 =	vld [tilespmem:s26+$0x30];
	v0 =	vmin.f32 v3, v0  }
0x11f: {  	v11 =	vld [tilespmem:s26+$0x40];
	v0 =	vmin.f32 v0, v1  }
0x120: {  	v5 =	vld [tilespmem:s26+$0x50];
	v0 =	vmin.f32 v0, v2  }
0x121: {  	v3 =	vld [tilespmem:s26+$0x60];
	v0 =	vmin.f32 v0, v4  }
0x122: {  	v56 =	vld [tilespmem:s26+$0x440];
	v0 =	vmin.f32 v0, v6  }
0x123: {  	v57 =	vld [tilespmem:s26+$0x450];
	v0 =	vmin.f32 v0, v7  }
0x124: {  	v58 =	vld [tilespmem:s26+$0x460];
	v0 =	vmin.f32 v0, v8  }
0x125: {  	v1 =	vld [tilespmem:s26+$0x70];
	v0 =	vmin.f32 v0, v9  }
0x126: {  	v2 =	vld [tilespmem:s26+$0x400];
	v0 =	vmin.f32 v0, v10  }
0x127: {  	v4 =	vld [tilespmem:s26+$0x410];
	v0 =	vmin.f32 v0, v11  }
0x128: {  	v6 =	vld [tilespmem:s26+$0x420];
	v0 =	vmin.f32 v0, v5  }
0x129: {  	v7 =	vld [tilespmem:s26+$0x430];
	v0 =	vmin.f32 v0, v3  }
0x12a: {  	v59 =	vld [tilespmem:s26+$0x470];
	v0 =	vmin.f32 v0, v1  }
0x12b: {  	v60 =	vld [tilespmem:s26+$0x870];
	v0 =	vmin.f32 v0, v2  }
0x12c: {  	v61 =	vld [tilespmem:s26+$0xC00];
	v0 =	vmin.f32 v0, v4  }
0x12d: {  	v62 =	vld [tilespmem:s26+$0xC10];
	v0 =	vmin.f32 v0, v6  }
0x12e: {  	v5 =	vld [tilespmem:s26+$0x800];
	v0 =	vmin.f32 v0, v7  }
0x12f: {  	v3 =	vld [tilespmem:s26+$0x810];
	v0 =	vmin.f32 v0, v56  }
0x130: {  	v1 =	vld [tilespmem:s26+$0x820];
	v0 =	vmin.f32 v0, v57  }
0x131: {  	v2 =	vld [tilespmem:s26+$0x830];
	v0 =	vmin.f32 v0, v58  }
0x132: {  	v4 =	vld [tilespmem:s26+$0x840];
	v0 =	vmin.f32 v0, v59  }
0x133: {  	v6 =	vld [tilespmem:s26+$0x850];
	v0 =	vmin.f32 v0, v5  }
0x134: {  	v7 =	vld [tilespmem:s26+$0x860];
	v0 =	vmin.f32 v0, v3  }
0x135: {  	v63 =	vld [tilespmem:s26+$0xC20];
	v0 =	vmin.f32 v0, v1  }
0x136: {  	v5 =	vld [tilespmem:s26+$0xC30];
	v0 =	vmin.f32 v0, v2  }
0x137: {  	v3 =	vld [tilespmem:s26+$0xC40];
	v0 =	vmin.f32 v0, v4  }
0x138: {  	v1 =	vld [tilespmem:s26+$0xC50];
	v0 =	vmin.f32 v0, v6  }
0x139: {  	v2 =	vld [tilespmem:s26+$0xC60];
	v0 =	vmin.f32 v0, v7  }
0x13a: {  	v4 =	vld [tilespmem:s26+$0xC70];
	_ =	swait.ge [sflag:s21], $0x4000;
	s26 =	simm.s32 $0x0;
	v0 =	vmin.f32 v0, v60  }
0x13b: {  	[sflag:s21] =	ssyncset.done $0x0;
	s31 =	sand.u32 $0x3000, s26;
	s25 =	sand.u32 $0x380, s26;
	v0 =	vmin.f32 v0, v61  }
0x13c: {  	[sflag:s21] =	ssyncadd.s32 $0xFFFFC000;
	s25 =	sor.u32 s25, s31;
	v0 =	vmin.f32 v0, v62  }
0x13d: {  	[tilespmem:s26], [sflag:$0x1] =	stream.linear.gather [hbm4b:s8+s26], $0x4000, $0x38;
	v0 =	vmin.f32 v0, v63;
	[tilespmem:$0x8080] =	vst v63  }
0x13e: {  	v0 =	vmin.f32 v0, v5;
	v5 =	vld [tilespmem:s25+$0x4000]  }
0x13f: {  	v0 =	vmin.f32 v0, v3;
	v3 =	vld [tilespmem:s25+$0x4010]  }
0x140: {  	v0 =	vmin.f32 v0, v1;
	v1 =	vld [tilespmem:s25+$0x4020]  }
0x141: {  	v0 =	vmin.f32 v0, v2;
	v2 =	vld [tilespmem:s25+$0x4030]  }
0x142: {  	v0 =	vmin.f32 v0, v4;
	v4 =	vld [tilespmem:s25+$0x4040]  }
0x143: {  	v0 =	vmin.f32 v0, v5;
	v5 =	vld [tilespmem:s25+$0x4050]  }
0x144: {  	v0 =	vmin.f32 v0, v3;
	v3 =	vld [tilespmem:s25+$0x4060]  }
0x145: {  	v0 =	vmin.f32 v0, v1;
	v1 =	vld [tilespmem:s25+$0x4070]  }
0x146: {  	v0 =	vmin.f32 v0, v2;
	v2 =	vld [tilespmem:s25+$0x4400]  }
0x147: {  	v0 =	vmin.f32 v0, v4;
	v4 =	vld [tilespmem:s25+$0x4410]  }
0x148: {  	v0 =	vmin.f32 v0, v5;
	v5 =	vld [tilespmem:s25+$0x4420]  }
0x149: {  	v0 =	vmin.f32 v0, v3;
	v3 =	vld [tilespmem:s25+$0x4430]  }
0x14a: {  	v0 =	vmin.f32 v0, v1;
	v1 =	vld [tilespmem:s25+$0x4440]  }
0x14b: {  	v0 =	vmin.f32 v0, v2;
	v2 =	vld [tilespmem:s25+$0x4450]  }
0x14c: {  	v0 =	vmin.f32 v0, v4;
	v4 =	vld [tilespmem:s25+$0x4460]  }
0x14d: {  	v0 =	vmin.f32 v0, v5;
	v5 =	vld [tilespmem:s25+$0x4470]  }
0x14e: {  	v0 =	vmin.f32 v0, v3;
	v3 =	vld [tilespmem:s25+$0x4800]  }
0x14f: {  	v0 =	vmin.f32 v0, v1;
	v1 =	vld [tilespmem:s25+$0x4810]  }
0x150: {  	v0 =	vmin.f32 v0, v2;
	v2 =	vld [tilespmem:s25+$0x4820]  }
0x151: {  	v0 =	vmin.f32 v0, v4;
	v4 =	vld [tilespmem:s25+$0x4830]  }
0x152: {  	v0 =	vmin.f32 v0, v5;
	v5 =	vld [tilespmem:s25+$0x4840]  }
0x153: {  	v0 =	vmin.f32 v0, v3;
	v3 =	vld [tilespmem:s25+$0x4850]  }
0x154: {  	v0 =	vmin.f32 v0, v1;
	v1 =	vld [tilespmem:s25+$0x4860]  }
0x155: {  	v0 =	vmin.f32 v0, v2;
	v2 =	vld [tilespmem:s25+$0x4870]  }
0x156: {  	v0 =	vmin.f32 v0, v4;
	v4 =	vld [tilespmem:s25+$0x4C00]  }
0x157: {  	v0 =	vmin.f32 v0, v5;
	v5 =	vld [tilespmem:s25+$0x4C10]  }
0x158: {  	v0 =	vmin.f32 v0, v3;
	v3 =	vld [tilespmem:s25+$0x4C20]  }
0x159: {  	v1 =	vmin.f32 v0, v1;
	v0 =	vld [tilespmem:s25+$0x4C30]  }
0x15a: {  	v2 =	vmin.f32 v1, v2;
	v1 =	vld [tilespmem:s25+$0x4C40]  }
0x15b: {  	s28 =	simm.s32 $0x200;
	s26 =	simm.s32 $0x80;
	v4 =	vmin.f32 v2, v4;
	v2 =	vld [tilespmem:s25+$0x4C50]  }
0x15c: {  	s29 =	sand.u32 $0x3000, s28;
	s28 =	simm.s32 $0x400;
	s30 =	sand.u32 $0x380, s26;
	v5 =	vmin.f32 v4, v5;
	v4 =	vld [tilespmem:s25+$0x4C60]  }
.LBB2_8:
0x15d: {  	p0 =	sne.s32 s28, $0x3E00;
	v3 =	vmin.f32 v5, v3;
	v5 =	vld [tilespmem:s25+$0x4C70];
	s25 =	sor.u32 s30, s29  }
0x15e: {  	v6 =	vld [tilespmem:s25+$0x4000];
	v0 =	vmin.f32 v3, v0  }
0x15f: {  	v3 =	vld [tilespmem:s25+$0x4010];
	v0 =	vmin.f32 v0, v1  }
0x160: {  	v1 =	vld [tilespmem:s25+$0x4020];
	v0 =	vmin.f32 v0, v2  }
0x161: {  	v2 =	vld [tilespmem:s25+$0x4030];
	v0 =	vmin.f32 v0, v4  }
0x162: {  	v4 =	vld [tilespmem:s25+$0x4040];
	v0 =	vmin.f32 v0, v5  }
0x163: {  	v0 =	vmin.f32 v0, v6;
	v5 =	vld [tilespmem:s25+$0x4050]  }
0x164: {  	v0 =	vmin.f32 v0, v3;
	v3 =	vld [tilespmem:s25+$0x4060]  }
0x165: {  	v0 =	vmin.f32 v0, v1;
	v1 =	vld [tilespmem:s25+$0x4070]  }
0x166: {  	v0 =	vmin.f32 v0, v2;
	v2 =	vld [tilespmem:s25+$0x4400]  }
0x167: {  	v0 =	vmin.f32 v0, v4;
	v4 =	vld [tilespmem:s25+$0x4410]  }
0x168: {  	v0 =	vmin.f32 v0, v5;
	v5 =	vld [tilespmem:s25+$0x4420]  }
0x169: {  	v0 =	vmin.f32 v0, v3;
	v3 =	vld [tilespmem:s25+$0x4430]  }
0x16a: {  	v0 =	vmin.f32 v0, v1;
	v1 =	vld [tilespmem:s25+$0x4440]  }
0x16b: {  	v0 =	vmin.f32 v0, v2;
	v2 =	vld [tilespmem:s25+$0x4450]  }
0x16c: {  	v0 =	vmin.f32 v0, v4;
	v4 =	vld [tilespmem:s25+$0x4460]  }
0x16d: {  	v0 =	vmin.f32 v0, v5;
	v5 =	vld [tilespmem:s25+$0x4470]  }
0x16e: {  	v0 =	vmin.f32 v0, v3;
	v3 =	vld [tilespmem:s25+$0x4800]  }
0x16f: {  	v0 =	vmin.f32 v0, v1;
	v1 =	vld [tilespmem:s25+$0x4810]  }
0x170: {  	v0 =	vmin.f32 v0, v2;
	v2 =	vld [tilespmem:s25+$0x4820]  }
0x171: {  	v0 =	vmin.f32 v0, v4;
	v4 =	vld [tilespmem:s25+$0x4830]  }
0x172: {  	v0 =	vmin.f32 v0, v5;
	v5 =	vld [tilespmem:s25+$0x4840]  }
0x173: {  	v0 =	vmin.f32 v0, v3;
	v3 =	vld [tilespmem:s25+$0x4850]  }
0x174: {  	v0 =	vmin.f32 v0, v1;
	v1 =	vld [tilespmem:s25+$0x4860]  }
0x175: {  	v0 =	vmin.f32 v0, v2;
	v2 =	vld [tilespmem:s25+$0x4870]  }
0x176: {  	v0 =	vmin.f32 v0, v4;
	v4 =	vld [tilespmem:s25+$0x4C00]  }
0x177: {  	v0 =	vmin.f32 v0, v5;
	v5 =	vld [tilespmem:s25+$0x4C10]  }
.Ltmp3:
0x178: {  	v0 =	vmin.f32 v0, v3;
	v3 =	vld [tilespmem:s25+$0x4C20];
	(pc) =	sbr.rel @p0 .LBB2_8-.Ltmp3, $4  }
0x179: {  	v1 =	vmin.f32 v0, v1;
	v0 =	vld [tilespmem:s25+$0x4C30]  }
0x17a: {  	v2 =	vmin.f32 v1, v2;
	v1 =	vld [tilespmem:s25+$0x4C40]  }
0x17b: {  	s26 =	sadd.s32 $0x80, s26;
	v4 =	vmin.f32 v2, v4;
	v2 =	vld [tilespmem:s25+$0x4C50]  }
0x17c: {  	s29 =	sand.u32 $0x3000, s28;
	s28 =	sadd.s32 $0x200, s28;
	s30 =	sand.u32 $0x380, s26;
	v5 =	vmin.f32 v4, v5;
	v4 =	vld [tilespmem:s25+$0x4C60]  }
0x17d: {  	s26 =	sor.u32 s30, s29;
	v6 =	vld [tilespmem:s25+$0x4C70]  }
0x17e: {  	v7 =	vld [tilespmem:s26+$0x4000]  }
0x17f: {  	v8 =	vld [tilespmem:s26+$0x4010]  }
0x180: {  	v3 =	vmin.f32 v5, v3;
	v9 =	vld [tilespmem:s26+$0x4020]  }
0x181: {  	v10 =	vld [tilespmem:s26+$0x4030];
	v0 =	vmin.f32 v3, v0  }
0x182: {  	v11 =	vld [tilespmem:s26+$0x4040];
	v0 =	vmin.f32 v0, v1  }
0x183: {  	v5 =	vld [tilespmem:s26+$0x4050];
	v0 =	vmin.f32 v0, v2  }
0x184: {  	v3 =	vld [tilespmem:s26+$0x4060];
	v0 =	vmin.f32 v0, v4  }
0x185: {  	v56 =	vld [tilespmem:s26+$0x4440];
	v0 =	vmin.f32 v0, v6  }
0x186: {  	v57 =	vld [tilespmem:s26+$0x4450];
	v0 =	vmin.f32 v0, v7  }
0x187: {  	v58 =	vld [tilespmem:s26+$0x4460];
	v0 =	vmin.f32 v0, v8  }
0x188: {  	v1 =	vld [tilespmem:s26+$0x4070];
	v0 =	vmin.f32 v0, v9  }
0x189: {  	v2 =	vld [tilespmem:s26+$0x4400];
	v0 =	vmin.f32 v0, v10  }
0x18a: {  	v4 =	vld [tilespmem:s26+$0x4410];
	v0 =	vmin.f32 v0, v11  }
0x18b: {  	v6 =	vld [tilespmem:s26+$0x4420];
	v0 =	vmin.f32 v0, v5  }
0x18c: {  	v7 =	vld [tilespmem:s26+$0x4430];
	v0 =	vmin.f32 v0, v3  }
0x18d: {  	v59 =	vld [tilespmem:s26+$0x4470];
	v0 =	vmin.f32 v0, v1  }
0x18e: {  	v60 =	vld [tilespmem:s26+$0x4870];
	v0 =	vmin.f32 v0, v2  }
0x18f: {  	v61 =	vld [tilespmem:s26+$0x4C00];
	v0 =	vmin.f32 v0, v4  }
0x190: {  	v62 =	vld [tilespmem:s26+$0x4C10];
	v0 =	vmin.f32 v0, v6  }
0x191: {  	v5 =	vld [tilespmem:s26+$0x4800];
	v0 =	vmin.f32 v0, v7  }
0x192: {  	v3 =	vld [tilespmem:s26+$0x4810];
	v0 =	vmin.f32 v0, v56  }
0x193: {  	v1 =	vld [tilespmem:s26+$0x4820];
	v0 =	vmin.f32 v0, v57  }
0x194: {  	v2 =	vld [tilespmem:s26+$0x4830];
	v0 =	vmin.f32 v0, v58  }
0x195: {  	v4 =	vld [tilespmem:s26+$0x4840];
	v0 =	vmin.f32 v0, v59  }
0x196: {  	v6 =	vld [tilespmem:s26+$0x4850];
	v0 =	vmin.f32 v0, v5  }
0x197: {  	v7 =	vld [tilespmem:s26+$0x4860];
	v0 =	vmin.f32 v0, v3  }
0x198: {  	v63 =	vld [tilespmem:s26+$0x4C20];
	v0 =	vmin.f32 v0, v1  }
0x199: {  	v5 =	vld [tilespmem:s26+$0x4C30];
	v0 =	vmin.f32 v0, v2  }
0x19a: {  	v3 =	vld [tilespmem:s26+$0x4C40];
	v0 =	vmin.f32 v0, v4  }
0x19b: {  	v1 =	vld [tilespmem:s26+$0x4C50];
	v0 =	vmin.f32 v0, v6  }
0x19c: {  	v2 =	vld [tilespmem:s26+$0x4C60];
	v0 =	vmin.f32 v0, v7  }
0x19d: {  	v4 =	vld [tilespmem:s26+$0x4C70];
	_ =	swait.ge [sflag:s19], $0x4000;
	s26 =	simm.s32 $0x0;
	v0 =	vmin.f32 v0, v60  }
0x19e: {  	[sflag:s19] =	ssyncset.done $0x0;
	s31 =	sand.u32 $0x3000, s26;
	s25 =	sand.u32 $0x380, s26;
	v0 =	vmin.f32 v0, v61  }
0x19f: {  	[sflag:s19] =	ssyncadd.s32 $0xFFFFC000;
	s25 =	sor.u32 s25, s31;
	v0 =	vmin.f32 v0, v62  }
0x1a0: {  	[tilespmem:s20], [sflag:$0x2] =	stream.linear.gather [hbm4b:s7+s26], $0x4000, $0x38;
	v0 =	vmin.f32 v0, v63;
	[tilespmem:$0x8080] =	vst v63  }
0x1a1: {  	v0 =	vmin.f32 v0, v5;
	v5 =	vld [tilespmem:s25+$0x0]  }
0x1a2: {  	v0 =	vmin.f32 v0, v3;
	v3 =	vld [tilespmem:s25+$0x10]  }
0x1a3: {  	v0 =	vmin.f32 v0, v1;
	v1 =	vld [tilespmem:s25+$0x20]  }
0x1a4: {  	v0 =	vmin.f32 v0, v2;
	v2 =	vld [tilespmem:s25+$0x30]  }
0x1a5: {  	v0 =	vmin.f32 v0, v4;
	v4 =	vld [tilespmem:s25+$0x40]  }
0x1a6: {  	v0 =	vmin.f32 v0, v5;
	v5 =	vld [tilespmem:s25+$0x50]  }
0x1a7: {  	v0 =	vmin.f32 v0, v3;
	v3 =	vld [tilespmem:s25+$0x60]  }
0x1a8: {  	v0 =	vmin.f32 v0, v1;
	v1 =	vld [tilespmem:s25+$0x70]  }
0x1a9: {  	v0 =	vmin.f32 v0, v2;
	v2 =	vld [tilespmem:s25+$0x400]  }
0x1aa: {  	v0 =	vmin.f32 v0, v4;
	v4 =	vld [tilespmem:s25+$0x410]  }
0x1ab: {  	v0 =	vmin.f32 v0, v5;
	v5 =	vld [tilespmem:s25+$0x420]  }
0x1ac: {  	v0 =	vmin.f32 v0, v3;
	v3 =	vld [tilespmem:s25+$0x430]  }
0x1ad: {  	v0 =	vmin.f32 v0, v1;
	v1 =	vld [tilespmem:s25+$0x440]  }
0x1ae: {  	v0 =	vmin.f32 v0, v2;
	v2 =	vld [tilespmem:s25+$0x450]  }
0x1af: {  	v0 =	vmin.f32 v0, v4;
	v4 =	vld [tilespmem:s25+$0x460]  }
0x1b0: {  	v0 =	vmin.f32 v0, v5;
	v5 =	vld [tilespmem:s25+$0x470]  }
0x1b1: {  	v0 =	vmin.f32 v0, v3;
	v3 =	vld [tilespmem:s25+$0x800]  }
0x1b2: {  	v0 =	vmin.f32 v0, v1;
	v1 =	vld [tilespmem:s25+$0x810]  }
0x1b3: {  	v0 =	vmin.f32 v0, v2;
	v2 =	vld [tilespmem:s25+$0x820]  }
0x1b4: {  	v0 =	vmin.f32 v0, v4;
	v4 =	vld [tilespmem:s25+$0x830]  }
0x1b5: {  	v0 =	vmin.f32 v0, v5;
	v5 =	vld [tilespmem:s25+$0x840]  }
0x1b6: {  	v0 =	vmin.f32 v0, v3;
	v3 =	vld [tilespmem:s25+$0x850]  }
0x1b7: {  	v0 =	vmin.f32 v0, v1;
	v1 =	vld [tilespmem:s25+$0x860]  }
0x1b8: {  	v0 =	vmin.f32 v0, v2;
	v2 =	vld [tilespmem:s25+$0x870]  }
0x1b9: {  	v0 =	vmin.f32 v0, v4;
	v4 =	vld [tilespmem:s25+$0xC00]  }
0x1ba: {  	v0 =	vmin.f32 v0, v5;
	v5 =	vld [tilespmem:s25+$0xC10]  }
0x1bb: {  	v0 =	vmin.f32 v0, v3;
	v3 =	vld [tilespmem:s25+$0xC20]  }
0x1bc: {  	v1 =	vmin.f32 v0, v1;
	v0 =	vld [tilespmem:s25+$0xC30]  }
0x1bd: {  	v2 =	vmin.f32 v1, v2;
	v1 =	vld [tilespmem:s25+$0xC40]  }
0x1be: {  	s28 =	simm.s32 $0x200;
	s26 =	simm.s32 $0x80;
	v4 =	vmin.f32 v2, v4;
	v2 =	vld [tilespmem:s25+$0xC50]  }
0x1bf: {  	s29 =	sand.u32 $0x3000, s28;
	s28 =	simm.s32 $0x400;
	s30 =	sand.u32 $0x380, s26;
	v5 =	vmin.f32 v4, v5;
	v4 =	vld [tilespmem:s25+$0xC60]  }
.LBB2_10:
0x1c0: {  	p0 =	sne.s32 s28, $0x3E00;
	v3 =	vmin.f32 v5, v3;
	v5 =	vld [tilespmem:s25+$0xC70];
	s25 =	sor.u32 s30, s29  }
0x1c1: {  	v6 =	vld [tilespmem:s25+$0x0];
	v0 =	vmin.f32 v3, v0  }
0x1c2: {  	v3 =	vld [tilespmem:s25+$0x10];
	v0 =	vmin.f32 v0, v1  }
0x1c3: {  	v1 =	vld [tilespmem:s25+$0x20];
	v0 =	vmin.f32 v0, v2  }
0x1c4: {  	v2 =	vld [tilespmem:s25+$0x30];
	v0 =	vmin.f32 v0, v4  }
0x1c5: {  	v4 =	vld [tilespmem:s25+$0x40];
	v0 =	vmin.f32 v0, v5  }
0x1c6: {  	v0 =	vmin.f32 v0, v6;
	v5 =	vld [tilespmem:s25+$0x50]  }
0x1c7: {  	v0 =	vmin.f32 v0, v3;
	v3 =	vld [tilespmem:s25+$0x60]  }
0x1c8: {  	v0 =	vmin.f32 v0, v1;
	v1 =	vld [tilespmem:s25+$0x70]  }
0x1c9: {  	v0 =	vmin.f32 v0, v2;
	v2 =	vld [tilespmem:s25+$0x400]  }
0x1ca: {  	v0 =	vmin.f32 v0, v4;
	v4 =	vld [tilespmem:s25+$0x410]  }
0x1cb: {  	v0 =	vmin.f32 v0, v5;
	v5 =	vld [tilespmem:s25+$0x420]  }
0x1cc: {  	v0 =	vmin.f32 v0, v3;
	v3 =	vld [tilespmem:s25+$0x430]  }
0x1cd: {  	v0 =	vmin.f32 v0, v1;
	v1 =	vld [tilespmem:s25+$0x440]  }
0x1ce: {  	v0 =	vmin.f32 v0, v2;
	v2 =	vld [tilespmem:s25+$0x450]  }
0x1cf: {  	v0 =	vmin.f32 v0, v4;
	v4 =	vld [tilespmem:s25+$0x460]  }
0x1d0: {  	v0 =	vmin.f32 v0, v5;
	v5 =	vld [tilespmem:s25+$0x470]  }
0x1d1: {  	v0 =	vmin.f32 v0, v3;
	v3 =	vld [tilespmem:s25+$0x800]  }
0x1d2: {  	v0 =	vmin.f32 v0, v1;
	v1 =	vld [tilespmem:s25+$0x810]  }
0x1d3: {  	v0 =	vmin.f32 v0, v2;
	v2 =	vld [tilespmem:s25+$0x820]  }
0x1d4: {  	v0 =	vmin.f32 v0, v4;
	v4 =	vld [tilespmem:s25+$0x830]  }
0x1d5: {  	v0 =	vmin.f32 v0, v5;
	v5 =	vld [tilespmem:s25+$0x840]  }
0x1d6: {  	v0 =	vmin.f32 v0, v3;
	v3 =	vld [tilespmem:s25+$0x850]  }
0x1d7: {  	v0 =	vmin.f32 v0, v1;
	v1 =	vld [tilespmem:s25+$0x860]  }
0x1d8: {  	v0 =	vmin.f32 v0, v2;
	v2 =	vld [tilespmem:s25+$0x870]  }
0x1d9: {  	v0 =	vmin.f32 v0, v4;
	v4 =	vld [tilespmem:s25+$0xC00]  }
0x1da: {  	v0 =	vmin.f32 v0, v5;
	v5 =	vld [tilespmem:s25+$0xC10]  }
.Ltmp4:
0x1db: {  	v0 =	vmin.f32 v0, v3;
	v3 =	vld [tilespmem:s25+$0xC20];
	(pc) =	sbr.rel @p0 .LBB2_10-.Ltmp4, $4  }
0x1dc: {  	v1 =	vmin.f32 v0, v1;
	v0 =	vld [tilespmem:s25+$0xC30]  }
0x1dd: {  	v2 =	vmin.f32 v1, v2;
	v1 =	vld [tilespmem:s25+$0xC40]  }
0x1de: {  	s26 =	sadd.s32 $0x80, s26;
	v4 =	vmin.f32 v2, v4;
	v2 =	vld [tilespmem:s25+$0xC50]  }
0x1df: {  	s29 =	sand.u32 $0x3000, s28;
	s28 =	sadd.s32 $0x200, s28;
	s30 =	sand.u32 $0x380, s26;
	v5 =	vmin.f32 v4, v5;
	v4 =	vld [tilespmem:s25+$0xC60]  }
0x1e0: {  	s26 =	sor.u32 s30, s29;
	v6 =	vld [tilespmem:s25+$0xC70]  }
0x1e1: {  	v7 =	vld [tilespmem:s26+$0x0]  }
0x1e2: {  	v8 =	vld [tilespmem:s26+$0x10]  }
0x1e3: {  	v3 =	vmin.f32 v5, v3;
	v9 =	vld [tilespmem:s26+$0x20]  }
0x1e4: {  	v10 =	vld [tilespmem:s26+$0x30];
	v0 =	vmin.f32 v3, v0  }
0x1e5: {  	v11 =	vld [tilespmem:s26+$0x40];
	v0 =	vmin.f32 v0, v1  }
0x1e6: {  	v5 =	vld [tilespmem:s26+$0x50];
	v0 =	vmin.f32 v0, v2  }
0x1e7: {  	v3 =	vld [tilespmem:s26+$0x60];
	v0 =	vmin.f32 v0, v4  }
0x1e8: {  	v56 =	vld [tilespmem:s26+$0x440];
	v0 =	vmin.f32 v0, v6  }
0x1e9: {  	v57 =	vld [tilespmem:s26+$0x450];
	v0 =	vmin.f32 v0, v7  }
0x1ea: {  	v58 =	vld [tilespmem:s26+$0x460];
	v0 =	vmin.f32 v0, v8  }
0x1eb: {  	v1 =	vld [tilespmem:s26+$0x70];
	v0 =	vmin.f32 v0, v9  }
0x1ec: {  	v2 =	vld [tilespmem:s26+$0x400];
	v0 =	vmin.f32 v0, v10  }
0x1ed: {  	v4 =	vld [tilespmem:s26+$0x410];
	v0 =	vmin.f32 v0, v11  }
0x1ee: {  	v6 =	vld [tilespmem:s26+$0x420];
	v0 =	vmin.f32 v0, v5  }
0x1ef: {  	v7 =	vld [tilespmem:s26+$0x430];
	v0 =	vmin.f32 v0, v3  }
0x1f0: {  	v59 =	vld [tilespmem:s26+$0x470];
	v0 =	vmin.f32 v0, v1  }
0x1f1: {  	v60 =	vld [tilespmem:s26+$0x870];
	v0 =	vmin.f32 v0, v2  }
0x1f2: {  	v61 =	vld [tilespmem:s26+$0xC00];
	v0 =	vmin.f32 v0, v4  }
0x1f3: {  	v62 =	vld [tilespmem:s26+$0xC10];
	v0 =	vmin.f32 v0, v6  }
0x1f4: {  	v5 =	vld [tilespmem:s26+$0x800];
	v0 =	vmin.f32 v0, v7  }
0x1f5: {  	v3 =	vld [tilespmem:s26+$0x810];
	v0 =	vmin.f32 v0, v56  }
0x1f6: {  	v1 =	vld [tilespmem:s26+$0x820];
	v0 =	vmin.f32 v0, v57  }
0x1f7: {  	v2 =	vld [tilespmem:s26+$0x830];
	v0 =	vmin.f32 v0, v58  }
0x1f8: {  	v4 =	vld [tilespmem:s26+$0x840];
	v0 =	vmin.f32 v0, v59  }
0x1f9: {  	v6 =	vld [tilespmem:s26+$0x850];
	v0 =	vmin.f32 v0, v5  }
0x1fa: {  	v7 =	vld [tilespmem:s26+$0x860];
	v0 =	vmin.f32 v0, v3  }
0x1fb: {  	v63 =	vld [tilespmem:s26+$0xC20];
	v0 =	vmin.f32 v0, v1  }
0x1fc: {  	v5 =	vld [tilespmem:s26+$0xC30];
	v0 =	vmin.f32 v0, v2  }
0x1fd: {  	v3 =	vld [tilespmem:s26+$0xC40];
	v0 =	vmin.f32 v0, v4  }
0x1fe: {  	v1 =	vld [tilespmem:s26+$0xC50];
	v0 =	vmin.f32 v0, v6  }
0x1ff: {  	v2 =	vld [tilespmem:s26+$0xC60];
	v0 =	vmin.f32 v0, v7  }
0x200: {  	v4 =	vld [tilespmem:s26+$0xC70];
	_ =	swait.ge [sflag:s21], $0x4000;
	s26 =	simm.s32 $0x0;
	v0 =	vmin.f32 v0, v60  }
0x201: {  	[sflag:s21] =	ssyncset.done $0x0;
	s31 =	sand.u32 $0x3000, s26;
	s25 =	sand.u32 $0x380, s26;
	v0 =	vmin.f32 v0, v61  }
0x202: {  	[sflag:s21] =	ssyncadd.s32 $0xFFFFC000;
	s25 =	sor.u32 s25, s31;
	v0 =	vmin.f32 v0, v62  }
0x203: {  	[tilespmem:s26], [sflag:$0x1] =	stream.linear.gather [hbm4b:s9+s26], $0x4000, $0x38;
	v0 =	vmin.f32 v0, v63;
	[tilespmem:$0x8080] =	vst v63  }
0x204: {  	v0 =	vmin.f32 v0, v5;
	v5 =	vld [tilespmem:s25+$0x4000]  }
0x205: {  	v0 =	vmin.f32 v0, v3;
	v3 =	vld [tilespmem:s25+$0x4010]  }
0x206: {  	v0 =	vmin.f32 v0, v1;
	v1 =	vld [tilespmem:s25+$0x4020]  }
0x207: {  	v0 =	vmin.f32 v0, v2;
	v2 =	vld [tilespmem:s25+$0x4030]  }
0x208: {  	v0 =	vmin.f32 v0, v4;
	v4 =	vld [tilespmem:s25+$0x4040]  }
0x209: {  	v0 =	vmin.f32 v0, v5;
	v5 =	vld [tilespmem:s25+$0x4050]  }
0x20a: {  	v0 =	vmin.f32 v0, v3;
	v3 =	vld [tilespmem:s25+$0x4060]  }
0x20b: {  	v0 =	vmin.f32 v0, v1;
	v1 =	vld [tilespmem:s25+$0x4070]  }
0x20c: {  	v0 =	vmin.f32 v0, v2;
	v2 =	vld [tilespmem:s25+$0x4400]  }
0x20d: {  	v0 =	vmin.f32 v0, v4;
	v4 =	vld [tilespmem:s25+$0x4410]  }
0x20e: {  	v0 =	vmin.f32 v0, v5;
	v5 =	vld [tilespmem:s25+$0x4420]  }
0x20f: {  	v0 =	vmin.f32 v0, v3;
	v3 =	vld [tilespmem:s25+$0x4430]  }
0x210: {  	v0 =	vmin.f32 v0, v1;
	v1 =	vld [tilespmem:s25+$0x4440]  }
0x211: {  	v0 =	vmin.f32 v0, v2;
	v2 =	vld [tilespmem:s25+$0x4450]  }
0x212: {  	v0 =	vmin.f32 v0, v4;
	v4 =	vld [tilespmem:s25+$0x4460]  }
0x213: {  	v0 =	vmin.f32 v0, v5;
	v5 =	vld [tilespmem:s25+$0x4470]  }
0x214: {  	v0 =	vmin.f32 v0, v3;
	v3 =	vld [tilespmem:s25+$0x4800]  }
0x215: {  	v0 =	vmin.f32 v0, v1;
	v1 =	vld [tilespmem:s25+$0x4810]  }
0x216: {  	v0 =	vmin.f32 v0, v2;
	v2 =	vld [tilespmem:s25+$0x4820]  }
0x217: {  	v0 =	vmin.f32 v0, v4;
	v4 =	vld [tilespmem:s25+$0x4830]  }
0x218: {  	v0 =	vmin.f32 v0, v5;
	v5 =	vld [tilespmem:s25+$0x4840]  }
0x219: {  	v0 =	vmin.f32 v0, v3;
	v3 =	vld [tilespmem:s25+$0x4850]  }
0x21a: {  	v0 =	vmin.f32 v0, v1;
	v1 =	vld [tilespmem:s25+$0x4860]  }
0x21b: {  	v0 =	vmin.f32 v0, v2;
	v2 =	vld [tilespmem:s25+$0x4870]  }
0x21c: {  	v0 =	vmin.f32 v0, v4;
	v4 =	vld [tilespmem:s25+$0x4C00]  }
0x21d: {  	v0 =	vmin.f32 v0, v5;
	v5 =	vld [tilespmem:s25+$0x4C10]  }
0x21e: {  	v0 =	vmin.f32 v0, v3;
	v3 =	vld [tilespmem:s25+$0x4C20]  }
0x21f: {  	v1 =	vmin.f32 v0, v1;
	v0 =	vld [tilespmem:s25+$0x4C30]  }
0x220: {  	v2 =	vmin.f32 v1, v2;
	v1 =	vld [tilespmem:s25+$0x4C40]  }
0x221: {  	s28 =	simm.s32 $0x200;
	s26 =	simm.s32 $0x80;
	v4 =	vmin.f32 v2, v4;
	v2 =	vld [tilespmem:s25+$0x4C50]  }
0x222: {  	s29 =	sand.u32 $0x3000, s28;
	s28 =	simm.s32 $0x400;
	s30 =	sand.u32 $0x380, s26;
	v5 =	vmin.f32 v4, v5;
	v4 =	vld [tilespmem:s25+$0x4C60]  }
.LBB2_12:
0x223: {  	p0 =	sne.s32 s28, $0x3E00;
	v3 =	vmin.f32 v5, v3;
	v5 =	vld [tilespmem:s25+$0x4C70];
	s25 =	sor.u32 s30, s29  }
0x224: {  	v6 =	vld [tilespmem:s25+$0x4000];
	v0 =	vmin.f32 v3, v0  }
0x225: {  	v3 =	vld [tilespmem:s25+$0x4010];
	v0 =	vmin.f32 v0, v1  }
0x226: {  	v1 =	vld [tilespmem:s25+$0x4020];
	v0 =	vmin.f32 v0, v2  }
0x227: {  	v2 =	vld [tilespmem:s25+$0x4030];
	v0 =	vmin.f32 v0, v4  }
0x228: {  	v4 =	vld [tilespmem:s25+$0x4040];
	v0 =	vmin.f32 v0, v5  }
0x229: {  	v0 =	vmin.f32 v0, v6;
	v5 =	vld [tilespmem:s25+$0x4050]  }
0x22a: {  	v0 =	vmin.f32 v0, v3;
	v3 =	vld [tilespmem:s25+$0x4060]  }
0x22b: {  	v0 =	vmin.f32 v0, v1;
	v1 =	vld [tilespmem:s25+$0x4070]  }
0x22c: {  	v0 =	vmin.f32 v0, v2;
	v2 =	vld [tilespmem:s25+$0x4400]  }
0x22d: {  	v0 =	vmin.f32 v0, v4;
	v4 =	vld [tilespmem:s25+$0x4410]  }
0x22e: {  	v0 =	vmin.f32 v0, v5;
	v5 =	vld [tilespmem:s25+$0x4420]  }
0x22f: {  	v0 =	vmin.f32 v0, v3;
	v3 =	vld [tilespmem:s25+$0x4430]  }
0x230: {  	v0 =	vmin.f32 v0, v1;
	v1 =	vld [tilespmem:s25+$0x4440]  }
0x231: {  	v0 =	vmin.f32 v0, v2;
	v2 =	vld [tilespmem:s25+$0x4450]  }
0x232: {  	v0 =	vmin.f32 v0, v4;
	v4 =	vld [tilespmem:s25+$0x4460]  }
0x233: {  	v0 =	vmin.f32 v0, v5;
	v5 =	vld [tilespmem:s25+$0x4470]  }
0x234: {  	v0 =	vmin.f32 v0, v3;
	v3 =	vld [tilespmem:s25+$0x4800]  }
0x235: {  	v0 =	vmin.f32 v0, v1;
	v1 =	vld [tilespmem:s25+$0x4810]  }
0x236: {  	v0 =	vmin.f32 v0, v2;
	v2 =	vld [tilespmem:s25+$0x4820]  }
0x237: {  	v0 =	vmin.f32 v0, v4;
	v4 =	vld [tilespmem:s25+$0x4830]  }
0x238: {  	v0 =	vmin.f32 v0, v5;
	v5 =	vld [tilespmem:s25+$0x4840]  }
0x239: {  	v0 =	vmin.f32 v0, v3;
	v3 =	vld [tilespmem:s25+$0x4850]  }
0x23a: {  	v0 =	vmin.f32 v0, v1;
	v1 =	vld [tilespmem:s25+$0x4860]  }
0x23b: {  	v0 =	vmin.f32 v0, v2;
	v2 =	vld [tilespmem:s25+$0x4870]  }
0x23c: {  	v0 =	vmin.f32 v0, v4;
	v4 =	vld [tilespmem:s25+$0x4C00]  }
0x23d: {  	v0 =	vmin.f32 v0, v5;
	v5 =	vld [tilespmem:s25+$0x4C10]  }
.Ltmp5:
0x23e: {  	v0 =	vmin.f32 v0, v3;
	v3 =	vld [tilespmem:s25+$0x4C20];
	(pc) =	sbr.rel @p0 .LBB2_12-.Ltmp5, $4  }
0x23f: {  	v1 =	vmin.f32 v0, v1;
	v0 =	vld [tilespmem:s25+$0x4C30]  }
0x240: {  	v2 =	vmin.f32 v1, v2;
	v1 =	vld [tilespmem:s25+$0x4C40]  }
0x241: {  	s26 =	sadd.s32 $0x80, s26;
	v4 =	vmin.f32 v2, v4;
	v2 =	vld [tilespmem:s25+$0x4C50]  }
0x242: {  	s29 =	sand.u32 $0x3000, s28;
	s28 =	sadd.s32 $0x200, s28;
	s30 =	sand.u32 $0x380, s26;
	v5 =	vmin.f32 v4, v5;
	v4 =	vld [tilespmem:s25+$0x4C60]  }
0x243: {  	s26 =	sor.u32 s30, s29;
	v6 =	vld [tilespmem:s25+$0x4C70]  }
0x244: {  	v7 =	vld [tilespmem:s26+$0x4000]  }
0x245: {  	v8 =	vld [tilespmem:s26+$0x4010]  }
0x246: {  	v3 =	vmin.f32 v5, v3;
	v9 =	vld [tilespmem:s26+$0x4020]  }
0x247: {  	v10 =	vld [tilespmem:s26+$0x4030];
	v0 =	vmin.f32 v3, v0  }
0x248: {  	v11 =	vld [tilespmem:s26+$0x4040];
	v0 =	vmin.f32 v0, v1  }
0x249: {  	v5 =	vld [tilespmem:s26+$0x4050];
	v0 =	vmin.f32 v0, v2  }
0x24a: {  	v3 =	vld [tilespmem:s26+$0x4060];
	v0 =	vmin.f32 v0, v4  }
0x24b: {  	v56 =	vld [tilespmem:s26+$0x4440];
	v0 =	vmin.f32 v0, v6  }
0x24c: {  	v57 =	vld [tilespmem:s26+$0x4450];
	v0 =	vmin.f32 v0, v7  }
0x24d: {  	v58 =	vld [tilespmem:s26+$0x4460];
	v0 =	vmin.f32 v0, v8  }
0x24e: {  	v1 =	vld [tilespmem:s26+$0x4070];
	v0 =	vmin.f32 v0, v9  }
0x24f: {  	v2 =	vld [tilespmem:s26+$0x4400];
	v0 =	vmin.f32 v0, v10  }
0x250: {  	v4 =	vld [tilespmem:s26+$0x4410];
	v0 =	vmin.f32 v0, v11  }
0x251: {  	v6 =	vld [tilespmem:s26+$0x4420];
	v0 =	vmin.f32 v0, v5  }
0x252: {  	v7 =	vld [tilespmem:s26+$0x4430];
	v0 =	vmin.f32 v0, v3  }
0x253: {  	v59 =	vld [tilespmem:s26+$0x4470];
	v0 =	vmin.f32 v0, v1  }
0x254: {  	v60 =	vld [tilespmem:s26+$0x4870];
	v0 =	vmin.f32 v0, v2  }
0x255: {  	v61 =	vld [tilespmem:s26+$0x4C00];
	v0 =	vmin.f32 v0, v4  }
0x256: {  	v62 =	vld [tilespmem:s26+$0x4C10];
	v0 =	vmin.f32 v0, v6  }
0x257: {  	v5 =	vld [tilespmem:s26+$0x4800];
	v0 =	vmin.f32 v0, v7  }
0x258: {  	v3 =	vld [tilespmem:s26+$0x4810];
	v0 =	vmin.f32 v0, v56  }
0x259: {  	v1 =	vld [tilespmem:s26+$0x4820];
	v0 =	vmin.f32 v0, v57  }
0x25a: {  	v2 =	vld [tilespmem:s26+$0x4830];
	v0 =	vmin.f32 v0, v58  }
0x25b: {  	v4 =	vld [tilespmem:s26+$0x4840];
	v0 =	vmin.f32 v0, v59  }
0x25c: {  	v6 =	vld [tilespmem:s26+$0x4850];
	v0 =	vmin.f32 v0, v5  }
0x25d: {  	v7 =	vld [tilespmem:s26+$0x4860];
	v0 =	vmin.f32 v0, v3  }
0x25e: {  	v63 =	vld [tilespmem:s26+$0x4C20];
	v0 =	vmin.f32 v0, v1  }
0x25f: {  	v5 =	vld [tilespmem:s26+$0x4C30];
	v0 =	vmin.f32 v0, v2  }
0x260: {  	v3 =	vld [tilespmem:s26+$0x4C40];
	v0 =	vmin.f32 v0, v4  }
0x261: {  	v1 =	vld [tilespmem:s26+$0x4C50];
	v0 =	vmin.f32 v0, v6  }
0x262: {  	v2 =	vld [tilespmem:s26+$0x4C60];
	v0 =	vmin.f32 v0, v7  }
0x263: {  	v4 =	vld [tilespmem:s26+$0x4C70];
	_ =	swait.ge [sflag:s19], $0x4000;
	s26 =	simm.s32 $0x0;
	v0 =	vmin.f32 v0, v60  }
0x264: {  	[sflag:s19] =	ssyncset.done $0x0;
	s31 =	sand.u32 $0x3000, s26;
	s25 =	sand.u32 $0x380, s26;
	v0 =	vmin.f32 v0, v61  }
0x265: {  	[sflag:s19] =	ssyncadd.s32 $0xFFFFC000;
	s25 =	sor.u32 s25, s31;
	v0 =	vmin.f32 v0, v62  }
0x266: {  	[tilespmem:s20], [sflag:$0x2] =	stream.linear.gather [hbm4b:s10+s26], $0x4000, $0x38;
	v0 =	vmin.f32 v0, v63;
	[tilespmem:$0x8080] =	vst v63  }
0x267: {  	v0 =	vmin.f32 v0, v5;
	v5 =	vld [tilespmem:s25+$0x0]  }
0x268: {  	v0 =	vmin.f32 v0, v3;
	v3 =	vld [tilespmem:s25+$0x10]  }
0x269: {  	v0 =	vmin.f32 v0, v1;
	v1 =	vld [tilespmem:s25+$0x20]  }
0x26a: {  	v0 =	vmin.f32 v0, v2;
	v2 =	vld [tilespmem:s25+$0x30]  }
0x26b: {  	v0 =	vmin.f32 v0, v4;
	v4 =	vld [tilespmem:s25+$0x40]  }
0x26c: {  	v0 =	vmin.f32 v0, v5;
	v5 =	vld [tilespmem:s25+$0x50]  }
0x26d: {  	v0 =	vmin.f32 v0, v3;
	v3 =	vld [tilespmem:s25+$0x60]  }
0x26e: {  	v0 =	vmin.f32 v0, v1;
	v1 =	vld [tilespmem:s25+$0x70]  }
0x26f: {  	v0 =	vmin.f32 v0, v2;
	v2 =	vld [tilespmem:s25+$0x400]  }
0x270: {  	v0 =	vmin.f32 v0, v4;
	v4 =	vld [tilespmem:s25+$0x410]  }
0x271: {  	v0 =	vmin.f32 v0, v5;
	v5 =	vld [tilespmem:s25+$0x420]  }
0x272: {  	v0 =	vmin.f32 v0, v3;
	v3 =	vld [tilespmem:s25+$0x430]  }
0x273: {  	v0 =	vmin.f32 v0, v1;
	v1 =	vld [tilespmem:s25+$0x440]  }
0x274: {  	v0 =	vmin.f32 v0, v2;
	v2 =	vld [tilespmem:s25+$0x450]  }
0x275: {  	v0 =	vmin.f32 v0, v4;
	v4 =	vld [tilespmem:s25+$0x460]  }
0x276: {  	v0 =	vmin.f32 v0, v5;
	v5 =	vld [tilespmem:s25+$0x470]  }
0x277: {  	v0 =	vmin.f32 v0, v3;
	v3 =	vld [tilespmem:s25+$0x800]  }
0x278: {  	v0 =	vmin.f32 v0, v1;
	v1 =	vld [tilespmem:s25+$0x810]  }
0x279: {  	v0 =	vmin.f32 v0, v2;
	v2 =	vld [tilespmem:s25+$0x820]  }
0x27a: {  	v0 =	vmin.f32 v0, v4;
	v4 =	vld [tilespmem:s25+$0x830]  }
0x27b: {  	v0 =	vmin.f32 v0, v5;
	v5 =	vld [tilespmem:s25+$0x840]  }
0x27c: {  	v0 =	vmin.f32 v0, v3;
	v3 =	vld [tilespmem:s25+$0x850]  }
0x27d: {  	v0 =	vmin.f32 v0, v1;
	v1 =	vld [tilespmem:s25+$0x860]  }
0x27e: {  	v0 =	vmin.f32 v0, v2;
	v2 =	vld [tilespmem:s25+$0x870]  }
0x27f: {  	v0 =	vmin.f32 v0, v4;
	v4 =	vld [tilespmem:s25+$0xC00]  }
0x280: {  	v0 =	vmin.f32 v0, v5;
	v5 =	vld [tilespmem:s25+$0xC10]  }
0x281: {  	v0 =	vmin.f32 v0, v3;
	v3 =	vld [tilespmem:s25+$0xC20]  }
0x282: {  	v1 =	vmin.f32 v0, v1;
	v0 =	vld [tilespmem:s25+$0xC30]  }
0x283: {  	v2 =	vmin.f32 v1, v2;
	v1 =	vld [tilespmem:s25+$0xC40]  }
0x284: {  	s28 =	simm.s32 $0x200;
	s26 =	simm.s32 $0x80;
	v4 =	vmin.f32 v2, v4;
	v2 =	vld [tilespmem:s25+$0xC50]  }
0x285: {  	s29 =	sand.u32 $0x3000, s28;
	s28 =	simm.s32 $0x400;
	s30 =	sand.u32 $0x380, s26;
	v5 =	vmin.f32 v4, v5;
	v4 =	vld [tilespmem:s25+$0xC60]  }
.LBB2_14:
0x286: {  	p0 =	sne.s32 s28, $0x3E00;
	v3 =	vmin.f32 v5, v3;
	v5 =	vld [tilespmem:s25+$0xC70];
	s25 =	sor.u32 s30, s29  }
0x287: {  	v6 =	vld [tilespmem:s25+$0x0];
	v0 =	vmin.f32 v3, v0  }
0x288: {  	v3 =	vld [tilespmem:s25+$0x10];
	v0 =	vmin.f32 v0, v1  }
0x289: {  	v1 =	vld [tilespmem:s25+$0x20];
	v0 =	vmin.f32 v0, v2  }
0x28a: {  	v2 =	vld [tilespmem:s25+$0x30];
	v0 =	vmin.f32 v0, v4  }
0x28b: {  	v4 =	vld [tilespmem:s25+$0x40];
	v0 =	vmin.f32 v0, v5  }
0x28c: {  	v0 =	vmin.f32 v0, v6;
	v5 =	vld [tilespmem:s25+$0x50]  }
0x28d: {  	v0 =	vmin.f32 v0, v3;
	v3 =	vld [tilespmem:s25+$0x60]  }
0x28e: {  	v0 =	vmin.f32 v0, v1;
	v1 =	vld [tilespmem:s25+$0x70]  }
0x28f: {  	v0 =	vmin.f32 v0, v2;
	v2 =	vld [tilespmem:s25+$0x400]  }
0x290: {  	v0 =	vmin.f32 v0, v4;
	v4 =	vld [tilespmem:s25+$0x410]  }
0x291: {  	v0 =	vmin.f32 v0, v5;
	v5 =	vld [tilespmem:s25+$0x420]  }
0x292: {  	v0 =	vmin.f32 v0, v3;
	v3 =	vld [tilespmem:s25+$0x430]  }
0x293: {  	v0 =	vmin.f32 v0, v1;
	v1 =	vld [tilespmem:s25+$0x440]  }
0x294: {  	v0 =	vmin.f32 v0, v2;
	v2 =	vld [tilespmem:s25+$0x450]  }
0x295: {  	v0 =	vmin.f32 v0, v4;
	v4 =	vld [tilespmem:s25+$0x460]  }
0x296: {  	v0 =	vmin.f32 v0, v5;
	v5 =	vld [tilespmem:s25+$0x470]  }
0x297: {  	v0 =	vmin.f32 v0, v3;
	v3 =	vld [tilespmem:s25+$0x800]  }
0x298: {  	v0 =	vmin.f32 v0, v1;
	v1 =	vld [tilespmem:s25+$0x810]  }
0x299: {  	v0 =	vmin.f32 v0, v2;
	v2 =	vld [tilespmem:s25+$0x820]  }
0x29a: {  	v0 =	vmin.f32 v0, v4;
	v4 =	vld [tilespmem:s25+$0x830]  }
0x29b: {  	v0 =	vmin.f32 v0, v5;
	v5 =	vld [tilespmem:s25+$0x840]  }
0x29c: {  	v0 =	vmin.f32 v0, v3;
	v3 =	vld [tilespmem:s25+$0x850]  }
0x29d: {  	v0 =	vmin.f32 v0, v1;
	v1 =	vld [tilespmem:s25+$0x860]  }
0x29e: {  	v0 =	vmin.f32 v0, v2;
	v2 =	vld [tilespmem:s25+$0x870]  }
0x29f: {  	v0 =	vmin.f32 v0, v4;
	v4 =	vld [tilespmem:s25+$0xC00]  }
0x2a0: {  	v0 =	vmin.f32 v0, v5;
	v5 =	vld [tilespmem:s25+$0xC10]  }
.Ltmp6:
0x2a1: {  	v0 =	vmin.f32 v0, v3;
	v3 =	vld [tilespmem:s25+$0xC20];
	(pc) =	sbr.rel @p0 .LBB2_14-.Ltmp6, $4  }
0x2a2: {  	v1 =	vmin.f32 v0, v1;
	v0 =	vld [tilespmem:s25+$0xC30]  }
0x2a3: {  	v2 =	vmin.f32 v1, v2;
	v1 =	vld [tilespmem:s25+$0xC40]  }
0x2a4: {  	s26 =	sadd.s32 $0x80, s26;
	v4 =	vmin.f32 v2, v4;
	v2 =	vld [tilespmem:s25+$0xC50]  }
0x2a5: {  	s29 =	sand.u32 $0x3000, s28;
	s28 =	sadd.s32 $0x200, s28;
	s30 =	sand.u32 $0x380, s26;
	v5 =	vmin.f32 v4, v5;
	v4 =	vld [tilespmem:s25+$0xC60]  }
0x2a6: {  	s26 =	sor.u32 s30, s29;
	v6 =	vld [tilespmem:s25+$0xC70]  }
0x2a7: {  	v7 =	vld [tilespmem:s26+$0x0]  }
0x2a8: {  	v8 =	vld [tilespmem:s26+$0x10]  }
0x2a9: {  	v3 =	vmin.f32 v5, v3;
	v9 =	vld [tilespmem:s26+$0x20]  }
0x2aa: {  	v10 =	vld [tilespmem:s26+$0x30];
	v0 =	vmin.f32 v3, v0  }
0x2ab: {  	v11 =	vld [tilespmem:s26+$0x40];
	v0 =	vmin.f32 v0, v1  }
0x2ac: {  	v5 =	vld [tilespmem:s26+$0x50];
	v0 =	vmin.f32 v0, v2  }
0x2ad: {  	v3 =	vld [tilespmem:s26+$0x60];
	v0 =	vmin.f32 v0, v4  }
0x2ae: {  	v56 =	vld [tilespmem:s26+$0x440];
	v0 =	vmin.f32 v0, v6  }
0x2af: {  	v57 =	vld [tilespmem:s26+$0x450];
	v0 =	vmin.f32 v0, v7  }
0x2b0: {  	v58 =	vld [tilespmem:s26+$0x460];
	v0 =	vmin.f32 v0, v8  }
0x2b1: {  	v1 =	vld [tilespmem:s26+$0x70];
	v0 =	vmin.f32 v0, v9  }
0x2b2: {  	v2 =	vld [tilespmem:s26+$0x400];
	v0 =	vmin.f32 v0, v10  }
0x2b3: {  	v4 =	vld [tilespmem:s26+$0x410];
	v0 =	vmin.f32 v0, v11  }
0x2b4: {  	v6 =	vld [tilespmem:s26+$0x420];
	v0 =	vmin.f32 v0, v5  }
0x2b5: {  	v7 =	vld [tilespmem:s26+$0x430];
	v0 =	vmin.f32 v0, v3  }
0x2b6: {  	v59 =	vld [tilespmem:s26+$0x470];
	v0 =	vmin.f32 v0, v1  }
0x2b7: {  	v60 =	vld [tilespmem:s26+$0x870];
	v0 =	vmin.f32 v0, v2  }
0x2b8: {  	v61 =	vld [tilespmem:s26+$0xC00];
	v0 =	vmin.f32 v0, v4  }
0x2b9: {  	v62 =	vld [tilespmem:s26+$0xC10];
	v0 =	vmin.f32 v0, v6  }
0x2ba: {  	v5 =	vld [tilespmem:s26+$0x800];
	v0 =	vmin.f32 v0, v7  }
0x2bb: {  	v3 =	vld [tilespmem:s26+$0x810];
	v0 =	vmin.f32 v0, v56  }
0x2bc: {  	v1 =	vld [tilespmem:s26+$0x820];
	v0 =	vmin.f32 v0, v57  }
0x2bd: {  	v2 =	vld [tilespmem:s26+$0x830];
	v0 =	vmin.f32 v0, v58  }
0x2be: {  	v4 =	vld [tilespmem:s26+$0x840];
	v0 =	vmin.f32 v0, v59  }
0x2bf: {  	v6 =	vld [tilespmem:s26+$0x850];
	v0 =	vmin.f32 v0, v5  }
0x2c0: {  	v7 =	vld [tilespmem:s26+$0x860];
	v0 =	vmin.f32 v0, v3  }
0x2c1: {  	v63 =	vld [tilespmem:s26+$0xC20];
	v0 =	vmin.f32 v0, v1  }
0x2c2: {  	v5 =	vld [tilespmem:s26+$0xC30];
	v0 =	vmin.f32 v0, v2  }
0x2c3: {  	v3 =	vld [tilespmem:s26+$0xC40];
	v0 =	vmin.f32 v0, v4  }
0x2c4: {  	v1 =	vld [tilespmem:s26+$0xC50];
	v0 =	vmin.f32 v0, v6  }
0x2c5: {  	v2 =	vld [tilespmem:s26+$0xC60];
	v0 =	vmin.f32 v0, v7  }
0x2c6: {  	v4 =	vld [tilespmem:s26+$0xC70];
	_ =	swait.ge [sflag:s21], $0x4000;
	s26 =	simm.s32 $0x0;
	v0 =	vmin.f32 v0, v60  }
0x2c7: {  	[sflag:s21] =	ssyncset.done $0x0;
	s31 =	sand.u32 $0x3000, s26;
	s25 =	sand.u32 $0x380, s26;
	v0 =	vmin.f32 v0, v61  }
0x2c8: {  	[sflag:s21] =	ssyncadd.s32 $0xFFFFC000;
	s25 =	sor.u32 s25, s31;
	v0 =	vmin.f32 v0, v62  }
0x2c9: {  	[tilespmem:s26], [sflag:$0x1] =	stream.linear.gather [hbm4b:s11+s26], $0x4000, $0x38;
	v0 =	vmin.f32 v0, v63;
	[tilespmem:$0x8080] =	vst v63  }
0x2ca: {  	v0 =	vmin.f32 v0, v5;
	v5 =	vld [tilespmem:s25+$0x4000]  }
0x2cb: {  	v0 =	vmin.f32 v0, v3;
	v3 =	vld [tilespmem:s25+$0x4010]  }
0x2cc: {  	v0 =	vmin.f32 v0, v1;
	v1 =	vld [tilespmem:s25+$0x4020]  }
0x2cd: {  	v0 =	vmin.f32 v0, v2;
	v2 =	vld [tilespmem:s25+$0x4030]  }
0x2ce: {  	v0 =	vmin.f32 v0, v4;
	v4 =	vld [tilespmem:s25+$0x4040]  }
0x2cf: {  	v0 =	vmin.f32 v0, v5;
	v5 =	vld [tilespmem:s25+$0x4050]  }
0x2d0: {  	v0 =	vmin.f32 v0, v3;
	v3 =	vld [tilespmem:s25+$0x4060]  }
0x2d1: {  	v0 =	vmin.f32 v0, v1;
	v1 =	vld [tilespmem:s25+$0x4070]  }
0x2d2: {  	v0 =	vmin.f32 v0, v2;
	v2 =	vld [tilespmem:s25+$0x4400]  }
0x2d3: {  	v0 =	vmin.f32 v0, v4;
	v4 =	vld [tilespmem:s25+$0x4410]  }
0x2d4: {  	v0 =	vmin.f32 v0, v5;
	v5 =	vld [tilespmem:s25+$0x4420]  }
0x2d5: {  	v0 =	vmin.f32 v0, v3;
	v3 =	vld [tilespmem:s25+$0x4430]  }
0x2d6: {  	v0 =	vmin.f32 v0, v1;
	v1 =	vld [tilespmem:s25+$0x4440]  }
0x2d7: {  	v0 =	vmin.f32 v0, v2;
	v2 =	vld [tilespmem:s25+$0x4450]  }
0x2d8: {  	v0 =	vmin.f32 v0, v4;
	v4 =	vld [tilespmem:s25+$0x4460]  }
0x2d9: {  	v0 =	vmin.f32 v0, v5;
	v5 =	vld [tilespmem:s25+$0x4470]  }
0x2da: {  	v0 =	vmin.f32 v0, v3;
	v3 =	vld [tilespmem:s25+$0x4800]  }
0x2db: {  	v0 =	vmin.f32 v0, v1;
	v1 =	vld [tilespmem:s25+$0x4810]  }
0x2dc: {  	v0 =	vmin.f32 v0, v2;
	v2 =	vld [tilespmem:s25+$0x4820]  }
0x2dd: {  	v0 =	vmin.f32 v0, v4;
	v4 =	vld [tilespmem:s25+$0x4830]  }
0x2de: {  	v0 =	vmin.f32 v0, v5;
	v5 =	vld [tilespmem:s25+$0x4840]  }
0x2df: {  	v0 =	vmin.f32 v0, v3;
	v3 =	vld [tilespmem:s25+$0x4850]  }
0x2e0: {  	v0 =	vmin.f32 v0, v1;
	v1 =	vld [tilespmem:s25+$0x4860]  }
0x2e1: {  	v0 =	vmin.f32 v0, v2;
	v2 =	vld [tilespmem:s25+$0x4870]  }
0x2e2: {  	v0 =	vmin.f32 v0, v4;
	v4 =	vld [tilespmem:s25+$0x4C00]  }
0x2e3: {  	v0 =	vmin.f32 v0, v5;
	v5 =	vld [tilespmem:s25+$0x4C10]  }
0x2e4: {  	v0 =	vmin.f32 v0, v3;
	v3 =	vld [tilespmem:s25+$0x4C20]  }
0x2e5: {  	v1 =	vmin.f32 v0, v1;
	v0 =	vld [tilespmem:s25+$0x4C30]  }
0x2e6: {  	v2 =	vmin.f32 v1, v2;
	v1 =	vld [tilespmem:s25+$0x4C40]  }
0x2e7: {  	s28 =	simm.s32 $0x200;
	s26 =	simm.s32 $0x80;
	v4 =	vmin.f32 v2, v4;
	v2 =	vld [tilespmem:s25+$0x4C50]  }
0x2e8: {  	s29 =	sand.u32 $0x3000, s28;
	s28 =	simm.s32 $0x400;
	s30 =	sand.u32 $0x380, s26;
	v5 =	vmin.f32 v4, v5;
	v4 =	vld [tilespmem:s25+$0x4C60]  }
.LBB2_16:
0x2e9: {  	p0 =	sne.s32 s28, $0x3E00;
	v3 =	vmin.f32 v5, v3;
	v5 =	vld [tilespmem:s25+$0x4C70];
	s25 =	sor.u32 s30, s29  }
0x2ea: {  	v6 =	vld [tilespmem:s25+$0x4000];
	v0 =	vmin.f32 v3, v0  }
0x2eb: {  	v3 =	vld [tilespmem:s25+$0x4010];
	v0 =	vmin.f32 v0, v1  }
0x2ec: {  	v1 =	vld [tilespmem:s25+$0x4020];
	v0 =	vmin.f32 v0, v2  }
0x2ed: {  	v2 =	vld [tilespmem:s25+$0x4030];
	v0 =	vmin.f32 v0, v4  }
0x2ee: {  	v4 =	vld [tilespmem:s25+$0x4040];
	v0 =	vmin.f32 v0, v5  }
0x2ef: {  	v0 =	vmin.f32 v0, v6;
	v5 =	vld [tilespmem:s25+$0x4050]  }
0x2f0: {  	v0 =	vmin.f32 v0, v3;
	v3 =	vld [tilespmem:s25+$0x4060]  }
0x2f1: {  	v0 =	vmin.f32 v0, v1;
	v1 =	vld [tilespmem:s25+$0x4070]  }
0x2f2: {  	v0 =	vmin.f32 v0, v2;
	v2 =	vld [tilespmem:s25+$0x4400]  }
0x2f3: {  	v0 =	vmin.f32 v0, v4;
	v4 =	vld [tilespmem:s25+$0x4410]  }
0x2f4: {  	v0 =	vmin.f32 v0, v5;
	v5 =	vld [tilespmem:s25+$0x4420]  }
0x2f5: {  	v0 =	vmin.f32 v0, v3;
	v3 =	vld [tilespmem:s25+$0x4430]  }
0x2f6: {  	v0 =	vmin.f32 v0, v1;
	v1 =	vld [tilespmem:s25+$0x4440]  }
0x2f7: {  	v0 =	vmin.f32 v0, v2;
	v2 =	vld [tilespmem:s25+$0x4450]  }
0x2f8: {  	v0 =	vmin.f32 v0, v4;
	v4 =	vld [tilespmem:s25+$0x4460]  }
0x2f9: {  	v0 =	vmin.f32 v0, v5;
	v5 =	vld [tilespmem:s25+$0x4470]  }
0x2fa: {  	v0 =	vmin.f32 v0, v3;
	v3 =	vld [tilespmem:s25+$0x4800]  }
0x2fb: {  	v0 =	vmin.f32 v0, v1;
	v1 =	vld [tilespmem:s25+$0x4810]  }
0x2fc: {  	v0 =	vmin.f32 v0, v2;
	v2 =	vld [tilespmem:s25+$0x4820]  }
0x2fd: {  	v0 =	vmin.f32 v0, v4;
	v4 =	vld [tilespmem:s25+$0x4830]  }
0x2fe: {  	v0 =	vmin.f32 v0, v5;
	v5 =	vld [tilespmem:s25+$0x4840]  }
0x2ff: {  	v0 =	vmin.f32 v0, v3;
	v3 =	vld [tilespmem:s25+$0x4850]  }
0x300: {  	v0 =	vmin.f32 v0, v1;
	v1 =	vld [tilespmem:s25+$0x4860]  }
0x301: {  	v0 =	vmin.f32 v0, v2;
	v2 =	vld [tilespmem:s25+$0x4870]  }
0x302: {  	v0 =	vmin.f32 v0, v4;
	v4 =	vld [tilespmem:s25+$0x4C00]  }
0x303: {  	v0 =	vmin.f32 v0, v5;
	v5 =	vld [tilespmem:s25+$0x4C10]  }
.Ltmp7:
0x304: {  	v0 =	vmin.f32 v0, v3;
	v3 =	vld [tilespmem:s25+$0x4C20];
	(pc) =	sbr.rel @p0 .LBB2_16-.Ltmp7, $4  }
0x305: {  	v1 =	vmin.f32 v0, v1;
	v0 =	vld [tilespmem:s25+$0x4C30]  }
0x306: {  	v2 =	vmin.f32 v1, v2;
	v1 =	vld [tilespmem:s25+$0x4C40]  }
0x307: {  	s26 =	sadd.s32 $0x80, s26;
	v4 =	vmin.f32 v2, v4;
	v2 =	vld [tilespmem:s25+$0x4C50]  }
0x308: {  	s29 =	sand.u32 $0x3000, s28;
	s28 =	sadd.s32 $0x200, s28;
	s30 =	sand.u32 $0x380, s26;
	v5 =	vmin.f32 v4, v5;
	v4 =	vld [tilespmem:s25+$0x4C60]  }
0x309: {  	s26 =	sor.u32 s30, s29;
	v6 =	vld [tilespmem:s25+$0x4C70]  }
0x30a: {  	v7 =	vld [tilespmem:s26+$0x4000]  }
0x30b: {  	v8 =	vld [tilespmem:s26+$0x4010]  }
0x30c: {  	v3 =	vmin.f32 v5, v3;
	v9 =	vld [tilespmem:s26+$0x4020]  }
0x30d: {  	v10 =	vld [tilespmem:s26+$0x4030];
	v0 =	vmin.f32 v3, v0  }
0x30e: {  	v11 =	vld [tilespmem:s26+$0x4040];
	v0 =	vmin.f32 v0, v1  }
0x30f: {  	v5 =	vld [tilespmem:s26+$0x4050];
	v0 =	vmin.f32 v0, v2  }
0x310: {  	v3 =	vld [tilespmem:s26+$0x4060];
	v0 =	vmin.f32 v0, v4  }
0x311: {  	v56 =	vld [tilespmem:s26+$0x4440];
	v0 =	vmin.f32 v0, v6  }
0x312: {  	v57 =	vld [tilespmem:s26+$0x4450];
	v0 =	vmin.f32 v0, v7  }
0x313: {  	v58 =	vld [tilespmem:s26+$0x4460];
	v0 =	vmin.f32 v0, v8  }
0x314: {  	v1 =	vld [tilespmem:s26+$0x4070];
	v0 =	vmin.f32 v0, v9  }
0x315: {  	v2 =	vld [tilespmem:s26+$0x4400];
	v0 =	vmin.f32 v0, v10  }
0x316: {  	v4 =	vld [tilespmem:s26+$0x4410];
	v0 =	vmin.f32 v0, v11  }
0x317: {  	v6 =	vld [tilespmem:s26+$0x4420];
	v0 =	vmin.f32 v0, v5  }
0x318: {  	v7 =	vld [tilespmem:s26+$0x4430];
	v0 =	vmin.f32 v0, v3  }
0x319: {  	v59 =	vld [tilespmem:s26+$0x4470];
	v0 =	vmin.f32 v0, v1  }
0x31a: {  	v60 =	vld [tilespmem:s26+$0x4870];
	v0 =	vmin.f32 v0, v2  }
0x31b: {  	v61 =	vld [tilespmem:s26+$0x4C00];
	v0 =	vmin.f32 v0, v4  }
0x31c: {  	v62 =	vld [tilespmem:s26+$0x4C10];
	v0 =	vmin.f32 v0, v6  }
0x31d: {  	v5 =	vld [tilespmem:s26+$0x4800];
	v0 =	vmin.f32 v0, v7  }
0x31e: {  	v3 =	vld [tilespmem:s26+$0x4810];
	v0 =	vmin.f32 v0, v56  }
0x31f: {  	v1 =	vld [tilespmem:s26+$0x4820];
	v0 =	vmin.f32 v0, v57  }
0x320: {  	v2 =	vld [tilespmem:s26+$0x4830];
	v0 =	vmin.f32 v0, v58  }
0x321: {  	v4 =	vld [tilespmem:s26+$0x4840];
	v0 =	vmin.f32 v0, v59  }
0x322: {  	v6 =	vld [tilespmem:s26+$0x4850];
	v0 =	vmin.f32 v0, v5  }
0x323: {  	v7 =	vld [tilespmem:s26+$0x4860];
	v0 =	vmin.f32 v0, v3  }
0x324: {  	v63 =	vld [tilespmem:s26+$0x4C20];
	v0 =	vmin.f32 v0, v1  }
0x325: {  	v5 =	vld [tilespmem:s26+$0x4C30];
	v0 =	vmin.f32 v0, v2  }
0x326: {  	v3 =	vld [tilespmem:s26+$0x4C40];
	v0 =	vmin.f32 v0, v4  }
0x327: {  	v1 =	vld [tilespmem:s26+$0x4C50];
	v0 =	vmin.f32 v0, v6  }
0x328: {  	v2 =	vld [tilespmem:s26+$0x4C60];
	v0 =	vmin.f32 v0, v7  }
0x329: {  	v4 =	vld [tilespmem:s26+$0x4C70];
	_ =	swait.ge [sflag:s19], $0x4000;
	s26 =	simm.s32 $0x0;
	v0 =	vmin.f32 v0, v60  }
0x32a: {  	[sflag:s19] =	ssyncset.done $0x0;
	s31 =	sand.u32 $0x3000, s26;
	s25 =	sand.u32 $0x380, s26;
	v0 =	vmin.f32 v0, v61  }
0x32b: {  	[sflag:s19] =	ssyncadd.s32 $0xFFFFC000;
	s25 =	sor.u32 s25, s31;
	v0 =	vmin.f32 v0, v62  }
0x32c: {  	[tilespmem:s20], [sflag:$0x2] =	stream.linear.gather [hbm4b:s12+s26], $0x4000, $0x38;
	v0 =	vmin.f32 v0, v63;
	[tilespmem:$0x8080] =	vst v63  }
0x32d: {  	v0 =	vmin.f32 v0, v5;
	v5 =	vld [tilespmem:s25+$0x0]  }
0x32e: {  	v0 =	vmin.f32 v0, v3;
	v3 =	vld [tilespmem:s25+$0x10]  }
0x32f: {  	v0 =	vmin.f32 v0, v1;
	v1 =	vld [tilespmem:s25+$0x20]  }
0x330: {  	v0 =	vmin.f32 v0, v2;
	v2 =	vld [tilespmem:s25+$0x30]  }
0x331: {  	v0 =	vmin.f32 v0, v4;
	v4 =	vld [tilespmem:s25+$0x40]  }
0x332: {  	v0 =	vmin.f32 v0, v5;
	v5 =	vld [tilespmem:s25+$0x50]  }
0x333: {  	v0 =	vmin.f32 v0, v3;
	v3 =	vld [tilespmem:s25+$0x60]  }
0x334: {  	v0 =	vmin.f32 v0, v1;
	v1 =	vld [tilespmem:s25+$0x70]  }
0x335: {  	v0 =	vmin.f32 v0, v2;
	v2 =	vld [tilespmem:s25+$0x400]  }
0x336: {  	v0 =	vmin.f32 v0, v4;
	v4 =	vld [tilespmem:s25+$0x410]  }
0x337: {  	v0 =	vmin.f32 v0, v5;
	v5 =	vld [tilespmem:s25+$0x420]  }
0x338: {  	v0 =	vmin.f32 v0, v3;
	v3 =	vld [tilespmem:s25+$0x430]  }
0x339: {  	v0 =	vmin.f32 v0, v1;
	v1 =	vld [tilespmem:s25+$0x440]  }
0x33a: {  	v0 =	vmin.f32 v0, v2;
	v2 =	vld [tilespmem:s25+$0x450]  }
0x33b: {  	v0 =	vmin.f32 v0, v4;
	v4 =	vld [tilespmem:s25+$0x460]  }
0x33c: {  	v0 =	vmin.f32 v0, v5;
	v5 =	vld [tilespmem:s25+$0x470]  }
0x33d: {  	v0 =	vmin.f32 v0, v3;
	v3 =	vld [tilespmem:s25+$0x800]  }
0x33e: {  	v0 =	vmin.f32 v0, v1;
	v1 =	vld [tilespmem:s25+$0x810]  }
0x33f: {  	v0 =	vmin.f32 v0, v2;
	v2 =	vld [tilespmem:s25+$0x820]  }
0x340: {  	v0 =	vmin.f32 v0, v4;
	v4 =	vld [tilespmem:s25+$0x830]  }
0x341: {  	v0 =	vmin.f32 v0, v5;
	v5 =	vld [tilespmem:s25+$0x840]  }
0x342: {  	v0 =	vmin.f32 v0, v3;
	v3 =	vld [tilespmem:s25+$0x850]  }
0x343: {  	v0 =	vmin.f32 v0, v1;
	v1 =	vld [tilespmem:s25+$0x860]  }
0x344: {  	v0 =	vmin.f32 v0, v2;
	v2 =	vld [tilespmem:s25+$0x870]  }
0x345: {  	v0 =	vmin.f32 v0, v4;
	v4 =	vld [tilespmem:s25+$0xC00]  }
0x346: {  	v0 =	vmin.f32 v0, v5;
	v5 =	vld [tilespmem:s25+$0xC10]  }
0x347: {  	v0 =	vmin.f32 v0, v3;
	v3 =	vld [tilespmem:s25+$0xC20]  }
0x348: {  	v1 =	vmin.f32 v0, v1;
	v0 =	vld [tilespmem:s25+$0xC30]  }
0x349: {  	v2 =	vmin.f32 v1, v2;
	v1 =	vld [tilespmem:s25+$0xC40]  }
0x34a: {  	s28 =	simm.s32 $0x200;
	s26 =	simm.s32 $0x80;
	v4 =	vmin.f32 v2, v4;
	v2 =	vld [tilespmem:s25+$0xC50]  }
0x34b: {  	s29 =	sand.u32 $0x3000, s28;
	s28 =	simm.s32 $0x400;
	s30 =	sand.u32 $0x380, s26;
	v5 =	vmin.f32 v4, v5;
	v4 =	vld [tilespmem:s25+$0xC60]  }
.LBB2_18:
0x34c: {  	p0 =	sne.s32 s28, $0x3E00;
	v3 =	vmin.f32 v5, v3;
	v5 =	vld [tilespmem:s25+$0xC70];
	s25 =	sor.u32 s30, s29  }
0x34d: {  	v6 =	vld [tilespmem:s25+$0x0];
	v0 =	vmin.f32 v3, v0  }
0x34e: {  	v3 =	vld [tilespmem:s25+$0x10];
	v0 =	vmin.f32 v0, v1  }
0x34f: {  	v1 =	vld [tilespmem:s25+$0x20];
	v0 =	vmin.f32 v0, v2  }
0x350: {  	v2 =	vld [tilespmem:s25+$0x30];
	v0 =	vmin.f32 v0, v4  }
0x351: {  	v4 =	vld [tilespmem:s25+$0x40];
	v0 =	vmin.f32 v0, v5  }
0x352: {  	v0 =	vmin.f32 v0, v6;
	v5 =	vld [tilespmem:s25+$0x50]  }
0x353: {  	v0 =	vmin.f32 v0, v3;
	v3 =	vld [tilespmem:s25+$0x60]  }
0x354: {  	v0 =	vmin.f32 v0, v1;
	v1 =	vld [tilespmem:s25+$0x70]  }
0x355: {  	v0 =	vmin.f32 v0, v2;
	v2 =	vld [tilespmem:s25+$0x400]  }
0x356: {  	v0 =	vmin.f32 v0, v4;
	v4 =	vld [tilespmem:s25+$0x410]  }
0x357: {  	v0 =	vmin.f32 v0, v5;
	v5 =	vld [tilespmem:s25+$0x420]  }
0x358: {  	v0 =	vmin.f32 v0, v3;
	v3 =	vld [tilespmem:s25+$0x430]  }
0x359: {  	v0 =	vmin.f32 v0, v1;
	v1 =	vld [tilespmem:s25+$0x440]  }
0x35a: {  	v0 =	vmin.f32 v0, v2;
	v2 =	vld [tilespmem:s25+$0x450]  }
0x35b: {  	v0 =	vmin.f32 v0, v4;
	v4 =	vld [tilespmem:s25+$0x460]  }
0x35c: {  	v0 =	vmin.f32 v0, v5;
	v5 =	vld [tilespmem:s25+$0x470]  }
0x35d: {  	v0 =	vmin.f32 v0, v3;
	v3 =	vld [tilespmem:s25+$0x800]  }
0x35e: {  	v0 =	vmin.f32 v0, v1;
	v1 =	vld [tilespmem:s25+$0x810]  }
0x35f: {  	v0 =	vmin.f32 v0, v2;
	v2 =	vld [tilespmem:s25+$0x820]  }
0x360: {  	v0 =	vmin.f32 v0, v4;
	v4 =	vld [tilespmem:s25+$0x830]  }
0x361: {  	v0 =	vmin.f32 v0, v5;
	v5 =	vld [tilespmem:s25+$0x840]  }
0x362: {  	v0 =	vmin.f32 v0, v3;
	v3 =	vld [tilespmem:s25+$0x850]  }
0x363: {  	v0 =	vmin.f32 v0, v1;
	v1 =	vld [tilespmem:s25+$0x860]  }
0x364: {  	v0 =	vmin.f32 v0, v2;
	v2 =	vld [tilespmem:s25+$0x870]  }
0x365: {  	v0 =	vmin.f32 v0, v4;
	v4 =	vld [tilespmem:s25+$0xC00]  }
0x366: {  	v0 =	vmin.f32 v0, v5;
	v5 =	vld [tilespmem:s25+$0xC10]  }
.Ltmp8:
0x367: {  	v0 =	vmin.f32 v0, v3;
	v3 =	vld [tilespmem:s25+$0xC20];
	(pc) =	sbr.rel @p0 .LBB2_18-.Ltmp8, $4  }
0x368: {  	v1 =	vmin.f32 v0, v1;
	v0 =	vld [tilespmem:s25+$0xC30]  }
0x369: {  	v2 =	vmin.f32 v1, v2;
	v1 =	vld [tilespmem:s25+$0xC40]  }
0x36a: {  	s26 =	sadd.s32 $0x80, s26;
	v4 =	vmin.f32 v2, v4;
	v2 =	vld [tilespmem:s25+$0xC50]  }
0x36b: {  	s29 =	sand.u32 $0x3000, s28;
	s28 =	sadd.s32 $0x200, s28;
	s30 =	sand.u32 $0x380, s26;
	v5 =	vmin.f32 v4, v5;
	v4 =	vld [tilespmem:s25+$0xC60]  }
0x36c: {  	s26 =	sor.u32 s30, s29;
	v6 =	vld [tilespmem:s25+$0xC70]  }
0x36d: {  	v7 =	vld [tilespmem:s26+$0x0]  }
0x36e: {  	v8 =	vld [tilespmem:s26+$0x10]  }
0x36f: {  	v3 =	vmin.f32 v5, v3;
	v9 =	vld [tilespmem:s26+$0x20]  }
0x370: {  	v10 =	vld [tilespmem:s26+$0x30];
	v0 =	vmin.f32 v3, v0  }
0x371: {  	v11 =	vld [tilespmem:s26+$0x40];
	v0 =	vmin.f32 v0, v1  }
0x372: {  	v5 =	vld [tilespmem:s26+$0x50];
	v0 =	vmin.f32 v0, v2  }
0x373: {  	v3 =	vld [tilespmem:s26+$0x60];
	v0 =	vmin.f32 v0, v4  }
0x374: {  	v56 =	vld [tilespmem:s26+$0x440];
	v0 =	vmin.f32 v0, v6  }
0x375: {  	v57 =	vld [tilespmem:s26+$0x450];
	v0 =	vmin.f32 v0, v7  }
0x376: {  	v58 =	vld [tilespmem:s26+$0x460];
	v0 =	vmin.f32 v0, v8  }
0x377: {  	v1 =	vld [tilespmem:s26+$0x70];
	v0 =	vmin.f32 v0, v9  }
0x378: {  	v2 =	vld [tilespmem:s26+$0x400];
	v0 =	vmin.f32 v0, v10  }
0x379: {  	v4 =	vld [tilespmem:s26+$0x410];
	v0 =	vmin.f32 v0, v11  }
0x37a: {  	v6 =	vld [tilespmem:s26+$0x420];
	v0 =	vmin.f32 v0, v5  }
0x37b: {  	v7 =	vld [tilespmem:s26+$0x430];
	v0 =	vmin.f32 v0, v3  }
0x37c: {  	v59 =	vld [tilespmem:s26+$0x470];
	v0 =	vmin.f32 v0, v1  }
0x37d: {  	v60 =	vld [tilespmem:s26+$0x870];
	v0 =	vmin.f32 v0, v2  }
0x37e: {  	v61 =	vld [tilespmem:s26+$0xC00];
	v0 =	vmin.f32 v0, v4  }
0x37f: {  	v62 =	vld [tilespmem:s26+$0xC10];
	v0 =	vmin.f32 v0, v6  }
0x380: {  	v5 =	vld [tilespmem:s26+$0x800];
	v0 =	vmin.f32 v0, v7  }
0x381: {  	v3 =	vld [tilespmem:s26+$0x810];
	v0 =	vmin.f32 v0, v56  }
0x382: {  	v1 =	vld [tilespmem:s26+$0x820];
	v0 =	vmin.f32 v0, v57  }
0x383: {  	v2 =	vld [tilespmem:s26+$0x830];
	v0 =	vmin.f32 v0, v58  }
0x384: {  	v4 =	vld [tilespmem:s26+$0x840];
	v0 =	vmin.f32 v0, v59  }
0x385: {  	v6 =	vld [tilespmem:s26+$0x850];
	v0 =	vmin.f32 v0, v5  }
0x386: {  	v7 =	vld [tilespmem:s26+$0x860];
	v0 =	vmin.f32 v0, v3  }
0x387: {  	v63 =	vld [tilespmem:s26+$0xC20];
	v0 =	vmin.f32 v0, v1  }
0x388: {  	v5 =	vld [tilespmem:s26+$0xC30];
	v0 =	vmin.f32 v0, v2  }
0x389: {  	v3 =	vld [tilespmem:s26+$0xC40];
	v0 =	vmin.f32 v0, v4  }
0x38a: {  	v1 =	vld [tilespmem:s26+$0xC50];
	v0 =	vmin.f32 v0, v6  }
0x38b: {  	v2 =	vld [tilespmem:s26+$0xC60];
	v0 =	vmin.f32 v0, v7  }
0x38c: {  	v4 =	vld [tilespmem:s26+$0xC70];
	_ =	swait.ge [sflag:s21], $0x4000;
	s26 =	simm.s32 $0x0;
	v0 =	vmin.f32 v0, v60  }
0x38d: {  	[sflag:s21] =	ssyncset.done $0x0;
	s31 =	sand.u32 $0x3000, s26;
	s25 =	sand.u32 $0x380, s26;
	v0 =	vmin.f32 v0, v61  }
0x38e: {  	[sflag:s21] =	ssyncadd.s32 $0xFFFFC000;
	s25 =	sor.u32 s25, s31;
	v0 =	vmin.f32 v0, v62  }
0x38f: {  	[tilespmem:s26], [sflag:$0x1] =	stream.linear.gather [hbm4b:s13+s26], $0x4000, $0x38;
	v0 =	vmin.f32 v0, v63;
	[tilespmem:$0x8080] =	vst v63  }
0x390: {  	v0 =	vmin.f32 v0, v5;
	v5 =	vld [tilespmem:s25+$0x4000]  }
0x391: {  	v0 =	vmin.f32 v0, v3;
	v3 =	vld [tilespmem:s25+$0x4010]  }
0x392: {  	v0 =	vmin.f32 v0, v1;
	v1 =	vld [tilespmem:s25+$0x4020]  }
0x393: {  	v0 =	vmin.f32 v0, v2;
	v2 =	vld [tilespmem:s25+$0x4030]  }
0x394: {  	v0 =	vmin.f32 v0, v4;
	v4 =	vld [tilespmem:s25+$0x4040]  }
0x395: {  	v0 =	vmin.f32 v0, v5;
	v5 =	vld [tilespmem:s25+$0x4050]  }
0x396: {  	v0 =	vmin.f32 v0, v3;
	v3 =	vld [tilespmem:s25+$0x4060]  }
0x397: {  	v0 =	vmin.f32 v0, v1;
	v1 =	vld [tilespmem:s25+$0x4070]  }
0x398: {  	v0 =	vmin.f32 v0, v2;
	v2 =	vld [tilespmem:s25+$0x4400]  }
0x399: {  	v0 =	vmin.f32 v0, v4;
	v4 =	vld [tilespmem:s25+$0x4410]  }
0x39a: {  	v0 =	vmin.f32 v0, v5;
	v5 =	vld [tilespmem:s25+$0x4420]  }
0x39b: {  	v0 =	vmin.f32 v0, v3;
	v3 =	vld [tilespmem:s25+$0x4430]  }
0x39c: {  	v0 =	vmin.f32 v0, v1;
	v1 =	vld [tilespmem:s25+$0x4440]  }
0x39d: {  	v0 =	vmin.f32 v0, v2;
	v2 =	vld [tilespmem:s25+$0x4450]  }
0x39e: {  	v0 =	vmin.f32 v0, v4;
	v4 =	vld [tilespmem:s25+$0x4460]  }
0x39f: {  	v0 =	vmin.f32 v0, v5;
	v5 =	vld [tilespmem:s25+$0x4470]  }
0x3a0: {  	v0 =	vmin.f32 v0, v3;
	v3 =	vld [tilespmem:s25+$0x4800]  }
0x3a1: {  	v0 =	vmin.f32 v0, v1;
	v1 =	vld [tilespmem:s25+$0x4810]  }
0x3a2: {  	v0 =	vmin.f32 v0, v2;
	v2 =	vld [tilespmem:s25+$0x4820]  }
0x3a3: {  	v0 =	vmin.f32 v0, v4;
	v4 =	vld [tilespmem:s25+$0x4830]  }
0x3a4: {  	v0 =	vmin.f32 v0, v5;
	v5 =	vld [tilespmem:s25+$0x4840]  }
0x3a5: {  	v0 =	vmin.f32 v0, v3;
	v3 =	vld [tilespmem:s25+$0x4850]  }
0x3a6: {  	v0 =	vmin.f32 v0, v1;
	v1 =	vld [tilespmem:s25+$0x4860]  }
0x3a7: {  	v0 =	vmin.f32 v0, v2;
	v2 =	vld [tilespmem:s25+$0x4870]  }
0x3a8: {  	v0 =	vmin.f32 v0, v4;
	v4 =	vld [tilespmem:s25+$0x4C00]  }
0x3a9: {  	v0 =	vmin.f32 v0, v5;
	v5 =	vld [tilespmem:s25+$0x4C10]  }
0x3aa: {  	v0 =	vmin.f32 v0, v3;
	v3 =	vld [tilespmem:s25+$0x4C20]  }
0x3ab: {  	v1 =	vmin.f32 v0, v1;
	v0 =	vld [tilespmem:s25+$0x4C30]  }
0x3ac: {  	v2 =	vmin.f32 v1, v2;
	v1 =	vld [tilespmem:s25+$0x4C40]  }
0x3ad: {  	s28 =	simm.s32 $0x200;
	s26 =	simm.s32 $0x80;
	v4 =	vmin.f32 v2, v4;
	v2 =	vld [tilespmem:s25+$0x4C50]  }
0x3ae: {  	s29 =	sand.u32 $0x3000, s28;
	s28 =	simm.s32 $0x400;
	s30 =	sand.u32 $0x380, s26;
	v5 =	vmin.f32 v4, v5;
	v4 =	vld [tilespmem:s25+$0x4C60]  }
.LBB2_20:
0x3af: {  	p0 =	sne.s32 s28, $0x3E00;
	v3 =	vmin.f32 v5, v3;
	v5 =	vld [tilespmem:s25+$0x4C70];
	s25 =	sor.u32 s30, s29  }
0x3b0: {  	v6 =	vld [tilespmem:s25+$0x4000];
	v0 =	vmin.f32 v3, v0  }
0x3b1: {  	v3 =	vld [tilespmem:s25+$0x4010];
	v0 =	vmin.f32 v0, v1  }
0x3b2: {  	v1 =	vld [tilespmem:s25+$0x4020];
	v0 =	vmin.f32 v0, v2  }
0x3b3: {  	v2 =	vld [tilespmem:s25+$0x4030];
	v0 =	vmin.f32 v0, v4  }
0x3b4: {  	v4 =	vld [tilespmem:s25+$0x4040];
	v0 =	vmin.f32 v0, v5  }
0x3b5: {  	v0 =	vmin.f32 v0, v6;
	v5 =	vld [tilespmem:s25+$0x4050]  }
0x3b6: {  	v0 =	vmin.f32 v0, v3;
	v3 =	vld [tilespmem:s25+$0x4060]  }
0x3b7: {  	v0 =	vmin.f32 v0, v1;
	v1 =	vld [tilespmem:s25+$0x4070]  }
0x3b8: {  	v0 =	vmin.f32 v0, v2;
	v2 =	vld [tilespmem:s25+$0x4400]  }
0x3b9: {  	v0 =	vmin.f32 v0, v4;
	v4 =	vld [tilespmem:s25+$0x4410]  }
0x3ba: {  	v0 =	vmin.f32 v0, v5;
	v5 =	vld [tilespmem:s25+$0x4420]  }
0x3bb: {  	v0 =	vmin.f32 v0, v3;
	v3 =	vld [tilespmem:s25+$0x4430]  }
0x3bc: {  	v0 =	vmin.f32 v0, v1;
	v1 =	vld [tilespmem:s25+$0x4440]  }
0x3bd: {  	v0 =	vmin.f32 v0, v2;
	v2 =	vld [tilespmem:s25+$0x4450]  }
0x3be: {  	v0 =	vmin.f32 v0, v4;
	v4 =	vld [tilespmem:s25+$0x4460]  }
0x3bf: {  	v0 =	vmin.f32 v0, v5;
	v5 =	vld [tilespmem:s25+$0x4470]  }
0x3c0: {  	v0 =	vmin.f32 v0, v3;
	v3 =	vld [tilespmem:s25+$0x4800]  }
0x3c1: {  	v0 =	vmin.f32 v0, v1;
	v1 =	vld [tilespmem:s25+$0x4810]  }
0x3c2: {  	v0 =	vmin.f32 v0, v2;
	v2 =	vld [tilespmem:s25+$0x4820]  }
0x3c3: {  	v0 =	vmin.f32 v0, v4;
	v4 =	vld [tilespmem:s25+$0x4830]  }
0x3c4: {  	v0 =	vmin.f32 v0, v5;
	v5 =	vld [tilespmem:s25+$0x4840]  }
0x3c5: {  	v0 =	vmin.f32 v0, v3;
	v3 =	vld [tilespmem:s25+$0x4850]  }
0x3c6: {  	v0 =	vmin.f32 v0, v1;
	v1 =	vld [tilespmem:s25+$0x4860]  }
0x3c7: {  	v0 =	vmin.f32 v0, v2;
	v2 =	vld [tilespmem:s25+$0x4870]  }
0x3c8: {  	v0 =	vmin.f32 v0, v4;
	v4 =	vld [tilespmem:s25+$0x4C00]  }
0x3c9: {  	v0 =	vmin.f32 v0, v5;
	v5 =	vld [tilespmem:s25+$0x4C10]  }
.Ltmp9:
0x3ca: {  	v0 =	vmin.f32 v0, v3;
	v3 =	vld [tilespmem:s25+$0x4C20];
	(pc) =	sbr.rel @p0 .LBB2_20-.Ltmp9, $4  }
0x3cb: {  	v1 =	vmin.f32 v0, v1;
	v0 =	vld [tilespmem:s25+$0x4C30]  }
0x3cc: {  	v2 =	vmin.f32 v1, v2;
	v1 =	vld [tilespmem:s25+$0x4C40]  }
0x3cd: {  	s26 =	sadd.s32 $0x80, s26;
	v4 =	vmin.f32 v2, v4;
	v2 =	vld [tilespmem:s25+$0x4C50]  }
0x3ce: {  	s29 =	sand.u32 $0x3000, s28;
	s28 =	sadd.s32 $0x200, s28;
	s30 =	sand.u32 $0x380, s26;
	v5 =	vmin.f32 v4, v5;
	v4 =	vld [tilespmem:s25+$0x4C60]  }
0x3cf: {  	s26 =	sor.u32 s30, s29;
	v6 =	vld [tilespmem:s25+$0x4C70]  }
0x3d0: {  	v7 =	vld [tilespmem:s26+$0x4000]  }
0x3d1: {  	v8 =	vld [tilespmem:s26+$0x4010]  }
0x3d2: {  	v3 =	vmin.f32 v5, v3;
	v9 =	vld [tilespmem:s26+$0x4020]  }
0x3d3: {  	v10 =	vld [tilespmem:s26+$0x4030];
	v0 =	vmin.f32 v3, v0  }
0x3d4: {  	v11 =	vld [tilespmem:s26+$0x4040];
	v0 =	vmin.f32 v0, v1  }
0x3d5: {  	v5 =	vld [tilespmem:s26+$0x4050];
	v0 =	vmin.f32 v0, v2  }
0x3d6: {  	v3 =	vld [tilespmem:s26+$0x4060];
	v0 =	vmin.f32 v0, v4  }
0x3d7: {  	v56 =	vld [tilespmem:s26+$0x4440];
	v0 =	vmin.f32 v0, v6  }
0x3d8: {  	v57 =	vld [tilespmem:s26+$0x4450];
	v0 =	vmin.f32 v0, v7  }
0x3d9: {  	v58 =	vld [tilespmem:s26+$0x4460];
	v0 =	vmin.f32 v0, v8  }
0x3da: {  	v1 =	vld [tilespmem:s26+$0x4070];
	v0 =	vmin.f32 v0, v9  }
0x3db: {  	v2 =	vld [tilespmem:s26+$0x4400];
	v0 =	vmin.f32 v0, v10  }
0x3dc: {  	v4 =	vld [tilespmem:s26+$0x4410];
	v0 =	vmin.f32 v0, v11  }
0x3dd: {  	v6 =	vld [tilespmem:s26+$0x4420];
	v0 =	vmin.f32 v0, v5  }
0x3de: {  	v7 =	vld [tilespmem:s26+$0x4430];
	v0 =	vmin.f32 v0, v3  }
0x3df: {  	v59 =	vld [tilespmem:s26+$0x4470];
	v0 =	vmin.f32 v0, v1  }
0x3e0: {  	v60 =	vld [tilespmem:s26+$0x4870];
	v0 =	vmin.f32 v0, v2  }
0x3e1: {  	v61 =	vld [tilespmem:s26+$0x4C00];
	v0 =	vmin.f32 v0, v4  }
0x3e2: {  	v62 =	vld [tilespmem:s26+$0x4C10];
	v0 =	vmin.f32 v0, v6  }
0x3e3: {  	v5 =	vld [tilespmem:s26+$0x4800];
	v0 =	vmin.f32 v0, v7  }
0x3e4: {  	v3 =	vld [tilespmem:s26+$0x4810];
	v0 =	vmin.f32 v0, v56  }
0x3e5: {  	v1 =	vld [tilespmem:s26+$0x4820];
	v0 =	vmin.f32 v0, v57  }
0x3e6: {  	v2 =	vld [tilespmem:s26+$0x4830];
	v0 =	vmin.f32 v0, v58  }
0x3e7: {  	v4 =	vld [tilespmem:s26+$0x4840];
	v0 =	vmin.f32 v0, v59  }
0x3e8: {  	v6 =	vld [tilespmem:s26+$0x4850];
	v0 =	vmin.f32 v0, v5  }
0x3e9: {  	v7 =	vld [tilespmem:s26+$0x4860];
	v0 =	vmin.f32 v0, v3  }
0x3ea: {  	v63 =	vld [tilespmem:s26+$0x4C20];
	v0 =	vmin.f32 v0, v1  }
0x3eb: {  	v5 =	vld [tilespmem:s26+$0x4C30];
	v0 =	vmin.f32 v0, v2  }
0x3ec: {  	v3 =	vld [tilespmem:s26+$0x4C40];
	v0 =	vmin.f32 v0, v4  }
0x3ed: {  	v1 =	vld [tilespmem:s26+$0x4C50];
	v0 =	vmin.f32 v0, v6  }
0x3ee: {  	v2 =	vld [tilespmem:s26+$0x4C60];
	v0 =	vmin.f32 v0, v7  }
0x3ef: {  	v4 =	vld [tilespmem:s26+$0x4C70];
	_ =	swait.ge [sflag:s19], $0x4000;
	s26 =	simm.s32 $0x0;
	v0 =	vmin.f32 v0, v60  }
0x3f0: {  	[sflag:s19] =	ssyncset.done $0x0;
	s31 =	sand.u32 $0x3000, s26;
	s25 =	sand.u32 $0x380, s26;
	v0 =	vmin.f32 v0, v61  }
0x3f1: {  	[sflag:s19] =	ssyncadd.s32 $0xFFFFC000;
	s25 =	sor.u32 s25, s31;
	v0 =	vmin.f32 v0, v62  }
0x3f2: {  	[tilespmem:s20], [sflag:$0x2] =	stream.linear.gather [hbm4b:s14+s26], $0x4000, $0x38;
	v0 =	vmin.f32 v0, v63;
	[tilespmem:$0x8080] =	vst v63  }
0x3f3: {  	v0 =	vmin.f32 v0, v5;
	v5 =	vld [tilespmem:s25+$0x0]  }
0x3f4: {  	v0 =	vmin.f32 v0, v3;
	v3 =	vld [tilespmem:s25+$0x10]  }
0x3f5: {  	v0 =	vmin.f32 v0, v1;
	v1 =	vld [tilespmem:s25+$0x20]  }
0x3f6: {  	v0 =	vmin.f32 v0, v2;
	v2 =	vld [tilespmem:s25+$0x30]  }
0x3f7: {  	v0 =	vmin.f32 v0, v4;
	v4 =	vld [tilespmem:s25+$0x40]  }
0x3f8: {  	v0 =	vmin.f32 v0, v5;
	v5 =	vld [tilespmem:s25+$0x50]  }
0x3f9: {  	v0 =	vmin.f32 v0, v3;
	v3 =	vld [tilespmem:s25+$0x60]  }
0x3fa: {  	v0 =	vmin.f32 v0, v1;
	v1 =	vld [tilespmem:s25+$0x70]  }
0x3fb: {  	v0 =	vmin.f32 v0, v2;
	v2 =	vld [tilespmem:s25+$0x400]  }
0x3fc: {  	v0 =	vmin.f32 v0, v4;
	v4 =	vld [tilespmem:s25+$0x410]  }
0x3fd: {  	v0 =	vmin.f32 v0, v5;
	v5 =	vld [tilespmem:s25+$0x420]  }
0x3fe: {  	v0 =	vmin.f32 v0, v3;
	v3 =	vld [tilespmem:s25+$0x430]  }
0x3ff: {  	v0 =	vmin.f32 v0, v1;
	v1 =	vld [tilespmem:s25+$0x440]  }
0x400: {  	v0 =	vmin.f32 v0, v2;
	v2 =	vld [tilespmem:s25+$0x450]  }
0x401: {  	v0 =	vmin.f32 v0, v4;
	v4 =	vld [tilespmem:s25+$0x460]  }
0x402: {  	v0 =	vmin.f32 v0, v5;
	v5 =	vld [tilespmem:s25+$0x470]  }
0x403: {  	v0 =	vmin.f32 v0, v3;
	v3 =	vld [tilespmem:s25+$0x800]  }
0x404: {  	v0 =	vmin.f32 v0, v1;
	v1 =	vld [tilespmem:s25+$0x810]  }
0x405: {  	v0 =	vmin.f32 v0, v2;
	v2 =	vld [tilespmem:s25+$0x820]  }
0x406: {  	v0 =	vmin.f32 v0, v4;
	v4 =	vld [tilespmem:s25+$0x830]  }
0x407: {  	v0 =	vmin.f32 v0, v5;
	v5 =	vld [tilespmem:s25+$0x840]  }
0x408: {  	v0 =	vmin.f32 v0, v3;
	v3 =	vld [tilespmem:s25+$0x850]  }
0x409: {  	v0 =	vmin.f32 v0, v1;
	v1 =	vld [tilespmem:s25+$0x860]  }
0x40a: {  	v0 =	vmin.f32 v0, v2;
	v2 =	vld [tilespmem:s25+$0x870]  }
0x40b: {  	v0 =	vmin.f32 v0, v4;
	v4 =	vld [tilespmem:s25+$0xC00]  }
0x40c: {  	v0 =	vmin.f32 v0, v5;
	v5 =	vld [tilespmem:s25+$0xC10]  }
0x40d: {  	v0 =	vmin.f32 v0, v3;
	v3 =	vld [tilespmem:s25+$0xC20]  }
0x40e: {  	v1 =	vmin.f32 v0, v1;
	v0 =	vld [tilespmem:s25+$0xC30]  }
0x40f: {  	v2 =	vmin.f32 v1, v2;
	v1 =	vld [tilespmem:s25+$0xC40]  }
0x410: {  	s28 =	simm.s32 $0x200;
	s26 =	simm.s32 $0x80;
	v4 =	vmin.f32 v2, v4;
	v2 =	vld [tilespmem:s25+$0xC50]  }
0x411: {  	s29 =	sand.u32 $0x3000, s28;
	s28 =	simm.s32 $0x400;
	s30 =	sand.u32 $0x380, s26;
	v5 =	vmin.f32 v4, v5;
	v4 =	vld [tilespmem:s25+$0xC60]  }
.LBB2_22:
0x412: {  	p0 =	sne.s32 s28, $0x3E00;
	v3 =	vmin.f32 v5, v3;
	v5 =	vld [tilespmem:s25+$0xC70];
	s25 =	sor.u32 s30, s29  }
0x413: {  	v6 =	vld [tilespmem:s25+$0x0];
	v0 =	vmin.f32 v3, v0  }
0x414: {  	v3 =	vld [tilespmem:s25+$0x10];
	v0 =	vmin.f32 v0, v1  }
0x415: {  	v1 =	vld [tilespmem:s25+$0x20];
	v0 =	vmin.f32 v0, v2  }
0x416: {  	v2 =	vld [tilespmem:s25+$0x30];
	v0 =	vmin.f32 v0, v4  }
0x417: {  	v4 =	vld [tilespmem:s25+$0x40];
	v0 =	vmin.f32 v0, v5  }
0x418: {  	v0 =	vmin.f32 v0, v6;
	v5 =	vld [tilespmem:s25+$0x50]  }
0x419: {  	v0 =	vmin.f32 v0, v3;
	v3 =	vld [tilespmem:s25+$0x60]  }
0x41a: {  	v0 =	vmin.f32 v0, v1;
	v1 =	vld [tilespmem:s25+$0x70]  }
0x41b: {  	v0 =	vmin.f32 v0, v2;
	v2 =	vld [tilespmem:s25+$0x400]  }
0x41c: {  	v0 =	vmin.f32 v0, v4;
	v4 =	vld [tilespmem:s25+$0x410]  }
0x41d: {  	v0 =	vmin.f32 v0, v5;
	v5 =	vld [tilespmem:s25+$0x420]  }
0x41e: {  	v0 =	vmin.f32 v0, v3;
	v3 =	vld [tilespmem:s25+$0x430]  }
0x41f: {  	v0 =	vmin.f32 v0, v1;
	v1 =	vld [tilespmem:s25+$0x440]  }
0x420: {  	v0 =	vmin.f32 v0, v2;
	v2 =	vld [tilespmem:s25+$0x450]  }
0x421: {  	v0 =	vmin.f32 v0, v4;
	v4 =	vld [tilespmem:s25+$0x460]  }
0x422: {  	v0 =	vmin.f32 v0, v5;
	v5 =	vld [tilespmem:s25+$0x470]  }
0x423: {  	v0 =	vmin.f32 v0, v3;
	v3 =	vld [tilespmem:s25+$0x800]  }
0x424: {  	v0 =	vmin.f32 v0, v1;
	v1 =	vld [tilespmem:s25+$0x810]  }
0x425: {  	v0 =	vmin.f32 v0, v2;
	v2 =	vld [tilespmem:s25+$0x820]  }
0x426: {  	v0 =	vmin.f32 v0, v4;
	v4 =	vld [tilespmem:s25+$0x830]  }
0x427: {  	v0 =	vmin.f32 v0, v5;
	v5 =	vld [tilespmem:s25+$0x840]  }
0x428: {  	v0 =	vmin.f32 v0, v3;
	v3 =	vld [tilespmem:s25+$0x850]  }
0x429: {  	v0 =	vmin.f32 v0, v1;
	v1 =	vld [tilespmem:s25+$0x860]  }
0x42a: {  	v0 =	vmin.f32 v0, v2;
	v2 =	vld [tilespmem:s25+$0x870]  }
0x42b: {  	v0 =	vmin.f32 v0, v4;
	v4 =	vld [tilespmem:s25+$0xC00]  }
0x42c: {  	v0 =	vmin.f32 v0, v5;
	v5 =	vld [tilespmem:s25+$0xC10]  }
.Ltmp10:
0x42d: {  	v0 =	vmin.f32 v0, v3;
	v3 =	vld [tilespmem:s25+$0xC20];
	(pc) =	sbr.rel @p0 .LBB2_22-.Ltmp10, $4  }
0x42e: {  	v1 =	vmin.f32 v0, v1;
	v0 =	vld [tilespmem:s25+$0xC30]  }
0x42f: {  	v2 =	vmin.f32 v1, v2;
	v1 =	vld [tilespmem:s25+$0xC40]  }
0x430: {  	s26 =	sadd.s32 $0x80, s26;
	v4 =	vmin.f32 v2, v4;
	v2 =	vld [tilespmem:s25+$0xC50]  }
0x431: {  	s29 =	sand.u32 $0x3000, s28;
	s28 =	sadd.s32 $0x200, s28;
	s30 =	sand.u32 $0x380, s26;
	v5 =	vmin.f32 v4, v5;
	v4 =	vld [tilespmem:s25+$0xC60]  }
0x432: {  	s26 =	sor.u32 s30, s29;
	v6 =	vld [tilespmem:s25+$0xC70]  }
0x433: {  	v7 =	vld [tilespmem:s26+$0x0]  }
0x434: {  	v8 =	vld [tilespmem:s26+$0x10]  }
0x435: {  	v3 =	vmin.f32 v5, v3;
	v9 =	vld [tilespmem:s26+$0x20]  }
0x436: {  	v10 =	vld [tilespmem:s26+$0x30];
	v0 =	vmin.f32 v3, v0  }
0x437: {  	v11 =	vld [tilespmem:s26+$0x40];
	v0 =	vmin.f32 v0, v1  }
0x438: {  	v5 =	vld [tilespmem:s26+$0x50];
	v0 =	vmin.f32 v0, v2  }
0x439: {  	v3 =	vld [tilespmem:s26+$0x60];
	v0 =	vmin.f32 v0, v4  }
0x43a: {  	v56 =	vld [tilespmem:s26+$0x440];
	v0 =	vmin.f32 v0, v6  }
0x43b: {  	v57 =	vld [tilespmem:s26+$0x450];
	v0 =	vmin.f32 v0, v7  }
0x43c: {  	v58 =	vld [tilespmem:s26+$0x460];
	v0 =	vmin.f32 v0, v8  }
0x43d: {  	v1 =	vld [tilespmem:s26+$0x70];
	v0 =	vmin.f32 v0, v9  }
0x43e: {  	v2 =	vld [tilespmem:s26+$0x400];
	v0 =	vmin.f32 v0, v10  }
0x43f: {  	v4 =	vld [tilespmem:s26+$0x410];
	v0 =	vmin.f32 v0, v11  }
0x440: {  	v6 =	vld [tilespmem:s26+$0x420];
	v0 =	vmin.f32 v0, v5  }
0x441: {  	v7 =	vld [tilespmem:s26+$0x430];
	v0 =	vmin.f32 v0, v3  }
0x442: {  	v59 =	vld [tilespmem:s26+$0x470];
	v0 =	vmin.f32 v0, v1  }
0x443: {  	v60 =	vld [tilespmem:s26+$0x870];
	v0 =	vmin.f32 v0, v2  }
0x444: {  	v61 =	vld [tilespmem:s26+$0xC00];
	v0 =	vmin.f32 v0, v4  }
0x445: {  	v62 =	vld [tilespmem:s26+$0xC10];
	v0 =	vmin.f32 v0, v6  }
0x446: {  	v5 =	vld [tilespmem:s26+$0x800];
	v0 =	vmin.f32 v0, v7  }
0x447: {  	v3 =	vld [tilespmem:s26+$0x810];
	v0 =	vmin.f32 v0, v56  }
0x448: {  	v1 =	vld [tilespmem:s26+$0x820];
	v0 =	vmin.f32 v0, v57  }
0x449: {  	v2 =	vld [tilespmem:s26+$0x830];
	v0 =	vmin.f32 v0, v58  }
0x44a: {  	v4 =	vld [tilespmem:s26+$0x840];
	v0 =	vmin.f32 v0, v59  }
0x44b: {  	v6 =	vld [tilespmem:s26+$0x850];
	v0 =	vmin.f32 v0, v5  }
0x44c: {  	v7 =	vld [tilespmem:s26+$0x860];
	v0 =	vmin.f32 v0, v3  }
0x44d: {  	v63 =	vld [tilespmem:s26+$0xC20];
	v0 =	vmin.f32 v0, v1  }
0x44e: {  	v5 =	vld [tilespmem:s26+$0xC30];
	v0 =	vmin.f32 v0, v2  }
0x44f: {  	v3 =	vld [tilespmem:s26+$0xC40];
	v0 =	vmin.f32 v0, v4  }
0x450: {  	v1 =	vld [tilespmem:s26+$0xC50];
	v0 =	vmin.f32 v0, v6  }
0x451: {  	v2 =	vld [tilespmem:s26+$0xC60];
	v0 =	vmin.f32 v0, v7  }
0x452: {  	v4 =	vld [tilespmem:s26+$0xC70];
	_ =	swait.ge [sflag:s21], $0x4000;
	s26 =	simm.s32 $0x0;
	v0 =	vmin.f32 v0, v60  }
0x453: {  	[sflag:s21] =	ssyncset.done $0x0;
	s31 =	sand.u32 $0x3000, s26;
	s25 =	sand.u32 $0x380, s26;
	v0 =	vmin.f32 v0, v61  }
0x454: {  	[sflag:s21] =	ssyncadd.s32 $0xFFFFC000;
	s25 =	sor.u32 s25, s31;
	v0 =	vmin.f32 v0, v62  }
0x455: {  	[tilespmem:s26], [sflag:$0x1] =	stream.linear.gather [hbm4b:s15+s26], $0x4000, $0x38;
	v0 =	vmin.f32 v0, v63;
	[tilespmem:$0x8080] =	vst v63  }
0x456: {  	v0 =	vmin.f32 v0, v5;
	v5 =	vld [tilespmem:s25+$0x4000]  }
0x457: {  	v0 =	vmin.f32 v0, v3;
	v3 =	vld [tilespmem:s25+$0x4010]  }
0x458: {  	v0 =	vmin.f32 v0, v1;
	v1 =	vld [tilespmem:s25+$0x4020]  }
0x459: {  	v0 =	vmin.f32 v0, v2;
	v2 =	vld [tilespmem:s25+$0x4030]  }
0x45a: {  	v0 =	vmin.f32 v0, v4;
	v4 =	vld [tilespmem:s25+$0x4040]  }
0x45b: {  	v0 =	vmin.f32 v0, v5;
	v5 =	vld [tilespmem:s25+$0x4050]  }
0x45c: {  	v0 =	vmin.f32 v0, v3;
	v3 =	vld [tilespmem:s25+$0x4060]  }
0x45d: {  	v0 =	vmin.f32 v0, v1;
	v1 =	vld [tilespmem:s25+$0x4070]  }
0x45e: {  	v0 =	vmin.f32 v0, v2;
	v2 =	vld [tilespmem:s25+$0x4400]  }
0x45f: {  	v0 =	vmin.f32 v0, v4;
	v4 =	vld [tilespmem:s25+$0x4410]  }
0x460: {  	v0 =	vmin.f32 v0, v5;
	v5 =	vld [tilespmem:s25+$0x4420]  }
0x461: {  	v0 =	vmin.f32 v0, v3;
	v3 =	vld [tilespmem:s25+$0x4430]  }
0x462: {  	v0 =	vmin.f32 v0, v1;
	v1 =	vld [tilespmem:s25+$0x4440]  }
0x463: {  	v0 =	vmin.f32 v0, v2;
	v2 =	vld [tilespmem:s25+$0x4450]  }
0x464: {  	v0 =	vmin.f32 v0, v4;
	v4 =	vld [tilespmem:s25+$0x4460]  }
0x465: {  	v0 =	vmin.f32 v0, v5;
	v5 =	vld [tilespmem:s25+$0x4470]  }
0x466: {  	v0 =	vmin.f32 v0, v3;
	v3 =	vld [tilespmem:s25+$0x4800]  }
0x467: {  	v0 =	vmin.f32 v0, v1;
	v1 =	vld [tilespmem:s25+$0x4810]  }
0x468: {  	v0 =	vmin.f32 v0, v2;
	v2 =	vld [tilespmem:s25+$0x4820]  }
0x469: {  	v0 =	vmin.f32 v0, v4;
	v4 =	vld [tilespmem:s25+$0x4830]  }
0x46a: {  	v0 =	vmin.f32 v0, v5;
	v5 =	vld [tilespmem:s25+$0x4840]  }
0x46b: {  	v0 =	vmin.f32 v0, v3;
	v3 =	vld [tilespmem:s25+$0x4850]  }
0x46c: {  	v0 =	vmin.f32 v0, v1;
	v1 =	vld [tilespmem:s25+$0x4860]  }
0x46d: {  	v0 =	vmin.f32 v0, v2;
	v2 =	vld [tilespmem:s25+$0x4870]  }
0x46e: {  	v0 =	vmin.f32 v0, v4;
	v4 =	vld [tilespmem:s25+$0x4C00]  }
0x46f: {  	v0 =	vmin.f32 v0, v5;
	v5 =	vld [tilespmem:s25+$0x4C10]  }
0x470: {  	v0 =	vmin.f32 v0, v3;
	v3 =	vld [tilespmem:s25+$0x4C20]  }
0x471: {  	v1 =	vmin.f32 v0, v1;
	v0 =	vld [tilespmem:s25+$0x4C30]  }
0x472: {  	v2 =	vmin.f32 v1, v2;
	v1 =	vld [tilespmem:s25+$0x4C40]  }
0x473: {  	s28 =	simm.s32 $0x200;
	s26 =	simm.s32 $0x80;
	v4 =	vmin.f32 v2, v4;
	v2 =	vld [tilespmem:s25+$0x4C50]  }
0x474: {  	s29 =	sand.u32 $0x3000, s28;
	s28 =	simm.s32 $0x400;
	s30 =	sand.u32 $0x380, s26;
	v5 =	vmin.f32 v4, v5;
	v4 =	vld [tilespmem:s25+$0x4C60]  }
.LBB2_24:
0x475: {  	p0 =	sne.s32 s28, $0x3E00;
	v3 =	vmin.f32 v5, v3;
	v5 =	vld [tilespmem:s25+$0x4C70];
	s25 =	sor.u32 s30, s29  }
0x476: {  	v6 =	vld [tilespmem:s25+$0x4000];
	v0 =	vmin.f32 v3, v0  }
0x477: {  	v3 =	vld [tilespmem:s25+$0x4010];
	v0 =	vmin.f32 v0, v1  }
0x478: {  	v1 =	vld [tilespmem:s25+$0x4020];
	v0 =	vmin.f32 v0, v2  }
0x479: {  	v2 =	vld [tilespmem:s25+$0x4030];
	v0 =	vmin.f32 v0, v4  }
0x47a: {  	v4 =	vld [tilespmem:s25+$0x4040];
	v0 =	vmin.f32 v0, v5  }
0x47b: {  	v0 =	vmin.f32 v0, v6;
	v5 =	vld [tilespmem:s25+$0x4050]  }
0x47c: {  	v0 =	vmin.f32 v0, v3;
	v3 =	vld [tilespmem:s25+$0x4060]  }
0x47d: {  	v0 =	vmin.f32 v0, v1;
	v1 =	vld [tilespmem:s25+$0x4070]  }
0x47e: {  	v0 =	vmin.f32 v0, v2;
	v2 =	vld [tilespmem:s25+$0x4400]  }
0x47f: {  	v0 =	vmin.f32 v0, v4;
	v4 =	vld [tilespmem:s25+$0x4410]  }
0x480: {  	v0 =	vmin.f32 v0, v5;
	v5 =	vld [tilespmem:s25+$0x4420]  }
0x481: {  	v0 =	vmin.f32 v0, v3;
	v3 =	vld [tilespmem:s25+$0x4430]  }
0x482: {  	v0 =	vmin.f32 v0, v1;
	v1 =	vld [tilespmem:s25+$0x4440]  }
0x483: {  	v0 =	vmin.f32 v0, v2;
	v2 =	vld [tilespmem:s25+$0x4450]  }
0x484: {  	v0 =	vmin.f32 v0, v4;
	v4 =	vld [tilespmem:s25+$0x4460]  }
0x485: {  	v0 =	vmin.f32 v0, v5;
	v5 =	vld [tilespmem:s25+$0x4470]  }
0x486: {  	v0 =	vmin.f32 v0, v3;
	v3 =	vld [tilespmem:s25+$0x4800]  }
0x487: {  	v0 =	vmin.f32 v0, v1;
	v1 =	vld [tilespmem:s25+$0x4810]  }
0x488: {  	v0 =	vmin.f32 v0, v2;
	v2 =	vld [tilespmem:s25+$0x4820]  }
0x489: {  	v0 =	vmin.f32 v0, v4;
	v4 =	vld [tilespmem:s25+$0x4830]  }
0x48a: {  	v0 =	vmin.f32 v0, v5;
	v5 =	vld [tilespmem:s25+$0x4840]  }
0x48b: {  	v0 =	vmin.f32 v0, v3;
	v3 =	vld [tilespmem:s25+$0x4850]  }
0x48c: {  	v0 =	vmin.f32 v0, v1;
	v1 =	vld [tilespmem:s25+$0x4860]  }
0x48d: {  	v0 =	vmin.f32 v0, v2;
	v2 =	vld [tilespmem:s25+$0x4870]  }
0x48e: {  	v0 =	vmin.f32 v0, v4;
	v4 =	vld [tilespmem:s25+$0x4C00]  }
0x48f: {  	v0 =	vmin.f32 v0, v5;
	v5 =	vld [tilespmem:s25+$0x4C10]  }
.Ltmp11:
0x490: {  	v0 =	vmin.f32 v0, v3;
	v3 =	vld [tilespmem:s25+$0x4C20];
	(pc) =	sbr.rel @p0 .LBB2_24-.Ltmp11, $4  }
0x491: {  	v1 =	vmin.f32 v0, v1;
	v0 =	vld [tilespmem:s25+$0x4C30]  }
0x492: {  	v2 =	vmin.f32 v1, v2;
	v1 =	vld [tilespmem:s25+$0x4C40]  }
0x493: {  	s26 =	sadd.s32 $0x80, s26;
	v4 =	vmin.f32 v2, v4;
	v2 =	vld [tilespmem:s25+$0x4C50]  }
0x494: {  	s29 =	sand.u32 $0x3000, s28;
	s28 =	sadd.s32 $0x200, s28;
	s30 =	sand.u32 $0x380, s26;
	v5 =	vmin.f32 v4, v5;
	v4 =	vld [tilespmem:s25+$0x4C60]  }
0x495: {  	s26 =	sor.u32 s30, s29;
	v6 =	vld [tilespmem:s25+$0x4C70]  }
0x496: {  	v7 =	vld [tilespmem:s26+$0x4000]  }
0x497: {  	v8 =	vld [tilespmem:s26+$0x4010]  }
0x498: {  	v3 =	vmin.f32 v5, v3;
	v9 =	vld [tilespmem:s26+$0x4020]  }
0x499: {  	v10 =	vld [tilespmem:s26+$0x4030];
	v0 =	vmin.f32 v3, v0  }
0x49a: {  	v11 =	vld [tilespmem:s26+$0x4040];
	v0 =	vmin.f32 v0, v1  }
0x49b: {  	v5 =	vld [tilespmem:s26+$0x4050];
	v0 =	vmin.f32 v0, v2  }
0x49c: {  	v3 =	vld [tilespmem:s26+$0x4060];
	v0 =	vmin.f32 v0, v4  }
0x49d: {  	v56 =	vld [tilespmem:s26+$0x4440];
	v0 =	vmin.f32 v0, v6  }
0x49e: {  	v57 =	vld [tilespmem:s26+$0x4450];
	v0 =	vmin.f32 v0, v7  }
0x49f: {  	v58 =	vld [tilespmem:s26+$0x4460];
	v0 =	vmin.f32 v0, v8  }
0x4a0: {  	v1 =	vld [tilespmem:s26+$0x4070];
	v0 =	vmin.f32 v0, v9  }
0x4a1: {  	v2 =	vld [tilespmem:s26+$0x4400];
	v0 =	vmin.f32 v0, v10  }
0x4a2: {  	v4 =	vld [tilespmem:s26+$0x4410];
	v0 =	vmin.f32 v0, v11  }
0x4a3: {  	v6 =	vld [tilespmem:s26+$0x4420];
	v0 =	vmin.f32 v0, v5  }
0x4a4: {  	v7 =	vld [tilespmem:s26+$0x4430];
	v0 =	vmin.f32 v0, v3  }
0x4a5: {  	v59 =	vld [tilespmem:s26+$0x4470];
	v0 =	vmin.f32 v0, v1  }
0x4a6: {  	v60 =	vld [tilespmem:s26+$0x4870];
	v0 =	vmin.f32 v0, v2  }
0x4a7: {  	v61 =	vld [tilespmem:s26+$0x4C00];
	v0 =	vmin.f32 v0, v4  }
0x4a8: {  	v62 =	vld [tilespmem:s26+$0x4C10];
	v0 =	vmin.f32 v0, v6  }
0x4a9: {  	v5 =	vld [tilespmem:s26+$0x4800];
	v0 =	vmin.f32 v0, v7  }
0x4aa: {  	v3 =	vld [tilespmem:s26+$0x4810];
	v0 =	vmin.f32 v0, v56  }
0x4ab: {  	v1 =	vld [tilespmem:s26+$0x4820];
	v0 =	vmin.f32 v0, v57  }
0x4ac: {  	v2 =	vld [tilespmem:s26+$0x4830];
	v0 =	vmin.f32 v0, v58  }
0x4ad: {  	v4 =	vld [tilespmem:s26+$0x4840];
	v0 =	vmin.f32 v0, v59  }
0x4ae: {  	v6 =	vld [tilespmem:s26+$0x4850];
	v0 =	vmin.f32 v0, v5  }
0x4af: {  	v7 =	vld [tilespmem:s26+$0x4860];
	v0 =	vmin.f32 v0, v3  }
0x4b0: {  	v63 =	vld [tilespmem:s26+$0x4C20];
	v0 =	vmin.f32 v0, v1  }
0x4b1: {  	v5 =	vld [tilespmem:s26+$0x4C30];
	v0 =	vmin.f32 v0, v2  }
0x4b2: {  	v3 =	vld [tilespmem:s26+$0x4C40];
	v0 =	vmin.f32 v0, v4  }
0x4b3: {  	v1 =	vld [tilespmem:s26+$0x4C50];
	v0 =	vmin.f32 v0, v6  }
0x4b4: {  	v2 =	vld [tilespmem:s26+$0x4C60];
	v0 =	vmin.f32 v0, v7  }
0x4b5: {  	v4 =	vld [tilespmem:s26+$0x4C70];
	_ =	swait.ge [sflag:s19], $0x4000;
	s26 =	simm.s32 $0x0;
	v0 =	vmin.f32 v0, v60  }
0x4b6: {  	[sflag:s19] =	ssyncset.done $0x0;
	s31 =	sand.u32 $0x3000, s26;
	s25 =	sand.u32 $0x380, s26;
	v0 =	vmin.f32 v0, v61  }
0x4b7: {  	[sflag:s19] =	ssyncadd.s32 $0xFFFFC000;
	s25 =	sor.u32 s25, s31;
	v0 =	vmin.f32 v0, v62  }
0x4b8: {  	[tilespmem:s20], [sflag:$0x2] =	stream.linear.gather [hbm4b:s16+s26], $0x4000, $0x38;
	v0 =	vmin.f32 v0, v63;
	[tilespmem:$0x8080] =	vst v63  }
0x4b9: {  	v0 =	vmin.f32 v0, v5;
	v5 =	vld [tilespmem:s25+$0x0]  }
0x4ba: {  	v0 =	vmin.f32 v0, v3;
	v3 =	vld [tilespmem:s25+$0x10]  }
0x4bb: {  	v0 =	vmin.f32 v0, v1;
	v1 =	vld [tilespmem:s25+$0x20]  }
0x4bc: {  	v0 =	vmin.f32 v0, v2;
	v2 =	vld [tilespmem:s25+$0x30]  }
0x4bd: {  	v0 =	vmin.f32 v0, v4;
	v4 =	vld [tilespmem:s25+$0x40]  }
0x4be: {  	v0 =	vmin.f32 v0, v5;
	v5 =	vld [tilespmem:s25+$0x50]  }
0x4bf: {  	v0 =	vmin.f32 v0, v3;
	v3 =	vld [tilespmem:s25+$0x60]  }
0x4c0: {  	v0 =	vmin.f32 v0, v1;
	v1 =	vld [tilespmem:s25+$0x70]  }
0x4c1: {  	v0 =	vmin.f32 v0, v2;
	v2 =	vld [tilespmem:s25+$0x400]  }
0x4c2: {  	v0 =	vmin.f32 v0, v4;
	v4 =	vld [tilespmem:s25+$0x410]  }
0x4c3: {  	v0 =	vmin.f32 v0, v5;
	v5 =	vld [tilespmem:s25+$0x420]  }
0x4c4: {  	v0 =	vmin.f32 v0, v3;
	v3 =	vld [tilespmem:s25+$0x430]  }
0x4c5: {  	v0 =	vmin.f32 v0, v1;
	v1 =	vld [tilespmem:s25+$0x440]  }
0x4c6: {  	v0 =	vmin.f32 v0, v2;
	v2 =	vld [tilespmem:s25+$0x450]  }
0x4c7: {  	v0 =	vmin.f32 v0, v4;
	v4 =	vld [tilespmem:s25+$0x460]  }
0x4c8: {  	v0 =	vmin.f32 v0, v5;
	v5 =	vld [tilespmem:s25+$0x470]  }
0x4c9: {  	v0 =	vmin.f32 v0, v3;
	v3 =	vld [tilespmem:s25+$0x800]  }
0x4ca: {  	v0 =	vmin.f32 v0, v1;
	v1 =	vld [tilespmem:s25+$0x810]  }
0x4cb: {  	v0 =	vmin.f32 v0, v2;
	v2 =	vld [tilespmem:s25+$0x820]  }
0x4cc: {  	v0 =	vmin.f32 v0, v4;
	v4 =	vld [tilespmem:s25+$0x830]  }
0x4cd: {  	v0 =	vmin.f32 v0, v5;
	v5 =	vld [tilespmem:s25+$0x840]  }
0x4ce: {  	v0 =	vmin.f32 v0, v3;
	v3 =	vld [tilespmem:s25+$0x850]  }
0x4cf: {  	v0 =	vmin.f32 v0, v1;
	v1 =	vld [tilespmem:s25+$0x860]  }
0x4d0: {  	v0 =	vmin.f32 v0, v2;
	v2 =	vld [tilespmem:s25+$0x870]  }
0x4d1: {  	v0 =	vmin.f32 v0, v4;
	v4 =	vld [tilespmem:s25+$0xC00]  }
0x4d2: {  	v0 =	vmin.f32 v0, v5;
	v5 =	vld [tilespmem:s25+$0xC10]  }
0x4d3: {  	v0 =	vmin.f32 v0, v3;
	v3 =	vld [tilespmem:s25+$0xC20]  }
0x4d4: {  	v1 =	vmin.f32 v0, v1;
	v0 =	vld [tilespmem:s25+$0xC30]  }
0x4d5: {  	v2 =	vmin.f32 v1, v2;
	v1 =	vld [tilespmem:s25+$0xC40]  }
0x4d6: {  	s28 =	simm.s32 $0x200;
	s26 =	simm.s32 $0x80;
	v4 =	vmin.f32 v2, v4;
	v2 =	vld [tilespmem:s25+$0xC50]  }
0x4d7: {  	s29 =	sand.u32 $0x3000, s28;
	s28 =	simm.s32 $0x400;
	s30 =	sand.u32 $0x380, s26;
	v5 =	vmin.f32 v4, v5;
	v4 =	vld [tilespmem:s25+$0xC60]  }
.LBB2_26:
0x4d8: {  	p0 =	sne.s32 s28, $0x3E00;
	v3 =	vmin.f32 v5, v3;
	v5 =	vld [tilespmem:s25+$0xC70];
	s25 =	sor.u32 s30, s29  }
0x4d9: {  	v6 =	vld [tilespmem:s25+$0x0];
	v0 =	vmin.f32 v3, v0  }
0x4da: {  	v3 =	vld [tilespmem:s25+$0x10];
	v0 =	vmin.f32 v0, v1  }
0x4db: {  	v1 =	vld [tilespmem:s25+$0x20];
	v0 =	vmin.f32 v0, v2  }
0x4dc: {  	v2 =	vld [tilespmem:s25+$0x30];
	v0 =	vmin.f32 v0, v4  }
0x4dd: {  	v4 =	vld [tilespmem:s25+$0x40];
	v0 =	vmin.f32 v0, v5  }
0x4de: {  	v0 =	vmin.f32 v0, v6;
	v5 =	vld [tilespmem:s25+$0x50]  }
0x4df: {  	v0 =	vmin.f32 v0, v3;
	v3 =	vld [tilespmem:s25+$0x60]  }
0x4e0: {  	v0 =	vmin.f32 v0, v1;
	v1 =	vld [tilespmem:s25+$0x70]  }
0x4e1: {  	v0 =	vmin.f32 v0, v2;
	v2 =	vld [tilespmem:s25+$0x400]  }
0x4e2: {  	v0 =	vmin.f32 v0, v4;
	v4 =	vld [tilespmem:s25+$0x410]  }
0x4e3: {  	v0 =	vmin.f32 v0, v5;
	v5 =	vld [tilespmem:s25+$0x420]  }
0x4e4: {  	v0 =	vmin.f32 v0, v3;
	v3 =	vld [tilespmem:s25+$0x430]  }
0x4e5: {  	v0 =	vmin.f32 v0, v1;
	v1 =	vld [tilespmem:s25+$0x440]  }
0x4e6: {  	v0 =	vmin.f32 v0, v2;
	v2 =	vld [tilespmem:s25+$0x450]  }
0x4e7: {  	v0 =	vmin.f32 v0, v4;
	v4 =	vld [tilespmem:s25+$0x460]  }
0x4e8: {  	v0 =	vmin.f32 v0, v5;
	v5 =	vld [tilespmem:s25+$0x470]  }
0x4e9: {  	v0 =	vmin.f32 v0, v3;
	v3 =	vld [tilespmem:s25+$0x800]  }
0x4ea: {  	v0 =	vmin.f32 v0, v1;
	v1 =	vld [tilespmem:s25+$0x810]  }
0x4eb: {  	v0 =	vmin.f32 v0, v2;
	v2 =	vld [tilespmem:s25+$0x820]  }
0x4ec: {  	v0 =	vmin.f32 v0, v4;
	v4 =	vld [tilespmem:s25+$0x830]  }
0x4ed: {  	v0 =	vmin.f32 v0, v5;
	v5 =	vld [tilespmem:s25+$0x840]  }
0x4ee: {  	v0 =	vmin.f32 v0, v3;
	v3 =	vld [tilespmem:s25+$0x850]  }
0x4ef: {  	v0 =	vmin.f32 v0, v1;
	v1 =	vld [tilespmem:s25+$0x860]  }
0x4f0: {  	v0 =	vmin.f32 v0, v2;
	v2 =	vld [tilespmem:s25+$0x870]  }
0x4f1: {  	v0 =	vmin.f32 v0, v4;
	v4 =	vld [tilespmem:s25+$0xC00]  }
0x4f2: {  	v0 =	vmin.f32 v0, v5;
	v5 =	vld [tilespmem:s25+$0xC10]  }
.Ltmp12:
0x4f3: {  	v0 =	vmin.f32 v0, v3;
	v3 =	vld [tilespmem:s25+$0xC20];
	(pc) =	sbr.rel @p0 .LBB2_26-.Ltmp12, $4  }
0x4f4: {  	v1 =	vmin.f32 v0, v1;
	v0 =	vld [tilespmem:s25+$0xC30]  }
0x4f5: {  	v2 =	vmin.f32 v1, v2;
	v1 =	vld [tilespmem:s25+$0xC40]  }
0x4f6: {  	s26 =	sadd.s32 $0x80, s26;
	v4 =	vmin.f32 v2, v4;
	v2 =	vld [tilespmem:s25+$0xC50]  }
0x4f7: {  	s29 =	sand.u32 $0x3000, s28;
	s28 =	sadd.s32 $0x200, s28;
	s30 =	sand.u32 $0x380, s26;
	v5 =	vmin.f32 v4, v5;
	v4 =	vld [tilespmem:s25+$0xC60]  }
0x4f8: {  	s26 =	sor.u32 s30, s29;
	v6 =	vld [tilespmem:s25+$0xC70]  }
0x4f9: {  	v7 =	vld [tilespmem:s26+$0x0]  }
0x4fa: {  	v3 =	vmin.f32 v5, v3;
	v8 =	vld [tilespmem:s26+$0x10]  }
0x4fb: {  	v5 =	vld [tilespmem:s26+$0x20];
	v0 =	vmin.f32 v3, v0  }
0x4fc: {  	v3 =	vld [tilespmem:s26+$0x30];
	v0 =	vmin.f32 v0, v1  }
0x4fd: {  	v61 =	vld [tilespmem:s26+$0x410];
	v0 =	vmin.f32 v0, v2  }
0x4fe: {  	v62 =	vld [tilespmem:s26+$0x810];
	v0 =	vmin.f32 v0, v4  }
0x4ff: {  	v1 =	vld [tilespmem:s26+$0x40];
	v0 =	vmin.f32 v0, v6  }
0x500: {  	v2 =	vld [tilespmem:s26+$0x50];
	v0 =	vmin.f32 v0, v7  }
0x501: {  	v4 =	vld [tilespmem:s26+$0x60];
	v0 =	vmin.f32 v0, v8  }
0x502: {  	v6 =	vld [tilespmem:s26+$0x70];
	v0 =	vmin.f32 v0, v5  }
0x503: {  	v7 =	vld [tilespmem:s26+$0x400];
	v0 =	vmin.f32 v0, v3  }
0x504: {  	v63 =	vld [tilespmem:s26+$0xC10];
	v0 =	vmin.f32 v0, v1  }
0x505: {  	v5 =	vld [tilespmem:s26+$0x420];
	v0 =	vmin.f32 v0, v2  }
0x506: {  	v3 =	vld [tilespmem:s26+$0x430];
	v0 =	vmin.f32 v0, v4  }
0x507: {  	v1 =	vld [tilespmem:s26+$0x440];
	v0 =	vmin.f32 v0, v6  }
0x508: {  	v2 =	vld [tilespmem:s26+$0x450];
	v0 =	vmin.f32 v0, v7  }
0x509: {  	v4 =	vld [tilespmem:s26+$0x460];
	v0 =	vmin.f32 v0, v61  }
0x50a: {  	v6 =	vld [tilespmem:s26+$0x470];
	v0 =	vmin.f32 v0, v5  }
0x50b: {  	v7 =	vld [tilespmem:s26+$0x800];
	v0 =	vmin.f32 v0, v3  }
0x50c: {  	v5 =	vld [tilespmem:s26+$0x820];
	v0 =	vmin.f32 v0, v1  }
0x50d: {  	v3 =	vld [tilespmem:s26+$0x830];
	v0 =	vmin.f32 v0, v2  }
0x50e: {  	v1 =	vld [tilespmem:s26+$0x840];
	v0 =	vmin.f32 v0, v4  }
0x50f: {  	v2 =	vld [tilespmem:s26+$0x850];
	v0 =	vmin.f32 v0, v6  }
0x510: {  	v4 =	vld [tilespmem:s26+$0x860];
	v0 =	vmin.f32 v0, v7  }
0x511: {  	v6 =	vld [tilespmem:s26+$0x870];
	v0 =	vmin.f32 v0, v62  }
0x512: {  	v7 =	vld [tilespmem:s26+$0xC00];
	v0 =	vmin.f32 v0, v5  }
0x513: {  	v5 =	vld [tilespmem:s26+$0xC20];
	v0 =	vmin.f32 v0, v3  }
0x514: {  	v3 =	vld [tilespmem:s26+$0xC30];
	v0 =	vmin.f32 v0, v1  }
0x515: {  	v1 =	vld [tilespmem:s26+$0xC40];
	v0 =	vmin.f32 v0, v2  }
0x516: {  	v2 =	vld [tilespmem:s26+$0xC50];
	v0 =	vmin.f32 v0, v4  }
0x517: {  	v4 =	vld [tilespmem:s26+$0xC60];
	v0 =	vmin.f32 v0, v6  }
0x518: {  	v6 =	vld [tilespmem:s26+$0xC70];
	_ =	swait.ge [sflag:s21], $0x4000;
	s26 =	simm.s32 $0x0;
	v0 =	vmin.f32 v0, v7  }
0x519: {  	[sflag:s21] =	ssyncset.done $0x0;
	s31 =	sand.u32 $0x3000, s26;
	s25 =	sand.u32 $0x380, s26;
	v0 =	vmin.f32 v0, v63  }
0x51a: {  	[sflag:s21] =	ssyncadd.s32 $0xFFFFC000;
	s25 =	sor.u32 s25, s31;
	v0 =	vmin.f32 v0, v5  }
0x51b: {  	v0 =	vmin.f32 v0, v3;
	v3 =	vld [tilespmem:s25+$0x4000]  }
0x51c: {  	v0 =	vmin.f32 v0, v1;
	v1 =	vld [tilespmem:s25+$0x4010]  }
0x51d: {  	v0 =	vmin.f32 v0, v2;
	v2 =	vld [tilespmem:s25+$0x4020]  }
0x51e: {  	v0 =	vmin.f32 v0, v4;
	v4 =	vld [tilespmem:s25+$0x4030]  }
0x51f: {  	v5 =	vld [tilespmem:s25+$0x4040];
	v0 =	vmin.f32 v0, v6  }
0x520: {  	v0 =	vmin.f32 v0, v3;
	v3 =	vld [tilespmem:s25+$0x4050]  }
0x521: {  	v0 =	vmin.f32 v0, v1;
	v1 =	vld [tilespmem:s25+$0x4060]  }
0x522: {  	v0 =	vmin.f32 v0, v2;
	v2 =	vld [tilespmem:s25+$0x4070]  }
0x523: {  	v0 =	vmin.f32 v0, v4;
	v4 =	vld [tilespmem:s25+$0x4400]  }
0x524: {  	v0 =	vmin.f32 v0, v5;
	v5 =	vld [tilespmem:s25+$0x4410]  }
0x525: {  	v0 =	vmin.f32 v0, v3;
	v3 =	vld [tilespmem:s25+$0x4420]  }
0x526: {  	v0 =	vmin.f32 v0, v1;
	v1 =	vld [tilespmem:s25+$0x4430]  }
0x527: {  	v0 =	vmin.f32 v0, v2;
	v2 =	vld [tilespmem:s25+$0x4440]  }
0x528: {  	v0 =	vmin.f32 v0, v4;
	v4 =	vld [tilespmem:s25+$0x4450]  }
0x529: {  	v0 =	vmin.f32 v0, v5;
	v5 =	vld [tilespmem:s25+$0x4460]  }
0x52a: {  	v0 =	vmin.f32 v0, v3;
	v3 =	vld [tilespmem:s25+$0x4470]  }
0x52b: {  	v0 =	vmin.f32 v0, v1;
	v1 =	vld [tilespmem:s25+$0x4800]  }
0x52c: {  	v0 =	vmin.f32 v0, v2;
	v2 =	vld [tilespmem:s25+$0x4810]  }
0x52d: {  	v0 =	vmin.f32 v0, v4;
	v4 =	vld [tilespmem:s25+$0x4820]  }
0x52e: {  	v0 =	vmin.f32 v0, v5;
	v5 =	vld [tilespmem:s25+$0x4830]  }
0x52f: {  	v0 =	vmin.f32 v0, v3;
	v3 =	vld [tilespmem:s25+$0x4840]  }
0x530: {  	v0 =	vmin.f32 v0, v1;
	v1 =	vld [tilespmem:s25+$0x4850]  }
0x531: {  	v0 =	vmin.f32 v0, v2;
	v2 =	vld [tilespmem:s25+$0x4860]  }
0x532: {  	v0 =	vmin.f32 v0, v4;
	v4 =	vld [tilespmem:s25+$0x4870]  }
0x533: {  	v0 =	vmin.f32 v0, v5;
	v5 =	vld [tilespmem:s25+$0x4C00]  }
0x534: {  	v6 =	vld [tilespmem:s25+$0x4C10];
	v0 =	vmin.f32 v0, v3  }
0x535: {  	v3 =	vld [tilespmem:s25+$0x4C20];
	v0 =	vmin.f32 v0, v1  }
0x536: {  	v1 =	vmin.f32 v0, v2;
	v0 =	vld [tilespmem:s25+$0x4C30]  }
0x537: {  	v2 =	vmin.f32 v1, v4;
	v1 =	vld [tilespmem:s25+$0x4C40]  }
0x538: {  	s28 =	simm.s32 $0x200;
	s26 =	simm.s32 $0x80;
	v4 =	vmin.f32 v2, v5;
	v2 =	vld [tilespmem:s25+$0x4C50]  }
0x539: {  	s29 =	sand.u32 $0x3000, s28;
	s28 =	simm.s32 $0x400;
	s30 =	sand.u32 $0x380, s26;
	v5 =	vmin.f32 v4, v6;
	v4 =	vld [tilespmem:s25+$0x4C60]  }
.LBB2_28:
0x53a: {  	p0 =	sne.s32 s28, $0x3E00;
	v3 =	vmin.f32 v5, v3;
	v5 =	vld [tilespmem:s25+$0x4C70];
	s25 =	sor.u32 s30, s29  }
0x53b: {  	v6 =	vld [tilespmem:s25+$0x4000];
	v0 =	vmin.f32 v3, v0  }
0x53c: {  	v3 =	vld [tilespmem:s25+$0x4010];
	v0 =	vmin.f32 v0, v1  }
0x53d: {  	v1 =	vld [tilespmem:s25+$0x4020];
	v0 =	vmin.f32 v0, v2  }
0x53e: {  	v2 =	vld [tilespmem:s25+$0x4030];
	v0 =	vmin.f32 v0, v4  }
0x53f: {  	v4 =	vld [tilespmem:s25+$0x4040];
	v0 =	vmin.f32 v0, v5  }
0x540: {  	v0 =	vmin.f32 v0, v6;
	v5 =	vld [tilespmem:s25+$0x4050]  }
0x541: {  	v0 =	vmin.f32 v0, v3;
	v3 =	vld [tilespmem:s25+$0x4060]  }
0x542: {  	v0 =	vmin.f32 v0, v1;
	v1 =	vld [tilespmem:s25+$0x4070]  }
0x543: {  	v0 =	vmin.f32 v0, v2;
	v2 =	vld [tilespmem:s25+$0x4400]  }
0x544: {  	v0 =	vmin.f32 v0, v4;
	v4 =	vld [tilespmem:s25+$0x4410]  }
0x545: {  	v0 =	vmin.f32 v0, v5;
	v5 =	vld [tilespmem:s25+$0x4420]  }
0x546: {  	v0 =	vmin.f32 v0, v3;
	v3 =	vld [tilespmem:s25+$0x4430]  }
0x547: {  	v0 =	vmin.f32 v0, v1;
	v1 =	vld [tilespmem:s25+$0x4440]  }
0x548: {  	v0 =	vmin.f32 v0, v2;
	v2 =	vld [tilespmem:s25+$0x4450]  }
0x549: {  	v0 =	vmin.f32 v0, v4;
	v4 =	vld [tilespmem:s25+$0x4460]  }
0x54a: {  	v0 =	vmin.f32 v0, v5;
	v5 =	vld [tilespmem:s25+$0x4470]  }
0x54b: {  	v0 =	vmin.f32 v0, v3;
	v3 =	vld [tilespmem:s25+$0x4800]  }
0x54c: {  	v0 =	vmin.f32 v0, v1;
	v1 =	vld [tilespmem:s25+$0x4810]  }
0x54d: {  	v0 =	vmin.f32 v0, v2;
	v2 =	vld [tilespmem:s25+$0x4820]  }
0x54e: {  	v0 =	vmin.f32 v0, v4;
	v4 =	vld [tilespmem:s25+$0x4830]  }
0x54f: {  	v0 =	vmin.f32 v0, v5;
	v5 =	vld [tilespmem:s25+$0x4840]  }
0x550: {  	v0 =	vmin.f32 v0, v3;
	v3 =	vld [tilespmem:s25+$0x4850]  }
0x551: {  	v0 =	vmin.f32 v0, v1;
	v1 =	vld [tilespmem:s25+$0x4860]  }
0x552: {  	v0 =	vmin.f32 v0, v2;
	v2 =	vld [tilespmem:s25+$0x4870]  }
0x553: {  	v0 =	vmin.f32 v0, v4;
	v4 =	vld [tilespmem:s25+$0x4C00]  }
0x554: {  	v0 =	vmin.f32 v0, v5;
	v5 =	vld [tilespmem:s25+$0x4C10]  }
.Ltmp13:
0x555: {  	v0 =	vmin.f32 v0, v3;
	v3 =	vld [tilespmem:s25+$0x4C20];
	(pc) =	sbr.rel @p0 .LBB2_28-.Ltmp13, $4  }
0x556: {  	v1 =	vmin.f32 v0, v1;
	v0 =	vld [tilespmem:s25+$0x4C30]  }
0x557: {  	v2 =	vmin.f32 v1, v2;
	v1 =	vld [tilespmem:s25+$0x4C40]  }
0x558: {  	s26 =	sadd.s32 $0x80, s26;
	v4 =	vmin.f32 v2, v4;
	v2 =	vld [tilespmem:s25+$0x4C50]  }
0x559: {  	s29 =	sand.u32 $0x3000, s28;
	s28 =	sadd.s32 $0x200, s28;
	s30 =	sand.u32 $0x380, s26;
	v5 =	vmin.f32 v4, v5;
	v4 =	vld [tilespmem:s25+$0x4C60]  }
0x55a: {  	s26 =	sor.u32 s30, s29;
	v3 =	vmin.f32 v5, v3;
	v32 =	vld [tilespmem:s25+$0x4C70]  }
0x55b: {  	v6 =	vld [tilespmem:s26+$0x4000];
	v0 =	vmin.f32 v3, v0  }
0x55c: {  	v33 =	vld [tilespmem:s26+$0x4010];
	v0 =	vmin.f32 v0, v1  }
0x55d: {  	v34 =	vld [tilespmem:s26+$0x4020];
	v0 =	vmin.f32 v0, v2  }
0x55e: {  	v35 =	vld [tilespmem:s26+$0x4030];
	v0 =	vmin.f32 v0, v4  }
0x55f: {  	v36 =	vld [tilespmem:s26+$0x4040];
	v0 =	vmin.f32 v0, v32  }
0x560: {  	v37 =	vld [tilespmem:s26+$0x4050];
	v0 =	vmin.f32 v0, v6  }
0x561: {  	v38 =	vld [tilespmem:s26+$0x4060];
	v0 =	vmin.f32 v0, v33  }
0x562: {  	v39 =	vld [tilespmem:s26+$0x4070];
	v0 =	vmin.f32 v0, v34  }
0x563: {  	v40 =	vld [tilespmem:s26+$0x4400];
	v0 =	vmin.f32 v0, v35  }
0x564: {  	v41 =	vld [tilespmem:s26+$0x4410];
	v0 =	vmin.f32 v0, v36  }
0x565: {  	v42 =	vld [tilespmem:s26+$0x4420];
	v0 =	vmin.f32 v0, v37  }
0x566: {  	v43 =	vld [tilespmem:s26+$0x4430];
	v0 =	vmin.f32 v0, v38  }
0x567: {  	v44 =	vld [tilespmem:s26+$0x4440];
	v0 =	vmin.f32 v0, v39  }
0x568: {  	v45 =	vld [tilespmem:s26+$0x4450];
	v0 =	vmin.f32 v0, v40  }
0x569: {  	v46 =	vld [tilespmem:s26+$0x4460];
	v0 =	vmin.f32 v0, v41  }
0x56a: {  	v47 =	vld [tilespmem:s26+$0x4470];
	v0 =	vmin.f32 v0, v42  }
0x56b: {  	v48 =	vld [tilespmem:s26+$0x4800];
	v0 =	vmin.f32 v0, v43  }
0x56c: {  	v49 =	vld [tilespmem:s26+$0x4810];
	v0 =	vmin.f32 v0, v44  }
0x56d: {  	v50 =	vld [tilespmem:s26+$0x4820];
	v0 =	vmin.f32 v0, v45  }
0x56e: {  	v51 =	vld [tilespmem:s26+$0x4830];
	v0 =	vmin.f32 v0, v46  }
0x56f: {  	v52 =	vld [tilespmem:s26+$0x4840];
	v0 =	vmin.f32 v0, v47  }
0x570: {  	v53 =	vld [tilespmem:s26+$0x4850];
	v0 =	vmin.f32 v0, v48  }
0x571: {  	v54 =	vld [tilespmem:s26+$0x4860];
	v0 =	vmin.f32 v0, v49  }
0x572: {  	v55 =	vld [tilespmem:s26+$0x4870];
	v0 =	vmin.f32 v0, v50  }
0x573: {  	v56 =	vld [tilespmem:s26+$0x4C00];
	v0 =	vmin.f32 v0, v51  }
0x574: {  	v57 =	vld [tilespmem:s26+$0x4C10];
	v0 =	vmin.f32 v0, v52  }
0x575: {  	v58 =	vld [tilespmem:s26+$0x4C20];
	v0 =	vmin.f32 v0, v53  }
0x576: {  	v59 =	vld [tilespmem:s26+$0x4C30];
	v0 =	vmin.f32 v0, v54  }
0x577: {  	v60 =	vld [tilespmem:s26+$0x4C40];
	v0 =	vmin.f32 v0, v55  }
0x578: {  	v61 =	vld [tilespmem:s26+$0x4C50];
	v0 =	vmin.f32 v0, v56  }
0x579: {  	v62 =	vld [tilespmem:s26+$0x4C60];
	v0 =	vmin.f32 v0, v57  }
0x57a: {  	v63 =	vld [tilespmem:s26+$0x4C70];
	v0 =	vmin.f32 v0, v58  }
0x57b: {  	v0 =	vmin.f32 v0, v59  }
0x57c: {  	v0 =	vmin.f32 v0, v60  }
0x57d: {  	v0 =	vmin.f32 v0, v61  }
0x57e: {  	s24 =	sadd.s32 $0x1, s24;
	v0 =	vmin.f32 v0, v62  }
0x57f: {  	p0 =	sne.s32 s24, s18;
	v0 =	vmin.f32 v0, v63  }
.Ltmp14:
0x580: {  	[tilespmem:$0x8000] =	vst v0;
	(pc) =	sbr.rel @p0 .LBB2_1-.Ltmp14, $4  }
0x581: {  	[hbm4b:s17+s2] =	stream.linear.scatter [tilespmem:s22], [sflag:$0x3], $0x80, $0x38;
	[tilespmem:$0x8080] =	vst v63  }
0x582: {  	_ =	swait.ge [sflag:s23], $0x80  }
0x583: {  	[sflag:s23] =	ssyncset.done $0x0  }
0x584: {  	[sflag:s23] =	ssyncadd.s32 $0xFFFFFF80  }
0x585: {  	_ =	sfence.sel $0x180000  }
0x586: {  	[bflag:$0x0] =	sbarrier.arrive $0xFFFF  }
0x587: {  	p0 =	sne.s32 s0, $0x0;
	_ =	strace $0x90000047  }
0x588: {  	s0 =	sadd.s32 @!p0 $0x100000, s1;
	[bflag:$0x2] =	sbarrier.arrive $0xFFFF  }
0x589: {  	[sflag:s0] =	ssyncadd.tile.s32 @!p0 $0x1;
	_ =	shalt  }
.Lfunc_end2:
_tile_overlayer_lowered:
.L_overlay_start_2:
0x58a: {  	(tag) =	ssettag $0x2  }
0x58b: {  	s0 =	rddreg [dreg:$0x0];
	s2 =	stileid.u32  }
0x58c: {  	s1 =	rddreg [dreg:$0x1];
	p0 =	sne.s32 s2, $0x0  }
0x58d: {  	s3 =	rddreg [dreg:$0x2];
	[bflag:$0x3] =	sbarrier.arrive $0xFFFF;
	s2 =	simm.s32 @!p0 $0x1C03  }
0x58e: {  	[timem:s3], [sflag:s2] =	dma.local @!p0 [hbm:s0], s1  }
0x58f: {  	s0 =	simm.s32 @!p0 $0x3  }
0x590: {  	_ =	swait.ge @!p0 [sflag:s0], s1  }
0x591: {  	s1 =	ssub.s32 @!p0 $0x0, s1;
	[sflag:s0] =	ssyncset.done @!p0 $0x0  }
0x592: {  	[sflag:s0] =	ssyncadd.s32 @!p0 s1  }
0x593: {  	[bflag:$0x3] =	sbarrier.arrive $0xFFFF  }
0x594: {  	_ =	shalt  }

</sc_bundles>
